<compile_context>
chip_gen: v7x
topology: tpu7x:2x2x1
jax: 0.10.2.dev20260603
libtpu: 0.0.44.dev20260713+nightly
codegen_flags: <defaults>
</compile_context>

<pallas_src>
import functools

import jax
import jax.numpy as jnp
from jax import lax
from jax.experimental import pallas as pl
from jax.experimental.pallas import tpu as pltpu
from jax.experimental.pallas import tpu_sc as plsc

N = 1024
K = 48
HEADS = 8
SKD = 16
SVD = 16
PKD = 4
PVD = 4
PAIR = 32
NB_AA = 20
EMBED = 256

_HI = lax.Precision.HIGHEST
_DF = lax.Precision.DEFAULT
_S1 = float((3 * SKD) ** -0.5)
_S2 = float(((3 * PKD) * 4.5) ** -0.5)
_S3 = float(3.0 ** -0.5)


def _dotT(a, b, prec=_DF):
    return lax.dot_general(a, b, (((1,), (1,)), ((), ())), precision=prec)


def _dot(a, b, prec=_HI):
    return jnp.dot(a, b, precision=prec)


def _dotd(a, b):
    return jnp.dot(a, b, precision=_DF)


def _bf(v):
    return v.astype(jnp.bfloat16).astype(jnp.float32)


_BN_A = 128


def _frames_knn_body(crd_full_ref, caT_blk_ref, blk_ref, R_ref, crot_ref,
                     idx_ref, d2_ref):
    blk = blk_ref[...]
    ca = blk[:, 3:6]
    b1 = blk[:, 6:9] - ca
    b1 = b1 / jnp.sqrt(jnp.sum(b1 * b1, axis=1, keepdims=True))
    c0 = blk[:, 0:3] - ca

    def cross(u, v):
        return jnp.concatenate([
            u[:, 1:2] * v[:, 2:3] - u[:, 2:3] * v[:, 1:2],
            u[:, 2:3] * v[:, 0:1] - u[:, 0:1] * v[:, 2:3],
            u[:, 0:1] * v[:, 1:2] - u[:, 1:2] * v[:, 0:1],
        ], axis=1)

    b2 = cross(b1, c0)
    b2 = b2 / jnp.sqrt(jnp.sum(b2 * b2, axis=1, keepdims=True))
    b3 = cross(b1, b2)
    R9 = jnp.concatenate([b1, b2, b3], axis=1)
    R_ref[...] = R9

    cm = blk - jnp.concatenate([ca, ca, ca, ca], axis=1)
    cols = []
    for a in range(4):
        for j in range(3):
            cols.append(
                R9[:, 3 * j:3 * j + 1] * cm[:, 3 * a:3 * a + 1]
                + R9[:, 3 * j + 1:3 * j + 2] * cm[:, 3 * a + 1:3 * a + 2]
                + R9[:, 3 * j + 2:3 * j + 3] * cm[:, 3 * a + 2:3 * a + 3])
    crot_ref[...] = jnp.concatenate(cols, axis=1)

    ca_all = crd_full_ref[...][:, 3:6]
    caT_blk = caT_blk_ref[...]
    d2 = jnp.zeros((N, _BN_A), jnp.float32)
    for c in range(3):
        d = ca_all[:, c:c + 1] - caT_blk[c:c + 1, :]
        d2 = d2 + d * d
    d2_ref[...] = jnp.sqrt(d2)

    iota = lax.broadcasted_iota(jnp.int32, (N, _BN_A), 0)
    big = jnp.int32(1 << 30)

    def body(k, _):
        d = d2_ref[...]
        mn = jnp.min(d, axis=0, keepdims=True)
        cand = jnp.where(d == mn, iota, big)
        mi = jnp.min(cand, axis=0, keepdims=True)
        idx_ref[pl.ds(k, 1), :] = mi
        d2_ref[...] = jnp.where(cand == mi, jnp.float32(jnp.inf), d)
        return 0

    lax.fori_loop(0, K, body, 0)


def _frames_knn(crd12, caT):
    grid = N // _BN_A
    return pl.pallas_call(
        _frames_knn_body,
        grid=(grid,),
        in_specs=[
            pl.BlockSpec((N, 12), lambda i: (0, 0)),
            pl.BlockSpec((3, _BN_A), lambda i: (0, i)),
            pl.BlockSpec((_BN_A, 12), lambda i: (i, 0)),
        ],
        out_specs=[
            pl.BlockSpec((_BN_A, 9), lambda i: (i, 0)),
            pl.BlockSpec((_BN_A, 12), lambda i: (i, 0)),
            pl.BlockSpec((K, _BN_A), lambda i: (0, i)),
        ],
        out_shape=[
            jax.ShapeDtypeStruct((N, 9), jnp.float32),
            jax.ShapeDtypeStruct((N, 12), jnp.float32),
            jax.ShapeDtypeStruct((K, N), jnp.int32),
        ],
        scratch_shapes=[pltpu.VMEM((N, _BN_A), jnp.float32)],
    )(crd12, caT, crd12)


def _gather_rows(table, idx_flat):
    B = idx_flat.shape[0]
    D = table.shape[1]
    NW = 32
    CH = 128
    per_w = B // NW
    nch = per_w // CH
    mesh = plsc.VectorSubcoreMesh(core_axis_name="c", subcore_axis_name="s")

    @functools.partial(
        pl.kernel,
        mesh=mesh,
        out_type=jax.ShapeDtypeStruct((B, D), jnp.float32),
        scratch_types=[
            pltpu.VMEM((CH,), jnp.int32),
            pltpu.VMEM((CH, D), jnp.float32),
            pltpu.SemaphoreType.DMA,
        ],
    )
    def k(table_hbm, idx_hbm, out_hbm, idx_v, rows_v, sem):
        wid = lax.axis_index("s") * 2 + lax.axis_index("c")
        base = wid * per_w

        def body(c, _):
            off = base + c * CH
            pltpu.sync_copy(idx_hbm.at[pl.ds(off, CH)], idx_v)
            pltpu.async_copy(table_hbm.at[idx_v], rows_v, sem).wait()
            pltpu.sync_copy(rows_v, out_hbm.at[pl.ds(off, CH)])
            return 0

        lax.fori_loop(0, nch, body, 0)

    return k(table, idx_flat)


def _resmlp_apply(x, ws, nblocks):
    h = jax.nn.relu(_dotd(x, ws[0]) + ws[1])
    p = 2
    for _ in range(nblocks):
        r = h
        for _ in range(2):
            h = jax.nn.relu(_dotd(h, ws[p]) + ws[p + 1])
            p += 2
        h = h + r
    return _dotd(h, ws[p]) + ws[p + 1]


def _input_resnet_body(*refs):
    crot_ref, probs_ref = refs[0], refs[1]
    wrefs = refs[2:-1]
    out_ref = refs[-1]
    x = jnp.concatenate([crot_ref[...], probs_ref[...]], axis=1)
    ws = [r[...] for r in wrefs]
    out_ref[...] = _resmlp_apply(x, ws, 2)


def _input_resnet(crot, probs, ws):
    return pl.pallas_call(
        _input_resnet_body,
        grid=(1,),
        in_specs=[pl.BlockSpec(a.shape, lambda i, n=len(a.shape): (0,) * n)
                  for a in [crot, probs] + ws],
        out_specs=pl.BlockSpec((N, EMBED), lambda i: (0, 0)),
        out_shape=jax.ShapeDtypeStruct((N, EMBED), jnp.float32),
    )(crot, probs, *ws)


_BN_D = 512


def _onehot(rows, cols, fn):
    rr = lax.broadcasted_iota(jnp.int32, (rows, cols), 0)
    cc = lax.broadcasted_iota(jnp.int32, (rows, cols), 1)
    return jnp.where(fn(rr, cc), 1.0, 0.0).astype(jnp.float32)


def _pairwise_body(*refs):
    g_ref, loc_ref = refs[0], refs[1]
    wrefs = refs[2:-1]
    out_ref = refs[-1]
    g = g_ref[...]
    loc = loc_ref[...]

    Csel = _onehot(128, 12, lambda r, c: r == c)
    Dsel = _onehot(44, 12, lambda r, c: r == 29 + c % 3)
    cm = _dot(g, Csel) - _dot(loc, Dsel)
    acc = jnp.zeros_like(cm)
    for i in range(3):
        Ai = _onehot(44, 12, lambda r, c: r == 20 + 3 * (c % 3) + i)
        Bi = _onehot(12, 12, lambda r, c: r == 3 * (c // 3) + i)
        acc = acc + _dot(loc, Ai) * _dot(cm, Bi)
    Pps = _onehot(44, 64, lambda r, c: (c < 20) & (r == c))
    Ppn = _onehot(128, 64, lambda r, c: (c >= 20) & (c < 40) & (r == c - 8))
    Pcpr = _onehot(12, 64, lambda r, c: (c >= 40) & (c < 52) & (r == c - 40))
    Pcrot = _onehot(44, 64, lambda r, c: (c >= 52) & (r == c - 20))
    x = _dot(loc, Pps) + _dot(g, Ppn) + _dot(acc, Pcpr) + _dot(loc, Pcrot)
    ws = [r[...] for r in wrefs]
    out_ref[...] = _resmlp_apply(x, ws, 2)


def _pairwise_mlp(g1, loc, ws):
    B = g1.shape[0]
    grid = B // _BN_D
    return pl.pallas_call(
        _pairwise_body,
        grid=(grid,),
        in_specs=[pl.BlockSpec((_BN_D, 128), lambda i: (i, 0)),
                  pl.BlockSpec((_BN_D, 44), lambda i: (i, 0))] +
                 [pl.BlockSpec(a.shape, lambda i, n=len(a.shape): (0,) * n)
                  for a in ws],
        out_specs=pl.BlockSpec((_BN_D, PAIR), lambda i: (i, 0)),
        out_shape=jax.ShapeDtypeStruct((B, PAIR), jnp.float32),
    )(g1, loc, *ws)


def _proj_body(x_ref, R_ref, ca_ref, wq_ref, wk_ref, wv_ref, wqp_ref, wkp_ref,
               wvp_ref, perm_ref, m968_ref,
               qs_ref, ks_ref, vs_ref, qpg_ref, kpg_ref, vpg_ref,
               q2_ref, k2_ref):
    x = x_ref[...]
    R9 = R_ref[...]
    ca = ca_ref[...]
    perm = perm_ref[...]
    m968 = m968_ref[...]

    qs_ref[...] = _dotd(x, wq_ref[...])
    ks_ref[...] = _dotd(x, wk_ref[...])
    vs_ref[...] = _dotd(x, wv_ref[...])

    def rot(w_cg):
        p_cg = _dotd(x, w_cg)
        groups = []
        for r in range(3):
            acc = ca[:, r:r + 1] * jnp.ones((1, 32), jnp.float32)
            for c in range(3):
                acc = acc + (p_cg[:, c * 32:(c + 1) * 32]
                             * R9[:, 3 * c + r:3 * c + r + 1])
            groups.append(acc)
        p_rm = jnp.concatenate(groups, axis=1)
        return _dot(p_rm, perm)

    qpg = rot(wqp_ref[...])
    kpg = rot(wkp_ref[...])
    vpg = rot(wvp_ref[...])
    qpg_ref[...] = qpg
    kpg_ref[...] = kpg
    vpg_ref[...] = vpg
    q2_ref[...] = _dot(qpg * qpg, m968)
    k2_ref[...] = _dot(kpg * kpg, m968)


def _projections(x, R9, ca, wq, wk, wv, wqp_cg, wkp_cg, wvp_cg, perm, m968):
    outs = [
        jax.ShapeDtypeStruct((N, HEADS * SKD), jnp.float32),
        jax.ShapeDtypeStruct((N, HEADS * SKD), jnp.float32),
        jax.ShapeDtypeStruct((N, HEADS * SVD), jnp.float32),
        jax.ShapeDtypeStruct((N, 96), jnp.float32),
        jax.ShapeDtypeStruct((N, 96), jnp.float32),
        jax.ShapeDtypeStruct((N, 96), jnp.float32),
        jax.ShapeDtypeStruct((N, 8), jnp.float32),
        jax.ShapeDtypeStruct((N, 8), jnp.float32),
    ]
    args = [x, R9, ca, wq, wk, wv, wqp_cg, wkp_cg, wvp_cg, perm, m968]
    return pl.pallas_call(
        _proj_body,
        grid=(1,),
        in_specs=[pl.BlockSpec(a.shape, lambda i, n=len(a.shape): (0,) * n)
                  for a in args],
        out_specs=[pl.BlockSpec(o.shape, lambda i: (0, 0)) for o in outs],
        out_shape=outs,
    )(*args)


_BN_F = 256


def _attn_body(qs_ref, qpg_ref, q2_ref, ks_ref, kpg_ref, vs_ref, vpg_ref,
               k2T_ref, pw_ref, m_ref, z_ref, sv_ref, spv_ref):
    qs = qs_ref[...]
    qpg = qpg_ref[...]
    q2 = q2_ref[...]
    ks = ks_ref[...]
    kpg = kpg_ref[...]
    vs = vs_ref[...]
    vpg = vpg_ref[...]
    k2T = k2T_ref[...]
    pw = pw_ref[...]
    ms, zs, svs, spvs = [], [], [], []
    for h in range(HEADS):
        qh = qs[:, h * SKD:(h + 1) * SKD]
        kh = ks[:, h * SKD:(h + 1) * SKD]
        qph = qpg[:, h * 12:(h + 1) * 12]
        kph = kpg[:, h * 12:(h + 1) * 12]
        vh = vs[:, h * SVD:(h + 1) * SVD]
        vph = vpg[:, h * 12:(h + 1) * 12]
        qk = _dotT(qh, kh)
        dist = (q2[:, h:h + 1] + k2T[h:h + 1, :]) - 2.0 * _dotT(qph, kph)
        logit = qk * _S1 - (0.5 * _S2) * pw[0, h] * dist
        m = jnp.max(logit, axis=1, keepdims=True)
        e = jnp.exp(logit - m)
        ms.append(m)
        zs.append(jnp.sum(e, axis=1, keepdims=True))
        svs.append(_dotd(e, vh))
        spvs.append(_dotd(e, vph))
    m_ref[...] = jnp.concatenate(ms, axis=1)
    z_ref[...] = jnp.concatenate(zs, axis=1)
    sv_ref[...] = jnp.concatenate(svs, axis=1)
    spv_ref[...] = jnp.concatenate(spvs, axis=1)


def _dense_attn(qs, qpg, q2, ks, kpg, vs, vpg, k2T, pw):
    grid = N // _BN_F
    blk = lambda w: pl.BlockSpec((_BN_F, w), lambda i: (i, 0))
    full = lambda a: pl.BlockSpec(a.shape, lambda i: tuple(0 for _ in a.shape))
    outs = [
        jax.ShapeDtypeStruct((N, 8), jnp.float32),
        jax.ShapeDtypeStruct((N, 8), jnp.float32),
        jax.ShapeDtypeStruct((N, 128), jnp.float32),
        jax.ShapeDtypeStruct((N, 96), jnp.float32),
    ]
    return pl.pallas_call(
        _attn_body,
        grid=(grid,),
        in_specs=[blk(128), blk(96), blk(8), full(ks), full(kpg), full(vs),
                  full(vpg), full(k2T), full(pw)],
        out_specs=[blk(8), blk(8), blk(128), blk(96)],
        out_shape=outs,
    )(qs, qpg, q2, ks, kpg, vs, vpg, k2T, pw)


_BN_G = 32


def _tail_body(*refs):
    (kt_ref, neigh_ref, qs_ref, qpg_ref, q2_ref, m_ref, z_ref, sv_ref,
     spv_ref, x_ref, R_ref, ca_ref, wpair_ref, pw_ref) = refs[:14]
    wrefs = refs[14:-2]
    pout_ref, conf_ref = refs[-2], refs[-1]

    B = _BN_G * K
    kt = kt_ref[...]
    neigh = neigh_ref[...]
    pw = pw_ref[...]
    onehot = _onehot

    def expand(v):
        w = v.shape[1]
        return jnp.broadcast_to(v[:, None, :], (_BN_G, K, w)).reshape(B, w)

    def segsum(u):
        return u.reshape(_BN_G, K, u.shape[1]).sum(axis=1)

    M1 = onehot(128, 8, lambda r, c: r // 16 == c)
    M12 = onehot(96, 8, lambda r, c: r // 12 == c)
    T1 = onehot(8, 128, lambda r, c: c // 16 == r)
    T12 = onehot(8, 96, lambda r, c: c // 12 == r)
    E3 = onehot(3, 96, lambda r, c: c % 3 == r)
    M3q = onehot(96, 32, lambda r, c: r // 3 == c)

    qs_e = expand(qs_ref[...])
    qpg_e = expand(qpg_ref[...])
    q2_e = expand(q2_ref[...])
    m_e = expand(m_ref[...])

    ks_g = kt[:, 0:128]
    k2_g = kt[:, 128:136]
    kpg_g = kt[:, 136:232]
    vs_g = kt[:, 256:384]
    vpg_g = kt[:, 384:480]

    qk = _dot(_bf(qs_e) * _bf(ks_g), M1)
    qk_pt = _dot(_bf(qpg_e) * _bf(kpg_g), M12)
    dist = q2_e + k2_g - 2.0 * qk_pt
    base = qk * _S1 - (0.5 * _S2) * pw * dist
    delta = _dotd(neigh, wpair_ref[...]) * _S3
    eb = jnp.exp(base - m_e)
    ed = jnp.exp(base + delta - m_e)
    corr = ed - eb

    Zf = z_ref[...] + segsum(corr)
    Svc = segsum(_dot(corr, T1) * _bf(vs_g))
    Spvc = segsum(_dot(corr, T12) * _bf(vpg_g))
    attn_nb = ed / expand(Zf)
    X1 = onehot(8, 256, lambda r, c: c // 32 == r)
    X2 = onehot(32, 256, lambda r, c: c % 32 == r)
    opair = segsum(_dotd(attn_nb, X1) * _dotd(neigh, X2))

    Zinv = 1.0 / Zf
    os_ = (sv_ref[...] + Svc) * _dot(Zinv, T1)
    opg = (spv_ref[...] + Spvc) * _dot(Zinv, T12)
    ca = ca_ref[...]
    R9 = R_ref[...]
    opgm = opg - _dot(ca, E3)
    op_hdr = jnp.zeros((_BN_G, 96), jnp.float32)
    for r in range(3):
        Qr = onehot(32, 96, lambda rr, cc: (cc // 3 == rr) & (cc % 3 == r))
        acc = jnp.zeros((_BN_G, 32), jnp.float32)
        for c in range(3):
            Pc = onehot(96, 32, lambda rr, cc: (rr // 3 == cc) & (rr % 3 == c))
            acc = acc + _dot(opgm, Pc) * R9[:, 3 * r + c:3 * r + c + 1]
        op_hdr = op_hdr + _dot(acc, Qr)
    onorm = jnp.sqrt(_dot(op_hdr * op_hdr, M3q) + 1e-8)
    feat = jnp.concatenate([os_, opair, op_hdr, onorm], axis=1)

    ws = [r[...] for r in wrefs]
    (wo, bo, g1, b1g, wf1, bf1, wf2, bf2, wf3, bf3, g2, b2g) = ws[:12]
    ors = ws[12:]

    x = x_ref[...] + _dotd(feat, wo) + bo

    def ln(v, g, b):
        mu = jnp.mean(v, axis=1, keepdims=True)
        var = jnp.mean((v - mu) * (v - mu), axis=1, keepdims=True)
        return (v - mu) / jnp.sqrt(var + 1e-5) * g + b

    x = ln(x, g1, b1g)
    hdd = jax.nn.relu(_dotd(x, wf1) + bf1)
    hdd = jax.nn.relu(_dotd(hdd, wf2) + bf2)
    hdd = _dotd(hdd, wf3) + bf3
    ft = ln(x + hdd, g2, b2g)

    out = _resmlp_apply(ft, ors, 1)
    logits = out[:, 0:NB_AA]
    mx = jnp.max(logits, axis=1, keepdims=True)
    ee = jnp.exp(logits - mx)
    po = ee / jnp.sum(ee, axis=1, keepdims=True)
    conf = 1.0 / (1.0 + jnp.exp(-out[:, NB_AA:NB_AA + 1]))
    pout_ref[...] = conf * po + (1.0 - conf) / NB_AA
    conf_ref[...] = conf


def _tail(kt, neigh, qs, qpg, q2, m, z, sv, spv, x, R9, ca, wpair, pw, ws):
    grid = N // _BN_G
    Bb = _BN_G * K
    nblk = lambda w: pl.BlockSpec((_BN_G, w), lambda i: (i, 0))
    jblk = lambda w: pl.BlockSpec((Bb, w), lambda i: (i, 0))
    full = lambda a: pl.BlockSpec(a.shape, lambda i: tuple(0 for _ in a.shape))
    args = [kt, neigh, qs, qpg, q2, m, z, sv, spv, x, R9, ca, wpair, pw] + ws
    specs = ([jblk(kt.shape[1]), jblk(PAIR), nblk(128), nblk(96), nblk(8),
              nblk(8), nblk(8), nblk(128), nblk(96), nblk(EMBED), nblk(9),
              nblk(3), full(wpair), full(pw)] + [full(a) for a in ws])
    outs = [jax.ShapeDtypeStruct((N, NB_AA), jnp.float32),
            jax.ShapeDtypeStruct((N, 1), jnp.float32)]
    return pl.pallas_call(
        _tail_body,
        grid=(grid,),
        in_specs=specs,
        out_specs=[nblk(NB_AA), nblk(1)],
        out_shape=outs,
    )(*args)


def _mlp_ws(p):
    ws = [p['in']['W'], p['in']['b'].reshape(1, -1)]
    for blk in p['blocks']:
        for l in blk:
            ws += [l['W'], l['b'].reshape(1, -1)]
    ws += [p['out']['W'], p['out']['b'].reshape(1, -1)]
    return ws


def kernel(crd, probs, params, nb_it):
    crd12 = crd.reshape(N, 12)
    ca = crd[:, 1, :]
    caT = ca.T

    R9, crot, idxT = _frames_knn(crd12, caT)
    idx_flat = idxT.T.reshape(N * K)

    tbl1 = jnp.concatenate(
        [crd12, probs, jnp.zeros((N, 96), jnp.float32)], axis=1)
    g1 = _gather_rows(tbl1, idx_flat)

    x = _input_resnet(crot, probs, _mlp_ws(params['input_resnet']))

    loc = jnp.concatenate([probs, R9, ca, crot], axis=1)
    loc_e = jnp.broadcast_to(loc[:, None, :], (N, K, 44)).reshape(N * K, 44)
    neigh = _pairwise_mlp(g1, loc_e, _mlp_ws(params['pairwise_resnet']))

    tp = params['trans'][0]
    def cg(w):
        w3 = w.reshape(EMBED, HEADS * PKD, 3)
        return jnp.transpose(w3, (0, 2, 1)).reshape(EMBED, 96)

    src = jnp.arange(96)
    r_, hd = src // 32, src % 32
    dst = (hd // PKD) * 12 + (hd % PKD) * 3 + r_
    perm = jnp.zeros((96, 96), jnp.float32).at[src, dst].set(1.0)
    m968 = (jnp.arange(96)[:, None] // 12 ==
            jnp.arange(8)[None, :]).astype(jnp.float32)

    qs, ks, vs, qpg, kpg, vpg, q2, k2 = _projections(
        x, R9, ca, tp['q']['W'], tp['k']['W'], tp['v']['W'],
        cg(tp['qp']['W']), cg(tp['kp']['W']), cg(tp['vp']['W']), perm, m968)

    pad24 = jnp.zeros((N, 24), jnp.float32)
    pad32 = jnp.zeros((N, 32), jnp.float32)
    tbl2 = jnp.concatenate([ks, k2, kpg, pad24, vs, vpg, pad32],
                           axis=1)
    kt = _gather_rows(tbl2, idx_flat)

    pw = jax.nn.softplus(tp['pw']).reshape(1, HEADS)
    m, z, sv, spv = _dense_attn(qs, qpg, q2, ks, kpg, vs, vpg, k2.T, pw)

    tail_ws = [tp['out']['W'], tp['out']['b'].reshape(1, -1),
               tp['ln1']['g'].reshape(1, -1), tp['ln1']['b'].reshape(1, -1),
               tp['ff1']['W'], tp['ff1']['b'].reshape(1, -1),
               tp['ff2']['W'], tp['ff2']['b'].reshape(1, -1),
               tp['ff3']['W'], tp['ff3']['b'].reshape(1, -1),
               tp['ln2']['g'].reshape(1, -1), tp['ln2']['b'].reshape(1, -1),
               ] + _mlp_ws(params['output_resnet'])
    pout, conf = _tail(kt, neigh, qs, qpg, q2, m, z, sv, spv, x, R9, ca,
                       tp['pair']['W'], pw, tail_ws)
    return pout.reshape(1, N, NB_AA), conf.reshape(1, N)

# --- scband reference (transcript-rebuilt; emitter-appended) ---
"""Pipeline reference for scband-cb-net-6914897346959 (READ-ONLY COPY).

The authoritative reference and input builder live on the scoring server;
editing this copy changes nothing except your own understanding.
"""

import jax, jax.numpy as jnp
import numpy as np

SEQ_LEN = 48
EMBED = 256
PAIR = 32
NB_AA = 20
HEADS = 8
SKD = 16
SVD = 16
PKD = 4
PVD = 4
N_RES = 1024

def _lin(key, din, dout, bias=True):
    p = {'W': jax.random.normal(key, (din, dout), jnp.float32) * (1.0 / np.sqrt(din))}
    if bias:
        p['b'] = jnp.zeros((dout,), jnp.float32)
    return p

def _resmlp_params(key, din, dout, hidden, nblocks, bs):
    keys = jax.random.split(key, 2 + nblocks * bs)
    p = {'in': _lin(keys[0], din, hidden), 'out': _lin(keys[1], hidden, dout), 'blocks': []}
    i = 2
    for _ in range(nblocks):
        blk = []
        for _ in range(bs):
            blk.append(_lin(keys[i], hidden, hidden))
            i += 1
        p['blocks'].append(blk)
    return p

def _resmlp(p, x):
    h = jax.nn.relu(x @ p['in']['W'] + p['in']['b'])
    for blk in p['blocks']:
        r = h
        for l in blk:
            h = jax.nn.relu(h @ l['W'] + l['b'])
        h = h + r
    return h @ p['out']['W'] + p['out']['b']

def _ipa_params(key, dim, heads, pair):
    ks = jax.random.split(key, 11)
    return {
        'q': _lin(ks[0], dim, heads * SKD, bias=False),
        'k': _lin(ks[1], dim, heads * SKD, bias=False),
        'v': _lin(ks[2], dim, heads * SVD, bias=False),
        'qp': _lin(ks[3], dim, heads * PKD * 3, bias=False),
        'kp': _lin(ks[4], dim, heads * PKD * 3, bias=False),
        'vp': _lin(ks[5], dim, heads * PVD * 3, bias=False),
        'pair': _lin(ks[6], pair, heads),
        'pw': jnp.full((heads,), float(np.log(np.e - 1.0)), jnp.float32),
        'out': _lin(ks[7], heads * (SVD + pair + PVD * 4), dim),
        'ln1': {'g': jnp.ones((dim,), jnp.float32), 'b': jnp.zeros((dim,), jnp.float32)},
        'ff1': _lin(ks[8], dim, dim),
        'ff2': _lin(ks[9], dim, dim),
        'ff3': _lin(ks[10], dim, dim),
        'ln2': {'g': jnp.ones((dim,), jnp.float32), 'b': jnp.zeros((dim,), jnp.float32)},
    }

def _ln(p, x):
    m = x.mean(-1, keepdims=True)
    v = ((x - m) ** 2).mean(-1, keepdims=True)
    return (x - m) / jnp.sqrt(v + 1e-5) * p['g'] + p['b']

def _ipa_block(p, x, pair_repr, R, t):
    b, n, dim = x.shape
    h = HEADS
    qs = (x @ p['q']['W']).reshape(b, n, h, SKD)
    ks_ = (x @ p['k']['W']).reshape(b, n, h, SKD)
    vs = (x @ p['v']['W']).reshape(b, n, h, SVD)
    qp = (x @ p['qp']['W']).reshape(b, n, h, PKD, 3)
    kp = (x @ p['kp']['W']).reshape(b, n, h, PKD, 3)
    vp = (x @ p['vp']['W']).reshape(b, n, h, PVD, 3)
    def rot(pts):
        return jnp.einsum('bnhdc,bncr->bnhdr', pts, R) + t[:, :, None, None, :]
    qpg, kpg, vpg = rot(qp), rot(kp), rot(vp)
    logits = jnp.einsum('bnhd,bmhd->bhnm', qs, ks_) * ((3 * SKD) ** -0.5)
    pb = pair_repr @ p['pair']['W'] + p['pair']['b']
    logits = logits + jnp.transpose(pb, (0, 3, 1, 2)) * (3 ** -0.5)
    q2 = (qpg ** 2).sum((-1, -2))
    k2 = (kpg ** 2).sum((-1, -2))
    qk = jnp.einsum('bnhdc,bmhdc->bhnm', qpg, kpg)
    dist = jnp.transpose(q2, (0, 2, 1))[:, :, :, None] + jnp.transpose(k2, (0, 2, 1))[:, :, None, :] - 2.0 * qk
    pw = jax.nn.softplus(p['pw'])
    logits = logits - 0.5 * pw[None, :, None, None] * dist * (((3 * PKD) * 4.5) ** -0.5)
    attn = jax.nn.softmax(logits, -1)
    os_ = jnp.einsum('bhnm,bmhd->bnhd', attn, vs)
    opair = jnp.einsum('bhnm,bnmp->bnhp', attn, pair_repr)
    opg = jnp.einsum('bhnm,bmhdc->bnhdc', attn, vpg)
    op = jnp.einsum('bnhdc,bnrc->bnhdr', opg - t[:, :, None, None, :], R)
    onorm = jnp.sqrt((op ** 2).sum(-1) + 1e-8)
    feat = jnp.concatenate([os_.reshape(b, n, -1), opair.reshape(b, n, -1), op.reshape(b, n, -1), onorm.reshape(b, n, -1)], -1)
    x = x + (feat @ p['out']['W'] + p['out']['b'])
    x = _ln(p['ln1'], x)
    hdd = jax.nn.relu(x @ p['ff1']['W'] + p['ff1']['b'])
    hdd = jax.nn.relu(hdd @ p['ff2']['W'] + p['ff2']['b'])
    hdd = hdd @ p['ff3']['W'] + p['ff3']['b']
    return _ln(p['ln2'], x + hdd)

def _forward(crd, probs, params):
    N = crd.shape[0]
    ca = crd[:, 1]
    translations = ca.reshape(1, N, 3)
    b1 = crd[:, 2] - ca
    b1 = b1 / jnp.linalg.norm(b1, axis=1, keepdims=True)
    b2 = jnp.cross(b1, crd[:, 0] - ca)
    b2 = b2 / jnp.linalg.norm(b2, axis=1, keepdims=True)
    b3 = jnp.cross(b1, b2)
    R = jnp.concatenate([b1[:, None], b2[:, None], b3[:, None]], 1)
    crd_trans = crd - ca[:, None]
    crd_rot = jnp.einsum('bji,bni->bnj', R, crd_trans)
    basic = crd_rot.reshape(1, N, 12)
    pd = jnp.sqrt(((ca[:, None] - ca[None, :]) ** 2).sum(-1))
    idx = jnp.argsort(pd, axis=-1)[:, :SEQ_LEN]
    cp = crd[idx] - ca[:, None, None]
    cpr = jnp.einsum('bji,bkni->bknj', R, cp).reshape(N, SEQ_LEN, 12)
    cpra = jnp.concatenate([cpr, jnp.broadcast_to(crd_rot[:, None], (N, SEQ_LEN, 4, 3)).reshape(N, SEQ_LEN, 12)], -1)
    Rb = R[None]
    inp = jnp.concatenate([basic, probs[None]], -1)
    ft = _resmlp(params['input_resnet'], inp)
    pn = probs[idx]
    ps = jnp.broadcast_to(probs[:, None], (N, SEQ_LEN, NB_AA))
    pairwise_neigh = _resmlp(params['pairwise_resnet'], jnp.concatenate([ps, pn, cpra], -1))
    pr = jnp.zeros((1, N, N, PAIR), jnp.float32).at[0, jnp.arange(N)[:, None], idx].set(pairwise_neigh)
    for lp in params['trans']:
        ft = _ipa_block(lp, ft, pr, Rb, translations)
    out = _resmlp(params['output_resnet'], ft)
    pout = jax.nn.softmax(out[:, :, :NB_AA], -1)
    uni = jnp.ones_like(pout) / NB_AA
    confi = jax.nn.sigmoid(out[:, :, NB_AA])
    pout = confi[:, :, None] * pout + (1.0 - confi)[:, :, None] * uni
    return (pout, confi)

def setup_inputs(seed: int = 0):
    key = jax.random.key(seed)
    ks = jax.random.split(key, 6)
    crd = jax.random.normal(ks[0], (N_RES, 4, 3), jnp.float32) + jax.random.normal(ks[1], (N_RES, 1, 3), jnp.float32) * 10.0
    probs = jax.nn.softmax(jax.random.normal(ks[2], (N_RES, NB_AA), jnp.float32), -1)
    params = {
        'input_resnet': _resmlp_params(ks[3], 12 + NB_AA, EMBED, 512, 2, 2),
        'pairwise_resnet': _resmlp_params(ks[4], 24 + 2 * NB_AA, PAIR, 512, 2, 2),
        'output_resnet': _resmlp_params(jax.random.fold_in(key, 1), EMBED, NB_AA + 1, 256, 1, 2),
        'trans': [_ipa_params(ks[5], EMBED, HEADS, PAIR)],
    }
    return {'crd': crd, 'probs': probs, 'params': params, 'nb_it': 0}

def reference(crd, probs, params, nb_it):
    return _forward(crd, probs, params)

if __name__ == "__main__":
    import jax
    _d = setup_inputs()
    print(jax.jit(kernel)(*tuple(_d.values())))

</pallas_src>

<mosaic_0001>
#map = affine_map<(d0, d1) -> (0, 0)>
#map1 = affine_map<(d0, d1) -> (0)>
module attributes {stable_mosaic.version = 14 : i64} {
  func.func @k(%arg0: i32, %arg1: i32, %arg2: memref<1024x128xf32, #tpu.memory_space<hbm>>, %arg3: memref<49152xi32, #tpu.memory_space<hbm>>, %arg4: memref<49152x128xf32, #tpu.memory_space<hbm>>, %arg5: memref<128xi32, #tpu.memory_space<vmem>>, %arg6: memref<128x128xf32, #tpu.memory_space<vmem>>, %arg7: memref<!tpu.dma_semaphore, #tpu.memory_space<semaphore_mem>>) attributes {dimension_semantics = [#tpu.dimension_semantics<core_parallel>, #tpu.dimension_semantics<subcore_parallel>], iteration_bounds = array<i64: 2, 16>, scalar_prefetch = 0 : i64, scratch_operands = 3 : i64, tpu.core_type = #tpu.core_type<sc_vector_subcore>, window_params = [{transform_indices = #map}, {transform_indices = #map1}, {transform_indices = #map}]} {
    %mul3A = arith.constant 2 : i32
    %mul3A_0 = arith.muli %arg1, %mul3A : i32
    %add3A = arith.addi %mul3A_0, %arg0 : i32
    %mul3A_1 = arith.constant 1536 : i32
    %mul3A_2 = arith.muli %add3A, %mul3A_1 : i32
    %scan3A = arith.constant 0 : i32
    %scan3A_3 = arith.constant 0 : i32
    %scan3A_4 = arith.constant 12 : i32
    %scan3A_5 = arith.addi %scan3A_3, %scan3A_4 : i32
    %scan3A_6 = arith.constant 1 : i32
    %scan3A_7 = scf.for %scan3A_9 = %scan3A_3 to %scan3A_5 step %scan3A_6 iter_args(%scan3A_10 = %scan3A) -> (i32)  : i32 {
      %mul3A_11 = arith.constant 128 : i32
      %mul3A_12 = arith.muli %scan3A_9, %mul3A_11 : i32
      %add3A_13 = arith.addi %mul3A_2, %mul3A_12 : i32
      "tpu.region"() ({
        %run_scoped3A = tpu.sem_alloc : memref<!tpu.dma_semaphore, #tpu.memory_space<semaphore_mem>>
        %dma_start3A_19 = tpu.memref_slice %arg3[%add3A_13] : memref<49152xi32, #tpu.memory_space<hbm>> -> memref<128xi32, #tpu.memory_space<hbm>>
        %dma_start3A_20 = tpu.memref_slice %arg3[%add3A_13] : memref<49152xi32, #tpu.memory_space<hbm>> -> memref<128xi32, #tpu.memory_space<hbm>>
        tpu.enqueue_dma source(%dma_start3A_20 : memref<128xi32, #tpu.memory_space<hbm>>) target(%arg5 : memref<128xi32, #tpu.memory_space<vmem>>) target_semaphore(%run_scoped3A : memref<!tpu.dma_semaphore, #tpu.memory_space<semaphore_mem>>)
        %dma_wait3A_21 = tpu.memref_slice %arg3[%add3A_13] : memref<49152xi32, #tpu.memory_space<hbm>> -> memref<128xi32, #tpu.memory_space<hbm>>
        %dma_wait3A_22 = tpu.memref_slice %arg3[%add3A_13] : memref<49152xi32, #tpu.memory_space<hbm>> -> memref<128xi32, #tpu.memory_space<hbm>>
        tpu.wait_dma2 semaphore(%run_scoped3A : memref<!tpu.dma_semaphore, #tpu.memory_space<semaphore_mem>>) src(%dma_wait3A_22 : memref<128xi32, #tpu.memory_space<hbm>>) dst(%arg5 : memref<128xi32, #tpu.memory_space<vmem>>)
        tpu.yield
      }) : () -> ()
      %dma_start3A = arith.constant 0 : i32
      %dma_start3A_14 = arith.constant 0 : i32
      %dma_start3A_15 = tpu.memref_slice %arg2[%dma_start3A, %dma_start3A_14] : memref<1024x128xf32, #tpu.memory_space<hbm>> -> memref<1024x128xf32, #tpu.memory_space<hbm>>
      tpu.enqueue_indirect_dma source(%dma_start3A_15 : memref<1024x128xf32, #tpu.memory_space<hbm>>) target(%arg6 : memref<128x128xf32, #tpu.memory_space<vmem>>) offsets(%arg5 : memref<128xi32, #tpu.memory_space<vmem>>) semaphore(%arg7 : memref<!tpu.dma_semaphore, #tpu.memory_space<semaphore_mem>>)
      %dma_wait3A = arith.constant 0 : i32
      %dma_wait3A_16 = arith.constant 0 : i32
      %dma_wait3A_17 = tpu.memref_slice %arg2[%dma_wait3A, %dma_wait3A_16] : memref<1024x128xf32, #tpu.memory_space<hbm>> -> memref<1024x128xf32, #tpu.memory_space<hbm>>
      tpu.wait_indirect_dma semaphore(%arg7 : memref<!tpu.dma_semaphore, #tpu.memory_space<semaphore_mem>>) src(%dma_wait3A_17 : memref<1024x128xf32, #tpu.memory_space<hbm>>) dst(%arg6 : memref<128x128xf32, #tpu.memory_space<vmem>>)
      "tpu.region"() ({
        %run_scoped3A = tpu.sem_alloc : memref<!tpu.dma_semaphore, #tpu.memory_space<semaphore_mem>>
        %dma_start3A_19 = arith.constant 0 : i32
        %dma_start3A_20 = tpu.memref_slice %arg4[%add3A_13, %dma_start3A_19] : memref<49152x128xf32, #tpu.memory_space<hbm>> -> memref<128x128xf32, #tpu.memory_space<hbm>>
        %dma_start3A_21 = arith.constant 0 : i32
        %dma_start3A_22 = tpu.memref_slice %arg4[%add3A_13, %dma_start3A_21] : memref<49152x128xf32, #tpu.memory_space<hbm>> -> memref<128x128xf32, #tpu.memory_space<hbm>>
        tpu.enqueue_dma source(%arg6 : memref<128x128xf32, #tpu.memory_space<vmem>>) target(%dma_start3A_22 : memref<128x128xf32, #tpu.memory_space<hbm>>) target_semaphore(%run_scoped3A : memref<!tpu.dma_semaphore, #tpu.memory_space<semaphore_mem>>)
        %dma_wait3A_23 = arith.constant 0 : i32
        %dma_wait3A_24 = tpu.memref_slice %arg4[%add3A_13, %dma_wait3A_23] : memref<49152x128xf32, #tpu.memory_space<hbm>> -> memref<128x128xf32, #tpu.memory_space<hbm>>
        %dma_wait3A_25 = arith.constant 0 : i32
        %dma_wait3A_26 = tpu.memref_slice %arg4[%add3A_13, %dma_wait3A_25] : memref<49152x128xf32, #tpu.memory_space<hbm>> -> memref<128x128xf32, #tpu.memory_space<hbm>>
        tpu.wait_dma2 semaphore(%run_scoped3A : memref<!tpu.dma_semaphore, #tpu.memory_space<semaphore_mem>>) src(%arg6 : memref<128x128xf32, #tpu.memory_space<vmem>>) dst(%dma_wait3A_26 : memref<128x128xf32, #tpu.memory_space<hbm>>)
        tpu.yield
      }) : () -> ()
      %scan3A_18 = arith.constant 0 : i32
      scf.yield %scan3A_18 : i32
    }
    %scan3A_8 = arith.constant 12 : i32
    return
  }
}

#map = affine_map<(d0, d1) -> (0, 0)>
#map1 = affine_map<(d0, d1) -> (0)>
module attributes {stable_mosaic.version = 14 : i64} {
  func.func @k(%arg0: i32, %arg1: i32, %arg2: memref<1024x512xf32, #tpu.memory_space<hbm>>, %arg3: memref<49152xi32, #tpu.memory_space<hbm>>, %arg4: memref<49152x512xf32, #tpu.memory_space<hbm>>, %arg5: memref<128xi32, #tpu.memory_space<vmem>>, %arg6: memref<128x512xf32, #tpu.memory_space<vmem>>, %arg7: memref<!tpu.dma_semaphore, #tpu.memory_space<semaphore_mem>>) attributes {dimension_semantics = [#tpu.dimension_semantics<core_parallel>, #tpu.dimension_semantics<subcore_parallel>], iteration_bounds = array<i64: 2, 16>, scalar_prefetch = 0 : i64, scratch_operands = 3 : i64, tpu.core_type = #tpu.core_type<sc_vector_subcore>, window_params = [{transform_indices = #map}, {transform_indices = #map1}, {transform_indices = #map}]} {
    %mul3A = arith.constant 2 : i32
    %mul3A_0 = arith.muli %arg1, %mul3A : i32
    %add3A = arith.addi %mul3A_0, %arg0 : i32
    %mul3A_1 = arith.constant 1536 : i32
    %mul3A_2 = arith.muli %add3A, %mul3A_1 : i32
    %scan3A = arith.constant 0 : i32
    %scan3A_3 = arith.constant 0 : i32
    %scan3A_4 = arith.constant 12 : i32
    %scan3A_5 = arith.addi %scan3A_3, %scan3A_4 : i32
    %scan3A_6 = arith.constant 1 : i32
    %scan3A_7 = scf.for %scan3A_9 = %scan3A_3 to %scan3A_5 step %scan3A_6 iter_args(%scan3A_10 = %scan3A) -> (i32)  : i32 {
      %mul3A_11 = arith.constant 128 : i32
      %mul3A_12 = arith.muli %scan3A_9, %mul3A_11 : i32
      %add3A_13 = arith.addi %mul3A_2, %mul3A_12 : i32
      "tpu.region"() ({
        %run_scoped3A = tpu.sem_alloc : memref<!tpu.dma_semaphore, #tpu.memory_space<semaphore_mem>>
        %dma_start3A_19 = tpu.memref_slice %arg3[%add3A_13] : memref<49152xi32, #tpu.memory_space<hbm>> -> memref<128xi32, #tpu.memory_space<hbm>>
        %dma_start3A_20 = tpu.memref_slice %arg3[%add3A_13] : memref<49152xi32, #tpu.memory_space<hbm>> -> memref<128xi32, #tpu.memory_space<hbm>>
        tpu.enqueue_dma source(%dma_start3A_20 : memref<128xi32, #tpu.memory_space<hbm>>) target(%arg5 : memref<128xi32, #tpu.memory_space<vmem>>) target_semaphore(%run_scoped3A : memref<!tpu.dma_semaphore, #tpu.memory_space<semaphore_mem>>)
        %dma_wait3A_21 = tpu.memref_slice %arg3[%add3A_13] : memref<49152xi32, #tpu.memory_space<hbm>> -> memref<128xi32, #tpu.memory_space<hbm>>
        %dma_wait3A_22 = tpu.memref_slice %arg3[%add3A_13] : memref<49152xi32, #tpu.memory_space<hbm>> -> memref<128xi32, #tpu.memory_space<hbm>>
        tpu.wait_dma2 semaphore(%run_scoped3A : memref<!tpu.dma_semaphore, #tpu.memory_space<semaphore_mem>>) src(%dma_wait3A_22 : memref<128xi32, #tpu.memory_space<hbm>>) dst(%arg5 : memref<128xi32, #tpu.memory_space<vmem>>)
        tpu.yield
      }) : () -> ()
      %dma_start3A = arith.constant 0 : i32
      %dma_start3A_14 = arith.constant 0 : i32
      %dma_start3A_15 = tpu.memref_slice %arg2[%dma_start3A, %dma_start3A_14] : memref<1024x512xf32, #tpu.memory_space<hbm>> -> memref<1024x512xf32, #tpu.memory_space<hbm>>
      tpu.enqueue_indirect_dma source(%dma_start3A_15 : memref<1024x512xf32, #tpu.memory_space<hbm>>) target(%arg6 : memref<128x512xf32, #tpu.memory_space<vmem>>) offsets(%arg5 : memref<128xi32, #tpu.memory_space<vmem>>) semaphore(%arg7 : memref<!tpu.dma_semaphore, #tpu.memory_space<semaphore_mem>>)
      %dma_wait3A = arith.constant 0 : i32
      %dma_wait3A_16 = arith.constant 0 : i32
      %dma_wait3A_17 = tpu.memref_slice %arg2[%dma_wait3A, %dma_wait3A_16] : memref<1024x512xf32, #tpu.memory_space<hbm>> -> memref<1024x512xf32, #tpu.memory_space<hbm>>
      tpu.wait_indirect_dma semaphore(%arg7 : memref<!tpu.dma_semaphore, #tpu.memory_space<semaphore_mem>>) src(%dma_wait3A_17 : memref<1024x512xf32, #tpu.memory_space<hbm>>) dst(%arg6 : memref<128x512xf32, #tpu.memory_space<vmem>>)
      "tpu.region"() ({
        %run_scoped3A = tpu.sem_alloc : memref<!tpu.dma_semaphore, #tpu.memory_space<semaphore_mem>>
        %dma_start3A_19 = arith.constant 0 : i32
        %dma_start3A_20 = tpu.memref_slice %arg4[%add3A_13, %dma_start3A_19] : memref<49152x512xf32, #tpu.memory_space<hbm>> -> memref<128x512xf32, #tpu.memory_space<hbm>>
        %dma_start3A_21 = arith.constant 0 : i32
        %dma_start3A_22 = tpu.memref_slice %arg4[%add3A_13, %dma_start3A_21] : memref<49152x512xf32, #tpu.memory_space<hbm>> -> memref<128x512xf32, #tpu.memory_space<hbm>>
        tpu.enqueue_dma source(%arg6 : memref<128x512xf32, #tpu.memory_space<vmem>>) target(%dma_start3A_22 : memref<128x512xf32, #tpu.memory_space<hbm>>) target_semaphore(%run_scoped3A : memref<!tpu.dma_semaphore, #tpu.memory_space<semaphore_mem>>)
        %dma_wait3A_23 = arith.constant 0 : i32
        %dma_wait3A_24 = tpu.memref_slice %arg4[%add3A_13, %dma_wait3A_23] : memref<49152x512xf32, #tpu.memory_space<hbm>> -> memref<128x512xf32, #tpu.memory_space<hbm>>
        %dma_wait3A_25 = arith.constant 0 : i32
        %dma_wait3A_26 = tpu.memref_slice %arg4[%add3A_13, %dma_wait3A_25] : memref<49152x512xf32, #tpu.memory_space<hbm>> -> memref<128x512xf32, #tpu.memory_space<hbm>>
        tpu.wait_dma2 semaphore(%run_scoped3A : memref<!tpu.dma_semaphore, #tpu.memory_space<semaphore_mem>>) src(%arg6 : memref<128x512xf32, #tpu.memory_space<vmem>>) dst(%dma_wait3A_26 : memref<128x512xf32, #tpu.memory_space<hbm>>)
        tpu.yield
      }) : () -> ()
      %scan3A_18 = arith.constant 0 : i32
      scf.yield %scan3A_18 : i32
    }
    %scan3A_8 = arith.constant 12 : i32
    return
  }
}

module attributes {stable_mosaic.version = 14 : i64} {
  func.func @_frames_knn_body(%arg0: i32, %arg1: memref<1024x12xf32, #tpu.memory_space<vmem>>, %arg2: memref<3x128xf32, #tpu.memory_space<vmem>>, %arg3: memref<128x12xf32, #tpu.memory_space<vmem>>, %arg4: memref<128x9xf32, #tpu.memory_space<vmem>>, %arg5: memref<128x12xf32, #tpu.memory_space<vmem>>, %arg6: memref<48x128xi32, #tpu.memory_space<vmem>>, %arg7: memref<1024x128xf32, #tpu.memory_space<vmem>>) attributes {dimension_semantics = [#tpu.dimension_semantics<arbitrary>], iteration_bounds = array<i64: 8>, scalar_prefetch = 0 : i64, scratch_operands = 1 : i64, tpu.core_type = #tpu.core_type<tc>, window_params = [{pipeline_mode = #tpu.pipeline_mode<synchronous>, transform_indices = @transform_0, window_bounds = array<i64: 1024, 12>}, {transform_indices = @transform_1, window_bounds = array<i64: 3, 128>}, {transform_indices = @transform_2, window_bounds = array<i64: 128, 12>}, {transform_indices = @transform_3, window_bounds = array<i64: 128, 9>}, {transform_indices = @transform_4, window_bounds = array<i64: 128, 12>}, {transform_indices = @transform_5, window_bounds = array<i64: 48, 128>}]} {
    %get3A = arith.constant 0 : index
    %get3A_0 = arith.constant 0 : index
    %get3A_1 = vector.load %arg3[%get3A, %get3A_0] : memref<128x12xf32, #tpu.memory_space<vmem>>, vector<128x12xf32>
    %slice3A = vector.extract_strided_slice %get3A_1 {offsets = [0, 3], sizes = [128, 3], strides = [1, 1]} : vector<128x12xf32> to vector<128x3xf32>
    %slice3A_2 = vector.extract_strided_slice %get3A_1 {offsets = [0, 6], sizes = [128, 3], strides = [1, 1]} : vector<128x12xf32> to vector<128x3xf32>
    %sub3A = arith.subf %slice3A_2, %slice3A : vector<128x3xf32>
    %mul3A = arith.mulf %sub3A, %sub3A : vector<128x3xf32>
    %reduce_sum3A = arith.constant dense<0.000000e+00> : vector<128xf32>
    %reduce_sum3A_3 = vector.multi_reduction <add>, %mul3A, %reduce_sum3A [1] : vector<128x3xf32> to vector<128xf32>
    %broadcast_in_dim3A = vector.shape_cast %reduce_sum3A_3 : vector<128xf32> to vector<128x1xf32>
    %sqrt3A = math.sqrt %broadcast_in_dim3A : vector<128x1xf32>
    %div3A = vector.broadcast %sqrt3A : vector<128x1xf32> to vector<128x3xf32>
    %div3A_4 = arith.divf %sub3A, %div3A : vector<128x3xf32>
    %slice3A_5 = vector.extract_strided_slice %get3A_1 {offsets = [0, 0], sizes = [128, 3], strides = [1, 1]} : vector<128x12xf32> to vector<128x3xf32>
    %sub3A_6 = arith.subf %slice3A_5, %slice3A : vector<128x3xf32>
    %slice3A_7 = vector.extract_strided_slice %div3A_4 {offsets = [0, 1], sizes = [128, 1], strides = [1, 1]} : vector<128x3xf32> to vector<128x1xf32>
    %slice3A_8 = vector.extract_strided_slice %sub3A_6 {offsets = [0, 2], sizes = [128, 1], strides = [1, 1]} : vector<128x3xf32> to vector<128x1xf32>
    %mul3A_9 = arith.mulf %slice3A_7, %slice3A_8 : vector<128x1xf32>
    %slice3A_10 = vector.extract_strided_slice %div3A_4 {offsets = [0, 2], sizes = [128, 1], strides = [1, 1]} : vector<128x3xf32> to vector<128x1xf32>
    %slice3A_11 = vector.extract_strided_slice %sub3A_6 {offsets = [0, 1], sizes = [128, 1], strides = [1, 1]} : vector<128x3xf32> to vector<128x1xf32>
    %mul3A_12 = arith.mulf %slice3A_10, %slice3A_11 : vector<128x1xf32>
    %sub3A_13 = arith.subf %mul3A_9, %mul3A_12 : vector<128x1xf32>
    %slice3A_14 = vector.extract_strided_slice %div3A_4 {offsets = [0, 2], sizes = [128, 1], strides = [1, 1]} : vector<128x3xf32> to vector<128x1xf32>
    %slice3A_15 = vector.extract_strided_slice %sub3A_6 {offsets = [0, 0], sizes = [128, 1], strides = [1, 1]} : vector<128x3xf32> to vector<128x1xf32>
    %mul3A_16 = arith.mulf %slice3A_14, %slice3A_15 : vector<128x1xf32>
    %slice3A_17 = vector.extract_strided_slice %div3A_4 {offsets = [0, 0], sizes = [128, 1], strides = [1, 1]} : vector<128x3xf32> to vector<128x1xf32>
    %slice3A_18 = vector.extract_strided_slice %sub3A_6 {offsets = [0, 2], sizes = [128, 1], strides = [1, 1]} : vector<128x3xf32> to vector<128x1xf32>
    %mul3A_19 = arith.mulf %slice3A_17, %slice3A_18 : vector<128x1xf32>
    %sub3A_20 = arith.subf %mul3A_16, %mul3A_19 : vector<128x1xf32>
    %slice3A_21 = vector.extract_strided_slice %div3A_4 {offsets = [0, 0], sizes = [128, 1], strides = [1, 1]} : vector<128x3xf32> to vector<128x1xf32>
    %slice3A_22 = vector.extract_strided_slice %sub3A_6 {offsets = [0, 1], sizes = [128, 1], strides = [1, 1]} : vector<128x3xf32> to vector<128x1xf32>
    %mul3A_23 = arith.mulf %slice3A_21, %slice3A_22 : vector<128x1xf32>
    %slice3A_24 = vector.extract_strided_slice %div3A_4 {offsets = [0, 1], sizes = [128, 1], strides = [1, 1]} : vector<128x3xf32> to vector<128x1xf32>
    %slice3A_25 = vector.extract_strided_slice %sub3A_6 {offsets = [0, 0], sizes = [128, 1], strides = [1, 1]} : vector<128x3xf32> to vector<128x1xf32>
    %mul3A_26 = arith.mulf %slice3A_24, %slice3A_25 : vector<128x1xf32>
    %sub3A_27 = arith.subf %mul3A_23, %mul3A_26 : vector<128x1xf32>
    %concatenate3A = tpu.concatenate %sub3A_13, %sub3A_20, %sub3A_27 in 1 : vector<128x1xf32>, vector<128x1xf32>, vector<128x1xf32> -> vector<128x3xf32>
    %mul3A_28 = arith.mulf %concatenate3A, %concatenate3A : vector<128x3xf32>
    %reduce_sum3A_29 = arith.constant dense<0.000000e+00> : vector<128xf32>
    %reduce_sum3A_30 = vector.multi_reduction <add>, %mul3A_28, %reduce_sum3A_29 [1] : vector<128x3xf32> to vector<128xf32>
    %broadcast_in_dim3A_31 = vector.shape_cast %reduce_sum3A_30 : vector<128xf32> to vector<128x1xf32>
    %sqrt3A_32 = math.sqrt %broadcast_in_dim3A_31 : vector<128x1xf32>
    %div3A_33 = vector.broadcast %sqrt3A_32 : vector<128x1xf32> to vector<128x3xf32>
    %div3A_34 = arith.divf %concatenate3A, %div3A_33 : vector<128x3xf32>
    %slice3A_35 = vector.extract_strided_slice %div3A_4 {offsets = [0, 1], sizes = [128, 1], strides = [1, 1]} : vector<128x3xf32> to vector<128x1xf32>
    %slice3A_36 = vector.extract_strided_slice %div3A_34 {offsets = [0, 2], sizes = [128, 1], strides = [1, 1]} : vector<128x3xf32> to vector<128x1xf32>
    %mul3A_37 = arith.mulf %slice3A_35, %slice3A_36 : vector<128x1xf32>
    %slice3A_38 = vector.extract_strided_slice %div3A_4 {offsets = [0, 2], sizes = [128, 1], strides = [1, 1]} : vector<128x3xf32> to vector<128x1xf32>
    %slice3A_39 = vector.extract_strided_slice %div3A_34 {offsets = [0, 1], sizes = [128, 1], strides = [1, 1]} : vector<128x3xf32> to vector<128x1xf32>
    %mul3A_40 = arith.mulf %slice3A_38, %slice3A_39 : vector<128x1xf32>
    %sub3A_41 = arith.subf %mul3A_37, %mul3A_40 : vector<128x1xf32>
    %slice3A_42 = vector.extract_strided_slice %div3A_4 {offsets = [0, 2], sizes = [128, 1], strides = [1, 1]} : vector<128x3xf32> to vector<128x1xf32>
    %slice3A_43 = vector.extract_strided_slice %div3A_34 {offsets = [0, 0], sizes = [128, 1], strides = [1, 1]} : vector<128x3xf32> to vector<128x1xf32>
    %mul3A_44 = arith.mulf %slice3A_42, %slice3A_43 : vector<128x1xf32>
    %slice3A_45 = vector.extract_strided_slice %div3A_4 {offsets = [0, 0], sizes = [128, 1], strides = [1, 1]} : vector<128x3xf32> to vector<128x1xf32>
    %slice3A_46 = vector.extract_strided_slice %div3A_34 {offsets = [0, 2], sizes = [128, 1], strides = [1, 1]} : vector<128x3xf32> to vector<128x1xf32>
    %mul3A_47 = arith.mulf %slice3A_45, %slice3A_46 : vector<128x1xf32>
    %sub3A_48 = arith.subf %mul3A_44, %mul3A_47 : vector<128x1xf32>
    %slice3A_49 = vector.extract_strided_slice %div3A_4 {offsets = [0, 0], sizes = [128, 1], strides = [1, 1]} : vector<128x3xf32> to vector<128x1xf32>
    %slice3A_50 = vector.extract_strided_slice %div3A_34 {offsets = [0, 1], sizes = [128, 1], strides = [1, 1]} : vector<128x3xf32> to vector<128x1xf32>
    %mul3A_51 = arith.mulf %slice3A_49, %slice3A_50 : vector<128x1xf32>
    %slice3A_52 = vector.extract_strided_slice %div3A_4 {offsets = [0, 1], sizes = [128, 1], strides = [1, 1]} : vector<128x3xf32> to vector<128x1xf32>
    %slice3A_53 = vector.extract_strided_slice %div3A_34 {offsets = [0, 0], sizes = [128, 1], strides = [1, 1]} : vector<128x3xf32> to vector<128x1xf32>
    %mul3A_54 = arith.mulf %slice3A_52, %slice3A_53 : vector<128x1xf32>
    %sub3A_55 = arith.subf %mul3A_51, %mul3A_54 : vector<128x1xf32>
    %concatenate3A_56 = tpu.concatenate %sub3A_41, %sub3A_48, %sub3A_55 in 1 : vector<128x1xf32>, vector<128x1xf32>, vector<128x1xf32> -> vector<128x3xf32>
    %concatenate3A_57 = tpu.concatenate %div3A_4, %div3A_34, %concatenate3A_56 in 1 : vector<128x3xf32>, vector<128x3xf32>, vector<128x3xf32> -> vector<128x9xf32>
    %swap3A = arith.constant 0 : index
    %swap3A_58 = arith.constant 0 : index
    %swap3A_59 = vector.load %arg4[%swap3A, %swap3A_58] : memref<128x9xf32, #tpu.memory_space<vmem>>, vector<128x9xf32>
    tpu.vector_store %arg4[%swap3A, %swap3A_58], %concatenate3A_57 {strides = array<i32>} : memref<128x9xf32, #tpu.memory_space<vmem>>, vector<128x9xf32>,
    %concatenate3A_60 = tpu.concatenate %slice3A, %slice3A, %slice3A, %slice3A in 1 : vector<128x3xf32>, vector<128x3xf32>, vector<128x3xf32>, vector<128x3xf32> -> vector<128x12xf32>
    %sub3A_61 = arith.subf %get3A_1, %concatenate3A_60 : vector<128x12xf32>
    %slice3A_62 = vector.extract_strided_slice %concatenate3A_57 {offsets = [0, 0], sizes = [128, 1], strides = [1, 1]} : vector<128x9xf32> to vector<128x1xf32>
    %slice3A_63 = vector.extract_strided_slice %sub3A_61 {offsets = [0, 0], sizes = [128, 1], strides = [1, 1]} : vector<128x12xf32> to vector<128x1xf32>
    %mul3A_64 = arith.mulf %slice3A_62, %slice3A_63 : vector<128x1xf32>
    %slice3A_65 = vector.extract_strided_slice %concatenate3A_57 {offsets = [0, 1], sizes = [128, 1], strides = [1, 1]} : vector<128x9xf32> to vector<128x1xf32>
    %slice3A_66 = vector.extract_strided_slice %sub3A_61 {offsets = [0, 1], sizes = [128, 1], strides = [1, 1]} : vector<128x12xf32> to vector<128x1xf32>
    %mul3A_67 = arith.mulf %slice3A_65, %slice3A_66 : vector<128x1xf32>
    %add3A = arith.addf %mul3A_64, %mul3A_67 : vector<128x1xf32>
    %slice3A_68 = vector.extract_strided_slice %concatenate3A_57 {offsets = [0, 2], sizes = [128, 1], strides = [1, 1]} : vector<128x9xf32> to vector<128x1xf32>
    %slice3A_69 = vector.extract_strided_slice %sub3A_61 {offsets = [0, 2], sizes = [128, 1], strides = [1, 1]} : vector<128x12xf32> to vector<128x1xf32>
    %mul3A_70 = arith.mulf %slice3A_68, %slice3A_69 : vector<128x1xf32>
    %add3A_71 = arith.addf %add3A, %mul3A_70 : vector<128x1xf32>
    %slice3A_72 = vector.extract_strided_slice %concatenate3A_57 {offsets = [0, 3], sizes = [128, 1], strides = [1, 1]} : vector<128x9xf32> to vector<128x1xf32>
    %slice3A_73 = vector.extract_strided_slice %sub3A_61 {offsets = [0, 0], sizes = [128, 1], strides = [1, 1]} : vector<128x12xf32> to vector<128x1xf32>
    %mul3A_74 = arith.mulf %slice3A_72, %slice3A_73 : vector<128x1xf32>
    %slice3A_75 = vector.extract_strided_slice %concatenate3A_57 {offsets = [0, 4], sizes = [128, 1], strides = [1, 1]} : vector<128x9xf32> to vector<128x1xf32>
    %slice3A_76 = vector.extract_strided_slice %sub3A_61 {offsets = [0, 1], sizes = [128, 1], strides = [1, 1]} : vector<128x12xf32> to vector<128x1xf32>
    %mul3A_77 = arith.mulf %slice3A_75, %slice3A_76 : vector<128x1xf32>
    %add3A_78 = arith.addf %mul3A_74, %mul3A_77 : vector<128x1xf32>
    %slice3A_79 = vector.extract_strided_slice %concatenate3A_57 {offsets = [0, 5], sizes = [128, 1], strides = [1, 1]} : vector<128x9xf32> to vector<128x1xf32>
    %slice3A_80 = vector.extract_strided_slice %sub3A_61 {offsets = [0, 2], sizes = [128, 1], strides = [1, 1]} : vector<128x12xf32> to vector<128x1xf32>
    %mul3A_81 = arith.mulf %slice3A_79, %slice3A_80 : vector<128x1xf32>
    %add3A_82 = arith.addf %add3A_78, %mul3A_81 : vector<128x1xf32>
    %slice3A_83 = vector.extract_strided_slice %concatenate3A_57 {offsets = [0, 6], sizes = [128, 1], strides = [1, 1]} : vector<128x9xf32> to vector<128x1xf32>
    %slice3A_84 = vector.extract_strided_slice %sub3A_61 {offsets = [0, 0], sizes = [128, 1], strides = [1, 1]} : vector<128x12xf32> to vector<128x1xf32>
    %mul3A_85 = arith.mulf %slice3A_83, %slice3A_84 : vector<128x1xf32>
    %slice3A_86 = vector.extract_strided_slice %concatenate3A_57 {offsets = [0, 7], sizes = [128, 1], strides = [1, 1]} : vector<128x9xf32> to vector<128x1xf32>
    %slice3A_87 = vector.extract_strided_slice %sub3A_61 {offsets = [0, 1], sizes = [128, 1], strides = [1, 1]} : vector<128x12xf32> to vector<128x1xf32>
    %mul3A_88 = arith.mulf %slice3A_86, %slice3A_87 : vector<128x1xf32>
    %add3A_89 = arith.addf %mul3A_85, %mul3A_88 : vector<128x1xf32>
    %slice3A_90 = vector.extract_strided_slice %concatenate3A_57 {offsets = [0, 8], sizes = [128, 1], strides = [1, 1]} : vector<128x9xf32> to vector<128x1xf32>
    %slice3A_91 = vector.extract_strided_slice %sub3A_61 {offsets = [0, 2], sizes = [128, 1], strides = [1, 1]} : vector<128x12xf32> to vector<128x1xf32>
    %mul3A_92 = arith.mulf %slice3A_90, %slice3A_91 : vector<128x1xf32>
    %add3A_93 = arith.addf %add3A_89, %mul3A_92 : vector<128x1xf32>
    %slice3A_94 = vector.extract_strided_slice %concatenate3A_57 {offsets = [0, 0], sizes = [128, 1], strides = [1, 1]} : vector<128x9xf32> to vector<128x1xf32>
    %slice3A_95 = vector.extract_strided_slice %sub3A_61 {offsets = [0, 3], sizes = [128, 1], strides = [1, 1]} : vector<128x12xf32> to vector<128x1xf32>
    %mul3A_96 = arith.mulf %slice3A_94, %slice3A_95 : vector<128x1xf32>
    %slice3A_97 = vector.extract_strided_slice %concatenate3A_57 {offsets = [0, 1], sizes = [128, 1], strides = [1, 1]} : vector<128x9xf32> to vector<128x1xf32>
    %slice3A_98 = vector.extract_strided_slice %sub3A_61 {offsets = [0, 4], sizes = [128, 1], strides = [1, 1]} : vector<128x12xf32> to vector<128x1xf32>
    %mul3A_99 = arith.mulf %slice3A_97, %slice3A_98 : vector<128x1xf32>
    %add3A_100 = arith.addf %mul3A_96, %mul3A_99 : vector<128x1xf32>
    %slice3A_101 = vector.extract_strided_slice %concatenate3A_57 {offsets = [0, 2], sizes = [128, 1], strides = [1, 1]} : vector<128x9xf32> to vector<128x1xf32>
    %slice3A_102 = vector.extract_strided_slice %sub3A_61 {offsets = [0, 5], sizes = [128, 1], strides = [1, 1]} : vector<128x12xf32> to vector<128x1xf32>
    %mul3A_103 = arith.mulf %slice3A_101, %slice3A_102 : vector<128x1xf32>
    %add3A_104 = arith.addf %add3A_100, %mul3A_103 : vector<128x1xf32>
    %slice3A_105 = vector.extract_strided_slice %concatenate3A_57 {offsets = [0, 3], sizes = [128, 1], strides = [1, 1]} : vector<128x9xf32> to vector<128x1xf32>
    %slice3A_106 = vector.extract_strided_slice %sub3A_61 {offsets = [0, 3], sizes = [128, 1], strides = [1, 1]} : vector<128x12xf32> to vector<128x1xf32>
    %mul3A_107 = arith.mulf %slice3A_105, %slice3A_106 : vector<128x1xf32>
    %slice3A_108 = vector.extract_strided_slice %concatenate3A_57 {offsets = [0, 4], sizes = [128, 1], strides = [1, 1]} : vector<128x9xf32> to vector<128x1xf32>
    %slice3A_109 = vector.extract_strided_slice %sub3A_61 {offsets = [0, 4], sizes = [128, 1], strides = [1, 1]} : vector<128x12xf32> to vector<128x1xf32>
    %mul3A_110 = arith.mulf %slice3A_108, %slice3A_109 : vector<128x1xf32>
    %add3A_111 = arith.addf %mul3A_107, %mul3A_110 : vector<128x1xf32>
    %slice3A_112 = vector.extract_strided_slice %concatenate3A_57 {offsets = [0, 5], sizes = [128, 1], strides = [1, 1]} : vector<128x9xf32> to vector<128x1xf32>
    %slice3A_113 = vector.extract_strided_slice %sub3A_61 {offsets = [0, 5], sizes = [128, 1], strides = [1, 1]} : vector<128x12xf32> to vector<128x1xf32>
    %mul3A_114 = arith.mulf %slice3A_112, %slice3A_113 : vector<128x1xf32>
    %add3A_115 = arith.addf %add3A_111, %mul3A_114 : vector<128x1xf32>
    %slice3A_116 = vector.extract_strided_slice %concatenate3A_57 {offsets = [0, 6], sizes = [128, 1], strides = [1, 1]} : vector<128x9xf32> to vector<128x1xf32>
    %slice3A_117 = vector.extract_strided_slice %sub3A_61 {offsets = [0, 3], sizes = [128, 1], strides = [1, 1]} : vector<128x12xf32> to vector<128x1xf32>
    %mul3A_118 = arith.mulf %slice3A_116, %slice3A_117 : vector<128x1xf32>
    %slice3A_119 = vector.extract_strided_slice %concatenate3A_57 {offsets = [0, 7], sizes = [128, 1], strides = [1, 1]} : vector<128x9xf32> to vector<128x1xf32>
    %slice3A_120 = vector.extract_strided_slice %sub3A_61 {offsets = [0, 4], sizes = [128, 1], strides = [1, 1]} : vector<128x12xf32> to vector<128x1xf32>
    %mul3A_121 = arith.mulf %slice3A_119, %slice3A_120 : vector<128x1xf32>
    %add3A_122 = arith.addf %mul3A_118, %mul3A_121 : vector<128x1xf32>
    %slice3A_123 = vector.extract_strided_slice %concatenate3A_57 {offsets = [0, 8], sizes = [128, 1], strides = [1, 1]} : vector<128x9xf32> to vector<128x1xf32>
    %slice3A_124 = vector.extract_strided_slice %sub3A_61 {offsets = [0, 5], sizes = [128, 1], strides = [1, 1]} : vector<128x12xf32> to vector<128x1xf32>
    %mul3A_125 = arith.mulf %slice3A_123, %slice3A_124 : vector<128x1xf32>
    %add3A_126 = arith.addf %add3A_122, %mul3A_125 : vector<128x1xf32>
    %slice3A_127 = vector.extract_strided_slice %concatenate3A_57 {offsets = [0, 0], sizes = [128, 1], strides = [1, 1]} : vector<128x9xf32> to vector<128x1xf32>
    %slice3A_128 = vector.extract_strided_slice %sub3A_61 {offsets = [0, 6], sizes = [128, 1], strides = [1, 1]} : vector<128x12xf32> to vector<128x1xf32>
    %mul3A_129 = arith.mulf %slice3A_127, %slice3A_128 : vector<128x1xf32>
    %slice3A_130 = vector.extract_strided_slice %concatenate3A_57 {offsets = [0, 1], sizes = [128, 1], strides = [1, 1]} : vector<128x9xf32> to vector<128x1xf32>
    %slice3A_131 = vector.extract_strided_slice %sub3A_61 {offsets = [0, 7], sizes = [128, 1], strides = [1, 1]} : vector<128x12xf32> to vector<128x1xf32>
    %mul3A_132 = arith.mulf %slice3A_130, %slice3A_131 : vector<128x1xf32>
    %add3A_133 = arith.addf %mul3A_129, %mul3A_132 : vector<128x1xf32>
    %slice3A_134 = vector.extract_strided_slice %concatenate3A_57 {offsets = [0, 2], sizes = [128, 1], strides = [1, 1]} : vector<128x9xf32> to vector<128x1xf32>
    %slice3A_135 = vector.extract_strided_slice %sub3A_61 {offsets = [0, 8], sizes = [128, 1], strides = [1, 1]} : vector<128x12xf32> to vector<128x1xf32>
    %mul3A_136 = arith.mulf %slice3A_134, %slice3A_135 : vector<128x1xf32>
    %add3A_137 = arith.addf %add3A_133, %mul3A_136 : vector<128x1xf32>
    %slice3A_138 = vector.extract_strided_slice %concatenate3A_57 {offsets = [0, 3], sizes = [128, 1], strides = [1, 1]} : vector<128x9xf32> to vector<128x1xf32>
    %slice3A_139 = vector.extract_strided_slice %sub3A_61 {offsets = [0, 6], sizes = [128, 1], strides = [1, 1]} : vector<128x12xf32> to vector<128x1xf32>
    %mul3A_140 = arith.mulf %slice3A_138, %slice3A_139 : vector<128x1xf32>
    %slice3A_141 = vector.extract_strided_slice %concatenate3A_57 {offsets = [0, 4], sizes = [128, 1], strides = [1, 1]} : vector<128x9xf32> to vector<128x1xf32>
    %slice3A_142 = vector.extract_strided_slice %sub3A_61 {offsets = [0, 7], sizes = [128, 1], strides = [1, 1]} : vector<128x12xf32> to vector<128x1xf32>
    %mul3A_143 = arith.mulf %slice3A_141, %slice3A_142 : vector<128x1xf32>
    %add3A_144 = arith.addf %mul3A_140, %mul3A_143 : vector<128x1xf32>
    %slice3A_145 = vector.extract_strided_slice %concatenate3A_57 {offsets = [0, 5], sizes = [128, 1], strides = [1, 1]} : vector<128x9xf32> to vector<128x1xf32>
    %slice3A_146 = vector.extract_strided_slice %sub3A_61 {offsets = [0, 8], sizes = [128, 1], strides = [1, 1]} : vector<128x12xf32> to vector<128x1xf32>
    %mul3A_147 = arith.mulf %slice3A_145, %slice3A_146 : vector<128x1xf32>
    %add3A_148 = arith.addf %add3A_144, %mul3A_147 : vector<128x1xf32>
    %slice3A_149 = vector.extract_strided_slice %concatenate3A_57 {offsets = [0, 6], sizes = [128, 1], strides = [1, 1]} : vector<128x9xf32> to vector<128x1xf32>
    %slice3A_150 = vector.extract_strided_slice %sub3A_61 {offsets = [0, 6], sizes = [128, 1], strides = [1, 1]} : vector<128x12xf32> to vector<128x1xf32>
    %mul3A_151 = arith.mulf %slice3A_149, %slice3A_150 : vector<128x1xf32>
    %slice3A_152 = vector.extract_strided_slice %concatenate3A_57 {offsets = [0, 7], sizes = [128, 1], strides = [1, 1]} : vector<128x9xf32> to vector<128x1xf32>
    %slice3A_153 = vector.extract_strided_slice %sub3A_61 {offsets = [0, 7], sizes = [128, 1], strides = [1, 1]} : vector<128x12xf32> to vector<128x1xf32>
    %mul3A_154 = arith.mulf %slice3A_152, %slice3A_153 : vector<128x1xf32>
    %add3A_155 = arith.addf %mul3A_151, %mul3A_154 : vector<128x1xf32>
    %slice3A_156 = vector.extract_strided_slice %concatenate3A_57 {offsets = [0, 8], sizes = [128, 1], strides = [1, 1]} : vector<128x9xf32> to vector<128x1xf32>
    %slice3A_157 = vector.extract_strided_slice %sub3A_61 {offsets = [0, 8], sizes = [128, 1], strides = [1, 1]} : vector<128x12xf32> to vector<128x1xf32>
    %mul3A_158 = arith.mulf %slice3A_156, %slice3A_157 : vector<128x1xf32>
    %add3A_159 = arith.addf %add3A_155, %mul3A_158 : vector<128x1xf32>
    %slice3A_160 = vector.extract_strided_slice %concatenate3A_57 {offsets = [0, 0], sizes = [128, 1], strides = [1, 1]} : vector<128x9xf32> to vector<128x1xf32>
    %slice3A_161 = vector.extract_strided_slice %sub3A_61 {offsets = [0, 9], sizes = [128, 1], strides = [1, 1]} : vector<128x12xf32> to vector<128x1xf32>
    %mul3A_162 = arith.mulf %slice3A_160, %slice3A_161 : vector<128x1xf32>
    %slice3A_163 = vector.extract_strided_slice %concatenate3A_57 {offsets = [0, 1], sizes = [128, 1], strides = [1, 1]} : vector<128x9xf32> to vector<128x1xf32>
    %slice3A_164 = vector.extract_strided_slice %sub3A_61 {offsets = [0, 10], sizes = [128, 1], strides = [1, 1]} : vector<128x12xf32> to vector<128x1xf32>
    %mul3A_165 = arith.mulf %slice3A_163, %slice3A_164 : vector<128x1xf32>
    %add3A_166 = arith.addf %mul3A_162, %mul3A_165 : vector<128x1xf32>
    %slice3A_167 = vector.extract_strided_slice %concatenate3A_57 {offsets = [0, 2], sizes = [128, 1], strides = [1, 1]} : vector<128x9xf32> to vector<128x1xf32>
    %slice3A_168 = vector.extract_strided_slice %sub3A_61 {offsets = [0, 11], sizes = [128, 1], strides = [1, 1]} : vector<128x12xf32> to vector<128x1xf32>
    %mul3A_169 = arith.mulf %slice3A_167, %slice3A_168 : vector<128x1xf32>
    %add3A_170 = arith.addf %add3A_166, %mul3A_169 : vector<128x1xf32>
    %slice3A_171 = vector.extract_strided_slice %concatenate3A_57 {offsets = [0, 3], sizes = [128, 1], strides = [1, 1]} : vector<128x9xf32> to vector<128x1xf32>
    %slice3A_172 = vector.extract_strided_slice %sub3A_61 {offsets = [0, 9], sizes = [128, 1], strides = [1, 1]} : vector<128x12xf32> to vector<128x1xf32>
    %mul3A_173 = arith.mulf %slice3A_171, %slice3A_172 : vector<128x1xf32>
    %slice3A_174 = vector.extract_strided_slice %concatenate3A_57 {offsets = [0, 4], sizes = [128, 1], strides = [1, 1]} : vector<128x9xf32> to vector<128x1xf32>
    %slice3A_175 = vector.extract_strided_slice %sub3A_61 {offsets = [0, 10], sizes = [128, 1], strides = [1, 1]} : vector<128x12xf32> to vector<128x1xf32>
    %mul3A_176 = arith.mulf %slice3A_174, %slice3A_175 : vector<128x1xf32>
    %add3A_177 = arith.addf %mul3A_173, %mul3A_176 : vector<128x1xf32>
    %slice3A_178 = vector.extract_strided_slice %concatenate3A_57 {offsets = [0, 5], sizes = [128, 1], strides = [1, 1]} : vector<128x9xf32> to vector<128x1xf32>
    %slice3A_179 = vector.extract_strided_slice %sub3A_61 {offsets = [0, 11], sizes = [128, 1], strides = [1, 1]} : vector<128x12xf32> to vector<128x1xf32>
    %mul3A_180 = arith.mulf %slice3A_178, %slice3A_179 : vector<128x1xf32>
    %add3A_181 = arith.addf %add3A_177, %mul3A_180 : vector<128x1xf32>
    %slice3A_182 = vector.extract_strided_slice %concatenate3A_57 {offsets = [0, 6], sizes = [128, 1], strides = [1, 1]} : vector<128x9xf32> to vector<128x1xf32>
    %slice3A_183 = vector.extract_strided_slice %sub3A_61 {offsets = [0, 9], sizes = [128, 1], strides = [1, 1]} : vector<128x12xf32> to vector<128x1xf32>
    %mul3A_184 = arith.mulf %slice3A_182, %slice3A_183 : vector<128x1xf32>
    %slice3A_185 = vector.extract_strided_slice %concatenate3A_57 {offsets = [0, 7], sizes = [128, 1], strides = [1, 1]} : vector<128x9xf32> to vector<128x1xf32>
    %slice3A_186 = vector.extract_strided_slice %sub3A_61 {offsets = [0, 10], sizes = [128, 1], strides = [1, 1]} : vector<128x12xf32> to vector<128x1xf32>
    %mul3A_187 = arith.mulf %slice3A_185, %slice3A_186 : vector<128x1xf32>
    %add3A_188 = arith.addf %mul3A_184, %mul3A_187 : vector<128x1xf32>
    %slice3A_189 = vector.extract_strided_slice %concatenate3A_57 {offsets = [0, 8], sizes = [128, 1], strides = [1, 1]} : vector<128x9xf32> to vector<128x1xf32>
    %slice3A_190 = vector.extract_strided_slice %sub3A_61 {offsets = [0, 11], sizes = [128, 1], strides = [1, 1]} : vector<128x12xf32> to vector<128x1xf32>
    %mul3A_191 = arith.mulf %slice3A_189, %slice3A_190 : vector<128x1xf32>
    %add3A_192 = arith.addf %add3A_188, %mul3A_191 : vector<128x1xf32>
    %concatenate3A_193 = tpu.concatenate %add3A_71, %add3A_82, %add3A_93, %add3A_104, %add3A_115, %add3A_126, %add3A_137, %add3A_148, %add3A_159, %add3A_170, %add3A_181, %add3A_192 in 1 : vector<128x1xf32>, vector<128x1xf32>, vector<128x1xf32>, vector<128x1xf32>, vector<128x1xf32>, vector<128x1xf32>, vector<128x1xf32>, vector<128x1xf32>, vector<128x1xf32>, vector<128x1xf32>, vector<128x1xf32>, vector<128x1xf32> -> vector<128x12xf32>
    %swap3A_194 = arith.constant 0 : index
    %swap3A_195 = arith.constant 0 : index
    %swap3A_196 = vector.load %arg5[%swap3A_194, %swap3A_195] : memref<128x12xf32, #tpu.memory_space<vmem>>, vector<128x12xf32>
    tpu.vector_store %arg5[%swap3A_194, %swap3A_195], %concatenate3A_193 {strides = array<i32>} : memref<128x12xf32, #tpu.memory_space<vmem>>, vector<128x12xf32>,
    %get3A_197 = arith.constant 0 : index
    %get3A_198 = arith.constant 0 : index
    %get3A_199 = vector.load %arg1[%get3A_197, %get3A_198] : memref<1024x12xf32, #tpu.memory_space<vmem>>, vector<1024x12xf32>
    %slice3A_200 = vector.extract_strided_slice %get3A_199 {offsets = [0, 3], sizes = [1024, 3], strides = [1, 1]} : vector<1024x12xf32> to vector<1024x3xf32>
    %get3A_201 = arith.constant 0 : index
    %get3A_202 = arith.constant 0 : index
    %get3A_203 = vector.load %arg2[%get3A_201, %get3A_202] : memref<3x128xf32, #tpu.memory_space<vmem>>, vector<3x128xf32>
    %broadcast_in_dim3A_204 = arith.constant 0.000000e+00 : f32
    %broadcast_in_dim3A_205 = vector.broadcast %broadcast_in_dim3A_204 : f32 to vector<1024x128xf32>
    %slice3A_206 = vector.extract_strided_slice %slice3A_200 {offsets = [0, 0], sizes = [1024, 1], strides = [1, 1]} : vector<1024x3xf32> to vector<1024x1xf32>
    %slice3A_207 = vector.extract_strided_slice %get3A_203 {offsets = [0, 0], sizes = [1, 128], strides = [1, 1]} : vector<3x128xf32> to vector<1x128xf32>
    %sub3A_208 = vector.broadcast %slice3A_206 : vector<1024x1xf32> to vector<1024x128xf32>
    %sub3A_209 = vector.broadcast %slice3A_207 : vector<1x128xf32> to vector<1024x128xf32>
    %sub3A_210 = arith.subf %sub3A_208, %sub3A_209 : vector<1024x128xf32>
    %mul3A_211 = arith.mulf %sub3A_210, %sub3A_210 : vector<1024x128xf32>
    %add3A_212 = arith.addf %broadcast_in_dim3A_205, %mul3A_211 : vector<1024x128xf32>
    %slice3A_213 = vector.extract_strided_slice %slice3A_200 {offsets = [0, 1], sizes = [1024, 1], strides = [1, 1]} : vector<1024x3xf32> to vector<1024x1xf32>
    %slice3A_214 = vector.extract_strided_slice %get3A_203 {offsets = [1, 0], sizes = [1, 128], strides = [1, 1]} : vector<3x128xf32> to vector<1x128xf32>
    %sub3A_215 = vector.broadcast %slice3A_213 : vector<1024x1xf32> to vector<1024x128xf32>
    %sub3A_216 = vector.broadcast %slice3A_214 : vector<1x128xf32> to vector<1024x128xf32>
    %sub3A_217 = arith.subf %sub3A_215, %sub3A_216 : vector<1024x128xf32>
    %mul3A_218 = arith.mulf %sub3A_217, %sub3A_217 : vector<1024x128xf32>
    %add3A_219 = arith.addf %add3A_212, %mul3A_218 : vector<1024x128xf32>
    %slice3A_220 = vector.extract_strided_slice %slice3A_200 {offsets = [0, 2], sizes = [1024, 1], strides = [1, 1]} : vector<1024x3xf32> to vector<1024x1xf32>
    %slice3A_221 = vector.extract_strided_slice %get3A_203 {offsets = [2, 0], sizes = [1, 128], strides = [1, 1]} : vector<3x128xf32> to vector<1x128xf32>
    %sub3A_222 = vector.broadcast %slice3A_220 : vector<1024x1xf32> to vector<1024x128xf32>
    %sub3A_223 = vector.broadcast %slice3A_221 : vector<1x128xf32> to vector<1024x128xf32>
    %sub3A_224 = arith.subf %sub3A_222, %sub3A_223 : vector<1024x128xf32>
    %mul3A_225 = arith.mulf %sub3A_224, %sub3A_224 : vector<1024x128xf32>
    %add3A_226 = arith.addf %add3A_219, %mul3A_225 : vector<1024x128xf32>
    %sqrt3A_227 = math.sqrt %add3A_226 : vector<1024x128xf32>
    %swap3A_228 = arith.constant 0 : index
    %swap3A_229 = arith.constant 0 : index
    %swap3A_230 = vector.load %arg7[%swap3A_228, %swap3A_229] : memref<1024x128xf32, #tpu.memory_space<vmem>>, vector<1024x128xf32>
    tpu.vector_store %arg7[%swap3A_228, %swap3A_229], %sqrt3A_227 {strides = array<i32>} : memref<1024x128xf32, #tpu.memory_space<vmem>>, vector<1024x128xf32>,
    %iota3A = tpu.iota {dimensions = array<i32: 0>} : vector<1024x128xi32>
    %scan3A = arith.constant 1073741824 : i32
    %scan3A_231 = arith.constant 0 : i32
    %scan3A_232 = arith.constant 48 : i32
    %scan3A_233 = arith.addi %scan3A_231, %scan3A_232 : i32
    %scan3A_234 = arith.constant 1 : i32
    scf.for %scan3A_236 = %scan3A_231 to %scan3A_233 step %scan3A_234  : i32 {
      %get3A_237 = arith.constant 0 : index
      %get3A_238 = arith.constant 0 : index
      %get3A_239 = vector.load %arg7[%get3A_237, %get3A_238] : memref<1024x128xf32, #tpu.memory_space<vmem>>, vector<1024x128xf32>
      %reduce_min3A = arith.constant dense<0x7F800000> : vector<128xf32>
      %reduce_min3A_240 = vector.multi_reduction <minimumf>, %get3A_239, %reduce_min3A [0] : vector<1024x128xf32> to vector<128xf32>
      %broadcast_in_dim3A_241 = vector.shape_cast %reduce_min3A_240 : vector<128xf32> to vector<1x128xf32>
      %eq3A = vector.broadcast %broadcast_in_dim3A_241 : vector<1x128xf32> to vector<1024x128xf32>
      %eq3A_242 = arith.cmpf oeq, %get3A_239, %eq3A : vector<1024x128xf32>
      %broadcast_in_dim3A_243 = vector.broadcast %scan3A : i32 to vector<1024x128xi32>
      %select_n3A = arith.select %eq3A_242, %iota3A, %broadcast_in_dim3A_243 : vector<1024x128xi1>, vector<1024x128xi32>
      %reduce_min3A_244 = arith.constant dense<2147483647> : vector<128xi32>
      %reduce_min3A_245 = vector.multi_reduction <minsi>, %select_n3A, %reduce_min3A_244 [0] : vector<1024x128xi32> to vector<128xi32>
      %broadcast_in_dim3A_246 = vector.shape_cast %reduce_min3A_245 : vector<128xi32> to vector<1x128xi32>
      %swap3A_247 = arith.index_cast %scan3A_236 : i32 to index
      %swap3A_248 = arith.constant 0 : index
      %swap3A_249 = vector.load %arg6[%swap3A_247, %swap3A_248] : memref<48x128xi32, #tpu.memory_space<vmem>>, vector<1x128xi32>
      tpu.vector_store %arg6[%swap3A_247, %swap3A_248], %broadcast_in_dim3A_246 {strides = array<i32>} : memref<48x128xi32, #tpu.memory_space<vmem>>, vector<1x128xi32>,
      %eq3A_250 = vector.broadcast %broadcast_in_dim3A_246 : vector<1x128xi32> to vector<1024x128xi32>
      %eq3A_251 = arith.cmpi eq, %select_n3A, %eq3A_250 : vector<1024x128xi32>
      %jit3A = arith.constant 0x7F800000 : f32
      %broadcast_in_dim3A_252 = vector.broadcast %jit3A : f32 to vector<1024x128xf32>
      %select_n3A_253 = arith.select %eq3A_251, %broadcast_in_dim3A_252, %get3A_239 : vector<1024x128xi1>, vector<1024x128xf32>
      %swap3A_254 = arith.constant 0 : index
      %swap3A_255 = arith.constant 0 : index
      %swap3A_256 = vector.load %arg7[%swap3A_254, %swap3A_255] : memref<1024x128xf32, #tpu.memory_space<vmem>>, vector<1024x128xf32>
      tpu.vector_store %arg7[%swap3A_254, %swap3A_255], %select_n3A_253 {strides = array<i32>} : memref<1024x128xf32, #tpu.memory_space<vmem>>, vector<1024x128xf32>,
    }
    %scan3A_235 = arith.constant 48 : i32
    return
  }
  func.func @transform_0(%arg0: i32) -> (i32, i32) {
    %c0_i32 = arith.constant 0 : i32
    %c0_i32_0 = arith.constant 0 : i32
    %c0_i32_1 = arith.constant 0 : i32
    return %c0_i32, %c0_i32_0 : i32, i32
  }
  func.func @transform_1(%arg0: i32) -> (i32, i32) {
    %c0_i32 = arith.constant 0 : i32
    %c0_i32_0 = arith.constant 0 : i32
    return %c0_i32, %arg0 : i32, i32
  }
  func.func @transform_2(%arg0: i32) -> (i32, i32) {
    %c0_i32 = arith.constant 0 : i32
    %c0_i32_0 = arith.constant 0 : i32
    return %arg0, %c0_i32 : i32, i32
  }
  func.func @transform_3(%arg0: i32) -> (i32, i32) {
    %c0_i32 = arith.constant 0 : i32
    %c0_i32_0 = arith.constant 0 : i32
    return %arg0, %c0_i32 : i32, i32
  }
  func.func @transform_4(%arg0: i32) -> (i32, i32) {
    %c0_i32 = arith.constant 0 : i32
    %c0_i32_0 = arith.constant 0 : i32
    return %arg0, %c0_i32 : i32, i32
  }
  func.func @transform_5(%arg0: i32) -> (i32, i32) {
    %c0_i32 = arith.constant 0 : i32
    %c0_i32_0 = arith.constant 0 : i32
    return %c0_i32, %arg0 : i32, i32
  }
}

module attributes {stable_mosaic.version = 14 : i64} {
  func.func @_input_resnet_body(%arg0: i32, %arg1: memref<1024x12xf32, #tpu.memory_space<vmem>>, %arg2: memref<1024x20xf32, #tpu.memory_space<vmem>>, %arg3: memref<32x512xf32, #tpu.memory_space<vmem>>, %arg4: memref<1x512xf32, #tpu.memory_space<vmem>>, %arg5: memref<512x512xf32, #tpu.memory_space<vmem>>, %arg6: memref<1x512xf32, #tpu.memory_space<vmem>>, %arg7: memref<512x512xf32, #tpu.memory_space<vmem>>, %arg8: memref<1x512xf32, #tpu.memory_space<vmem>>, %arg9: memref<512x512xf32, #tpu.memory_space<vmem>>, %arg10: memref<1x512xf32, #tpu.memory_space<vmem>>, %arg11: memref<512x512xf32, #tpu.memory_space<vmem>>, %arg12: memref<1x512xf32, #tpu.memory_space<vmem>>, %arg13: memref<512x256xf32, #tpu.memory_space<vmem>>, %arg14: memref<1x256xf32, #tpu.memory_space<vmem>>, %arg15: memref<1024x256xf32, #tpu.memory_space<vmem>>) attributes {dimension_semantics = [#tpu.dimension_semantics<arbitrary>], iteration_bounds = array<i64: 1>, scalar_prefetch = 0 : i64, scratch_operands = 0 : i64, tpu.core_type = #tpu.core_type<tc>, window_params = [{pipeline_mode = #tpu.pipeline_mode<synchronous>, transform_indices = @transform_0, window_bounds = array<i64: 1024, 12>}, {pipeline_mode = #tpu.pipeline_mode<synchronous>, transform_indices = @transform_1, window_bounds = array<i64: 1024, 20>}, {pipeline_mode = #tpu.pipeline_mode<synchronous>, transform_indices = @transform_2, window_bounds = array<i64: 32, 512>}, {pipeline_mode = #tpu.pipeline_mode<synchronous>, transform_indices = @transform_3, window_bounds = array<i64: 1, 512>}, {pipeline_mode = #tpu.pipeline_mode<synchronous>, transform_indices = @transform_4, window_bounds = array<i64: 512, 512>}, {pipeline_mode = #tpu.pipeline_mode<synchronous>, transform_indices = @transform_5, window_bounds = array<i64: 1, 512>}, {pipeline_mode = #tpu.pipeline_mode<synchronous>, transform_indices = @transform_6, window_bounds = array<i64: 512, 512>}, {pipeline_mode = #tpu.pipeline_mode<synchronous>, transform_indices = @transform_7, window_bounds = array<i64: 1, 512>}, {pipeline_mode = #tpu.pipeline_mode<synchronous>, transform_indices = @transform_8, window_bounds = array<i64: 512, 512>}, {pipeline_mode = #tpu.pipeline_mode<synchronous>, transform_indices = @transform_9, window_bounds = array<i64: 1, 512>}, {pipeline_mode = #tpu.pipeline_mode<synchronous>, transform_indices = @transform_10, window_bounds = array<i64: 512, 512>}, {pipeline_mode = #tpu.pipeline_mode<synchronous>, transform_indices = @transform_11, window_bounds = array<i64: 1, 512>}, {pipeline_mode = #tpu.pipeline_mode<synchronous>, transform_indices = @transform_12, window_bounds = array<i64: 512, 256>}, {pipeline_mode = #tpu.pipeline_mode<synchronous>, transform_indices = @transform_13, window_bounds = array<i64: 1, 256>}, {pipeline_mode = #tpu.pipeline_mode<synchronous>, transform_indices = @transform_14, window_bounds = array<i64: 1024, 256>}]} {
    %get3A = arith.constant 0 : index
    %get3A_0 = arith.constant 0 : index
    %get3A_1 = vector.load %arg1[%get3A, %get3A_0] : memref<1024x12xf32, #tpu.memory_space<vmem>>, vector<1024x12xf32>
    %get3A_2 = arith.constant 0 : index
    %get3A_3 = arith.constant 0 : index
    %get3A_4 = vector.load %arg2[%get3A_2, %get3A_3] : memref<1024x20xf32, #tpu.memory_space<vmem>>, vector<1024x20xf32>
    %concatenate3A = tpu.concatenate %get3A_1, %get3A_4 in 1 : vector<1024x12xf32>, vector<1024x20xf32> -> vector<1024x32xf32>
    %get3A_5 = arith.constant 0 : index
    %get3A_6 = arith.constant 0 : index
    %get3A_7 = vector.load %arg3[%get3A_5, %get3A_6] : memref<32x512xf32, #tpu.memory_space<vmem>>, vector<32x512xf32>
    %get3A_8 = arith.constant 0 : index
    %get3A_9 = arith.constant 0 : index
    %get3A_10 = vector.load %arg4[%get3A_8, %get3A_9] : memref<1x512xf32, #tpu.memory_space<vmem>>, vector<1x512xf32>
    %get3A_11 = arith.constant 0 : index
    %get3A_12 = arith.constant 0 : index
    %get3A_13 = vector.load %arg5[%get3A_11, %get3A_12] : memref<512x512xf32, #tpu.memory_space<vmem>>, vector<512x512xf32>
    %get3A_14 = arith.constant 0 : index
    %get3A_15 = arith.constant 0 : index
    %get3A_16 = vector.load %arg6[%get3A_14, %get3A_15] : memref<1x512xf32, #tpu.memory_space<vmem>>, vector<1x512xf32>
    %get3A_17 = arith.constant 0 : index
    %get3A_18 = arith.constant 0 : index
    %get3A_19 = vector.load %arg7[%get3A_17, %get3A_18] : memref<512x512xf32, #tpu.memory_space<vmem>>, vector<512x512xf32>
    %get3A_20 = arith.constant 0 : index
    %get3A_21 = arith.constant 0 : index
    %get3A_22 = vector.load %arg8[%get3A_20, %get3A_21] : memref<1x512xf32, #tpu.memory_space<vmem>>, vector<1x512xf32>
    %get3A_23 = arith.constant 0 : index
    %get3A_24 = arith.constant 0 : index
    %get3A_25 = vector.load %arg9[%get3A_23, %get3A_24] : memref<512x512xf32, #tpu.memory_space<vmem>>, vector<512x512xf32>
    %get3A_26 = arith.constant 0 : index
    %get3A_27 = arith.constant 0 : index
    %get3A_28 = vector.load %arg10[%get3A_26, %get3A_27] : memref<1x512xf32, #tpu.memory_space<vmem>>, vector<1x512xf32>
    %get3A_29 = arith.constant 0 : index
    %get3A_30 = arith.constant 0 : index
    %get3A_31 = vector.load %arg11[%get3A_29, %get3A_30] : memref<512x512xf32, #tpu.memory_space<vmem>>, vector<512x512xf32>
    %get3A_32 = arith.constant 0 : index
    %get3A_33 = arith.constant 0 : index
    %get3A_34 = vector.load %arg12[%get3A_32, %get3A_33] : memref<1x512xf32, #tpu.memory_space<vmem>>, vector<1x512xf32>
    %get3A_35 = arith.constant 0 : index
    %get3A_36 = arith.constant 0 : index
    %get3A_37 = vector.load %arg13[%get3A_35, %get3A_36] : memref<512x256xf32, #tpu.memory_space<vmem>>, vector<512x256xf32>
    %get3A_38 = arith.constant 0 : index
    %get3A_39 = arith.constant 0 : index
    %get3A_40 = vector.load %arg14[%get3A_38, %get3A_39] : memref<1x256xf32, #tpu.memory_space<vmem>>, vector<1x256xf32>
    %dot_general3A = arith.constant dense<0.000000e+00> : vector<1024x512xf32>
    %dot_general3A_41 = tpu.matmul %concatenate3A, %get3A_7, %dot_general3A {dimension_numbers = #tpu.dot_dimension_numbers<[1], [0], [0], [1], [0, 0, 1, 1], [], []>, transpose_lhs_hint = false} : vector<1024x32xf32>, vector<32x512xf32>, vector<1024x512xf32> -> vector<1024x512xf32>
    %add3A = vector.broadcast %get3A_10 : vector<1x512xf32> to vector<1024x512xf32>
    %add3A_42 = arith.addf %dot_general3A_41, %add3A : vector<1024x512xf32>
    %max3A = arith.constant 0.000000e+00 : f32
    %max3A_43 = vector.broadcast %max3A : f32 to vector<1024x512xf32>
    %max3A_44 = arith.maximumf %add3A_42, %max3A_43 : vector<1024x512xf32>
    %dot_general3A_45 = arith.constant dense<0.000000e+00> : vector<1024x512xf32>
    %dot_general3A_46 = tpu.matmul %max3A_44, %get3A_13, %dot_general3A_45 {dimension_numbers = #tpu.dot_dimension_numbers<[1], [0], [0], [1], [0, 0, 1, 1], [], []>, transpose_lhs_hint = false} : vector<1024x512xf32>, vector<512x512xf32>, vector<1024x512xf32> -> vector<1024x512xf32>
    %add3A_47 = vector.broadcast %get3A_16 : vector<1x512xf32> to vector<1024x512xf32>
    %add3A_48 = arith.addf %dot_general3A_46, %add3A_47 : vector<1024x512xf32>
    %max3A_49 = arith.constant 0.000000e+00 : f32
    %max3A_50 = vector.broadcast %max3A_49 : f32 to vector<1024x512xf32>
    %max3A_51 = arith.maximumf %add3A_48, %max3A_50 : vector<1024x512xf32>
    %dot_general3A_52 = arith.constant dense<0.000000e+00> : vector<1024x512xf32>
    %dot_general3A_53 = tpu.matmul %max3A_51, %get3A_19, %dot_general3A_52 {dimension_numbers = #tpu.dot_dimension_numbers<[1], [0], [0], [1], [0, 0, 1, 1], [], []>, transpose_lhs_hint = false} : vector<1024x512xf32>, vector<512x512xf32>, vector<1024x512xf32> -> vector<1024x512xf32>
    %add3A_54 = vector.broadcast %get3A_22 : vector<1x512xf32> to vector<1024x512xf32>
    %add3A_55 = arith.addf %dot_general3A_53, %add3A_54 : vector<1024x512xf32>
    %max3A_56 = arith.constant 0.000000e+00 : f32
    %max3A_57 = vector.broadcast %max3A_56 : f32 to vector<1024x512xf32>
    %max3A_58 = arith.maximumf %add3A_55, %max3A_57 : vector<1024x512xf32>
    %add3A_59 = arith.addf %max3A_58, %max3A_44 : vector<1024x512xf32>
    %dot_general3A_60 = arith.constant dense<0.000000e+00> : vector<1024x512xf32>
    %dot_general3A_61 = tpu.matmul %add3A_59, %get3A_25, %dot_general3A_60 {dimension_numbers = #tpu.dot_dimension_numbers<[1], [0], [0], [1], [0, 0, 1, 1], [], []>, transpose_lhs_hint = false} : vector<1024x512xf32>, vector<512x512xf32>, vector<1024x512xf32> -> vector<1024x512xf32>
    %add3A_62 = vector.broadcast %get3A_28 : vector<1x512xf32> to vector<1024x512xf32>
    %add3A_63 = arith.addf %dot_general3A_61, %add3A_62 : vector<1024x512xf32>
    %max3A_64 = arith.constant 0.000000e+00 : f32
    %max3A_65 = vector.broadcast %max3A_64 : f32 to vector<1024x512xf32>
    %max3A_66 = arith.maximumf %add3A_63, %max3A_65 : vector<1024x512xf32>
    %dot_general3A_67 = arith.constant dense<0.000000e+00> : vector<1024x512xf32>
    %dot_general3A_68 = tpu.matmul %max3A_66, %get3A_31, %dot_general3A_67 {dimension_numbers = #tpu.dot_dimension_numbers<[1], [0], [0], [1], [0, 0, 1, 1], [], []>, transpose_lhs_hint = false} : vector<1024x512xf32>, vector<512x512xf32>, vector<1024x512xf32> -> vector<1024x512xf32>
    %add3A_69 = vector.broadcast %get3A_34 : vector<1x512xf32> to vector<1024x512xf32>
    %add3A_70 = arith.addf %dot_general3A_68, %add3A_69 : vector<1024x512xf32>
    %max3A_71 = arith.constant 0.000000e+00 : f32
    %max3A_72 = vector.broadcast %max3A_71 : f32 to vector<1024x512xf32>
    %max3A_73 = arith.maximumf %add3A_70, %max3A_72 : vector<1024x512xf32>
    %add3A_74 = arith.addf %max3A_73, %add3A_59 : vector<1024x512xf32>
    %dot_general3A_75 = arith.constant dense<0.000000e+00> : vector<1024x256xf32>
    %dot_general3A_76 = tpu.matmul %add3A_74, %get3A_37, %dot_general3A_75 {dimension_numbers = #tpu.dot_dimension_numbers<[1], [0], [0], [1], [0, 0, 1, 1], [], []>, transpose_lhs_hint = false} : vector<1024x512xf32>, vector<512x256xf32>, vector<1024x256xf32> -> vector<1024x256xf32>
    %add3A_77 = vector.broadcast %get3A_40 : vector<1x256xf32> to vector<1024x256xf32>
    %add3A_78 = arith.addf %dot_general3A_76, %add3A_77 : vector<1024x256xf32>
    %swap3A = arith.constant 0 : index
    %swap3A_79 = arith.constant 0 : index
    %swap3A_80 = vector.load %arg15[%swap3A, %swap3A_79] : memref<1024x256xf32, #tpu.memory_space<vmem>>, vector<1024x256xf32>
    tpu.vector_store %arg15[%swap3A, %swap3A_79], %add3A_78 {strides = array<i32>} : memref<1024x256xf32, #tpu.memory_space<vmem>>, vector<1024x256xf32>,
    return
  }
  func.func @transform_0(%arg0: i32) -> (i32, i32) {
    %c0_i32 = arith.constant 0 : i32
    %c0_i32_0 = arith.constant 0 : i32
    %c0_i32_1 = arith.constant 0 : i32
    return %c0_i32, %c0_i32_0 : i32, i32
  }
  func.func @transform_1(%arg0: i32) -> (i32, i32) {
    %c0_i32 = arith.constant 0 : i32
    %c0_i32_0 = arith.constant 0 : i32
    %c0_i32_1 = arith.constant 0 : i32
    return %c0_i32, %c0_i32_0 : i32, i32
  }
  func.func @transform_2(%arg0: i32) -> (i32, i32) {
    %c0_i32 = arith.constant 0 : i32
    %c0_i32_0 = arith.constant 0 : i32
    %c0_i32_1 = arith.constant 0 : i32
    return %c0_i32, %c0_i32_0 : i32, i32
  }
  func.func @transform_3(%arg0: i32) -> (i32, i32) {
    %c0_i32 = arith.constant 0 : i32
    %c0_i32_0 = arith.constant 0 : i32
    %c0_i32_1 = arith.constant 0 : i32
    return %c0_i32, %c0_i32_0 : i32, i32
  }
  func.func @transform_4(%arg0: i32) -> (i32, i32) {
    %c0_i32 = arith.constant 0 : i32
    %c0_i32_0 = arith.constant 0 : i32
    %c0_i32_1 = arith.constant 0 : i32
    return %c0_i32, %c0_i32_0 : i32, i32
  }
  func.func @transform_5(%arg0: i32) -> (i32, i32) {
    %c0_i32 = arith.constant 0 : i32
    %c0_i32_0 = arith.constant 0 : i32
    %c0_i32_1 = arith.constant 0 : i32
    return %c0_i32, %c0_i32_0 : i32, i32
  }
  func.func @transform_6(%arg0: i32) -> (i32, i32) {
    %c0_i32 = arith.constant 0 : i32
    %c0_i32_0 = arith.constant 0 : i32
    %c0_i32_1 = arith.constant 0 : i32
    return %c0_i32, %c0_i32_0 : i32, i32
  }
  func.func @transform_7(%arg0: i32) -> (i32, i32) {
    %c0_i32 = arith.constant 0 : i32
    %c0_i32_0 = arith.constant 0 : i32
    %c0_i32_1 = arith.constant 0 : i32
    return %c0_i32, %c0_i32_0 : i32, i32
  }
  func.func @transform_8(%arg0: i32) -> (i32, i32) {
    %c0_i32 = arith.constant 0 : i32
    %c0_i32_0 = arith.constant 0 : i32
    %c0_i32_1 = arith.constant 0 : i32
    return %c0_i32, %c0_i32_0 : i32, i32
  }
  func.func @transform_9(%arg0: i32) -> (i32, i32) {
    %c0_i32 = arith.constant 0 : i32
    %c0_i32_0 = arith.constant 0 : i32
    %c0_i32_1 = arith.constant 0 : i32
    return %c0_i32, %c0_i32_0 : i32, i32
  }
  func.func @transform_10(%arg0: i32) -> (i32, i32) {
    %c0_i32 = arith.constant 0 : i32
    %c0_i32_0 = arith.constant 0 : i32
    %c0_i32_1 = arith.constant 0 : i32
    return %c0_i32, %c0_i32_0 : i32, i32
  }
  func.func @transform_11(%arg0: i32) -> (i32, i32) {
    %c0_i32 = arith.constant 0 : i32
    %c0_i32_0 = arith.constant 0 : i32
    %c0_i32_1 = arith.constant 0 : i32
    return %c0_i32, %c0_i32_0 : i32, i32
  }
  func.func @transform_12(%arg0: i32) -> (i32, i32) {
    %c0_i32 = arith.constant 0 : i32
    %c0_i32_0 = arith.constant 0 : i32
    %c0_i32_1 = arith.constant 0 : i32
    return %c0_i32, %c0_i32_0 : i32, i32
  }
  func.func @transform_13(%arg0: i32) -> (i32, i32) {
    %c0_i32 = arith.constant 0 : i32
    %c0_i32_0 = arith.constant 0 : i32
    %c0_i32_1 = arith.constant 0 : i32
    return %c0_i32, %c0_i32_0 : i32, i32
  }
  func.func @transform_14(%arg0: i32) -> (i32, i32) {
    %c0_i32 = arith.constant 0 : i32
    %c0_i32_0 = arith.constant 0 : i32
    %c0_i32_1 = arith.constant 0 : i32
    return %c0_i32, %c0_i32_0 : i32, i32
  }
}

module attributes {stable_mosaic.version = 14 : i64} {
  func.func @_proj_body(%arg0: i32, %arg1: memref<1024x256xf32, #tpu.memory_space<vmem>>, %arg2: memref<1024x9xf32, #tpu.memory_space<vmem>>, %arg3: memref<1024x3xf32, #tpu.memory_space<vmem>>, %arg4: memref<256x128xf32, #tpu.memory_space<vmem>>, %arg5: memref<256x128xf32, #tpu.memory_space<vmem>>, %arg6: memref<256x128xf32, #tpu.memory_space<vmem>>, %arg7: memref<256x96xf32, #tpu.memory_space<vmem>>, %arg8: memref<256x96xf32, #tpu.memory_space<vmem>>, %arg9: memref<256x96xf32, #tpu.memory_space<vmem>>, %arg10: memref<96x96xf32, #tpu.memory_space<vmem>>, %arg11: memref<96x8xf32, #tpu.memory_space<vmem>>, %arg12: memref<1024x128xf32, #tpu.memory_space<vmem>>, %arg13: memref<1024x128xf32, #tpu.memory_space<vmem>>, %arg14: memref<1024x128xf32, #tpu.memory_space<vmem>>, %arg15: memref<1024x96xf32, #tpu.memory_space<vmem>>, %arg16: memref<1024x96xf32, #tpu.memory_space<vmem>>, %arg17: memref<1024x96xf32, #tpu.memory_space<vmem>>, %arg18: memref<1024x8xf32, #tpu.memory_space<vmem>>, %arg19: memref<1024x8xf32, #tpu.memory_space<vmem>>) attributes {dimension_semantics = [#tpu.dimension_semantics<arbitrary>], iteration_bounds = array<i64: 1>, scalar_prefetch = 0 : i64, scratch_operands = 0 : i64, tpu.core_type = #tpu.core_type<tc>, window_params = [{pipeline_mode = #tpu.pipeline_mode<synchronous>, transform_indices = @transform_0, window_bounds = array<i64: 1024, 256>}, {pipeline_mode = #tpu.pipeline_mode<synchronous>, transform_indices = @transform_1, window_bounds = array<i64: 1024, 9>}, {pipeline_mode = #tpu.pipeline_mode<synchronous>, transform_indices = @transform_2, window_bounds = array<i64: 1024, 3>}, {pipeline_mode = #tpu.pipeline_mode<synchronous>, transform_indices = @transform_3, window_bounds = array<i64: 256, 128>}, {pipeline_mode = #tpu.pipeline_mode<synchronous>, transform_indices = @transform_4, window_bounds = array<i64: 256, 128>}, {pipeline_mode = #tpu.pipeline_mode<synchronous>, transform_indices = @transform_5, window_bounds = array<i64: 256, 128>}, {pipeline_mode = #tpu.pipeline_mode<synchronous>, transform_indices = @transform_6, window_bounds = array<i64: 256, 96>}, {pipeline_mode = #tpu.pipeline_mode<synchronous>, transform_indices = @transform_7, window_bounds = array<i64: 256, 96>}, {pipeline_mode = #tpu.pipeline_mode<synchronous>, transform_indices = @transform_8, window_bounds = array<i64: 256, 96>}, {pipeline_mode = #tpu.pipeline_mode<synchronous>, transform_indices = @transform_9, window_bounds = array<i64: 96, 96>}, {pipeline_mode = #tpu.pipeline_mode<synchronous>, transform_indices = @transform_10, window_bounds = array<i64: 96, 8>}, {pipeline_mode = #tpu.pipeline_mode<synchronous>, transform_indices = @transform_11, window_bounds = array<i64: 1024, 128>}, {pipeline_mode = #tpu.pipeline_mode<synchronous>, transform_indices = @transform_12, window_bounds = array<i64: 1024, 128>}, {pipeline_mode = #tpu.pipeline_mode<synchronous>, transform_indices = @transform_13, window_bounds = array<i64: 1024, 128>}, {pipeline_mode = #tpu.pipeline_mode<synchronous>, transform_indices = @transform_14, window_bounds = array<i64: 1024, 96>}, {pipeline_mode = #tpu.pipeline_mode<synchronous>, transform_indices = @transform_15, window_bounds = array<i64: 1024, 96>}, {pipeline_mode = #tpu.pipeline_mode<synchronous>, transform_indices = @transform_16, window_bounds = array<i64: 1024, 96>}, {pipeline_mode = #tpu.pipeline_mode<synchronous>, transform_indices = @transform_17, window_bounds = array<i64: 1024, 8>}, {pipeline_mode = #tpu.pipeline_mode<synchronous>, transform_indices = @transform_18, window_bounds = array<i64: 1024, 8>}]} {
    %get3A = arith.constant 0 : index
    %get3A_0 = arith.constant 0 : index
    %get3A_1 = vector.load %arg1[%get3A, %get3A_0] : memref<1024x256xf32, #tpu.memory_space<vmem>>, vector<1024x256xf32>
    %get3A_2 = arith.constant 0 : index
    %get3A_3 = arith.constant 0 : index
    %get3A_4 = vector.load %arg2[%get3A_2, %get3A_3] : memref<1024x9xf32, #tpu.memory_space<vmem>>, vector<1024x9xf32>
    %get3A_5 = arith.constant 0 : index
    %get3A_6 = arith.constant 0 : index
    %get3A_7 = vector.load %arg3[%get3A_5, %get3A_6] : memref<1024x3xf32, #tpu.memory_space<vmem>>, vector<1024x3xf32>
    %get3A_8 = arith.constant 0 : index
    %get3A_9 = arith.constant 0 : index
    %get3A_10 = vector.load %arg10[%get3A_8, %get3A_9] : memref<96x96xf32, #tpu.memory_space<vmem>>, vector<96x96xf32>
    %get3A_11 = arith.constant 0 : index
    %get3A_12 = arith.constant 0 : index
    %get3A_13 = vector.load %arg11[%get3A_11, %get3A_12] : memref<96x8xf32, #tpu.memory_space<vmem>>, vector<96x8xf32>
    %get3A_14 = arith.constant 0 : index
    %get3A_15 = arith.constant 0 : index
    %get3A_16 = vector.load %arg4[%get3A_14, %get3A_15] : memref<256x128xf32, #tpu.memory_space<vmem>>, vector<256x128xf32>
    %dot_general3A = arith.constant dense<0.000000e+00> : vector<1024x128xf32>
    %dot_general3A_17 = tpu.matmul %get3A_1, %get3A_16, %dot_general3A {dimension_numbers = #tpu.dot_dimension_numbers<[1], [0], [0], [1], [0, 0, 1, 1], [], []>, transpose_lhs_hint = false} : vector<1024x256xf32>, vector<256x128xf32>, vector<1024x128xf32> -> vector<1024x128xf32>
    %swap3A = arith.constant 0 : index
    %swap3A_18 = arith.constant 0 : index
    %swap3A_19 = vector.load %arg12[%swap3A, %swap3A_18] : memref<1024x128xf32, #tpu.memory_space<vmem>>, vector<1024x128xf32>
    tpu.vector_store %arg12[%swap3A, %swap3A_18], %dot_general3A_17 {strides = array<i32>} : memref<1024x128xf32, #tpu.memory_space<vmem>>, vector<1024x128xf32>,
    %get3A_20 = arith.constant 0 : index
    %get3A_21 = arith.constant 0 : index
    %get3A_22 = vector.load %arg5[%get3A_20, %get3A_21] : memref<256x128xf32, #tpu.memory_space<vmem>>, vector<256x128xf32>
    %dot_general3A_23 = arith.constant dense<0.000000e+00> : vector<1024x128xf32>
    %dot_general3A_24 = tpu.matmul %get3A_1, %get3A_22, %dot_general3A_23 {dimension_numbers = #tpu.dot_dimension_numbers<[1], [0], [0], [1], [0, 0, 1, 1], [], []>, transpose_lhs_hint = false} : vector<1024x256xf32>, vector<256x128xf32>, vector<1024x128xf32> -> vector<1024x128xf32>
    %swap3A_25 = arith.constant 0 : index
    %swap3A_26 = arith.constant 0 : index
    %swap3A_27 = vector.load %arg13[%swap3A_25, %swap3A_26] : memref<1024x128xf32, #tpu.memory_space<vmem>>, vector<1024x128xf32>
    tpu.vector_store %arg13[%swap3A_25, %swap3A_26], %dot_general3A_24 {strides = array<i32>} : memref<1024x128xf32, #tpu.memory_space<vmem>>, vector<1024x128xf32>,
    %get3A_28 = arith.constant 0 : index
    %get3A_29 = arith.constant 0 : index
    %get3A_30 = vector.load %arg6[%get3A_28, %get3A_29] : memref<256x128xf32, #tpu.memory_space<vmem>>, vector<256x128xf32>
    %dot_general3A_31 = arith.constant dense<0.000000e+00> : vector<1024x128xf32>
    %dot_general3A_32 = tpu.matmul %get3A_1, %get3A_30, %dot_general3A_31 {dimension_numbers = #tpu.dot_dimension_numbers<[1], [0], [0], [1], [0, 0, 1, 1], [], []>, transpose_lhs_hint = false} : vector<1024x256xf32>, vector<256x128xf32>, vector<1024x128xf32> -> vector<1024x128xf32>
    %swap3A_33 = arith.constant 0 : index
    %swap3A_34 = arith.constant 0 : index
    %swap3A_35 = vector.load %arg14[%swap3A_33, %swap3A_34] : memref<1024x128xf32, #tpu.memory_space<vmem>>, vector<1024x128xf32>
    tpu.vector_store %arg14[%swap3A_33, %swap3A_34], %dot_general3A_32 {strides = array<i32>} : memref<1024x128xf32, #tpu.memory_space<vmem>>, vector<1024x128xf32>,
    %get3A_36 = arith.constant 0 : index
    %get3A_37 = arith.constant 0 : index
    %get3A_38 = vector.load %arg7[%get3A_36, %get3A_37] : memref<256x96xf32, #tpu.memory_space<vmem>>, vector<256x96xf32>
    %dot_general3A_39 = arith.constant dense<0.000000e+00> : vector<1024x96xf32>
    %dot_general3A_40 = tpu.matmul %get3A_1, %get3A_38, %dot_general3A_39 {dimension_numbers = #tpu.dot_dimension_numbers<[1], [0], [0], [1], [0, 0, 1, 1], [], []>, transpose_lhs_hint = false} : vector<1024x256xf32>, vector<256x96xf32>, vector<1024x96xf32> -> vector<1024x96xf32>
    %slice3A = vector.extract_strided_slice %get3A_7 {offsets = [0, 0], sizes = [1024, 1], strides = [1, 1]} : vector<1024x3xf32> to vector<1024x1xf32>
    %broadcast_in_dim3A = arith.constant 1.000000e+00 : f32
    %broadcast_in_dim3A_41 = vector.broadcast %broadcast_in_dim3A : f32 to vector<1x32xf32>
    %mul3A = vector.broadcast %slice3A : vector<1024x1xf32> to vector<1024x32xf32>
    %mul3A_42 = vector.broadcast %broadcast_in_dim3A_41 : vector<1x32xf32> to vector<1024x32xf32>
    %mul3A_43 = arith.mulf %mul3A, %mul3A_42 : vector<1024x32xf32>
    %slice3A_44 = vector.extract_strided_slice %dot_general3A_40 {offsets = [0, 0], sizes = [1024, 32], strides = [1, 1]} : vector<1024x96xf32> to vector<1024x32xf32>
    %slice3A_45 = vector.extract_strided_slice %get3A_4 {offsets = [0, 0], sizes = [1024, 1], strides = [1, 1]} : vector<1024x9xf32> to vector<1024x1xf32>
    %mul3A_46 = vector.broadcast %slice3A_45 : vector<1024x1xf32> to vector<1024x32xf32>
    %mul3A_47 = arith.mulf %slice3A_44, %mul3A_46 : vector<1024x32xf32>
    %add3A = arith.addf %mul3A_43, %mul3A_47 : vector<1024x32xf32>
    %slice3A_48 = vector.extract_strided_slice %dot_general3A_40 {offsets = [0, 32], sizes = [1024, 32], strides = [1, 1]} : vector<1024x96xf32> to vector<1024x32xf32>
    %slice3A_49 = vector.extract_strided_slice %get3A_4 {offsets = [0, 3], sizes = [1024, 1], strides = [1, 1]} : vector<1024x9xf32> to vector<1024x1xf32>
    %mul3A_50 = vector.broadcast %slice3A_49 : vector<1024x1xf32> to vector<1024x32xf32>
    %mul3A_51 = arith.mulf %slice3A_48, %mul3A_50 : vector<1024x32xf32>
    %add3A_52 = arith.addf %add3A, %mul3A_51 : vector<1024x32xf32>
    %slice3A_53 = vector.extract_strided_slice %dot_general3A_40 {offsets = [0, 64], sizes = [1024, 32], strides = [1, 1]} : vector<1024x96xf32> to vector<1024x32xf32>
    %slice3A_54 = vector.extract_strided_slice %get3A_4 {offsets = [0, 6], sizes = [1024, 1], strides = [1, 1]} : vector<1024x9xf32> to vector<1024x1xf32>
    %mul3A_55 = vector.broadcast %slice3A_54 : vector<1024x1xf32> to vector<1024x32xf32>
    %mul3A_56 = arith.mulf %slice3A_53, %mul3A_55 : vector<1024x32xf32>
    %add3A_57 = arith.addf %add3A_52, %mul3A_56 : vector<1024x32xf32>
    %slice3A_58 = vector.extract_strided_slice %get3A_7 {offsets = [0, 1], sizes = [1024, 1], strides = [1, 1]} : vector<1024x3xf32> to vector<1024x1xf32>
    %broadcast_in_dim3A_59 = arith.constant 1.000000e+00 : f32
    %broadcast_in_dim3A_60 = vector.broadcast %broadcast_in_dim3A_59 : f32 to vector<1x32xf32>
    %mul3A_61 = vector.broadcast %slice3A_58 : vector<1024x1xf32> to vector<1024x32xf32>
    %mul3A_62 = vector.broadcast %broadcast_in_dim3A_60 : vector<1x32xf32> to vector<1024x32xf32>
    %mul3A_63 = arith.mulf %mul3A_61, %mul3A_62 : vector<1024x32xf32>
    %slice3A_64 = vector.extract_strided_slice %dot_general3A_40 {offsets = [0, 0], sizes = [1024, 32], strides = [1, 1]} : vector<1024x96xf32> to vector<1024x32xf32>
    %slice3A_65 = vector.extract_strided_slice %get3A_4 {offsets = [0, 1], sizes = [1024, 1], strides = [1, 1]} : vector<1024x9xf32> to vector<1024x1xf32>
    %mul3A_66 = vector.broadcast %slice3A_65 : vector<1024x1xf32> to vector<1024x32xf32>
    %mul3A_67 = arith.mulf %slice3A_64, %mul3A_66 : vector<1024x32xf32>
    %add3A_68 = arith.addf %mul3A_63, %mul3A_67 : vector<1024x32xf32>
    %slice3A_69 = vector.extract_strided_slice %dot_general3A_40 {offsets = [0, 32], sizes = [1024, 32], strides = [1, 1]} : vector<1024x96xf32> to vector<1024x32xf32>
    %slice3A_70 = vector.extract_strided_slice %get3A_4 {offsets = [0, 4], sizes = [1024, 1], strides = [1, 1]} : vector<1024x9xf32> to vector<1024x1xf32>
    %mul3A_71 = vector.broadcast %slice3A_70 : vector<1024x1xf32> to vector<1024x32xf32>
    %mul3A_72 = arith.mulf %slice3A_69, %mul3A_71 : vector<1024x32xf32>
    %add3A_73 = arith.addf %add3A_68, %mul3A_72 : vector<1024x32xf32>
    %slice3A_74 = vector.extract_strided_slice %dot_general3A_40 {offsets = [0, 64], sizes = [1024, 32], strides = [1, 1]} : vector<1024x96xf32> to vector<1024x32xf32>
    %slice3A_75 = vector.extract_strided_slice %get3A_4 {offsets = [0, 7], sizes = [1024, 1], strides = [1, 1]} : vector<1024x9xf32> to vector<1024x1xf32>
    %mul3A_76 = vector.broadcast %slice3A_75 : vector<1024x1xf32> to vector<1024x32xf32>
    %mul3A_77 = arith.mulf %slice3A_74, %mul3A_76 : vector<1024x32xf32>
    %add3A_78 = arith.addf %add3A_73, %mul3A_77 : vector<1024x32xf32>
    %slice3A_79 = vector.extract_strided_slice %get3A_7 {offsets = [0, 2], sizes = [1024, 1], strides = [1, 1]} : vector<1024x3xf32> to vector<1024x1xf32>
    %broadcast_in_dim3A_80 = arith.constant 1.000000e+00 : f32
    %broadcast_in_dim3A_81 = vector.broadcast %broadcast_in_dim3A_80 : f32 to vector<1x32xf32>
    %mul3A_82 = vector.broadcast %slice3A_79 : vector<1024x1xf32> to vector<1024x32xf32>
    %mul3A_83 = vector.broadcast %broadcast_in_dim3A_81 : vector<1x32xf32> to vector<1024x32xf32>
    %mul3A_84 = arith.mulf %mul3A_82, %mul3A_83 : vector<1024x32xf32>
    %slice3A_85 = vector.extract_strided_slice %dot_general3A_40 {offsets = [0, 0], sizes = [1024, 32], strides = [1, 1]} : vector<1024x96xf32> to vector<1024x32xf32>
    %slice3A_86 = vector.extract_strided_slice %get3A_4 {offsets = [0, 2], sizes = [1024, 1], strides = [1, 1]} : vector<1024x9xf32> to vector<1024x1xf32>
    %mul3A_87 = vector.broadcast %slice3A_86 : vector<1024x1xf32> to vector<1024x32xf32>
    %mul3A_88 = arith.mulf %slice3A_85, %mul3A_87 : vector<1024x32xf32>
    %add3A_89 = arith.addf %mul3A_84, %mul3A_88 : vector<1024x32xf32>
    %slice3A_90 = vector.extract_strided_slice %dot_general3A_40 {offsets = [0, 32], sizes = [1024, 32], strides = [1, 1]} : vector<1024x96xf32> to vector<1024x32xf32>
    %slice3A_91 = vector.extract_strided_slice %get3A_4 {offsets = [0, 5], sizes = [1024, 1], strides = [1, 1]} : vector<1024x9xf32> to vector<1024x1xf32>
    %mul3A_92 = vector.broadcast %slice3A_91 : vector<1024x1xf32> to vector<1024x32xf32>
    %mul3A_93 = arith.mulf %slice3A_90, %mul3A_92 : vector<1024x32xf32>
    %add3A_94 = arith.addf %add3A_89, %mul3A_93 : vector<1024x32xf32>
    %slice3A_95 = vector.extract_strided_slice %dot_general3A_40 {offsets = [0, 64], sizes = [1024, 32], strides = [1, 1]} : vector<1024x96xf32> to vector<1024x32xf32>
    %slice3A_96 = vector.extract_strided_slice %get3A_4 {offsets = [0, 8], sizes = [1024, 1], strides = [1, 1]} : vector<1024x9xf32> to vector<1024x1xf32>
    %mul3A_97 = vector.broadcast %slice3A_96 : vector<1024x1xf32> to vector<1024x32xf32>
    %mul3A_98 = arith.mulf %slice3A_95, %mul3A_97 : vector<1024x32xf32>
    %add3A_99 = arith.addf %add3A_94, %mul3A_98 : vector<1024x32xf32>
    %concatenate3A = tpu.concatenate %add3A_57, %add3A_78, %add3A_99 in 1 : vector<1024x32xf32>, vector<1024x32xf32>, vector<1024x32xf32> -> vector<1024x96xf32>
    %dot_general3A_100 = arith.constant dense<0.000000e+00> : vector<1024x96xf32>
    %dot_general3A_101 = tpu.matmul %concatenate3A, %get3A_10, %dot_general3A_100 {dimension_numbers = #tpu.dot_dimension_numbers<[1], [0], [0], [1], [0, 0, 1, 1], [], []>, precision = #tpu.contract_precision<fp32>, transpose_lhs_hint = false} : vector<1024x96xf32>, vector<96x96xf32>, vector<1024x96xf32> -> vector<1024x96xf32>
    %get3A_102 = arith.constant 0 : index
    %get3A_103 = arith.constant 0 : index
    %get3A_104 = vector.load %arg8[%get3A_102, %get3A_103] : memref<256x96xf32, #tpu.memory_space<vmem>>, vector<256x96xf32>
    %dot_general3A_105 = arith.constant dense<0.000000e+00> : vector<1024x96xf32>
    %dot_general3A_106 = tpu.matmul %get3A_1, %get3A_104, %dot_general3A_105 {dimension_numbers = #tpu.dot_dimension_numbers<[1], [0], [0], [1], [0, 0, 1, 1], [], []>, transpose_lhs_hint = false} : vector<1024x256xf32>, vector<256x96xf32>, vector<1024x96xf32> -> vector<1024x96xf32>
    %slice3A_107 = vector.extract_strided_slice %get3A_7 {offsets = [0, 0], sizes = [1024, 1], strides = [1, 1]} : vector<1024x3xf32> to vector<1024x1xf32>
    %broadcast_in_dim3A_108 = arith.constant 1.000000e+00 : f32
    %broadcast_in_dim3A_109 = vector.broadcast %broadcast_in_dim3A_108 : f32 to vector<1x32xf32>
    %mul3A_110 = vector.broadcast %slice3A_107 : vector<1024x1xf32> to vector<1024x32xf32>
    %mul3A_111 = vector.broadcast %broadcast_in_dim3A_109 : vector<1x32xf32> to vector<1024x32xf32>
    %mul3A_112 = arith.mulf %mul3A_110, %mul3A_111 : vector<1024x32xf32>
    %slice3A_113 = vector.extract_strided_slice %dot_general3A_106 {offsets = [0, 0], sizes = [1024, 32], strides = [1, 1]} : vector<1024x96xf32> to vector<1024x32xf32>
    %slice3A_114 = vector.extract_strided_slice %get3A_4 {offsets = [0, 0], sizes = [1024, 1], strides = [1, 1]} : vector<1024x9xf32> to vector<1024x1xf32>
    %mul3A_115 = vector.broadcast %slice3A_114 : vector<1024x1xf32> to vector<1024x32xf32>
    %mul3A_116 = arith.mulf %slice3A_113, %mul3A_115 : vector<1024x32xf32>
    %add3A_117 = arith.addf %mul3A_112, %mul3A_116 : vector<1024x32xf32>
    %slice3A_118 = vector.extract_strided_slice %dot_general3A_106 {offsets = [0, 32], sizes = [1024, 32], strides = [1, 1]} : vector<1024x96xf32> to vector<1024x32xf32>
    %slice3A_119 = vector.extract_strided_slice %get3A_4 {offsets = [0, 3], sizes = [1024, 1], strides = [1, 1]} : vector<1024x9xf32> to vector<1024x1xf32>
    %mul3A_120 = vector.broadcast %slice3A_119 : vector<1024x1xf32> to vector<1024x32xf32>
    %mul3A_121 = arith.mulf %slice3A_118, %mul3A_120 : vector<1024x32xf32>
    %add3A_122 = arith.addf %add3A_117, %mul3A_121 : vector<1024x32xf32>
    %slice3A_123 = vector.extract_strided_slice %dot_general3A_106 {offsets = [0, 64], sizes = [1024, 32], strides = [1, 1]} : vector<1024x96xf32> to vector<1024x32xf32>
    %slice3A_124 = vector.extract_strided_slice %get3A_4 {offsets = [0, 6], sizes = [1024, 1], strides = [1, 1]} : vector<1024x9xf32> to vector<1024x1xf32>
    %mul3A_125 = vector.broadcast %slice3A_124 : vector<1024x1xf32> to vector<1024x32xf32>
    %mul3A_126 = arith.mulf %slice3A_123, %mul3A_125 : vector<1024x32xf32>
    %add3A_127 = arith.addf %add3A_122, %mul3A_126 : vector<1024x32xf32>
    %slice3A_128 = vector.extract_strided_slice %get3A_7 {offsets = [0, 1], sizes = [1024, 1], strides = [1, 1]} : vector<1024x3xf32> to vector<1024x1xf32>
    %broadcast_in_dim3A_129 = arith.constant 1.000000e+00 : f32
    %broadcast_in_dim3A_130 = vector.broadcast %broadcast_in_dim3A_129 : f32 to vector<1x32xf32>
    %mul3A_131 = vector.broadcast %slice3A_128 : vector<1024x1xf32> to vector<1024x32xf32>
    %mul3A_132 = vector.broadcast %broadcast_in_dim3A_130 : vector<1x32xf32> to vector<1024x32xf32>
    %mul3A_133 = arith.mulf %mul3A_131, %mul3A_132 : vector<1024x32xf32>
    %slice3A_134 = vector.extract_strided_slice %dot_general3A_106 {offsets = [0, 0], sizes = [1024, 32], strides = [1, 1]} : vector<1024x96xf32> to vector<1024x32xf32>
    %slice3A_135 = vector.extract_strided_slice %get3A_4 {offsets = [0, 1], sizes = [1024, 1], strides = [1, 1]} : vector<1024x9xf32> to vector<1024x1xf32>
    %mul3A_136 = vector.broadcast %slice3A_135 : vector<1024x1xf32> to vector<1024x32xf32>
    %mul3A_137 = arith.mulf %slice3A_134, %mul3A_136 : vector<1024x32xf32>
    %add3A_138 = arith.addf %mul3A_133, %mul3A_137 : vector<1024x32xf32>
    %slice3A_139 = vector.extract_strided_slice %dot_general3A_106 {offsets = [0, 32], sizes = [1024, 32], strides = [1, 1]} : vector<1024x96xf32> to vector<1024x32xf32>
    %slice3A_140 = vector.extract_strided_slice %get3A_4 {offsets = [0, 4], sizes = [1024, 1], strides = [1, 1]} : vector<1024x9xf32> to vector<1024x1xf32>
    %mul3A_141 = vector.broadcast %slice3A_140 : vector<1024x1xf32> to vector<1024x32xf32>
    %mul3A_142 = arith.mulf %slice3A_139, %mul3A_141 : vector<1024x32xf32>
    %add3A_143 = arith.addf %add3A_138, %mul3A_142 : vector<1024x32xf32>
    %slice3A_144 = vector.extract_strided_slice %dot_general3A_106 {offsets = [0, 64], sizes = [1024, 32], strides = [1, 1]} : vector<1024x96xf32> to vector<1024x32xf32>
    %slice3A_145 = vector.extract_strided_slice %get3A_4 {offsets = [0, 7], sizes = [1024, 1], strides = [1, 1]} : vector<1024x9xf32> to vector<1024x1xf32>
    %mul3A_146 = vector.broadcast %slice3A_145 : vector<1024x1xf32> to vector<1024x32xf32>
    %mul3A_147 = arith.mulf %slice3A_144, %mul3A_146 : vector<1024x32xf32>
    %add3A_148 = arith.addf %add3A_143, %mul3A_147 : vector<1024x32xf32>
    %slice3A_149 = vector.extract_strided_slice %get3A_7 {offsets = [0, 2], sizes = [1024, 1], strides = [1, 1]} : vector<1024x3xf32> to vector<1024x1xf32>
    %broadcast_in_dim3A_150 = arith.constant 1.000000e+00 : f32
    %broadcast_in_dim3A_151 = vector.broadcast %broadcast_in_dim3A_150 : f32 to vector<1x32xf32>
    %mul3A_152 = vector.broadcast %slice3A_149 : vector<1024x1xf32> to vector<1024x32xf32>
    %mul3A_153 = vector.broadcast %broadcast_in_dim3A_151 : vector<1x32xf32> to vector<1024x32xf32>
    %mul3A_154 = arith.mulf %mul3A_152, %mul3A_153 : vector<1024x32xf32>
    %slice3A_155 = vector.extract_strided_slice %dot_general3A_106 {offsets = [0, 0], sizes = [1024, 32], strides = [1, 1]} : vector<1024x96xf32> to vector<1024x32xf32>
    %slice3A_156 = vector.extract_strided_slice %get3A_4 {offsets = [0, 2], sizes = [1024, 1], strides = [1, 1]} : vector<1024x9xf32> to vector<1024x1xf32>
    %mul3A_157 = vector.broadcast %slice3A_156 : vector<1024x1xf32> to vector<1024x32xf32>
    %mul3A_158 = arith.mulf %slice3A_155, %mul3A_157 : vector<1024x32xf32>
    %add3A_159 = arith.addf %mul3A_154, %mul3A_158 : vector<1024x32xf32>
    %slice3A_160 = vector.extract_strided_slice %dot_general3A_106 {offsets = [0, 32], sizes = [1024, 32], strides = [1, 1]} : vector<1024x96xf32> to vector<1024x32xf32>
    %slice3A_161 = vector.extract_strided_slice %get3A_4 {offsets = [0, 5], sizes = [1024, 1], strides = [1, 1]} : vector<1024x9xf32> to vector<1024x1xf32>
    %mul3A_162 = vector.broadcast %slice3A_161 : vector<1024x1xf32> to vector<1024x32xf32>
    %mul3A_163 = arith.mulf %slice3A_160, %mul3A_162 : vector<1024x32xf32>
    %add3A_164 = arith.addf %add3A_159, %mul3A_163 : vector<1024x32xf32>
    %slice3A_165 = vector.extract_strided_slice %dot_general3A_106 {offsets = [0, 64], sizes = [1024, 32], strides = [1, 1]} : vector<1024x96xf32> to vector<1024x32xf32>
    %slice3A_166 = vector.extract_strided_slice %get3A_4 {offsets = [0, 8], sizes = [1024, 1], strides = [1, 1]} : vector<1024x9xf32> to vector<1024x1xf32>
    %mul3A_167 = vector.broadcast %slice3A_166 : vector<1024x1xf32> to vector<1024x32xf32>
    %mul3A_168 = arith.mulf %slice3A_165, %mul3A_167 : vector<1024x32xf32>
    %add3A_169 = arith.addf %add3A_164, %mul3A_168 : vector<1024x32xf32>
    %concatenate3A_170 = tpu.concatenate %add3A_127, %add3A_148, %add3A_169 in 1 : vector<1024x32xf32>, vector<1024x32xf32>, vector<1024x32xf32> -> vector<1024x96xf32>
    %dot_general3A_171 = arith.constant dense<0.000000e+00> : vector<1024x96xf32>
    %dot_general3A_172 = tpu.matmul %concatenate3A_170, %get3A_10, %dot_general3A_171 {dimension_numbers = #tpu.dot_dimension_numbers<[1], [0], [0], [1], [0, 0, 1, 1], [], []>, precision = #tpu.contract_precision<fp32>, transpose_lhs_hint = false} : vector<1024x96xf32>, vector<96x96xf32>, vector<1024x96xf32> -> vector<1024x96xf32>
    %get3A_173 = arith.constant 0 : index
    %get3A_174 = arith.constant 0 : index
    %get3A_175 = vector.load %arg9[%get3A_173, %get3A_174] : memref<256x96xf32, #tpu.memory_space<vmem>>, vector<256x96xf32>
    %dot_general3A_176 = arith.constant dense<0.000000e+00> : vector<1024x96xf32>
    %dot_general3A_177 = tpu.matmul %get3A_1, %get3A_175, %dot_general3A_176 {dimension_numbers = #tpu.dot_dimension_numbers<[1], [0], [0], [1], [0, 0, 1, 1], [], []>, transpose_lhs_hint = false} : vector<1024x256xf32>, vector<256x96xf32>, vector<1024x96xf32> -> vector<1024x96xf32>
    %slice3A_178 = vector.extract_strided_slice %get3A_7 {offsets = [0, 0], sizes = [1024, 1], strides = [1, 1]} : vector<1024x3xf32> to vector<1024x1xf32>
    %broadcast_in_dim3A_179 = arith.constant 1.000000e+00 : f32
    %broadcast_in_dim3A_180 = vector.broadcast %broadcast_in_dim3A_179 : f32 to vector<1x32xf32>
    %mul3A_181 = vector.broadcast %slice3A_178 : vector<1024x1xf32> to vector<1024x32xf32>
    %mul3A_182 = vector.broadcast %broadcast_in_dim3A_180 : vector<1x32xf32> to vector<1024x32xf32>
    %mul3A_183 = arith.mulf %mul3A_181, %mul3A_182 : vector<1024x32xf32>
    %slice3A_184 = vector.extract_strided_slice %dot_general3A_177 {offsets = [0, 0], sizes = [1024, 32], strides = [1, 1]} : vector<1024x96xf32> to vector<1024x32xf32>
    %slice3A_185 = vector.extract_strided_slice %get3A_4 {offsets = [0, 0], sizes = [1024, 1], strides = [1, 1]} : vector<1024x9xf32> to vector<1024x1xf32>
    %mul3A_186 = vector.broadcast %slice3A_185 : vector<1024x1xf32> to vector<1024x32xf32>
    %mul3A_187 = arith.mulf %slice3A_184, %mul3A_186 : vector<1024x32xf32>
    %add3A_188 = arith.addf %mul3A_183, %mul3A_187 : vector<1024x32xf32>
    %slice3A_189 = vector.extract_strided_slice %dot_general3A_177 {offsets = [0, 32], sizes = [1024, 32], strides = [1, 1]} : vector<1024x96xf32> to vector<1024x32xf32>
    %slice3A_190 = vector.extract_strided_slice %get3A_4 {offsets = [0, 3], sizes = [1024, 1], strides = [1, 1]} : vector<1024x9xf32> to vector<1024x1xf32>
    %mul3A_191 = vector.broadcast %slice3A_190 : vector<1024x1xf32> to vector<1024x32xf32>
    %mul3A_192 = arith.mulf %slice3A_189, %mul3A_191 : vector<1024x32xf32>
    %add3A_193 = arith.addf %add3A_188, %mul3A_192 : vector<1024x32xf32>
    %slice3A_194 = vector.extract_strided_slice %dot_general3A_177 {offsets = [0, 64], sizes = [1024, 32], strides = [1, 1]} : vector<1024x96xf32> to vector<1024x32xf32>
    %slice3A_195 = vector.extract_strided_slice %get3A_4 {offsets = [0, 6], sizes = [1024, 1], strides = [1, 1]} : vector<1024x9xf32> to vector<1024x1xf32>
    %mul3A_196 = vector.broadcast %slice3A_195 : vector<1024x1xf32> to vector<1024x32xf32>
    %mul3A_197 = arith.mulf %slice3A_194, %mul3A_196 : vector<1024x32xf32>
    %add3A_198 = arith.addf %add3A_193, %mul3A_197 : vector<1024x32xf32>
    %slice3A_199 = vector.extract_strided_slice %get3A_7 {offsets = [0, 1], sizes = [1024, 1], strides = [1, 1]} : vector<1024x3xf32> to vector<1024x1xf32>
    %broadcast_in_dim3A_200 = arith.constant 1.000000e+00 : f32
    %broadcast_in_dim3A_201 = vector.broadcast %broadcast_in_dim3A_200 : f32 to vector<1x32xf32>
    %mul3A_202 = vector.broadcast %slice3A_199 : vector<1024x1xf32> to vector<1024x32xf32>
    %mul3A_203 = vector.broadcast %broadcast_in_dim3A_201 : vector<1x32xf32> to vector<1024x32xf32>
    %mul3A_204 = arith.mulf %mul3A_202, %mul3A_203 : vector<1024x32xf32>
    %slice3A_205 = vector.extract_strided_slice %dot_general3A_177 {offsets = [0, 0], sizes = [1024, 32], strides = [1, 1]} : vector<1024x96xf32> to vector<1024x32xf32>
    %slice3A_206 = vector.extract_strided_slice %get3A_4 {offsets = [0, 1], sizes = [1024, 1], strides = [1, 1]} : vector<1024x9xf32> to vector<1024x1xf32>
    %mul3A_207 = vector.broadcast %slice3A_206 : vector<1024x1xf32> to vector<1024x32xf32>
    %mul3A_208 = arith.mulf %slice3A_205, %mul3A_207 : vector<1024x32xf32>
    %add3A_209 = arith.addf %mul3A_204, %mul3A_208 : vector<1024x32xf32>
    %slice3A_210 = vector.extract_strided_slice %dot_general3A_177 {offsets = [0, 32], sizes = [1024, 32], strides = [1, 1]} : vector<1024x96xf32> to vector<1024x32xf32>
    %slice3A_211 = vector.extract_strided_slice %get3A_4 {offsets = [0, 4], sizes = [1024, 1], strides = [1, 1]} : vector<1024x9xf32> to vector<1024x1xf32>
    %mul3A_212 = vector.broadcast %slice3A_211 : vector<1024x1xf32> to vector<1024x32xf32>
    %mul3A_213 = arith.mulf %slice3A_210, %mul3A_212 : vector<1024x32xf32>
    %add3A_214 = arith.addf %add3A_209, %mul3A_213 : vector<1024x32xf32>
    %slice3A_215 = vector.extract_strided_slice %dot_general3A_177 {offsets = [0, 64], sizes = [1024, 32], strides = [1, 1]} : vector<1024x96xf32> to vector<1024x32xf32>
    %slice3A_216 = vector.extract_strided_slice %get3A_4 {offsets = [0, 7], sizes = [1024, 1], strides = [1, 1]} : vector<1024x9xf32> to vector<1024x1xf32>
    %mul3A_217 = vector.broadcast %slice3A_216 : vector<1024x1xf32> to vector<1024x32xf32>
    %mul3A_218 = arith.mulf %slice3A_215, %mul3A_217 : vector<1024x32xf32>
    %add3A_219 = arith.addf %add3A_214, %mul3A_218 : vector<1024x32xf32>
    %slice3A_220 = vector.extract_strided_slice %get3A_7 {offsets = [0, 2], sizes = [1024, 1], strides = [1, 1]} : vector<1024x3xf32> to vector<1024x1xf32>
    %broadcast_in_dim3A_221 = arith.constant 1.000000e+00 : f32
    %broadcast_in_dim3A_222 = vector.broadcast %broadcast_in_dim3A_221 : f32 to vector<1x32xf32>
    %mul3A_223 = vector.broadcast %slice3A_220 : vector<1024x1xf32> to vector<1024x32xf32>
    %mul3A_224 = vector.broadcast %broadcast_in_dim3A_222 : vector<1x32xf32> to vector<1024x32xf32>
    %mul3A_225 = arith.mulf %mul3A_223, %mul3A_224 : vector<1024x32xf32>
    %slice3A_226 = vector.extract_strided_slice %dot_general3A_177 {offsets = [0, 0], sizes = [1024, 32], strides = [1, 1]} : vector<1024x96xf32> to vector<1024x32xf32>
    %slice3A_227 = vector.extract_strided_slice %get3A_4 {offsets = [0, 2], sizes = [1024, 1], strides = [1, 1]} : vector<1024x9xf32> to vector<1024x1xf32>
    %mul3A_228 = vector.broadcast %slice3A_227 : vector<1024x1xf32> to vector<1024x32xf32>
    %mul3A_229 = arith.mulf %slice3A_226, %mul3A_228 : vector<1024x32xf32>
    %add3A_230 = arith.addf %mul3A_225, %mul3A_229 : vector<1024x32xf32>
    %slice3A_231 = vector.extract_strided_slice %dot_general3A_177 {offsets = [0, 32], sizes = [1024, 32], strides = [1, 1]} : vector<1024x96xf32> to vector<1024x32xf32>
    %slice3A_232 = vector.extract_strided_slice %get3A_4 {offsets = [0, 5], sizes = [1024, 1], strides = [1, 1]} : vector<1024x9xf32> to vector<1024x1xf32>
    %mul3A_233 = vector.broadcast %slice3A_232 : vector<1024x1xf32> to vector<1024x32xf32>
    %mul3A_234 = arith.mulf %slice3A_231, %mul3A_233 : vector<1024x32xf32>
    %add3A_235 = arith.addf %add3A_230, %mul3A_234 : vector<1024x32xf32>
    %slice3A_236 = vector.extract_strided_slice %dot_general3A_177 {offsets = [0, 64], sizes = [1024, 32], strides = [1, 1]} : vector<1024x96xf32> to vector<1024x32xf32>
    %slice3A_237 = vector.extract_strided_slice %get3A_4 {offsets = [0, 8], sizes = [1024, 1], strides = [1, 1]} : vector<1024x9xf32> to vector<1024x1xf32>
    %mul3A_238 = vector.broadcast %slice3A_237 : vector<1024x1xf32> to vector<1024x32xf32>
    %mul3A_239 = arith.mulf %slice3A_236, %mul3A_238 : vector<1024x32xf32>
    %add3A_240 = arith.addf %add3A_235, %mul3A_239 : vector<1024x32xf32>
    %concatenate3A_241 = tpu.concatenate %add3A_198, %add3A_219, %add3A_240 in 1 : vector<1024x32xf32>, vector<1024x32xf32>, vector<1024x32xf32> -> vector<1024x96xf32>
    %dot_general3A_242 = arith.constant dense<0.000000e+00> : vector<1024x96xf32>
    %dot_general3A_243 = tpu.matmul %concatenate3A_241, %get3A_10, %dot_general3A_242 {dimension_numbers = #tpu.dot_dimension_numbers<[1], [0], [0], [1], [0, 0, 1, 1], [], []>, precision = #tpu.contract_precision<fp32>, transpose_lhs_hint = false} : vector<1024x96xf32>, vector<96x96xf32>, vector<1024x96xf32> -> vector<1024x96xf32>
    %swap3A_244 = arith.constant 0 : index
    %swap3A_245 = arith.constant 0 : index
    %swap3A_246 = vector.load %arg15[%swap3A_244, %swap3A_245] : memref<1024x96xf32, #tpu.memory_space<vmem>>, vector<1024x96xf32>
    tpu.vector_store %arg15[%swap3A_244, %swap3A_245], %dot_general3A_101 {strides = array<i32>} : memref<1024x96xf32, #tpu.memory_space<vmem>>, vector<1024x96xf32>,
    %swap3A_247 = arith.constant 0 : index
    %swap3A_248 = arith.constant 0 : index
    %swap3A_249 = vector.load %arg16[%swap3A_247, %swap3A_248] : memref<1024x96xf32, #tpu.memory_space<vmem>>, vector<1024x96xf32>
    tpu.vector_store %arg16[%swap3A_247, %swap3A_248], %dot_general3A_172 {strides = array<i32>} : memref<1024x96xf32, #tpu.memory_space<vmem>>, vector<1024x96xf32>,
    %swap3A_250 = arith.constant 0 : index
    %swap3A_251 = arith.constant 0 : index
    %swap3A_252 = vector.load %arg17[%swap3A_250, %swap3A_251] : memref<1024x96xf32, #tpu.memory_space<vmem>>, vector<1024x96xf32>
    tpu.vector_store %arg17[%swap3A_250, %swap3A_251], %dot_general3A_243 {strides = array<i32>} : memref<1024x96xf32, #tpu.memory_space<vmem>>, vector<1024x96xf32>,
    %mul3A_253 = arith.mulf %dot_general3A_101, %dot_general3A_101 : vector<1024x96xf32>
    %dot_general3A_254 = arith.constant dense<0.000000e+00> : vector<1024x8xf32>
    %dot_general3A_255 = tpu.matmul %mul3A_253, %get3A_13, %dot_general3A_254 {dimension_numbers = #tpu.dot_dimension_numbers<[1], [0], [0], [1], [0, 0, 1, 1], [], []>, precision = #tpu.contract_precision<fp32>, transpose_lhs_hint = false} : vector<1024x96xf32>, vector<96x8xf32>, vector<1024x8xf32> -> vector<1024x8xf32>
    %swap3A_256 = arith.constant 0 : index
    %swap3A_257 = arith.constant 0 : index
    %swap3A_258 = vector.load %arg18[%swap3A_256, %swap3A_257] : memref<1024x8xf32, #tpu.memory_space<vmem>>, vector<1024x8xf32>
    tpu.vector_store %arg18[%swap3A_256, %swap3A_257], %dot_general3A_255 {strides = array<i32>} : memref<1024x8xf32, #tpu.memory_space<vmem>>, vector<1024x8xf32>,
    %mul3A_259 = arith.mulf %dot_general3A_172, %dot_general3A_172 : vector<1024x96xf32>
    %dot_general3A_260 = arith.constant dense<0.000000e+00> : vector<1024x8xf32>
    %dot_general3A_261 = tpu.matmul %mul3A_259, %get3A_13, %dot_general3A_260 {dimension_numbers = #tpu.dot_dimension_numbers<[1], [0], [0], [1], [0, 0, 1, 1], [], []>, precision = #tpu.contract_precision<fp32>, transpose_lhs_hint = false} : vector<1024x96xf32>, vector<96x8xf32>, vector<1024x8xf32> -> vector<1024x8xf32>
    %swap3A_262 = arith.constant 0 : index
    %swap3A_263 = arith.constant 0 : index
    %swap3A_264 = vector.load %arg19[%swap3A_262, %swap3A_263] : memref<1024x8xf32, #tpu.memory_space<vmem>>, vector<1024x8xf32>
    tpu.vector_store %arg19[%swap3A_262, %swap3A_263], %dot_general3A_261 {strides = array<i32>} : memref<1024x8xf32, #tpu.memory_space<vmem>>, vector<1024x8xf32>,
    return
  }
  func.func @transform_0(%arg0: i32) -> (i32, i32) {
    %c0_i32 = arith.constant 0 : i32
    %c0_i32_0 = arith.constant 0 : i32
    %c0_i32_1 = arith.constant 0 : i32
    return %c0_i32, %c0_i32_0 : i32, i32
  }
  func.func @transform_1(%arg0: i32) -> (i32, i32) {
    %c0_i32 = arith.constant 0 : i32
    %c0_i32_0 = arith.constant 0 : i32
    %c0_i32_1 = arith.constant 0 : i32
    return %c0_i32, %c0_i32_0 : i32, i32
  }
  func.func @transform_2(%arg0: i32) -> (i32, i32) {
    %c0_i32 = arith.constant 0 : i32
    %c0_i32_0 = arith.constant 0 : i32
    %c0_i32_1 = arith.constant 0 : i32
    return %c0_i32, %c0_i32_0 : i32, i32
  }
  func.func @transform_3(%arg0: i32) -> (i32, i32) {
    %c0_i32 = arith.constant 0 : i32
    %c0_i32_0 = arith.constant 0 : i32
    %c0_i32_1 = arith.constant 0 : i32
    return %c0_i32, %c0_i32_0 : i32, i32
  }
  func.func @transform_4(%arg0: i32) -> (i32, i32) {
    %c0_i32 = arith.constant 0 : i32
    %c0_i32_0 = arith.constant 0 : i32
    %c0_i32_1 = arith.constant 0 : i32
    return %c0_i32, %c0_i32_0 : i32, i32
  }
  func.func @transform_5(%arg0: i32) -> (i32, i32) {
    %c0_i32 = arith.constant 0 : i32
    %c0_i32_0 = arith.constant 0 : i32
    %c0_i32_1 = arith.constant 0 : i32
    return %c0_i32, %c0_i32_0 : i32, i32
  }
  func.func @transform_6(%arg0: i32) -> (i32, i32) {
    %c0_i32 = arith.constant 0 : i32
    %c0_i32_0 = arith.constant 0 : i32
    %c0_i32_1 = arith.constant 0 : i32
    return %c0_i32, %c0_i32_0 : i32, i32
  }
  func.func @transform_7(%arg0: i32) -> (i32, i32) {
    %c0_i32 = arith.constant 0 : i32
    %c0_i32_0 = arith.constant 0 : i32
    %c0_i32_1 = arith.constant 0 : i32
    return %c0_i32, %c0_i32_0 : i32, i32
  }
  func.func @transform_8(%arg0: i32) -> (i32, i32) {
    %c0_i32 = arith.constant 0 : i32
    %c0_i32_0 = arith.constant 0 : i32
    %c0_i32_1 = arith.constant 0 : i32
    return %c0_i32, %c0_i32_0 : i32, i32
  }
  func.func @transform_9(%arg0: i32) -> (i32, i32) {
    %c0_i32 = arith.constant 0 : i32
    %c0_i32_0 = arith.constant 0 : i32
    %c0_i32_1 = arith.constant 0 : i32
    return %c0_i32, %c0_i32_0 : i32, i32
  }
  func.func @transform_10(%arg0: i32) -> (i32, i32) {
    %c0_i32 = arith.constant 0 : i32
    %c0_i32_0 = arith.constant 0 : i32
    %c0_i32_1 = arith.constant 0 : i32
    return %c0_i32, %c0_i32_0 : i32, i32
  }
  func.func @transform_11(%arg0: i32) -> (i32, i32) {
    %c0_i32 = arith.constant 0 : i32
    %c0_i32_0 = arith.constant 0 : i32
    %c0_i32_1 = arith.constant 0 : i32
    return %c0_i32, %c0_i32_0 : i32, i32
  }
  func.func @transform_12(%arg0: i32) -> (i32, i32) {
    %c0_i32 = arith.constant 0 : i32
    %c0_i32_0 = arith.constant 0 : i32
    %c0_i32_1 = arith.constant 0 : i32
    return %c0_i32, %c0_i32_0 : i32, i32
  }
  func.func @transform_13(%arg0: i32) -> (i32, i32) {
    %c0_i32 = arith.constant 0 : i32
    %c0_i32_0 = arith.constant 0 : i32
    %c0_i32_1 = arith.constant 0 : i32
    return %c0_i32, %c0_i32_0 : i32, i32
  }
  func.func @transform_14(%arg0: i32) -> (i32, i32) {
    %c0_i32 = arith.constant 0 : i32
    %c0_i32_0 = arith.constant 0 : i32
    %c0_i32_1 = arith.constant 0 : i32
    return %c0_i32, %c0_i32_0 : i32, i32
  }
  func.func @transform_15(%arg0: i32) -> (i32, i32) {
    %c0_i32 = arith.constant 0 : i32
    %c0_i32_0 = arith.constant 0 : i32
    %c0_i32_1 = arith.constant 0 : i32
    return %c0_i32, %c0_i32_0 : i32, i32
  }
  func.func @transform_16(%arg0: i32) -> (i32, i32) {
    %c0_i32 = arith.constant 0 : i32
    %c0_i32_0 = arith.constant 0 : i32
    %c0_i32_1 = arith.constant 0 : i32
    return %c0_i32, %c0_i32_0 : i32, i32
  }
  func.func @transform_17(%arg0: i32) -> (i32, i32) {
    %c0_i32 = arith.constant 0 : i32
    %c0_i32_0 = arith.constant 0 : i32
    %c0_i32_1 = arith.constant 0 : i32
    return %c0_i32, %c0_i32_0 : i32, i32
  }
  func.func @transform_18(%arg0: i32) -> (i32, i32) {
    %c0_i32 = arith.constant 0 : i32
    %c0_i32_0 = arith.constant 0 : i32
    %c0_i32_1 = arith.constant 0 : i32
    return %c0_i32, %c0_i32_0 : i32, i32
  }
}

module attributes {stable_mosaic.version = 14 : i64} {
  func.func @_attn_body(%arg0: i32, %arg1: memref<256x128xf32, #tpu.memory_space<vmem>>, %arg2: memref<256x96xf32, #tpu.memory_space<vmem>>, %arg3: memref<256x8xf32, #tpu.memory_space<vmem>>, %arg4: memref<1024x128xf32, #tpu.memory_space<vmem>>, %arg5: memref<1024x96xf32, #tpu.memory_space<vmem>>, %arg6: memref<1024x128xf32, #tpu.memory_space<vmem>>, %arg7: memref<1024x96xf32, #tpu.memory_space<vmem>>, %arg8: memref<8x1024xf32, #tpu.memory_space<vmem>>, %arg9: memref<1x8xf32, #tpu.memory_space<vmem>>, %arg10: memref<256x8xf32, #tpu.memory_space<vmem>>, %arg11: memref<256x8xf32, #tpu.memory_space<vmem>>, %arg12: memref<256x128xf32, #tpu.memory_space<vmem>>, %arg13: memref<256x96xf32, #tpu.memory_space<vmem>>) attributes {dimension_semantics = [#tpu.dimension_semantics<arbitrary>], iteration_bounds = array<i64: 4>, scalar_prefetch = 0 : i64, scratch_operands = 0 : i64, tpu.core_type = #tpu.core_type<tc>, window_params = [{transform_indices = @transform_0, window_bounds = array<i64: 256, 128>}, {transform_indices = @transform_1, window_bounds = array<i64: 256, 96>}, {transform_indices = @transform_2, window_bounds = array<i64: 256, 8>}, {pipeline_mode = #tpu.pipeline_mode<synchronous>, transform_indices = @transform_3, window_bounds = array<i64: 1024, 128>}, {pipeline_mode = #tpu.pipeline_mode<synchronous>, transform_indices = @transform_4, window_bounds = array<i64: 1024, 96>}, {pipeline_mode = #tpu.pipeline_mode<synchronous>, transform_indices = @transform_5, window_bounds = array<i64: 1024, 128>}, {pipeline_mode = #tpu.pipeline_mode<synchronous>, transform_indices = @transform_6, window_bounds = array<i64: 1024, 96>}, {pipeline_mode = #tpu.pipeline_mode<synchronous>, transform_indices = @transform_7, window_bounds = array<i64: 8, 1024>}, {pipeline_mode = #tpu.pipeline_mode<synchronous>, transform_indices = @transform_8, window_bounds = array<i64: 1, 8>}, {transform_indices = @transform_9, window_bounds = array<i64: 256, 8>}, {transform_indices = @transform_10, window_bounds = array<i64: 256, 8>}, {transform_indices = @transform_11, window_bounds = array<i64: 256, 128>}, {transform_indices = @transform_12, window_bounds = array<i64: 256, 96>}]} {
    %get3A = arith.constant 0 : index
    %get3A_0 = arith.constant 0 : index
    %get3A_1 = vector.load %arg1[%get3A, %get3A_0] : memref<256x128xf32, #tpu.memory_space<vmem>>, vector<256x128xf32>
    %get3A_2 = arith.constant 0 : index
    %get3A_3 = arith.constant 0 : index
    %get3A_4 = vector.load %arg2[%get3A_2, %get3A_3] : memref<256x96xf32, #tpu.memory_space<vmem>>, vector<256x96xf32>
    %get3A_5 = arith.constant 0 : index
    %get3A_6 = arith.constant 0 : index
    %get3A_7 = vector.load %arg3[%get3A_5, %get3A_6] : memref<256x8xf32, #tpu.memory_space<vmem>>, vector<256x8xf32>
    %get3A_8 = arith.constant 0 : index
    %get3A_9 = arith.constant 0 : index
    %get3A_10 = vector.load %arg4[%get3A_8, %get3A_9] : memref<1024x128xf32, #tpu.memory_space<vmem>>, vector<1024x128xf32>
    %get3A_11 = arith.constant 0 : index
    %get3A_12 = arith.constant 0 : index
    %get3A_13 = vector.load %arg5[%get3A_11, %get3A_12] : memref<1024x96xf32, #tpu.memory_space<vmem>>, vector<1024x96xf32>
    %get3A_14 = arith.constant 0 : index
    %get3A_15 = arith.constant 0 : index
    %get3A_16 = vector.load %arg6[%get3A_14, %get3A_15] : memref<1024x128xf32, #tpu.memory_space<vmem>>, vector<1024x128xf32>
    %get3A_17 = arith.constant 0 : index
    %get3A_18 = arith.constant 0 : index
    %get3A_19 = vector.load %arg7[%get3A_17, %get3A_18] : memref<1024x96xf32, #tpu.memory_space<vmem>>, vector<1024x96xf32>
    %get3A_20 = arith.constant 0 : index
    %get3A_21 = arith.constant 0 : index
    %get3A_22 = vector.load %arg8[%get3A_20, %get3A_21] : memref<8x1024xf32, #tpu.memory_space<vmem>>, vector<8x1024xf32>
    %get3A_23 = arith.constant 0 : index
    %get3A_24 = arith.constant 0 : index
    %get3A_25 = vector.load %arg9[%get3A_23, %get3A_24] : memref<1x8xf32, #tpu.memory_space<vmem>>, vector<1x8xf32>
    %slice3A = vector.extract_strided_slice %get3A_1 {offsets = [0, 0], sizes = [256, 16], strides = [1, 1]} : vector<256x128xf32> to vector<256x16xf32>
    %slice3A_26 = vector.extract_strided_slice %get3A_10 {offsets = [0, 0], sizes = [1024, 16], strides = [1, 1]} : vector<1024x128xf32> to vector<1024x16xf32>
    %slice3A_27 = vector.extract_strided_slice %get3A_4 {offsets = [0, 0], sizes = [256, 12], strides = [1, 1]} : vector<256x96xf32> to vector<256x12xf32>
    %slice3A_28 = vector.extract_strided_slice %get3A_13 {offsets = [0, 0], sizes = [1024, 12], strides = [1, 1]} : vector<1024x96xf32> to vector<1024x12xf32>
    %slice3A_29 = vector.extract_strided_slice %get3A_16 {offsets = [0, 0], sizes = [1024, 16], strides = [1, 1]} : vector<1024x128xf32> to vector<1024x16xf32>
    %slice3A_30 = vector.extract_strided_slice %get3A_19 {offsets = [0, 0], sizes = [1024, 12], strides = [1, 1]} : vector<1024x96xf32> to vector<1024x12xf32>
    %dot_general3A = arith.constant dense<0.000000e+00> : vector<256x1024xf32>
    %dot_general3A_31 = tpu.matmul %slice3A, %slice3A_26, %dot_general3A {dimension_numbers = #tpu.dot_dimension_numbers<[1], [1], [0], [0], [0, 0, 1, 0], [], []>, transpose_lhs_hint = false} : vector<256x16xf32>, vector<1024x16xf32>, vector<256x1024xf32> -> vector<256x1024xf32>
    %slice3A_32 = vector.extract_strided_slice %get3A_7 {offsets = [0, 0], sizes = [256, 1], strides = [1, 1]} : vector<256x8xf32> to vector<256x1xf32>
    %slice3A_33 = vector.extract_strided_slice %get3A_22 {offsets = [0, 0], sizes = [1, 1024], strides = [1, 1]} : vector<8x1024xf32> to vector<1x1024xf32>
    %add3A = vector.broadcast %slice3A_32 : vector<256x1xf32> to vector<256x1024xf32>
    %add3A_34 = vector.broadcast %slice3A_33 : vector<1x1024xf32> to vector<256x1024xf32>
    %add3A_35 = arith.addf %add3A, %add3A_34 : vector<256x1024xf32>
    %dot_general3A_36 = arith.constant dense<0.000000e+00> : vector<256x1024xf32>
    %dot_general3A_37 = tpu.matmul %slice3A_27, %slice3A_28, %dot_general3A_36 {dimension_numbers = #tpu.dot_dimension_numbers<[1], [1], [0], [0], [0, 0, 1, 0], [], []>, transpose_lhs_hint = false} : vector<256x12xf32>, vector<1024x12xf32>, vector<256x1024xf32> -> vector<256x1024xf32>
    %mul3A = arith.constant 2.000000e+00 : f32
    %mul3A_38 = vector.broadcast %mul3A : f32 to vector<256x1024xf32>
    %mul3A_39 = arith.mulf %mul3A_38, %dot_general3A_37 : vector<256x1024xf32>
    %sub3A = arith.subf %add3A_35, %mul3A_39 : vector<256x1024xf32>
    %mul3A_40 = arith.constant 0.144337565 : f32
    %mul3A_41 = vector.broadcast %mul3A_40 : f32 to vector<256x1024xf32>
    %mul3A_42 = arith.mulf %dot_general3A_31, %mul3A_41 : vector<256x1024xf32>
    %slice3A_43 = vector.extract_strided_slice %get3A_25 {offsets = [0, 0], sizes = [1, 1], strides = [1, 1]} : vector<1x8xf32> to vector<1x1xf32>
    %squeeze3A = vector.extract %slice3A_43[0, 0] : f32 from vector<1x1xf32>
    %mul3A_44 = arith.constant 0.0680413842 : f32
    %mul3A_45 = arith.mulf %mul3A_44, %squeeze3A : f32
    %mul3A_46 = vector.broadcast %mul3A_45 : f32 to vector<256x1024xf32>
    %mul3A_47 = arith.mulf %mul3A_46, %sub3A : vector<256x1024xf32>
    %sub3A_48 = arith.subf %mul3A_42, %mul3A_47 : vector<256x1024xf32>
    %reduce_max3A = arith.constant dense<0xFF800000> : vector<256xf32>
    %reduce_max3A_49 = vector.multi_reduction <maximumf>, %sub3A_48, %reduce_max3A [1] : vector<256x1024xf32> to vector<256xf32>
    %broadcast_in_dim3A = vector.shape_cast %reduce_max3A_49 : vector<256xf32> to vector<256x1xf32>
    %sub3A_50 = vector.broadcast %broadcast_in_dim3A : vector<256x1xf32> to vector<256x1024xf32>
    %sub3A_51 = arith.subf %sub3A_48, %sub3A_50 : vector<256x1024xf32>
    %exp3A = math.exp %sub3A_51 : vector<256x1024xf32>
    %reduce_sum3A = arith.constant dense<0.000000e+00> : vector<256xf32>
    %reduce_sum3A_52 = vector.multi_reduction <add>, %exp3A, %reduce_sum3A [1] : vector<256x1024xf32> to vector<256xf32>
    %broadcast_in_dim3A_53 = vector.shape_cast %reduce_sum3A_52 : vector<256xf32> to vector<256x1xf32>
    %dot_general3A_54 = arith.constant dense<0.000000e+00> : vector<256x16xf32>
    %dot_general3A_55 = tpu.matmul %exp3A, %slice3A_29, %dot_general3A_54 {dimension_numbers = #tpu.dot_dimension_numbers<[1], [0], [0], [1], [0, 0, 1, 1], [], []>, transpose_lhs_hint = false} : vector<256x1024xf32>, vector<1024x16xf32>, vector<256x16xf32> -> vector<256x16xf32>
    %dot_general3A_56 = arith.constant dense<0.000000e+00> : vector<256x12xf32>
    %dot_general3A_57 = tpu.matmul %exp3A, %slice3A_30, %dot_general3A_56 {dimension_numbers = #tpu.dot_dimension_numbers<[1], [0], [0], [1], [0, 0, 1, 1], [], []>, transpose_lhs_hint = false} : vector<256x1024xf32>, vector<1024x12xf32>, vector<256x12xf32> -> vector<256x12xf32>
    %slice3A_58 = vector.extract_strided_slice %get3A_1 {offsets = [0, 16], sizes = [256, 16], strides = [1, 1]} : vector<256x128xf32> to vector<256x16xf32>
    %slice3A_59 = vector.extract_strided_slice %get3A_10 {offsets = [0, 16], sizes = [1024, 16], strides = [1, 1]} : vector<1024x128xf32> to vector<1024x16xf32>
    %slice3A_60 = vector.extract_strided_slice %get3A_4 {offsets = [0, 12], sizes = [256, 12], strides = [1, 1]} : vector<256x96xf32> to vector<256x12xf32>
    %slice3A_61 = vector.extract_strided_slice %get3A_13 {offsets = [0, 12], sizes = [1024, 12], strides = [1, 1]} : vector<1024x96xf32> to vector<1024x12xf32>
    %slice3A_62 = vector.extract_strided_slice %get3A_16 {offsets = [0, 16], sizes = [1024, 16], strides = [1, 1]} : vector<1024x128xf32> to vector<1024x16xf32>
    %slice3A_63 = vector.extract_strided_slice %get3A_19 {offsets = [0, 12], sizes = [1024, 12], strides = [1, 1]} : vector<1024x96xf32> to vector<1024x12xf32>
    %dot_general3A_64 = arith.constant dense<0.000000e+00> : vector<256x1024xf32>
    %dot_general3A_65 = tpu.matmul %slice3A_58, %slice3A_59, %dot_general3A_64 {dimension_numbers = #tpu.dot_dimension_numbers<[1], [1], [0], [0], [0, 0, 1, 0], [], []>, transpose_lhs_hint = false} : vector<256x16xf32>, vector<1024x16xf32>, vector<256x1024xf32> -> vector<256x1024xf32>
    %slice3A_66 = vector.extract_strided_slice %get3A_7 {offsets = [0, 1], sizes = [256, 1], strides = [1, 1]} : vector<256x8xf32> to vector<256x1xf32>
    %slice3A_67 = vector.extract_strided_slice %get3A_22 {offsets = [1, 0], sizes = [1, 1024], strides = [1, 1]} : vector<8x1024xf32> to vector<1x1024xf32>
    %add3A_68 = vector.broadcast %slice3A_66 : vector<256x1xf32> to vector<256x1024xf32>
    %add3A_69 = vector.broadcast %slice3A_67 : vector<1x1024xf32> to vector<256x1024xf32>
    %add3A_70 = arith.addf %add3A_68, %add3A_69 : vector<256x1024xf32>
    %dot_general3A_71 = arith.constant dense<0.000000e+00> : vector<256x1024xf32>
    %dot_general3A_72 = tpu.matmul %slice3A_60, %slice3A_61, %dot_general3A_71 {dimension_numbers = #tpu.dot_dimension_numbers<[1], [1], [0], [0], [0, 0, 1, 0], [], []>, transpose_lhs_hint = false} : vector<256x12xf32>, vector<1024x12xf32>, vector<256x1024xf32> -> vector<256x1024xf32>
    %mul3A_73 = arith.constant 2.000000e+00 : f32
    %mul3A_74 = vector.broadcast %mul3A_73 : f32 to vector<256x1024xf32>
    %mul3A_75 = arith.mulf %mul3A_74, %dot_general3A_72 : vector<256x1024xf32>
    %sub3A_76 = arith.subf %add3A_70, %mul3A_75 : vector<256x1024xf32>
    %mul3A_77 = arith.constant 0.144337565 : f32
    %mul3A_78 = vector.broadcast %mul3A_77 : f32 to vector<256x1024xf32>
    %mul3A_79 = arith.mulf %dot_general3A_65, %mul3A_78 : vector<256x1024xf32>
    %slice3A_80 = vector.extract_strided_slice %get3A_25 {offsets = [0, 1], sizes = [1, 1], strides = [1, 1]} : vector<1x8xf32> to vector<1x1xf32>
    %squeeze3A_81 = vector.extract %slice3A_80[0, 0] : f32 from vector<1x1xf32>
    %mul3A_82 = arith.constant 0.0680413842 : f32
    %mul3A_83 = arith.mulf %mul3A_82, %squeeze3A_81 : f32
    %mul3A_84 = vector.broadcast %mul3A_83 : f32 to vector<256x1024xf32>
    %mul3A_85 = arith.mulf %mul3A_84, %sub3A_76 : vector<256x1024xf32>
    %sub3A_86 = arith.subf %mul3A_79, %mul3A_85 : vector<256x1024xf32>
    %reduce_max3A_87 = arith.constant dense<0xFF800000> : vector<256xf32>
    %reduce_max3A_88 = vector.multi_reduction <maximumf>, %sub3A_86, %reduce_max3A_87 [1] : vector<256x1024xf32> to vector<256xf32>
    %broadcast_in_dim3A_89 = vector.shape_cast %reduce_max3A_88 : vector<256xf32> to vector<256x1xf32>
    %sub3A_90 = vector.broadcast %broadcast_in_dim3A_89 : vector<256x1xf32> to vector<256x1024xf32>
    %sub3A_91 = arith.subf %sub3A_86, %sub3A_90 : vector<256x1024xf32>
    %exp3A_92 = math.exp %sub3A_91 : vector<256x1024xf32>
    %reduce_sum3A_93 = arith.constant dense<0.000000e+00> : vector<256xf32>
    %reduce_sum3A_94 = vector.multi_reduction <add>, %exp3A_92, %reduce_sum3A_93 [1] : vector<256x1024xf32> to vector<256xf32>
    %broadcast_in_dim3A_95 = vector.shape_cast %reduce_sum3A_94 : vector<256xf32> to vector<256x1xf32>
    %dot_general3A_96 = arith.constant dense<0.000000e+00> : vector<256x16xf32>
    %dot_general3A_97 = tpu.matmul %exp3A_92, %slice3A_62, %dot_general3A_96 {dimension_numbers = #tpu.dot_dimension_numbers<[1], [0], [0], [1], [0, 0, 1, 1], [], []>, transpose_lhs_hint = false} : vector<256x1024xf32>, vector<1024x16xf32>, vector<256x16xf32> -> vector<256x16xf32>
    %dot_general3A_98 = arith.constant dense<0.000000e+00> : vector<256x12xf32>
    %dot_general3A_99 = tpu.matmul %exp3A_92, %slice3A_63, %dot_general3A_98 {dimension_numbers = #tpu.dot_dimension_numbers<[1], [0], [0], [1], [0, 0, 1, 1], [], []>, transpose_lhs_hint = false} : vector<256x1024xf32>, vector<1024x12xf32>, vector<256x12xf32> -> vector<256x12xf32>
    %slice3A_100 = vector.extract_strided_slice %get3A_1 {offsets = [0, 32], sizes = [256, 16], strides = [1, 1]} : vector<256x128xf32> to vector<256x16xf32>
    %slice3A_101 = vector.extract_strided_slice %get3A_10 {offsets = [0, 32], sizes = [1024, 16], strides = [1, 1]} : vector<1024x128xf32> to vector<1024x16xf32>
    %slice3A_102 = vector.extract_strided_slice %get3A_4 {offsets = [0, 24], sizes = [256, 12], strides = [1, 1]} : vector<256x96xf32> to vector<256x12xf32>
    %slice3A_103 = vector.extract_strided_slice %get3A_13 {offsets = [0, 24], sizes = [1024, 12], strides = [1, 1]} : vector<1024x96xf32> to vector<1024x12xf32>
    %slice3A_104 = vector.extract_strided_slice %get3A_16 {offsets = [0, 32], sizes = [1024, 16], strides = [1, 1]} : vector<1024x128xf32> to vector<1024x16xf32>
    %slice3A_105 = vector.extract_strided_slice %get3A_19 {offsets = [0, 24], sizes = [1024, 12], strides = [1, 1]} : vector<1024x96xf32> to vector<1024x12xf32>
    %dot_general3A_106 = arith.constant dense<0.000000e+00> : vector<256x1024xf32>
    %dot_general3A_107 = tpu.matmul %slice3A_100, %slice3A_101, %dot_general3A_106 {dimension_numbers = #tpu.dot_dimension_numbers<[1], [1], [0], [0], [0, 0, 1, 0], [], []>, transpose_lhs_hint = false} : vector<256x16xf32>, vector<1024x16xf32>, vector<256x1024xf32> -> vector<256x1024xf32>
    %slice3A_108 = vector.extract_strided_slice %get3A_7 {offsets = [0, 2], sizes = [256, 1], strides = [1, 1]} : vector<256x8xf32> to vector<256x1xf32>
    %slice3A_109 = vector.extract_strided_slice %get3A_22 {offsets = [2, 0], sizes = [1, 1024], strides = [1, 1]} : vector<8x1024xf32> to vector<1x1024xf32>
    %add3A_110 = vector.broadcast %slice3A_108 : vector<256x1xf32> to vector<256x1024xf32>
    %add3A_111 = vector.broadcast %slice3A_109 : vector<1x1024xf32> to vector<256x1024xf32>
    %add3A_112 = arith.addf %add3A_110, %add3A_111 : vector<256x1024xf32>
    %dot_general3A_113 = arith.constant dense<0.000000e+00> : vector<256x1024xf32>
    %dot_general3A_114 = tpu.matmul %slice3A_102, %slice3A_103, %dot_general3A_113 {dimension_numbers = #tpu.dot_dimension_numbers<[1], [1], [0], [0], [0, 0, 1, 0], [], []>, transpose_lhs_hint = false} : vector<256x12xf32>, vector<1024x12xf32>, vector<256x1024xf32> -> vector<256x1024xf32>
    %mul3A_115 = arith.constant 2.000000e+00 : f32
    %mul3A_116 = vector.broadcast %mul3A_115 : f32 to vector<256x1024xf32>
    %mul3A_117 = arith.mulf %mul3A_116, %dot_general3A_114 : vector<256x1024xf32>
    %sub3A_118 = arith.subf %add3A_112, %mul3A_117 : vector<256x1024xf32>
    %mul3A_119 = arith.constant 0.144337565 : f32
    %mul3A_120 = vector.broadcast %mul3A_119 : f32 to vector<256x1024xf32>
    %mul3A_121 = arith.mulf %dot_general3A_107, %mul3A_120 : vector<256x1024xf32>
    %slice3A_122 = vector.extract_strided_slice %get3A_25 {offsets = [0, 2], sizes = [1, 1], strides = [1, 1]} : vector<1x8xf32> to vector<1x1xf32>
    %squeeze3A_123 = vector.extract %slice3A_122[0, 0] : f32 from vector<1x1xf32>
    %mul3A_124 = arith.constant 0.0680413842 : f32
    %mul3A_125 = arith.mulf %mul3A_124, %squeeze3A_123 : f32
    %mul3A_126 = vector.broadcast %mul3A_125 : f32 to vector<256x1024xf32>
    %mul3A_127 = arith.mulf %mul3A_126, %sub3A_118 : vector<256x1024xf32>
    %sub3A_128 = arith.subf %mul3A_121, %mul3A_127 : vector<256x1024xf32>
    %reduce_max3A_129 = arith.constant dense<0xFF800000> : vector<256xf32>
    %reduce_max3A_130 = vector.multi_reduction <maximumf>, %sub3A_128, %reduce_max3A_129 [1] : vector<256x1024xf32> to vector<256xf32>
    %broadcast_in_dim3A_131 = vector.shape_cast %reduce_max3A_130 : vector<256xf32> to vector<256x1xf32>
    %sub3A_132 = vector.broadcast %broadcast_in_dim3A_131 : vector<256x1xf32> to vector<256x1024xf32>
    %sub3A_133 = arith.subf %sub3A_128, %sub3A_132 : vector<256x1024xf32>
    %exp3A_134 = math.exp %sub3A_133 : vector<256x1024xf32>
    %reduce_sum3A_135 = arith.constant dense<0.000000e+00> : vector<256xf32>
    %reduce_sum3A_136 = vector.multi_reduction <add>, %exp3A_134, %reduce_sum3A_135 [1] : vector<256x1024xf32> to vector<256xf32>
    %broadcast_in_dim3A_137 = vector.shape_cast %reduce_sum3A_136 : vector<256xf32> to vector<256x1xf32>
    %dot_general3A_138 = arith.constant dense<0.000000e+00> : vector<256x16xf32>
    %dot_general3A_139 = tpu.matmul %exp3A_134, %slice3A_104, %dot_general3A_138 {dimension_numbers = #tpu.dot_dimension_numbers<[1], [0], [0], [1], [0, 0, 1, 1], [], []>, transpose_lhs_hint = false} : vector<256x1024xf32>, vector<1024x16xf32>, vector<256x16xf32> -> vector<256x16xf32>
    %dot_general3A_140 = arith.constant dense<0.000000e+00> : vector<256x12xf32>
    %dot_general3A_141 = tpu.matmul %exp3A_134, %slice3A_105, %dot_general3A_140 {dimension_numbers = #tpu.dot_dimension_numbers<[1], [0], [0], [1], [0, 0, 1, 1], [], []>, transpose_lhs_hint = false} : vector<256x1024xf32>, vector<1024x12xf32>, vector<256x12xf32> -> vector<256x12xf32>
    %slice3A_142 = vector.extract_strided_slice %get3A_1 {offsets = [0, 48], sizes = [256, 16], strides = [1, 1]} : vector<256x128xf32> to vector<256x16xf32>
    %slice3A_143 = vector.extract_strided_slice %get3A_10 {offsets = [0, 48], sizes = [1024, 16], strides = [1, 1]} : vector<1024x128xf32> to vector<1024x16xf32>
    %slice3A_144 = vector.extract_strided_slice %get3A_4 {offsets = [0, 36], sizes = [256, 12], strides = [1, 1]} : vector<256x96xf32> to vector<256x12xf32>
    %slice3A_145 = vector.extract_strided_slice %get3A_13 {offsets = [0, 36], sizes = [1024, 12], strides = [1, 1]} : vector<1024x96xf32> to vector<1024x12xf32>
    %slice3A_146 = vector.extract_strided_slice %get3A_16 {offsets = [0, 48], sizes = [1024, 16], strides = [1, 1]} : vector<1024x128xf32> to vector<1024x16xf32>
    %slice3A_147 = vector.extract_strided_slice %get3A_19 {offsets = [0, 36], sizes = [1024, 12], strides = [1, 1]} : vector<1024x96xf32> to vector<1024x12xf32>
    %dot_general3A_148 = arith.constant dense<0.000000e+00> : vector<256x1024xf32>
    %dot_general3A_149 = tpu.matmul %slice3A_142, %slice3A_143, %dot_general3A_148 {dimension_numbers = #tpu.dot_dimension_numbers<[1], [1], [0], [0], [0, 0, 1, 0], [], []>, transpose_lhs_hint = false} : vector<256x16xf32>, vector<1024x16xf32>, vector<256x1024xf32> -> vector<256x1024xf32>
    %slice3A_150 = vector.extract_strided_slice %get3A_7 {offsets = [0, 3], sizes = [256, 1], strides = [1, 1]} : vector<256x8xf32> to vector<256x1xf32>
    %slice3A_151 = vector.extract_strided_slice %get3A_22 {offsets = [3, 0], sizes = [1, 1024], strides = [1, 1]} : vector<8x1024xf32> to vector<1x1024xf32>
    %add3A_152 = vector.broadcast %slice3A_150 : vector<256x1xf32> to vector<256x1024xf32>
    %add3A_153 = vector.broadcast %slice3A_151 : vector<1x1024xf32> to vector<256x1024xf32>
    %add3A_154 = arith.addf %add3A_152, %add3A_153 : vector<256x1024xf32>
    %dot_general3A_155 = arith.constant dense<0.000000e+00> : vector<256x1024xf32>
    %dot_general3A_156 = tpu.matmul %slice3A_144, %slice3A_145, %dot_general3A_155 {dimension_numbers = #tpu.dot_dimension_numbers<[1], [1], [0], [0], [0, 0, 1, 0], [], []>, transpose_lhs_hint = false} : vector<256x12xf32>, vector<1024x12xf32>, vector<256x1024xf32> -> vector<256x1024xf32>
    %mul3A_157 = arith.constant 2.000000e+00 : f32
    %mul3A_158 = vector.broadcast %mul3A_157 : f32 to vector<256x1024xf32>
    %mul3A_159 = arith.mulf %mul3A_158, %dot_general3A_156 : vector<256x1024xf32>
    %sub3A_160 = arith.subf %add3A_154, %mul3A_159 : vector<256x1024xf32>
    %mul3A_161 = arith.constant 0.144337565 : f32
    %mul3A_162 = vector.broadcast %mul3A_161 : f32 to vector<256x1024xf32>
    %mul3A_163 = arith.mulf %dot_general3A_149, %mul3A_162 : vector<256x1024xf32>
    %slice3A_164 = vector.extract_strided_slice %get3A_25 {offsets = [0, 3], sizes = [1, 1], strides = [1, 1]} : vector<1x8xf32> to vector<1x1xf32>
    %squeeze3A_165 = vector.extract %slice3A_164[0, 0] : f32 from vector<1x1xf32>
    %mul3A_166 = arith.constant 0.0680413842 : f32
    %mul3A_167 = arith.mulf %mul3A_166, %squeeze3A_165 : f32
    %mul3A_168 = vector.broadcast %mul3A_167 : f32 to vector<256x1024xf32>
    %mul3A_169 = arith.mulf %mul3A_168, %sub3A_160 : vector<256x1024xf32>
    %sub3A_170 = arith.subf %mul3A_163, %mul3A_169 : vector<256x1024xf32>
    %reduce_max3A_171 = arith.constant dense<0xFF800000> : vector<256xf32>
    %reduce_max3A_172 = vector.multi_reduction <maximumf>, %sub3A_170, %reduce_max3A_171 [1] : vector<256x1024xf32> to vector<256xf32>
    %broadcast_in_dim3A_173 = vector.shape_cast %reduce_max3A_172 : vector<256xf32> to vector<256x1xf32>
    %sub3A_174 = vector.broadcast %broadcast_in_dim3A_173 : vector<256x1xf32> to vector<256x1024xf32>
    %sub3A_175 = arith.subf %sub3A_170, %sub3A_174 : vector<256x1024xf32>
    %exp3A_176 = math.exp %sub3A_175 : vector<256x1024xf32>
    %reduce_sum3A_177 = arith.constant dense<0.000000e+00> : vector<256xf32>
    %reduce_sum3A_178 = vector.multi_reduction <add>, %exp3A_176, %reduce_sum3A_177 [1] : vector<256x1024xf32> to vector<256xf32>
    %broadcast_in_dim3A_179 = vector.shape_cast %reduce_sum3A_178 : vector<256xf32> to vector<256x1xf32>
    %dot_general3A_180 = arith.constant dense<0.000000e+00> : vector<256x16xf32>
    %dot_general3A_181 = tpu.matmul %exp3A_176, %slice3A_146, %dot_general3A_180 {dimension_numbers = #tpu.dot_dimension_numbers<[1], [0], [0], [1], [0, 0, 1, 1], [], []>, transpose_lhs_hint = false} : vector<256x1024xf32>, vector<1024x16xf32>, vector<256x16xf32> -> vector<256x16xf32>
    %dot_general3A_182 = arith.constant dense<0.000000e+00> : vector<256x12xf32>
    %dot_general3A_183 = tpu.matmul %exp3A_176, %slice3A_147, %dot_general3A_182 {dimension_numbers = #tpu.dot_dimension_numbers<[1], [0], [0], [1], [0, 0, 1, 1], [], []>, transpose_lhs_hint = false} : vector<256x1024xf32>, vector<1024x12xf32>, vector<256x12xf32> -> vector<256x12xf32>
    %slice3A_184 = vector.extract_strided_slice %get3A_1 {offsets = [0, 64], sizes = [256, 16], strides = [1, 1]} : vector<256x128xf32> to vector<256x16xf32>
    %slice3A_185 = vector.extract_strided_slice %get3A_10 {offsets = [0, 64], sizes = [1024, 16], strides = [1, 1]} : vector<1024x128xf32> to vector<1024x16xf32>
    %slice3A_186 = vector.extract_strided_slice %get3A_4 {offsets = [0, 48], sizes = [256, 12], strides = [1, 1]} : vector<256x96xf32> to vector<256x12xf32>
    %slice3A_187 = vector.extract_strided_slice %get3A_13 {offsets = [0, 48], sizes = [1024, 12], strides = [1, 1]} : vector<1024x96xf32> to vector<1024x12xf32>
    %slice3A_188 = vector.extract_strided_slice %get3A_16 {offsets = [0, 64], sizes = [1024, 16], strides = [1, 1]} : vector<1024x128xf32> to vector<1024x16xf32>
    %slice3A_189 = vector.extract_strided_slice %get3A_19 {offsets = [0, 48], sizes = [1024, 12], strides = [1, 1]} : vector<1024x96xf32> to vector<1024x12xf32>
    %dot_general3A_190 = arith.constant dense<0.000000e+00> : vector<256x1024xf32>
    %dot_general3A_191 = tpu.matmul %slice3A_184, %slice3A_185, %dot_general3A_190 {dimension_numbers = #tpu.dot_dimension_numbers<[1], [1], [0], [0], [0, 0, 1, 0], [], []>, transpose_lhs_hint = false} : vector<256x16xf32>, vector<1024x16xf32>, vector<256x1024xf32> -> vector<256x1024xf32>
    %slice3A_192 = vector.extract_strided_slice %get3A_7 {offsets = [0, 4], sizes = [256, 1], strides = [1, 1]} : vector<256x8xf32> to vector<256x1xf32>
    %slice3A_193 = vector.extract_strided_slice %get3A_22 {offsets = [4, 0], sizes = [1, 1024], strides = [1, 1]} : vector<8x1024xf32> to vector<1x1024xf32>
    %add3A_194 = vector.broadcast %slice3A_192 : vector<256x1xf32> to vector<256x1024xf32>
    %add3A_195 = vector.broadcast %slice3A_193 : vector<1x1024xf32> to vector<256x1024xf32>
    %add3A_196 = arith.addf %add3A_194, %add3A_195 : vector<256x1024xf32>
    %dot_general3A_197 = arith.constant dense<0.000000e+00> : vector<256x1024xf32>
    %dot_general3A_198 = tpu.matmul %slice3A_186, %slice3A_187, %dot_general3A_197 {dimension_numbers = #tpu.dot_dimension_numbers<[1], [1], [0], [0], [0, 0, 1, 0], [], []>, transpose_lhs_hint = false} : vector<256x12xf32>, vector<1024x12xf32>, vector<256x1024xf32> -> vector<256x1024xf32>
    %mul3A_199 = arith.constant 2.000000e+00 : f32
    %mul3A_200 = vector.broadcast %mul3A_199 : f32 to vector<256x1024xf32>
    %mul3A_201 = arith.mulf %mul3A_200, %dot_general3A_198 : vector<256x1024xf32>
    %sub3A_202 = arith.subf %add3A_196, %mul3A_201 : vector<256x1024xf32>
    %mul3A_203 = arith.constant 0.144337565 : f32
    %mul3A_204 = vector.broadcast %mul3A_203 : f32 to vector<256x1024xf32>
    %mul3A_205 = arith.mulf %dot_general3A_191, %mul3A_204 : vector<256x1024xf32>
    %slice3A_206 = vector.extract_strided_slice %get3A_25 {offsets = [0, 4], sizes = [1, 1], strides = [1, 1]} : vector<1x8xf32> to vector<1x1xf32>
    %squeeze3A_207 = vector.extract %slice3A_206[0, 0] : f32 from vector<1x1xf32>
    %mul3A_208 = arith.constant 0.0680413842 : f32
    %mul3A_209 = arith.mulf %mul3A_208, %squeeze3A_207 : f32
    %mul3A_210 = vector.broadcast %mul3A_209 : f32 to vector<256x1024xf32>
    %mul3A_211 = arith.mulf %mul3A_210, %sub3A_202 : vector<256x1024xf32>
    %sub3A_212 = arith.subf %mul3A_205, %mul3A_211 : vector<256x1024xf32>
    %reduce_max3A_213 = arith.constant dense<0xFF800000> : vector<256xf32>
    %reduce_max3A_214 = vector.multi_reduction <maximumf>, %sub3A_212, %reduce_max3A_213 [1] : vector<256x1024xf32> to vector<256xf32>
    %broadcast_in_dim3A_215 = vector.shape_cast %reduce_max3A_214 : vector<256xf32> to vector<256x1xf32>
    %sub3A_216 = vector.broadcast %broadcast_in_dim3A_215 : vector<256x1xf32> to vector<256x1024xf32>
    %sub3A_217 = arith.subf %sub3A_212, %sub3A_216 : vector<256x1024xf32>
    %exp3A_218 = math.exp %sub3A_217 : vector<256x1024xf32>
    %reduce_sum3A_219 = arith.constant dense<0.000000e+00> : vector<256xf32>
    %reduce_sum3A_220 = vector.multi_reduction <add>, %exp3A_218, %reduce_sum3A_219 [1] : vector<256x1024xf32> to vector<256xf32>
    %broadcast_in_dim3A_221 = vector.shape_cast %reduce_sum3A_220 : vector<256xf32> to vector<256x1xf32>
    %dot_general3A_222 = arith.constant dense<0.000000e+00> : vector<256x16xf32>
    %dot_general3A_223 = tpu.matmul %exp3A_218, %slice3A_188, %dot_general3A_222 {dimension_numbers = #tpu.dot_dimension_numbers<[1], [0], [0], [1], [0, 0, 1, 1], [], []>, transpose_lhs_hint = false} : vector<256x1024xf32>, vector<1024x16xf32>, vector<256x16xf32> -> vector<256x16xf32>
    %dot_general3A_224 = arith.constant dense<0.000000e+00> : vector<256x12xf32>
    %dot_general3A_225 = tpu.matmul %exp3A_218, %slice3A_189, %dot_general3A_224 {dimension_numbers = #tpu.dot_dimension_numbers<[1], [0], [0], [1], [0, 0, 1, 1], [], []>, transpose_lhs_hint = false} : vector<256x1024xf32>, vector<1024x12xf32>, vector<256x12xf32> -> vector<256x12xf32>
    %slice3A_226 = vector.extract_strided_slice %get3A_1 {offsets = [0, 80], sizes = [256, 16], strides = [1, 1]} : vector<256x128xf32> to vector<256x16xf32>
    %slice3A_227 = vector.extract_strided_slice %get3A_10 {offsets = [0, 80], sizes = [1024, 16], strides = [1, 1]} : vector<1024x128xf32> to vector<1024x16xf32>
    %slice3A_228 = vector.extract_strided_slice %get3A_4 {offsets = [0, 60], sizes = [256, 12], strides = [1, 1]} : vector<256x96xf32> to vector<256x12xf32>
    %slice3A_229 = vector.extract_strided_slice %get3A_13 {offsets = [0, 60], sizes = [1024, 12], strides = [1, 1]} : vector<1024x96xf32> to vector<1024x12xf32>
    %slice3A_230 = vector.extract_strided_slice %get3A_16 {offsets = [0, 80], sizes = [1024, 16], strides = [1, 1]} : vector<1024x128xf32> to vector<1024x16xf32>
    %slice3A_231 = vector.extract_strided_slice %get3A_19 {offsets = [0, 60], sizes = [1024, 12], strides = [1, 1]} : vector<1024x96xf32> to vector<1024x12xf32>
    %dot_general3A_232 = arith.constant dense<0.000000e+00> : vector<256x1024xf32>
    %dot_general3A_233 = tpu.matmul %slice3A_226, %slice3A_227, %dot_general3A_232 {dimension_numbers = #tpu.dot_dimension_numbers<[1], [1], [0], [0], [0, 0, 1, 0], [], []>, transpose_lhs_hint = false} : vector<256x16xf32>, vector<1024x16xf32>, vector<256x1024xf32> -> vector<256x1024xf32>
    %slice3A_234 = vector.extract_strided_slice %get3A_7 {offsets = [0, 5], sizes = [256, 1], strides = [1, 1]} : vector<256x8xf32> to vector<256x1xf32>
    %slice3A_235 = vector.extract_strided_slice %get3A_22 {offsets = [5, 0], sizes = [1, 1024], strides = [1, 1]} : vector<8x1024xf32> to vector<1x1024xf32>
    %add3A_236 = vector.broadcast %slice3A_234 : vector<256x1xf32> to vector<256x1024xf32>
    %add3A_237 = vector.broadcast %slice3A_235 : vector<1x1024xf32> to vector<256x1024xf32>
    %add3A_238 = arith.addf %add3A_236, %add3A_237 : vector<256x1024xf32>
    %dot_general3A_239 = arith.constant dense<0.000000e+00> : vector<256x1024xf32>
    %dot_general3A_240 = tpu.matmul %slice3A_228, %slice3A_229, %dot_general3A_239 {dimension_numbers = #tpu.dot_dimension_numbers<[1], [1], [0], [0], [0, 0, 1, 0], [], []>, transpose_lhs_hint = false} : vector<256x12xf32>, vector<1024x12xf32>, vector<256x1024xf32> -> vector<256x1024xf32>
    %mul3A_241 = arith.constant 2.000000e+00 : f32
    %mul3A_242 = vector.broadcast %mul3A_241 : f32 to vector<256x1024xf32>
    %mul3A_243 = arith.mulf %mul3A_242, %dot_general3A_240 : vector<256x1024xf32>
    %sub3A_244 = arith.subf %add3A_238, %mul3A_243 : vector<256x1024xf32>
    %mul3A_245 = arith.constant 0.144337565 : f32
    %mul3A_246 = vector.broadcast %mul3A_245 : f32 to vector<256x1024xf32>
    %mul3A_247 = arith.mulf %dot_general3A_233, %mul3A_246 : vector<256x1024xf32>
    %slice3A_248 = vector.extract_strided_slice %get3A_25 {offsets = [0, 5], sizes = [1, 1], strides = [1, 1]} : vector<1x8xf32> to vector<1x1xf32>
    %squeeze3A_249 = vector.extract %slice3A_248[0, 0] : f32 from vector<1x1xf32>
    %mul3A_250 = arith.constant 0.0680413842 : f32
    %mul3A_251 = arith.mulf %mul3A_250, %squeeze3A_249 : f32
    %mul3A_252 = vector.broadcast %mul3A_251 : f32 to vector<256x1024xf32>
    %mul3A_253 = arith.mulf %mul3A_252, %sub3A_244 : vector<256x1024xf32>
    %sub3A_254 = arith.subf %mul3A_247, %mul3A_253 : vector<256x1024xf32>
    %reduce_max3A_255 = arith.constant dense<0xFF800000> : vector<256xf32>
    %reduce_max3A_256 = vector.multi_reduction <maximumf>, %sub3A_254, %reduce_max3A_255 [1] : vector<256x1024xf32> to vector<256xf32>
    %broadcast_in_dim3A_257 = vector.shape_cast %reduce_max3A_256 : vector<256xf32> to vector<256x1xf32>
    %sub3A_258 = vector.broadcast %broadcast_in_dim3A_257 : vector<256x1xf32> to vector<256x1024xf32>
    %sub3A_259 = arith.subf %sub3A_254, %sub3A_258 : vector<256x1024xf32>
    %exp3A_260 = math.exp %sub3A_259 : vector<256x1024xf32>
    %reduce_sum3A_261 = arith.constant dense<0.000000e+00> : vector<256xf32>
    %reduce_sum3A_262 = vector.multi_reduction <add>, %exp3A_260, %reduce_sum3A_261 [1] : vector<256x1024xf32> to vector<256xf32>
    %broadcast_in_dim3A_263 = vector.shape_cast %reduce_sum3A_262 : vector<256xf32> to vector<256x1xf32>
    %dot_general3A_264 = arith.constant dense<0.000000e+00> : vector<256x16xf32>
    %dot_general3A_265 = tpu.matmul %exp3A_260, %slice3A_230, %dot_general3A_264 {dimension_numbers = #tpu.dot_dimension_numbers<[1], [0], [0], [1], [0, 0, 1, 1], [], []>, transpose_lhs_hint = false} : vector<256x1024xf32>, vector<1024x16xf32>, vector<256x16xf32> -> vector<256x16xf32>
    %dot_general3A_266 = arith.constant dense<0.000000e+00> : vector<256x12xf32>
    %dot_general3A_267 = tpu.matmul %exp3A_260, %slice3A_231, %dot_general3A_266 {dimension_numbers = #tpu.dot_dimension_numbers<[1], [0], [0], [1], [0, 0, 1, 1], [], []>, transpose_lhs_hint = false} : vector<256x1024xf32>, vector<1024x12xf32>, vector<256x12xf32> -> vector<256x12xf32>
    %slice3A_268 = vector.extract_strided_slice %get3A_1 {offsets = [0, 96], sizes = [256, 16], strides = [1, 1]} : vector<256x128xf32> to vector<256x16xf32>
    %slice3A_269 = vector.extract_strided_slice %get3A_10 {offsets = [0, 96], sizes = [1024, 16], strides = [1, 1]} : vector<1024x128xf32> to vector<1024x16xf32>
    %slice3A_270 = vector.extract_strided_slice %get3A_4 {offsets = [0, 72], sizes = [256, 12], strides = [1, 1]} : vector<256x96xf32> to vector<256x12xf32>
    %slice3A_271 = vector.extract_strided_slice %get3A_13 {offsets = [0, 72], sizes = [1024, 12], strides = [1, 1]} : vector<1024x96xf32> to vector<1024x12xf32>
    %slice3A_272 = vector.extract_strided_slice %get3A_16 {offsets = [0, 96], sizes = [1024, 16], strides = [1, 1]} : vector<1024x128xf32> to vector<1024x16xf32>
    %slice3A_273 = vector.extract_strided_slice %get3A_19 {offsets = [0, 72], sizes = [1024, 12], strides = [1, 1]} : vector<1024x96xf32> to vector<1024x12xf32>
    %dot_general3A_274 = arith.constant dense<0.000000e+00> : vector<256x1024xf32>
    %dot_general3A_275 = tpu.matmul %slice3A_268, %slice3A_269, %dot_general3A_274 {dimension_numbers = #tpu.dot_dimension_numbers<[1], [1], [0], [0], [0, 0, 1, 0], [], []>, transpose_lhs_hint = false} : vector<256x16xf32>, vector<1024x16xf32>, vector<256x1024xf32> -> vector<256x1024xf32>
    %slice3A_276 = vector.extract_strided_slice %get3A_7 {offsets = [0, 6], sizes = [256, 1], strides = [1, 1]} : vector<256x8xf32> to vector<256x1xf32>
    %slice3A_277 = vector.extract_strided_slice %get3A_22 {offsets = [6, 0], sizes = [1, 1024], strides = [1, 1]} : vector<8x1024xf32> to vector<1x1024xf32>
    %add3A_278 = vector.broadcast %slice3A_276 : vector<256x1xf32> to vector<256x1024xf32>
    %add3A_279 = vector.broadcast %slice3A_277 : vector<1x1024xf32> to vector<256x1024xf32>
    %add3A_280 = arith.addf %add3A_278, %add3A_279 : vector<256x1024xf32>
    %dot_general3A_281 = arith.constant dense<0.000000e+00> : vector<256x1024xf32>
    %dot_general3A_282 = tpu.matmul %slice3A_270, %slice3A_271, %dot_general3A_281 {dimension_numbers = #tpu.dot_dimension_numbers<[1], [1], [0], [0], [0, 0, 1, 0], [], []>, transpose_lhs_hint = false} : vector<256x12xf32>, vector<1024x12xf32>, vector<256x1024xf32> -> vector<256x1024xf32>
    %mul3A_283 = arith.constant 2.000000e+00 : f32
    %mul3A_284 = vector.broadcast %mul3A_283 : f32 to vector<256x1024xf32>
    %mul3A_285 = arith.mulf %mul3A_284, %dot_general3A_282 : vector<256x1024xf32>
    %sub3A_286 = arith.subf %add3A_280, %mul3A_285 : vector<256x1024xf32>
    %mul3A_287 = arith.constant 0.144337565 : f32
    %mul3A_288 = vector.broadcast %mul3A_287 : f32 to vector<256x1024xf32>
    %mul3A_289 = arith.mulf %dot_general3A_275, %mul3A_288 : vector<256x1024xf32>
    %slice3A_290 = vector.extract_strided_slice %get3A_25 {offsets = [0, 6], sizes = [1, 1], strides = [1, 1]} : vector<1x8xf32> to vector<1x1xf32>
    %squeeze3A_291 = vector.extract %slice3A_290[0, 0] : f32 from vector<1x1xf32>
    %mul3A_292 = arith.constant 0.0680413842 : f32
    %mul3A_293 = arith.mulf %mul3A_292, %squeeze3A_291 : f32
    %mul3A_294 = vector.broadcast %mul3A_293 : f32 to vector<256x1024xf32>
    %mul3A_295 = arith.mulf %mul3A_294, %sub3A_286 : vector<256x1024xf32>
    %sub3A_296 = arith.subf %mul3A_289, %mul3A_295 : vector<256x1024xf32>
    %reduce_max3A_297 = arith.constant dense<0xFF800000> : vector<256xf32>
    %reduce_max3A_298 = vector.multi_reduction <maximumf>, %sub3A_296, %reduce_max3A_297 [1] : vector<256x1024xf32> to vector<256xf32>
    %broadcast_in_dim3A_299 = vector.shape_cast %reduce_max3A_298 : vector<256xf32> to vector<256x1xf32>
    %sub3A_300 = vector.broadcast %broadcast_in_dim3A_299 : vector<256x1xf32> to vector<256x1024xf32>
    %sub3A_301 = arith.subf %sub3A_296, %sub3A_300 : vector<256x1024xf32>
    %exp3A_302 = math.exp %sub3A_301 : vector<256x1024xf32>
    %reduce_sum3A_303 = arith.constant dense<0.000000e+00> : vector<256xf32>
    %reduce_sum3A_304 = vector.multi_reduction <add>, %exp3A_302, %reduce_sum3A_303 [1] : vector<256x1024xf32> to vector<256xf32>
    %broadcast_in_dim3A_305 = vector.shape_cast %reduce_sum3A_304 : vector<256xf32> to vector<256x1xf32>
    %dot_general3A_306 = arith.constant dense<0.000000e+00> : vector<256x16xf32>
    %dot_general3A_307 = tpu.matmul %exp3A_302, %slice3A_272, %dot_general3A_306 {dimension_numbers = #tpu.dot_dimension_numbers<[1], [0], [0], [1], [0, 0, 1, 1], [], []>, transpose_lhs_hint = false} : vector<256x1024xf32>, vector<1024x16xf32>, vector<256x16xf32> -> vector<256x16xf32>
    %dot_general3A_308 = arith.constant dense<0.000000e+00> : vector<256x12xf32>
    %dot_general3A_309 = tpu.matmul %exp3A_302, %slice3A_273, %dot_general3A_308 {dimension_numbers = #tpu.dot_dimension_numbers<[1], [0], [0], [1], [0, 0, 1, 1], [], []>, transpose_lhs_hint = false} : vector<256x1024xf32>, vector<1024x12xf32>, vector<256x12xf32> -> vector<256x12xf32>
    %slice3A_310 = vector.extract_strided_slice %get3A_1 {offsets = [0, 112], sizes = [256, 16], strides = [1, 1]} : vector<256x128xf32> to vector<256x16xf32>
    %slice3A_311 = vector.extract_strided_slice %get3A_10 {offsets = [0, 112], sizes = [1024, 16], strides = [1, 1]} : vector<1024x128xf32> to vector<1024x16xf32>
    %slice3A_312 = vector.extract_strided_slice %get3A_4 {offsets = [0, 84], sizes = [256, 12], strides = [1, 1]} : vector<256x96xf32> to vector<256x12xf32>
    %slice3A_313 = vector.extract_strided_slice %get3A_13 {offsets = [0, 84], sizes = [1024, 12], strides = [1, 1]} : vector<1024x96xf32> to vector<1024x12xf32>
    %slice3A_314 = vector.extract_strided_slice %get3A_16 {offsets = [0, 112], sizes = [1024, 16], strides = [1, 1]} : vector<1024x128xf32> to vector<1024x16xf32>
    %slice3A_315 = vector.extract_strided_slice %get3A_19 {offsets = [0, 84], sizes = [1024, 12], strides = [1, 1]} : vector<1024x96xf32> to vector<1024x12xf32>
    %dot_general3A_316 = arith.constant dense<0.000000e+00> : vector<256x1024xf32>
    %dot_general3A_317 = tpu.matmul %slice3A_310, %slice3A_311, %dot_general3A_316 {dimension_numbers = #tpu.dot_dimension_numbers<[1], [1], [0], [0], [0, 0, 1, 0], [], []>, transpose_lhs_hint = false} : vector<256x16xf32>, vector<1024x16xf32>, vector<256x1024xf32> -> vector<256x1024xf32>
    %slice3A_318 = vector.extract_strided_slice %get3A_7 {offsets = [0, 7], sizes = [256, 1], strides = [1, 1]} : vector<256x8xf32> to vector<256x1xf32>
    %slice3A_319 = vector.extract_strided_slice %get3A_22 {offsets = [7, 0], sizes = [1, 1024], strides = [1, 1]} : vector<8x1024xf32> to vector<1x1024xf32>
    %add3A_320 = vector.broadcast %slice3A_318 : vector<256x1xf32> to vector<256x1024xf32>
    %add3A_321 = vector.broadcast %slice3A_319 : vector<1x1024xf32> to vector<256x1024xf32>
    %add3A_322 = arith.addf %add3A_320, %add3A_321 : vector<256x1024xf32>
    %dot_general3A_323 = arith.constant dense<0.000000e+00> : vector<256x1024xf32>
    %dot_general3A_324 = tpu.matmul %slice3A_312, %slice3A_313, %dot_general3A_323 {dimension_numbers = #tpu.dot_dimension_numbers<[1], [1], [0], [0], [0, 0, 1, 0], [], []>, transpose_lhs_hint = false} : vector<256x12xf32>, vector<1024x12xf32>, vector<256x1024xf32> -> vector<256x1024xf32>
    %mul3A_325 = arith.constant 2.000000e+00 : f32
    %mul3A_326 = vector.broadcast %mul3A_325 : f32 to vector<256x1024xf32>
    %mul3A_327 = arith.mulf %mul3A_326, %dot_general3A_324 : vector<256x1024xf32>
    %sub3A_328 = arith.subf %add3A_322, %mul3A_327 : vector<256x1024xf32>
    %mul3A_329 = arith.constant 0.144337565 : f32
    %mul3A_330 = vector.broadcast %mul3A_329 : f32 to vector<256x1024xf32>
    %mul3A_331 = arith.mulf %dot_general3A_317, %mul3A_330 : vector<256x1024xf32>
    %slice3A_332 = vector.extract_strided_slice %get3A_25 {offsets = [0, 7], sizes = [1, 1], strides = [1, 1]} : vector<1x8xf32> to vector<1x1xf32>
    %squeeze3A_333 = vector.extract %slice3A_332[0, 0] : f32 from vector<1x1xf32>
    %mul3A_334 = arith.constant 0.0680413842 : f32
    %mul3A_335 = arith.mulf %mul3A_334, %squeeze3A_333 : f32
    %mul3A_336 = vector.broadcast %mul3A_335 : f32 to vector<256x1024xf32>
    %mul3A_337 = arith.mulf %mul3A_336, %sub3A_328 : vector<256x1024xf32>
    %sub3A_338 = arith.subf %mul3A_331, %mul3A_337 : vector<256x1024xf32>
    %reduce_max3A_339 = arith.constant dense<0xFF800000> : vector<256xf32>
    %reduce_max3A_340 = vector.multi_reduction <maximumf>, %sub3A_338, %reduce_max3A_339 [1] : vector<256x1024xf32> to vector<256xf32>
    %broadcast_in_dim3A_341 = vector.shape_cast %reduce_max3A_340 : vector<256xf32> to vector<256x1xf32>
    %sub3A_342 = vector.broadcast %broadcast_in_dim3A_341 : vector<256x1xf32> to vector<256x1024xf32>
    %sub3A_343 = arith.subf %sub3A_338, %sub3A_342 : vector<256x1024xf32>
    %exp3A_344 = math.exp %sub3A_343 : vector<256x1024xf32>
    %reduce_sum3A_345 = arith.constant dense<0.000000e+00> : vector<256xf32>
    %reduce_sum3A_346 = vector.multi_reduction <add>, %exp3A_344, %reduce_sum3A_345 [1] : vector<256x1024xf32> to vector<256xf32>
    %broadcast_in_dim3A_347 = vector.shape_cast %reduce_sum3A_346 : vector<256xf32> to vector<256x1xf32>
    %dot_general3A_348 = arith.constant dense<0.000000e+00> : vector<256x16xf32>
    %dot_general3A_349 = tpu.matmul %exp3A_344, %slice3A_314, %dot_general3A_348 {dimension_numbers = #tpu.dot_dimension_numbers<[1], [0], [0], [1], [0, 0, 1, 1], [], []>, transpose_lhs_hint = false} : vector<256x1024xf32>, vector<1024x16xf32>, vector<256x16xf32> -> vector<256x16xf32>
    %dot_general3A_350 = arith.constant dense<0.000000e+00> : vector<256x12xf32>
    %dot_general3A_351 = tpu.matmul %exp3A_344, %slice3A_315, %dot_general3A_350 {dimension_numbers = #tpu.dot_dimension_numbers<[1], [0], [0], [1], [0, 0, 1, 1], [], []>, transpose_lhs_hint = false} : vector<256x1024xf32>, vector<1024x12xf32>, vector<256x12xf32> -> vector<256x12xf32>
    %concatenate3A = tpu.concatenate %broadcast_in_dim3A, %broadcast_in_dim3A_89, %broadcast_in_dim3A_131, %broadcast_in_dim3A_173, %broadcast_in_dim3A_215, %broadcast_in_dim3A_257, %broadcast_in_dim3A_299, %broadcast_in_dim3A_341 in 1 : vector<256x1xf32>, vector<256x1xf32>, vector<256x1xf32>, vector<256x1xf32>, vector<256x1xf32>, vector<256x1xf32>, vector<256x1xf32>, vector<256x1xf32> -> vector<256x8xf32>
    %swap3A = arith.constant 0 : index
    %swap3A_352 = arith.constant 0 : index
    %swap3A_353 = vector.load %arg10[%swap3A, %swap3A_352] : memref<256x8xf32, #tpu.memory_space<vmem>>, vector<256x8xf32>
    tpu.vector_store %arg10[%swap3A, %swap3A_352], %concatenate3A {strides = array<i32>} : memref<256x8xf32, #tpu.memory_space<vmem>>, vector<256x8xf32>,
    %concatenate3A_354 = tpu.concatenate %broadcast_in_dim3A_53, %broadcast_in_dim3A_95, %broadcast_in_dim3A_137, %broadcast_in_dim3A_179, %broadcast_in_dim3A_221, %broadcast_in_dim3A_263, %broadcast_in_dim3A_305, %broadcast_in_dim3A_347 in 1 : vector<256x1xf32>, vector<256x1xf32>, vector<256x1xf32>, vector<256x1xf32>, vector<256x1xf32>, vector<256x1xf32>, vector<256x1xf32>, vector<256x1xf32> -> vector<256x8xf32>
    %swap3A_355 = arith.constant 0 : index
    %swap3A_356 = arith.constant 0 : index
    %swap3A_357 = vector.load %arg11[%swap3A_355, %swap3A_356] : memref<256x8xf32, #tpu.memory_space<vmem>>, vector<256x8xf32>
    tpu.vector_store %arg11[%swap3A_355, %swap3A_356], %concatenate3A_354 {strides = array<i32>} : memref<256x8xf32, #tpu.memory_space<vmem>>, vector<256x8xf32>,
    %concatenate3A_358 = tpu.concatenate %dot_general3A_55, %dot_general3A_97, %dot_general3A_139, %dot_general3A_181, %dot_general3A_223, %dot_general3A_265, %dot_general3A_307, %dot_general3A_349 in 1 : vector<256x16xf32>, vector<256x16xf32>, vector<256x16xf32>, vector<256x16xf32>, vector<256x16xf32>, vector<256x16xf32>, vector<256x16xf32>, vector<256x16xf32> -> vector<256x128xf32>
    %swap3A_359 = arith.constant 0 : index
    %swap3A_360 = arith.constant 0 : index
    %swap3A_361 = vector.load %arg12[%swap3A_359, %swap3A_360] : memref<256x128xf32, #tpu.memory_space<vmem>>, vector<256x128xf32>
    tpu.vector_store %arg12[%swap3A_359, %swap3A_360], %concatenate3A_358 {strides = array<i32>} : memref<256x128xf32, #tpu.memory_space<vmem>>, vector<256x128xf32>,
    %concatenate3A_362 = tpu.concatenate %dot_general3A_57, %dot_general3A_99, %dot_general3A_141, %dot_general3A_183, %dot_general3A_225, %dot_general3A_267, %dot_general3A_309, %dot_general3A_351 in 1 : vector<256x12xf32>, vector<256x12xf32>, vector<256x12xf32>, vector<256x12xf32>, vector<256x12xf32>, vector<256x12xf32>, vector<256x12xf32>, vector<256x12xf32> -> vector<256x96xf32>
    %swap3A_363 = arith.constant 0 : index
    %swap3A_364 = arith.constant 0 : index
    %swap3A_365 = vector.load %arg13[%swap3A_363, %swap3A_364] : memref<256x96xf32, #tpu.memory_space<vmem>>, vector<256x96xf32>
    tpu.vector_store %arg13[%swap3A_363, %swap3A_364], %concatenate3A_362 {strides = array<i32>} : memref<256x96xf32, #tpu.memory_space<vmem>>, vector<256x96xf32>,
    return
  }
  func.func @transform_0(%arg0: i32) -> (i32, i32) {
    %c0_i32 = arith.constant 0 : i32
    %c0_i32_0 = arith.constant 0 : i32
    return %arg0, %c0_i32 : i32, i32
  }
  func.func @transform_1(%arg0: i32) -> (i32, i32) {
    %c0_i32 = arith.constant 0 : i32
    %c0_i32_0 = arith.constant 0 : i32
    return %arg0, %c0_i32 : i32, i32
  }
  func.func @transform_2(%arg0: i32) -> (i32, i32) {
    %c0_i32 = arith.constant 0 : i32
    %c0_i32_0 = arith.constant 0 : i32
    return %arg0, %c0_i32 : i32, i32
  }
  func.func @transform_3(%arg0: i32) -> (i32, i32) {
    %c0_i32 = arith.constant 0 : i32
    %c0_i32_0 = arith.constant 0 : i32
    %c0_i32_1 = arith.constant 0 : i32
    return %c0_i32, %c0_i32_0 : i32, i32
  }
  func.func @transform_4(%arg0: i32) -> (i32, i32) {
    %c0_i32 = arith.constant 0 : i32
    %c0_i32_0 = arith.constant 0 : i32
    %c0_i32_1 = arith.constant 0 : i32
    return %c0_i32, %c0_i32_0 : i32, i32
  }
  func.func @transform_5(%arg0: i32) -> (i32, i32) {
    %c0_i32 = arith.constant 0 : i32
    %c0_i32_0 = arith.constant 0 : i32
    %c0_i32_1 = arith.constant 0 : i32
    return %c0_i32, %c0_i32_0 : i32, i32
  }
  func.func @transform_6(%arg0: i32) -> (i32, i32) {
    %c0_i32 = arith.constant 0 : i32
    %c0_i32_0 = arith.constant 0 : i32
    %c0_i32_1 = arith.constant 0 : i32
    return %c0_i32, %c0_i32_0 : i32, i32
  }
  func.func @transform_7(%arg0: i32) -> (i32, i32) {
    %c0_i32 = arith.constant 0 : i32
    %c0_i32_0 = arith.constant 0 : i32
    %c0_i32_1 = arith.constant 0 : i32
    return %c0_i32, %c0_i32_0 : i32, i32
  }
  func.func @transform_8(%arg0: i32) -> (i32, i32) {
    %c0_i32 = arith.constant 0 : i32
    %c0_i32_0 = arith.constant 0 : i32
    %c0_i32_1 = arith.constant 0 : i32
    return %c0_i32, %c0_i32_0 : i32, i32
  }
  func.func @transform_9(%arg0: i32) -> (i32, i32) {
    %c0_i32 = arith.constant 0 : i32
    %c0_i32_0 = arith.constant 0 : i32
    return %arg0, %c0_i32 : i32, i32
  }
  func.func @transform_10(%arg0: i32) -> (i32, i32) {
    %c0_i32 = arith.constant 0 : i32
    %c0_i32_0 = arith.constant 0 : i32
    return %arg0, %c0_i32 : i32, i32
  }
  func.func @transform_11(%arg0: i32) -> (i32, i32) {
    %c0_i32 = arith.constant 0 : i32
    %c0_i32_0 = arith.constant 0 : i32
    return %arg0, %c0_i32 : i32, i32
  }
  func.func @transform_12(%arg0: i32) -> (i32, i32) {
    %c0_i32 = arith.constant 0 : i32
    %c0_i32_0 = arith.constant 0 : i32
    return %arg0, %c0_i32 : i32, i32
  }
}

module attributes {stable_mosaic.version = 14 : i64} {
  func.func @_pairwise_body(%arg0: i32, %arg1: memref<512x128xf32, #tpu.memory_space<vmem>>, %arg2: memref<512x44xf32, #tpu.memory_space<vmem>>, %arg3: memref<64x512xf32, #tpu.memory_space<vmem>>, %arg4: memref<1x512xf32, #tpu.memory_space<vmem>>, %arg5: memref<512x512xf32, #tpu.memory_space<vmem>>, %arg6: memref<1x512xf32, #tpu.memory_space<vmem>>, %arg7: memref<512x512xf32, #tpu.memory_space<vmem>>, %arg8: memref<1x512xf32, #tpu.memory_space<vmem>>, %arg9: memref<512x512xf32, #tpu.memory_space<vmem>>, %arg10: memref<1x512xf32, #tpu.memory_space<vmem>>, %arg11: memref<512x512xf32, #tpu.memory_space<vmem>>, %arg12: memref<1x512xf32, #tpu.memory_space<vmem>>, %arg13: memref<512x32xf32, #tpu.memory_space<vmem>>, %arg14: memref<1x32xf32, #tpu.memory_space<vmem>>, %arg15: memref<512x32xf32, #tpu.memory_space<vmem>>) attributes {dimension_semantics = [#tpu.dimension_semantics<arbitrary>], iteration_bounds = array<i64: 96>, scalar_prefetch = 0 : i64, scratch_operands = 0 : i64, tpu.core_type = #tpu.core_type<tc>, window_params = [{transform_indices = @transform_0, window_bounds = array<i64: 512, 128>}, {transform_indices = @transform_1, window_bounds = array<i64: 512, 44>}, {pipeline_mode = #tpu.pipeline_mode<synchronous>, transform_indices = @transform_2, window_bounds = array<i64: 64, 512>}, {pipeline_mode = #tpu.pipeline_mode<synchronous>, transform_indices = @transform_3, window_bounds = array<i64: 1, 512>}, {pipeline_mode = #tpu.pipeline_mode<synchronous>, transform_indices = @transform_4, window_bounds = array<i64: 512, 512>}, {pipeline_mode = #tpu.pipeline_mode<synchronous>, transform_indices = @transform_5, window_bounds = array<i64: 1, 512>}, {pipeline_mode = #tpu.pipeline_mode<synchronous>, transform_indices = @transform_6, window_bounds = array<i64: 512, 512>}, {pipeline_mode = #tpu.pipeline_mode<synchronous>, transform_indices = @transform_7, window_bounds = array<i64: 1, 512>}, {pipeline_mode = #tpu.pipeline_mode<synchronous>, transform_indices = @transform_8, window_bounds = array<i64: 512, 512>}, {pipeline_mode = #tpu.pipeline_mode<synchronous>, transform_indices = @transform_9, window_bounds = array<i64: 1, 512>}, {pipeline_mode = #tpu.pipeline_mode<synchronous>, transform_indices = @transform_10, window_bounds = array<i64: 512, 512>}, {pipeline_mode = #tpu.pipeline_mode<synchronous>, transform_indices = @transform_11, window_bounds = array<i64: 1, 512>}, {pipeline_mode = #tpu.pipeline_mode<synchronous>, transform_indices = @transform_12, window_bounds = array<i64: 512, 32>}, {pipeline_mode = #tpu.pipeline_mode<synchronous>, transform_indices = @transform_13, window_bounds = array<i64: 1, 32>}, {transform_indices = @transform_14, window_bounds = array<i64: 512, 32>}]} {
    %get3A = arith.constant 0 : index
    %get3A_0 = arith.constant 0 : index
    %get3A_1 = vector.load %arg1[%get3A, %get3A_0] : memref<512x128xf32, #tpu.memory_space<vmem>>, vector<512x128xf32>
    %get3A_2 = arith.constant 0 : index
    %get3A_3 = arith.constant 0 : index
    %get3A_4 = vector.load %arg2[%get3A_2, %get3A_3] : memref<512x44xf32, #tpu.memory_space<vmem>>, vector<512x44xf32>
    %iota3A = tpu.iota {dimensions = array<i32: 0>} : vector<128x12xi32>
    %iota3A_5 = tpu.iota {dimensions = array<i32: 1>} : vector<128x12xi32>
    %eq3A = arith.cmpi eq, %iota3A, %iota3A_5 : vector<128x12xi32>
    %jit3A = arith.constant 1.000000e+00 : f32
    %jit3A_6 = arith.constant 0.000000e+00 : f32
    %broadcast_in_dim3A = vector.broadcast %jit3A : f32 to vector<128x12xf32>
    %broadcast_in_dim3A_7 = vector.broadcast %jit3A_6 : f32 to vector<128x12xf32>
    %select_n3A = arith.select %eq3A, %broadcast_in_dim3A, %broadcast_in_dim3A_7 : vector<128x12xi1>, vector<128x12xf32>
    %iota3A_8 = tpu.iota {dimensions = array<i32: 0>} : vector<44x12xi32>
    %iota3A_9 = tpu.iota {dimensions = array<i32: 1>} : vector<44x12xi32>
    %jit3A_10 = arith.constant 3 : i32
    %eq3A_11 = arith.constant 0 : i32
    %eq3A_12 = arith.cmpi eq, %jit3A_10, %eq3A_11 : i32
    %jit3A_13 = arith.constant 1 : i32
    %select_n3A_14 = arith.select %eq3A_12, %jit3A_13, %jit3A_10 : i32
    %rem3A = vector.broadcast %select_n3A_14 : i32 to vector<44x12xi32>
    %rem3A_15 = arith.remsi %iota3A_9, %rem3A : vector<44x12xi32>
    %ne3A = arith.constant 0 : i32
    %ne3A_16 = vector.broadcast %ne3A : i32 to vector<44x12xi32>
    %ne3A_17 = arith.cmpi ne, %rem3A_15, %ne3A_16 : vector<44x12xi32>
    %lt3A = arith.constant 0 : i32
    %lt3A_18 = vector.broadcast %lt3A : i32 to vector<44x12xi32>
    %lt3A_19 = arith.cmpi slt, %rem3A_15, %lt3A_18 : vector<44x12xi32>
    %lt3A_20 = arith.constant 0 : i32
    %lt3A_21 = arith.cmpi slt, %select_n3A_14, %lt3A_20 : i32
    %ne3A_22 = vector.broadcast %lt3A_21 : i1 to vector<44x12xi1>
    %ne3A_23 = vector.broadcast %ne3A_22 : vector<44x12xi1> to vector<44x12xi1>
    %ne3A_24 = arith.xori %lt3A_19, %ne3A_23 : vector<44x12xi1>
    %and3A = arith.andi %ne3A_24, %ne3A_17 : vector<44x12xi1>
    %add3A = vector.broadcast %select_n3A_14 : i32 to vector<44x12xi32>
    %add3A_25 = arith.addi %rem3A_15, %add3A : vector<44x12xi32>
    %select_n3A_26 = arith.select %and3A, %add3A_25, %rem3A_15 : vector<44x12xi1>, vector<44x12xi32>
    %add3A_27 = arith.constant 29 : i32
    %add3A_28 = vector.broadcast %add3A_27 : i32 to vector<44x12xi32>
    %add3A_29 = arith.addi %add3A_28, %select_n3A_26 : vector<44x12xi32>
    %eq3A_30 = arith.cmpi eq, %iota3A_8, %add3A_29 : vector<44x12xi32>
    %jit3A_31 = arith.constant 1.000000e+00 : f32
    %jit3A_32 = arith.constant 0.000000e+00 : f32
    %broadcast_in_dim3A_33 = vector.broadcast %jit3A_31 : f32 to vector<44x12xf32>
    %broadcast_in_dim3A_34 = vector.broadcast %jit3A_32 : f32 to vector<44x12xf32>
    %select_n3A_35 = arith.select %eq3A_30, %broadcast_in_dim3A_33, %broadcast_in_dim3A_34 : vector<44x12xi1>, vector<44x12xf32>
    %dot_general3A = arith.constant dense<0.000000e+00> : vector<512x12xf32>
    %dot_general3A_36 = tpu.matmul %get3A_1, %select_n3A, %dot_general3A {dimension_numbers = #tpu.dot_dimension_numbers<[1], [0], [0], [1], [0, 0, 1, 1], [], []>, precision = #tpu.contract_precision<fp32>, transpose_lhs_hint = false} : vector<512x128xf32>, vector<128x12xf32>, vector<512x12xf32> -> vector<512x12xf32>
    %dot_general3A_37 = arith.constant dense<0.000000e+00> : vector<512x12xf32>
    %dot_general3A_38 = tpu.matmul %get3A_4, %select_n3A_35, %dot_general3A_37 {dimension_numbers = #tpu.dot_dimension_numbers<[1], [0], [0], [1], [0, 0, 1, 1], [], []>, precision = #tpu.contract_precision<fp32>, transpose_lhs_hint = false} : vector<512x44xf32>, vector<44x12xf32>, vector<512x12xf32> -> vector<512x12xf32>
    %sub3A = arith.subf %dot_general3A_36, %dot_general3A_38 : vector<512x12xf32>
    %broadcast_in_dim3A_39 = arith.constant 0.000000e+00 : f32
    %broadcast_in_dim3A_40 = vector.broadcast %broadcast_in_dim3A_39 : f32 to vector<512x12xf32>
    %iota3A_41 = tpu.iota {dimensions = array<i32: 0>} : vector<44x12xi32>
    %iota3A_42 = tpu.iota {dimensions = array<i32: 1>} : vector<44x12xi32>
    %jit3A_43 = arith.constant 3 : i32
    %eq3A_44 = arith.constant 0 : i32
    %eq3A_45 = arith.cmpi eq, %jit3A_43, %eq3A_44 : i32
    %jit3A_46 = arith.constant 1 : i32
    %select_n3A_47 = arith.select %eq3A_45, %jit3A_46, %jit3A_43 : i32
    %rem3A_48 = vector.broadcast %select_n3A_47 : i32 to vector<44x12xi32>
    %rem3A_49 = arith.remsi %iota3A_42, %rem3A_48 : vector<44x12xi32>
    %ne3A_50 = arith.constant 0 : i32
    %ne3A_51 = vector.broadcast %ne3A_50 : i32 to vector<44x12xi32>
    %ne3A_52 = arith.cmpi ne, %rem3A_49, %ne3A_51 : vector<44x12xi32>
    %lt3A_53 = arith.constant 0 : i32
    %lt3A_54 = vector.broadcast %lt3A_53 : i32 to vector<44x12xi32>
    %lt3A_55 = arith.cmpi slt, %rem3A_49, %lt3A_54 : vector<44x12xi32>
    %lt3A_56 = arith.constant 0 : i32
    %lt3A_57 = arith.cmpi slt, %select_n3A_47, %lt3A_56 : i32
    %ne3A_58 = vector.broadcast %lt3A_57 : i1 to vector<44x12xi1>
    %ne3A_59 = vector.broadcast %ne3A_58 : vector<44x12xi1> to vector<44x12xi1>
    %ne3A_60 = arith.xori %lt3A_55, %ne3A_59 : vector<44x12xi1>
    %and3A_61 = arith.andi %ne3A_60, %ne3A_52 : vector<44x12xi1>
    %add3A_62 = vector.broadcast %select_n3A_47 : i32 to vector<44x12xi32>
    %add3A_63 = arith.addi %rem3A_49, %add3A_62 : vector<44x12xi32>
    %select_n3A_64 = arith.select %and3A_61, %add3A_63, %rem3A_49 : vector<44x12xi1>, vector<44x12xi32>
    %mul3A = arith.constant 3 : i32
    %mul3A_65 = vector.broadcast %mul3A : i32 to vector<44x12xi32>
    %mul3A_66 = arith.muli %mul3A_65, %select_n3A_64 : vector<44x12xi32>
    %add3A_67 = arith.constant 20 : i32
    %add3A_68 = vector.broadcast %add3A_67 : i32 to vector<44x12xi32>
    %add3A_69 = arith.addi %add3A_68, %mul3A_66 : vector<44x12xi32>
    %add3A_70 = arith.constant 0 : i32
    %add3A_71 = vector.broadcast %add3A_70 : i32 to vector<44x12xi32>
    %add3A_72 = arith.addi %add3A_69, %add3A_71 : vector<44x12xi32>
    %eq3A_73 = arith.cmpi eq, %iota3A_41, %add3A_72 : vector<44x12xi32>
    %jit3A_74 = arith.constant 1.000000e+00 : f32
    %jit3A_75 = arith.constant 0.000000e+00 : f32
    %broadcast_in_dim3A_76 = vector.broadcast %jit3A_74 : f32 to vector<44x12xf32>
    %broadcast_in_dim3A_77 = vector.broadcast %jit3A_75 : f32 to vector<44x12xf32>
    %select_n3A_78 = arith.select %eq3A_73, %broadcast_in_dim3A_76, %broadcast_in_dim3A_77 : vector<44x12xi1>, vector<44x12xf32>
    %iota3A_79 = tpu.iota {dimensions = array<i32: 0>} : vector<12x12xi32>
    %iota3A_80 = tpu.iota {dimensions = array<i32: 1>} : vector<12x12xi32>
    %jit3A_81 = arith.constant 3 : i32
    %div3A = vector.broadcast %jit3A_81 : i32 to vector<12x12xi32>
    %div3A_82 = arith.divsi %iota3A_80, %div3A : vector<12x12xi32>
    %sign3A = arith.constant 0 : i32
    %sign3A_83 = vector.broadcast %sign3A : i32 to vector<12x12xi32>
    %sign3A_84 = arith.cmpi sgt, %iota3A_80, %sign3A_83 : vector<12x12xi32>
    %sign3A_85 = arith.extui %sign3A_84 : vector<12x12xi1> to vector<12x12xi32>
    %sign3A_86 = arith.constant 0 : i32
    %sign3A_87 = vector.broadcast %sign3A_86 : i32 to vector<12x12xi32>
    %sign3A_88 = arith.cmpi slt, %iota3A_80, %sign3A_87 : vector<12x12xi32>
    %sign3A_89 = arith.extui %sign3A_88 : vector<12x12xi1> to vector<12x12xi32>
    %sign3A_90 = arith.subi %sign3A_85, %sign3A_89 : vector<12x12xi32>
    %sign3A_91 = arith.constant 0 : i32
    %sign3A_92 = arith.cmpi sgt, %jit3A_81, %sign3A_91 : i32
    %sign3A_93 = arith.extui %sign3A_92 : i1 to i32
    %sign3A_94 = arith.constant 0 : i32
    %sign3A_95 = arith.cmpi slt, %jit3A_81, %sign3A_94 : i32
    %sign3A_96 = arith.extui %sign3A_95 : i1 to i32
    %sign3A_97 = arith.subi %sign3A_93, %sign3A_96 : i32
    %ne3A_98 = vector.broadcast %sign3A_97 : i32 to vector<12x12xi32>
    %ne3A_99 = arith.cmpi ne, %sign3A_90, %ne3A_98 : vector<12x12xi32>
    %rem3A_100 = vector.broadcast %jit3A_81 : i32 to vector<12x12xi32>
    %rem3A_101 = arith.remsi %iota3A_80, %rem3A_100 : vector<12x12xi32>
    %ne3A_102 = arith.constant 0 : i32
    %ne3A_103 = vector.broadcast %ne3A_102 : i32 to vector<12x12xi32>
    %ne3A_104 = arith.cmpi ne, %rem3A_101, %ne3A_103 : vector<12x12xi32>
    %and3A_105 = arith.andi %ne3A_99, %ne3A_104 : vector<12x12xi1>
    %sub3A_106 = arith.constant 1 : i32
    %sub3A_107 = vector.broadcast %sub3A_106 : i32 to vector<12x12xi32>
    %sub3A_108 = arith.subi %div3A_82, %sub3A_107 : vector<12x12xi32>
    %select_n3A_109 = arith.select %and3A_105, %sub3A_108, %div3A_82 : vector<12x12xi1>, vector<12x12xi32>
    %mul3A_110 = arith.constant 3 : i32
    %mul3A_111 = vector.broadcast %mul3A_110 : i32 to vector<12x12xi32>
    %mul3A_112 = arith.muli %mul3A_111, %select_n3A_109 : vector<12x12xi32>
    %add3A_113 = arith.constant 0 : i32
    %add3A_114 = vector.broadcast %add3A_113 : i32 to vector<12x12xi32>
    %add3A_115 = arith.addi %mul3A_112, %add3A_114 : vector<12x12xi32>
    %eq3A_116 = arith.cmpi eq, %iota3A_79, %add3A_115 : vector<12x12xi32>
    %jit3A_117 = arith.constant 1.000000e+00 : f32
    %jit3A_118 = arith.constant 0.000000e+00 : f32
    %broadcast_in_dim3A_119 = vector.broadcast %jit3A_117 : f32 to vector<12x12xf32>
    %broadcast_in_dim3A_120 = vector.broadcast %jit3A_118 : f32 to vector<12x12xf32>
    %select_n3A_121 = arith.select %eq3A_116, %broadcast_in_dim3A_119, %broadcast_in_dim3A_120 : vector<12x12xi1>, vector<12x12xf32>
    %dot_general3A_122 = arith.constant dense<0.000000e+00> : vector<512x12xf32>
    %dot_general3A_123 = tpu.matmul %get3A_4, %select_n3A_78, %dot_general3A_122 {dimension_numbers = #tpu.dot_dimension_numbers<[1], [0], [0], [1], [0, 0, 1, 1], [], []>, precision = #tpu.contract_precision<fp32>, transpose_lhs_hint = false} : vector<512x44xf32>, vector<44x12xf32>, vector<512x12xf32> -> vector<512x12xf32>
    %dot_general3A_124 = arith.constant dense<0.000000e+00> : vector<512x12xf32>
    %dot_general3A_125 = tpu.matmul %sub3A, %select_n3A_121, %dot_general3A_124 {dimension_numbers = #tpu.dot_dimension_numbers<[1], [0], [0], [1], [0, 0, 1, 1], [], []>, precision = #tpu.contract_precision<fp32>, transpose_lhs_hint = false} : vector<512x12xf32>, vector<12x12xf32>, vector<512x12xf32> -> vector<512x12xf32>
    %mul3A_126 = arith.mulf %dot_general3A_123, %dot_general3A_125 : vector<512x12xf32>
    %add3A_127 = arith.addf %broadcast_in_dim3A_40, %mul3A_126 : vector<512x12xf32>
    %iota3A_128 = tpu.iota {dimensions = array<i32: 0>} : vector<44x12xi32>
    %iota3A_129 = tpu.iota {dimensions = array<i32: 1>} : vector<44x12xi32>
    %jit3A_130 = arith.constant 3 : i32
    %eq3A_131 = arith.constant 0 : i32
    %eq3A_132 = arith.cmpi eq, %jit3A_130, %eq3A_131 : i32
    %jit3A_133 = arith.constant 1 : i32
    %select_n3A_134 = arith.select %eq3A_132, %jit3A_133, %jit3A_130 : i32
    %rem3A_135 = vector.broadcast %select_n3A_134 : i32 to vector<44x12xi32>
    %rem3A_136 = arith.remsi %iota3A_129, %rem3A_135 : vector<44x12xi32>
    %ne3A_137 = arith.constant 0 : i32
    %ne3A_138 = vector.broadcast %ne3A_137 : i32 to vector<44x12xi32>
    %ne3A_139 = arith.cmpi ne, %rem3A_136, %ne3A_138 : vector<44x12xi32>
    %lt3A_140 = arith.constant 0 : i32
    %lt3A_141 = vector.broadcast %lt3A_140 : i32 to vector<44x12xi32>
    %lt3A_142 = arith.cmpi slt, %rem3A_136, %lt3A_141 : vector<44x12xi32>
    %lt3A_143 = arith.constant 0 : i32
    %lt3A_144 = arith.cmpi slt, %select_n3A_134, %lt3A_143 : i32
    %ne3A_145 = vector.broadcast %lt3A_144 : i1 to vector<44x12xi1>
    %ne3A_146 = vector.broadcast %ne3A_145 : vector<44x12xi1> to vector<44x12xi1>
    %ne3A_147 = arith.xori %lt3A_142, %ne3A_146 : vector<44x12xi1>
    %and3A_148 = arith.andi %ne3A_147, %ne3A_139 : vector<44x12xi1>
    %add3A_149 = vector.broadcast %select_n3A_134 : i32 to vector<44x12xi32>
    %add3A_150 = arith.addi %rem3A_136, %add3A_149 : vector<44x12xi32>
    %select_n3A_151 = arith.select %and3A_148, %add3A_150, %rem3A_136 : vector<44x12xi1>, vector<44x12xi32>
    %mul3A_152 = arith.constant 3 : i32
    %mul3A_153 = vector.broadcast %mul3A_152 : i32 to vector<44x12xi32>
    %mul3A_154 = arith.muli %mul3A_153, %select_n3A_151 : vector<44x12xi32>
    %add3A_155 = arith.constant 20 : i32
    %add3A_156 = vector.broadcast %add3A_155 : i32 to vector<44x12xi32>
    %add3A_157 = arith.addi %add3A_156, %mul3A_154 : vector<44x12xi32>
    %add3A_158 = arith.constant 1 : i32
    %add3A_159 = vector.broadcast %add3A_158 : i32 to vector<44x12xi32>
    %add3A_160 = arith.addi %add3A_157, %add3A_159 : vector<44x12xi32>
    %eq3A_161 = arith.cmpi eq, %iota3A_128, %add3A_160 : vector<44x12xi32>
    %jit3A_162 = arith.constant 1.000000e+00 : f32
    %jit3A_163 = arith.constant 0.000000e+00 : f32
    %broadcast_in_dim3A_164 = vector.broadcast %jit3A_162 : f32 to vector<44x12xf32>
    %broadcast_in_dim3A_165 = vector.broadcast %jit3A_163 : f32 to vector<44x12xf32>
    %select_n3A_166 = arith.select %eq3A_161, %broadcast_in_dim3A_164, %broadcast_in_dim3A_165 : vector<44x12xi1>, vector<44x12xf32>
    %iota3A_167 = tpu.iota {dimensions = array<i32: 0>} : vector<12x12xi32>
    %iota3A_168 = tpu.iota {dimensions = array<i32: 1>} : vector<12x12xi32>
    %jit3A_169 = arith.constant 3 : i32
    %div3A_170 = vector.broadcast %jit3A_169 : i32 to vector<12x12xi32>
    %div3A_171 = arith.divsi %iota3A_168, %div3A_170 : vector<12x12xi32>
    %sign3A_172 = arith.constant 0 : i32
    %sign3A_173 = vector.broadcast %sign3A_172 : i32 to vector<12x12xi32>
    %sign3A_174 = arith.cmpi sgt, %iota3A_168, %sign3A_173 : vector<12x12xi32>
    %sign3A_175 = arith.extui %sign3A_174 : vector<12x12xi1> to vector<12x12xi32>
    %sign3A_176 = arith.constant 0 : i32
    %sign3A_177 = vector.broadcast %sign3A_176 : i32 to vector<12x12xi32>
    %sign3A_178 = arith.cmpi slt, %iota3A_168, %sign3A_177 : vector<12x12xi32>
    %sign3A_179 = arith.extui %sign3A_178 : vector<12x12xi1> to vector<12x12xi32>
    %sign3A_180 = arith.subi %sign3A_175, %sign3A_179 : vector<12x12xi32>
    %sign3A_181 = arith.constant 0 : i32
    %sign3A_182 = arith.cmpi sgt, %jit3A_169, %sign3A_181 : i32
    %sign3A_183 = arith.extui %sign3A_182 : i1 to i32
    %sign3A_184 = arith.constant 0 : i32
    %sign3A_185 = arith.cmpi slt, %jit3A_169, %sign3A_184 : i32
    %sign3A_186 = arith.extui %sign3A_185 : i1 to i32
    %sign3A_187 = arith.subi %sign3A_183, %sign3A_186 : i32
    %ne3A_188 = vector.broadcast %sign3A_187 : i32 to vector<12x12xi32>
    %ne3A_189 = arith.cmpi ne, %sign3A_180, %ne3A_188 : vector<12x12xi32>
    %rem3A_190 = vector.broadcast %jit3A_169 : i32 to vector<12x12xi32>
    %rem3A_191 = arith.remsi %iota3A_168, %rem3A_190 : vector<12x12xi32>
    %ne3A_192 = arith.constant 0 : i32
    %ne3A_193 = vector.broadcast %ne3A_192 : i32 to vector<12x12xi32>
    %ne3A_194 = arith.cmpi ne, %rem3A_191, %ne3A_193 : vector<12x12xi32>
    %and3A_195 = arith.andi %ne3A_189, %ne3A_194 : vector<12x12xi1>
    %sub3A_196 = arith.constant 1 : i32
    %sub3A_197 = vector.broadcast %sub3A_196 : i32 to vector<12x12xi32>
    %sub3A_198 = arith.subi %div3A_171, %sub3A_197 : vector<12x12xi32>
    %select_n3A_199 = arith.select %and3A_195, %sub3A_198, %div3A_171 : vector<12x12xi1>, vector<12x12xi32>
    %mul3A_200 = arith.constant 3 : i32
    %mul3A_201 = vector.broadcast %mul3A_200 : i32 to vector<12x12xi32>
    %mul3A_202 = arith.muli %mul3A_201, %select_n3A_199 : vector<12x12xi32>
    %add3A_203 = arith.constant 1 : i32
    %add3A_204 = vector.broadcast %add3A_203 : i32 to vector<12x12xi32>
    %add3A_205 = arith.addi %mul3A_202, %add3A_204 : vector<12x12xi32>
    %eq3A_206 = arith.cmpi eq, %iota3A_167, %add3A_205 : vector<12x12xi32>
    %jit3A_207 = arith.constant 1.000000e+00 : f32
    %jit3A_208 = arith.constant 0.000000e+00 : f32
    %broadcast_in_dim3A_209 = vector.broadcast %jit3A_207 : f32 to vector<12x12xf32>
    %broadcast_in_dim3A_210 = vector.broadcast %jit3A_208 : f32 to vector<12x12xf32>
    %select_n3A_211 = arith.select %eq3A_206, %broadcast_in_dim3A_209, %broadcast_in_dim3A_210 : vector<12x12xi1>, vector<12x12xf32>
    %dot_general3A_212 = arith.constant dense<0.000000e+00> : vector<512x12xf32>
    %dot_general3A_213 = tpu.matmul %get3A_4, %select_n3A_166, %dot_general3A_212 {dimension_numbers = #tpu.dot_dimension_numbers<[1], [0], [0], [1], [0, 0, 1, 1], [], []>, precision = #tpu.contract_precision<fp32>, transpose_lhs_hint = false} : vector<512x44xf32>, vector<44x12xf32>, vector<512x12xf32> -> vector<512x12xf32>
    %dot_general3A_214 = arith.constant dense<0.000000e+00> : vector<512x12xf32>
    %dot_general3A_215 = tpu.matmul %sub3A, %select_n3A_211, %dot_general3A_214 {dimension_numbers = #tpu.dot_dimension_numbers<[1], [0], [0], [1], [0, 0, 1, 1], [], []>, precision = #tpu.contract_precision<fp32>, transpose_lhs_hint = false} : vector<512x12xf32>, vector<12x12xf32>, vector<512x12xf32> -> vector<512x12xf32>
    %mul3A_216 = arith.mulf %dot_general3A_213, %dot_general3A_215 : vector<512x12xf32>
    %add3A_217 = arith.addf %add3A_127, %mul3A_216 : vector<512x12xf32>
    %iota3A_218 = tpu.iota {dimensions = array<i32: 0>} : vector<44x12xi32>
    %iota3A_219 = tpu.iota {dimensions = array<i32: 1>} : vector<44x12xi32>
    %jit3A_220 = arith.constant 3 : i32
    %eq3A_221 = arith.constant 0 : i32
    %eq3A_222 = arith.cmpi eq, %jit3A_220, %eq3A_221 : i32
    %jit3A_223 = arith.constant 1 : i32
    %select_n3A_224 = arith.select %eq3A_222, %jit3A_223, %jit3A_220 : i32
    %rem3A_225 = vector.broadcast %select_n3A_224 : i32 to vector<44x12xi32>
    %rem3A_226 = arith.remsi %iota3A_219, %rem3A_225 : vector<44x12xi32>
    %ne3A_227 = arith.constant 0 : i32
    %ne3A_228 = vector.broadcast %ne3A_227 : i32 to vector<44x12xi32>
    %ne3A_229 = arith.cmpi ne, %rem3A_226, %ne3A_228 : vector<44x12xi32>
    %lt3A_230 = arith.constant 0 : i32
    %lt3A_231 = vector.broadcast %lt3A_230 : i32 to vector<44x12xi32>
    %lt3A_232 = arith.cmpi slt, %rem3A_226, %lt3A_231 : vector<44x12xi32>
    %lt3A_233 = arith.constant 0 : i32
    %lt3A_234 = arith.cmpi slt, %select_n3A_224, %lt3A_233 : i32
    %ne3A_235 = vector.broadcast %lt3A_234 : i1 to vector<44x12xi1>
    %ne3A_236 = vector.broadcast %ne3A_235 : vector<44x12xi1> to vector<44x12xi1>
    %ne3A_237 = arith.xori %lt3A_232, %ne3A_236 : vector<44x12xi1>
    %and3A_238 = arith.andi %ne3A_237, %ne3A_229 : vector<44x12xi1>
    %add3A_239 = vector.broadcast %select_n3A_224 : i32 to vector<44x12xi32>
    %add3A_240 = arith.addi %rem3A_226, %add3A_239 : vector<44x12xi32>
    %select_n3A_241 = arith.select %and3A_238, %add3A_240, %rem3A_226 : vector<44x12xi1>, vector<44x12xi32>
    %mul3A_242 = arith.constant 3 : i32
    %mul3A_243 = vector.broadcast %mul3A_242 : i32 to vector<44x12xi32>
    %mul3A_244 = arith.muli %mul3A_243, %select_n3A_241 : vector<44x12xi32>
    %add3A_245 = arith.constant 20 : i32
    %add3A_246 = vector.broadcast %add3A_245 : i32 to vector<44x12xi32>
    %add3A_247 = arith.addi %add3A_246, %mul3A_244 : vector<44x12xi32>
    %add3A_248 = arith.constant 2 : i32
    %add3A_249 = vector.broadcast %add3A_248 : i32 to vector<44x12xi32>
    %add3A_250 = arith.addi %add3A_247, %add3A_249 : vector<44x12xi32>
    %eq3A_251 = arith.cmpi eq, %iota3A_218, %add3A_250 : vector<44x12xi32>
    %jit3A_252 = arith.constant 1.000000e+00 : f32
    %jit3A_253 = arith.constant 0.000000e+00 : f32
    %broadcast_in_dim3A_254 = vector.broadcast %jit3A_252 : f32 to vector<44x12xf32>
    %broadcast_in_dim3A_255 = vector.broadcast %jit3A_253 : f32 to vector<44x12xf32>
    %select_n3A_256 = arith.select %eq3A_251, %broadcast_in_dim3A_254, %broadcast_in_dim3A_255 : vector<44x12xi1>, vector<44x12xf32>
    %iota3A_257 = tpu.iota {dimensions = array<i32: 0>} : vector<12x12xi32>
    %iota3A_258 = tpu.iota {dimensions = array<i32: 1>} : vector<12x12xi32>
    %jit3A_259 = arith.constant 3 : i32
    %div3A_260 = vector.broadcast %jit3A_259 : i32 to vector<12x12xi32>
    %div3A_261 = arith.divsi %iota3A_258, %div3A_260 : vector<12x12xi32>
    %sign3A_262 = arith.constant 0 : i32
    %sign3A_263 = vector.broadcast %sign3A_262 : i32 to vector<12x12xi32>
    %sign3A_264 = arith.cmpi sgt, %iota3A_258, %sign3A_263 : vector<12x12xi32>
    %sign3A_265 = arith.extui %sign3A_264 : vector<12x12xi1> to vector<12x12xi32>
    %sign3A_266 = arith.constant 0 : i32
    %sign3A_267 = vector.broadcast %sign3A_266 : i32 to vector<12x12xi32>
    %sign3A_268 = arith.cmpi slt, %iota3A_258, %sign3A_267 : vector<12x12xi32>
    %sign3A_269 = arith.extui %sign3A_268 : vector<12x12xi1> to vector<12x12xi32>
    %sign3A_270 = arith.subi %sign3A_265, %sign3A_269 : vector<12x12xi32>
    %sign3A_271 = arith.constant 0 : i32
    %sign3A_272 = arith.cmpi sgt, %jit3A_259, %sign3A_271 : i32
    %sign3A_273 = arith.extui %sign3A_272 : i1 to i32
    %sign3A_274 = arith.constant 0 : i32
    %sign3A_275 = arith.cmpi slt, %jit3A_259, %sign3A_274 : i32
    %sign3A_276 = arith.extui %sign3A_275 : i1 to i32
    %sign3A_277 = arith.subi %sign3A_273, %sign3A_276 : i32
    %ne3A_278 = vector.broadcast %sign3A_277 : i32 to vector<12x12xi32>
    %ne3A_279 = arith.cmpi ne, %sign3A_270, %ne3A_278 : vector<12x12xi32>
    %rem3A_280 = vector.broadcast %jit3A_259 : i32 to vector<12x12xi32>
    %rem3A_281 = arith.remsi %iota3A_258, %rem3A_280 : vector<12x12xi32>
    %ne3A_282 = arith.constant 0 : i32
    %ne3A_283 = vector.broadcast %ne3A_282 : i32 to vector<12x12xi32>
    %ne3A_284 = arith.cmpi ne, %rem3A_281, %ne3A_283 : vector<12x12xi32>
    %and3A_285 = arith.andi %ne3A_279, %ne3A_284 : vector<12x12xi1>
    %sub3A_286 = arith.constant 1 : i32
    %sub3A_287 = vector.broadcast %sub3A_286 : i32 to vector<12x12xi32>
    %sub3A_288 = arith.subi %div3A_261, %sub3A_287 : vector<12x12xi32>
    %select_n3A_289 = arith.select %and3A_285, %sub3A_288, %div3A_261 : vector<12x12xi1>, vector<12x12xi32>
    %mul3A_290 = arith.constant 3 : i32
    %mul3A_291 = vector.broadcast %mul3A_290 : i32 to vector<12x12xi32>
    %mul3A_292 = arith.muli %mul3A_291, %select_n3A_289 : vector<12x12xi32>
    %add3A_293 = arith.constant 2 : i32
    %add3A_294 = vector.broadcast %add3A_293 : i32 to vector<12x12xi32>
    %add3A_295 = arith.addi %mul3A_292, %add3A_294 : vector<12x12xi32>
    %eq3A_296 = arith.cmpi eq, %iota3A_257, %add3A_295 : vector<12x12xi32>
    %jit3A_297 = arith.constant 1.000000e+00 : f32
    %jit3A_298 = arith.constant 0.000000e+00 : f32
    %broadcast_in_dim3A_299 = vector.broadcast %jit3A_297 : f32 to vector<12x12xf32>
    %broadcast_in_dim3A_300 = vector.broadcast %jit3A_298 : f32 to vector<12x12xf32>
    %select_n3A_301 = arith.select %eq3A_296, %broadcast_in_dim3A_299, %broadcast_in_dim3A_300 : vector<12x12xi1>, vector<12x12xf32>
    %dot_general3A_302 = arith.constant dense<0.000000e+00> : vector<512x12xf32>
    %dot_general3A_303 = tpu.matmul %get3A_4, %select_n3A_256, %dot_general3A_302 {dimension_numbers = #tpu.dot_dimension_numbers<[1], [0], [0], [1], [0, 0, 1, 1], [], []>, precision = #tpu.contract_precision<fp32>, transpose_lhs_hint = false} : vector<512x44xf32>, vector<44x12xf32>, vector<512x12xf32> -> vector<512x12xf32>
    %dot_general3A_304 = arith.constant dense<0.000000e+00> : vector<512x12xf32>
    %dot_general3A_305 = tpu.matmul %sub3A, %select_n3A_301, %dot_general3A_304 {dimension_numbers = #tpu.dot_dimension_numbers<[1], [0], [0], [1], [0, 0, 1, 1], [], []>, precision = #tpu.contract_precision<fp32>, transpose_lhs_hint = false} : vector<512x12xf32>, vector<12x12xf32>, vector<512x12xf32> -> vector<512x12xf32>
    %mul3A_306 = arith.mulf %dot_general3A_303, %dot_general3A_305 : vector<512x12xf32>
    %add3A_307 = arith.addf %add3A_217, %mul3A_306 : vector<512x12xf32>
    %iota3A_308 = tpu.iota {dimensions = array<i32: 0>} : vector<44x64xi32>
    %iota3A_309 = tpu.iota {dimensions = array<i32: 1>} : vector<44x64xi32>
    %lt3A_310 = arith.constant 20 : i32
    %lt3A_311 = vector.broadcast %lt3A_310 : i32 to vector<44x64xi32>
    %lt3A_312 = arith.cmpi slt, %iota3A_309, %lt3A_311 : vector<44x64xi32>
    %eq3A_313 = arith.cmpi eq, %iota3A_308, %iota3A_309 : vector<44x64xi32>
    %and3A_314 = arith.andi %lt3A_312, %eq3A_313 : vector<44x64xi1>
    %jit3A_315 = arith.constant 1.000000e+00 : f32
    %jit3A_316 = arith.constant 0.000000e+00 : f32
    %broadcast_in_dim3A_317 = vector.broadcast %jit3A_315 : f32 to vector<44x64xf32>
    %broadcast_in_dim3A_318 = vector.broadcast %jit3A_316 : f32 to vector<44x64xf32>
    %select_n3A_319 = arith.select %and3A_314, %broadcast_in_dim3A_317, %broadcast_in_dim3A_318 : vector<44x64xi1>, vector<44x64xf32>
    %iota3A_320 = tpu.iota {dimensions = array<i32: 0>} : vector<128x64xi32>
    %iota3A_321 = tpu.iota {dimensions = array<i32: 1>} : vector<128x64xi32>
    %ge3A = arith.constant 20 : i32
    %ge3A_322 = vector.broadcast %ge3A : i32 to vector<128x64xi32>
    %ge3A_323 = arith.cmpi sge, %iota3A_321, %ge3A_322 : vector<128x64xi32>
    %lt3A_324 = arith.constant 40 : i32
    %lt3A_325 = vector.broadcast %lt3A_324 : i32 to vector<128x64xi32>
    %lt3A_326 = arith.cmpi slt, %iota3A_321, %lt3A_325 : vector<128x64xi32>
    %and3A_327 = arith.andi %ge3A_323, %lt3A_326 : vector<128x64xi1>
    %sub3A_328 = arith.constant 8 : i32
    %sub3A_329 = vector.broadcast %sub3A_328 : i32 to vector<128x64xi32>
    %sub3A_330 = arith.subi %iota3A_321, %sub3A_329 : vector<128x64xi32>
    %eq3A_331 = arith.cmpi eq, %iota3A_320, %sub3A_330 : vector<128x64xi32>
    %and3A_332 = arith.andi %and3A_327, %eq3A_331 : vector<128x64xi1>
    %jit3A_333 = arith.constant 1.000000e+00 : f32
    %jit3A_334 = arith.constant 0.000000e+00 : f32
    %broadcast_in_dim3A_335 = vector.broadcast %jit3A_333 : f32 to vector<128x64xf32>
    %broadcast_in_dim3A_336 = vector.broadcast %jit3A_334 : f32 to vector<128x64xf32>
    %select_n3A_337 = arith.select %and3A_332, %broadcast_in_dim3A_335, %broadcast_in_dim3A_336 : vector<128x64xi1>, vector<128x64xf32>
    %iota3A_338 = tpu.iota {dimensions = array<i32: 0>} : vector<12x64xi32>
    %iota3A_339 = tpu.iota {dimensions = array<i32: 1>} : vector<12x64xi32>
    %ge3A_340 = arith.constant 40 : i32
    %ge3A_341 = vector.broadcast %ge3A_340 : i32 to vector<12x64xi32>
    %ge3A_342 = arith.cmpi sge, %iota3A_339, %ge3A_341 : vector<12x64xi32>
    %lt3A_343 = arith.constant 52 : i32
    %lt3A_344 = vector.broadcast %lt3A_343 : i32 to vector<12x64xi32>
    %lt3A_345 = arith.cmpi slt, %iota3A_339, %lt3A_344 : vector<12x64xi32>
    %and3A_346 = arith.andi %ge3A_342, %lt3A_345 : vector<12x64xi1>
    %sub3A_347 = arith.constant 40 : i32
    %sub3A_348 = vector.broadcast %sub3A_347 : i32 to vector<12x64xi32>
    %sub3A_349 = arith.subi %iota3A_339, %sub3A_348 : vector<12x64xi32>
    %eq3A_350 = arith.cmpi eq, %iota3A_338, %sub3A_349 : vector<12x64xi32>
    %and3A_351 = arith.andi %and3A_346, %eq3A_350 : vector<12x64xi1>
    %jit3A_352 = arith.constant 1.000000e+00 : f32
    %jit3A_353 = arith.constant 0.000000e+00 : f32
    %broadcast_in_dim3A_354 = vector.broadcast %jit3A_352 : f32 to vector<12x64xf32>
    %broadcast_in_dim3A_355 = vector.broadcast %jit3A_353 : f32 to vector<12x64xf32>
    %select_n3A_356 = arith.select %and3A_351, %broadcast_in_dim3A_354, %broadcast_in_dim3A_355 : vector<12x64xi1>, vector<12x64xf32>
    %iota3A_357 = tpu.iota {dimensions = array<i32: 0>} : vector<44x64xi32>
    %iota3A_358 = tpu.iota {dimensions = array<i32: 1>} : vector<44x64xi32>
    %ge3A_359 = arith.constant 52 : i32
    %ge3A_360 = vector.broadcast %ge3A_359 : i32 to vector<44x64xi32>
    %ge3A_361 = arith.cmpi sge, %iota3A_358, %ge3A_360 : vector<44x64xi32>
    %sub3A_362 = arith.constant 20 : i32
    %sub3A_363 = vector.broadcast %sub3A_362 : i32 to vector<44x64xi32>
    %sub3A_364 = arith.subi %iota3A_358, %sub3A_363 : vector<44x64xi32>
    %eq3A_365 = arith.cmpi eq, %iota3A_357, %sub3A_364 : vector<44x64xi32>
    %and3A_366 = arith.andi %ge3A_361, %eq3A_365 : vector<44x64xi1>
    %jit3A_367 = arith.constant 1.000000e+00 : f32
    %jit3A_368 = arith.constant 0.000000e+00 : f32
    %broadcast_in_dim3A_369 = vector.broadcast %jit3A_367 : f32 to vector<44x64xf32>
    %broadcast_in_dim3A_370 = vector.broadcast %jit3A_368 : f32 to vector<44x64xf32>
    %select_n3A_371 = arith.select %and3A_366, %broadcast_in_dim3A_369, %broadcast_in_dim3A_370 : vector<44x64xi1>, vector<44x64xf32>
    %dot_general3A_372 = arith.constant dense<0.000000e+00> : vector<512x64xf32>
    %dot_general3A_373 = tpu.matmul %get3A_4, %select_n3A_319, %dot_general3A_372 {dimension_numbers = #tpu.dot_dimension_numbers<[1], [0], [0], [1], [0, 0, 1, 1], [], []>, precision = #tpu.contract_precision<fp32>, transpose_lhs_hint = false} : vector<512x44xf32>, vector<44x64xf32>, vector<512x64xf32> -> vector<512x64xf32>
    %dot_general3A_374 = arith.constant dense<0.000000e+00> : vector<512x64xf32>
    %dot_general3A_375 = tpu.matmul %get3A_1, %select_n3A_337, %dot_general3A_374 {dimension_numbers = #tpu.dot_dimension_numbers<[1], [0], [0], [1], [0, 0, 1, 1], [], []>, precision = #tpu.contract_precision<fp32>, transpose_lhs_hint = false} : vector<512x128xf32>, vector<128x64xf32>, vector<512x64xf32> -> vector<512x64xf32>
    %add3A_376 = arith.addf %dot_general3A_373, %dot_general3A_375 : vector<512x64xf32>
    %dot_general3A_377 = arith.constant dense<0.000000e+00> : vector<512x64xf32>
    %dot_general3A_378 = tpu.matmul %add3A_307, %select_n3A_356, %dot_general3A_377 {dimension_numbers = #tpu.dot_dimension_numbers<[1], [0], [0], [1], [0, 0, 1, 1], [], []>, precision = #tpu.contract_precision<fp32>, transpose_lhs_hint = false} : vector<512x12xf32>, vector<12x64xf32>, vector<512x64xf32> -> vector<512x64xf32>
    %add3A_379 = arith.addf %add3A_376, %dot_general3A_378 : vector<512x64xf32>
    %dot_general3A_380 = arith.constant dense<0.000000e+00> : vector<512x64xf32>
    %dot_general3A_381 = tpu.matmul %get3A_4, %select_n3A_371, %dot_general3A_380 {dimension_numbers = #tpu.dot_dimension_numbers<[1], [0], [0], [1], [0, 0, 1, 1], [], []>, precision = #tpu.contract_precision<fp32>, transpose_lhs_hint = false} : vector<512x44xf32>, vector<44x64xf32>, vector<512x64xf32> -> vector<512x64xf32>
    %add3A_382 = arith.addf %add3A_379, %dot_general3A_381 : vector<512x64xf32>
    %get3A_383 = arith.constant 0 : index
    %get3A_384 = arith.constant 0 : index
    %get3A_385 = vector.load %arg3[%get3A_383, %get3A_384] : memref<64x512xf32, #tpu.memory_space<vmem>>, vector<64x512xf32>
    %get3A_386 = arith.constant 0 : index
    %get3A_387 = arith.constant 0 : index
    %get3A_388 = vector.load %arg4[%get3A_386, %get3A_387] : memref<1x512xf32, #tpu.memory_space<vmem>>, vector<1x512xf32>
    %get3A_389 = arith.constant 0 : index
    %get3A_390 = arith.constant 0 : index
    %get3A_391 = vector.load %arg5[%get3A_389, %get3A_390] : memref<512x512xf32, #tpu.memory_space<vmem>>, vector<512x512xf32>
    %get3A_392 = arith.constant 0 : index
    %get3A_393 = arith.constant 0 : index
    %get3A_394 = vector.load %arg6[%get3A_392, %get3A_393] : memref<1x512xf32, #tpu.memory_space<vmem>>, vector<1x512xf32>
    %get3A_395 = arith.constant 0 : index
    %get3A_396 = arith.constant 0 : index
    %get3A_397 = vector.load %arg7[%get3A_395, %get3A_396] : memref<512x512xf32, #tpu.memory_space<vmem>>, vector<512x512xf32>
    %get3A_398 = arith.constant 0 : index
    %get3A_399 = arith.constant 0 : index
    %get3A_400 = vector.load %arg8[%get3A_398, %get3A_399] : memref<1x512xf32, #tpu.memory_space<vmem>>, vector<1x512xf32>
    %get3A_401 = arith.constant 0 : index
    %get3A_402 = arith.constant 0 : index
    %get3A_403 = vector.load %arg9[%get3A_401, %get3A_402] : memref<512x512xf32, #tpu.memory_space<vmem>>, vector<512x512xf32>
    %get3A_404 = arith.constant 0 : index
    %get3A_405 = arith.constant 0 : index
    %get3A_406 = vector.load %arg10[%get3A_404, %get3A_405] : memref<1x512xf32, #tpu.memory_space<vmem>>, vector<1x512xf32>
    %get3A_407 = arith.constant 0 : index
    %get3A_408 = arith.constant 0 : index
    %get3A_409 = vector.load %arg11[%get3A_407, %get3A_408] : memref<512x512xf32, #tpu.memory_space<vmem>>, vector<512x512xf32>
    %get3A_410 = arith.constant 0 : index
    %get3A_411 = arith.constant 0 : index
    %get3A_412 = vector.load %arg12[%get3A_410, %get3A_411] : memref<1x512xf32, #tpu.memory_space<vmem>>, vector<1x512xf32>
    %get3A_413 = arith.constant 0 : index
    %get3A_414 = arith.constant 0 : index
    %get3A_415 = vector.load %arg13[%get3A_413, %get3A_414] : memref<512x32xf32, #tpu.memory_space<vmem>>, vector<512x32xf32>
    %get3A_416 = arith.constant 0 : index
    %get3A_417 = arith.constant 0 : index
    %get3A_418 = vector.load %arg14[%get3A_416, %get3A_417] : memref<1x32xf32, #tpu.memory_space<vmem>>, vector<1x32xf32>
    %dot_general3A_419 = arith.constant dense<0.000000e+00> : vector<512x512xf32>
    %dot_general3A_420 = tpu.matmul %add3A_382, %get3A_385, %dot_general3A_419 {dimension_numbers = #tpu.dot_dimension_numbers<[1], [0], [0], [1], [0, 0, 1, 1], [], []>, transpose_lhs_hint = false} : vector<512x64xf32>, vector<64x512xf32>, vector<512x512xf32> -> vector<512x512xf32>
    %add3A_421 = vector.broadcast %get3A_388 : vector<1x512xf32> to vector<512x512xf32>
    %add3A_422 = arith.addf %dot_general3A_420, %add3A_421 : vector<512x512xf32>
    %max3A = arith.constant 0.000000e+00 : f32
    %max3A_423 = vector.broadcast %max3A : f32 to vector<512x512xf32>
    %max3A_424 = arith.maximumf %add3A_422, %max3A_423 : vector<512x512xf32>
    %dot_general3A_425 = arith.constant dense<0.000000e+00> : vector<512x512xf32>
    %dot_general3A_426 = tpu.matmul %max3A_424, %get3A_391, %dot_general3A_425 {dimension_numbers = #tpu.dot_dimension_numbers<[1], [0], [0], [1], [0, 0, 1, 1], [], []>, transpose_lhs_hint = false} : vector<512x512xf32>, vector<512x512xf32>, vector<512x512xf32> -> vector<512x512xf32>
    %add3A_427 = vector.broadcast %get3A_394 : vector<1x512xf32> to vector<512x512xf32>
    %add3A_428 = arith.addf %dot_general3A_426, %add3A_427 : vector<512x512xf32>
    %max3A_429 = arith.constant 0.000000e+00 : f32
    %max3A_430 = vector.broadcast %max3A_429 : f32 to vector<512x512xf32>
    %max3A_431 = arith.maximumf %add3A_428, %max3A_430 : vector<512x512xf32>
    %dot_general3A_432 = arith.constant dense<0.000000e+00> : vector<512x512xf32>
    %dot_general3A_433 = tpu.matmul %max3A_431, %get3A_397, %dot_general3A_432 {dimension_numbers = #tpu.dot_dimension_numbers<[1], [0], [0], [1], [0, 0, 1, 1], [], []>, transpose_lhs_hint = false} : vector<512x512xf32>, vector<512x512xf32>, vector<512x512xf32> -> vector<512x512xf32>
    %add3A_434 = vector.broadcast %get3A_400 : vector<1x512xf32> to vector<512x512xf32>
    %add3A_435 = arith.addf %dot_general3A_433, %add3A_434 : vector<512x512xf32>
    %max3A_436 = arith.constant 0.000000e+00 : f32
    %max3A_437 = vector.broadcast %max3A_436 : f32 to vector<512x512xf32>
    %max3A_438 = arith.maximumf %add3A_435, %max3A_437 : vector<512x512xf32>
    %add3A_439 = arith.addf %max3A_438, %max3A_424 : vector<512x512xf32>
    %dot_general3A_440 = arith.constant dense<0.000000e+00> : vector<512x512xf32>
    %dot_general3A_441 = tpu.matmul %add3A_439, %get3A_403, %dot_general3A_440 {dimension_numbers = #tpu.dot_dimension_numbers<[1], [0], [0], [1], [0, 0, 1, 1], [], []>, transpose_lhs_hint = false} : vector<512x512xf32>, vector<512x512xf32>, vector<512x512xf32> -> vector<512x512xf32>
    %add3A_442 = vector.broadcast %get3A_406 : vector<1x512xf32> to vector<512x512xf32>
    %add3A_443 = arith.addf %dot_general3A_441, %add3A_442 : vector<512x512xf32>
    %max3A_444 = arith.constant 0.000000e+00 : f32
    %max3A_445 = vector.broadcast %max3A_444 : f32 to vector<512x512xf32>
    %max3A_446 = arith.maximumf %add3A_443, %max3A_445 : vector<512x512xf32>
    %dot_general3A_447 = arith.constant dense<0.000000e+00> : vector<512x512xf32>
    %dot_general3A_448 = tpu.matmul %max3A_446, %get3A_409, %dot_general3A_447 {dimension_numbers = #tpu.dot_dimension_numbers<[1], [0], [0], [1], [0, 0, 1, 1], [], []>, transpose_lhs_hint = false} : vector<512x512xf32>, vector<512x512xf32>, vector<512x512xf32> -> vector<512x512xf32>
    %add3A_449 = vector.broadcast %get3A_412 : vector<1x512xf32> to vector<512x512xf32>
    %add3A_450 = arith.addf %dot_general3A_448, %add3A_449 : vector<512x512xf32>
    %max3A_451 = arith.constant 0.000000e+00 : f32
    %max3A_452 = vector.broadcast %max3A_451 : f32 to vector<512x512xf32>
    %max3A_453 = arith.maximumf %add3A_450, %max3A_452 : vector<512x512xf32>
    %add3A_454 = arith.addf %max3A_453, %add3A_439 : vector<512x512xf32>
    %dot_general3A_455 = arith.constant dense<0.000000e+00> : vector<512x32xf32>
    %dot_general3A_456 = tpu.matmul %add3A_454, %get3A_415, %dot_general3A_455 {dimension_numbers = #tpu.dot_dimension_numbers<[1], [0], [0], [1], [0, 0, 1, 1], [], []>, transpose_lhs_hint = false} : vector<512x512xf32>, vector<512x32xf32>, vector<512x32xf32> -> vector<512x32xf32>
    %add3A_457 = vector.broadcast %get3A_418 : vector<1x32xf32> to vector<512x32xf32>
    %add3A_458 = arith.addf %dot_general3A_456, %add3A_457 : vector<512x32xf32>
    %swap3A = arith.constant 0 : index
    %swap3A_459 = arith.constant 0 : index
    %swap3A_460 = vector.load %arg15[%swap3A, %swap3A_459] : memref<512x32xf32, #tpu.memory_space<vmem>>, vector<512x32xf32>
    tpu.vector_store %arg15[%swap3A, %swap3A_459], %add3A_458 {strides = array<i32>} : memref<512x32xf32, #tpu.memory_space<vmem>>, vector<512x32xf32>,
    return
  }
  func.func @transform_0(%arg0: i32) -> (i32, i32) {
    %c0_i32 = arith.constant 0 : i32
    %c0_i32_0 = arith.constant 0 : i32
    return %arg0, %c0_i32 : i32, i32
  }
  func.func @transform_1(%arg0: i32) -> (i32, i32) {
    %c0_i32 = arith.constant 0 : i32
    %c0_i32_0 = arith.constant 0 : i32
    return %arg0, %c0_i32 : i32, i32
  }
  func.func @transform_2(%arg0: i32) -> (i32, i32) {
    %c0_i32 = arith.constant 0 : i32
    %c0_i32_0 = arith.constant 0 : i32
    %c0_i32_1 = arith.constant 0 : i32
    return %c0_i32, %c0_i32_0 : i32, i32
  }
  func.func @transform_3(%arg0: i32) -> (i32, i32) {
    %c0_i32 = arith.constant 0 : i32
    %c0_i32_0 = arith.constant 0 : i32
    %c0_i32_1 = arith.constant 0 : i32
    return %c0_i32, %c0_i32_0 : i32, i32
  }
  func.func @transform_4(%arg0: i32) -> (i32, i32) {
    %c0_i32 = arith.constant 0 : i32
    %c0_i32_0 = arith.constant 0 : i32
    %c0_i32_1 = arith.constant 0 : i32
    return %c0_i32, %c0_i32_0 : i32, i32
  }
  func.func @transform_5(%arg0: i32) -> (i32, i32) {
    %c0_i32 = arith.constant 0 : i32
    %c0_i32_0 = arith.constant 0 : i32
    %c0_i32_1 = arith.constant 0 : i32
    return %c0_i32, %c0_i32_0 : i32, i32
  }
  func.func @transform_6(%arg0: i32) -> (i32, i32) {
    %c0_i32 = arith.constant 0 : i32
    %c0_i32_0 = arith.constant 0 : i32
    %c0_i32_1 = arith.constant 0 : i32
    return %c0_i32, %c0_i32_0 : i32, i32
  }
  func.func @transform_7(%arg0: i32) -> (i32, i32) {
    %c0_i32 = arith.constant 0 : i32
    %c0_i32_0 = arith.constant 0 : i32
    %c0_i32_1 = arith.constant 0 : i32
    return %c0_i32, %c0_i32_0 : i32, i32
  }
  func.func @transform_8(%arg0: i32) -> (i32, i32) {
    %c0_i32 = arith.constant 0 : i32
    %c0_i32_0 = arith.constant 0 : i32
    %c0_i32_1 = arith.constant 0 : i32
    return %c0_i32, %c0_i32_0 : i32, i32
  }
  func.func @transform_9(%arg0: i32) -> (i32, i32) {
    %c0_i32 = arith.constant 0 : i32
    %c0_i32_0 = arith.constant 0 : i32
    %c0_i32_1 = arith.constant 0 : i32
    return %c0_i32, %c0_i32_0 : i32, i32
  }
  func.func @transform_10(%arg0: i32) -> (i32, i32) {
    %c0_i32 = arith.constant 0 : i32
    %c0_i32_0 = arith.constant 0 : i32
    %c0_i32_1 = arith.constant 0 : i32
    return %c0_i32, %c0_i32_0 : i32, i32
  }
  func.func @transform_11(%arg0: i32) -> (i32, i32) {
    %c0_i32 = arith.constant 0 : i32
    %c0_i32_0 = arith.constant 0 : i32
    %c0_i32_1 = arith.constant 0 : i32
    return %c0_i32, %c0_i32_0 : i32, i32
  }
  func.func @transform_12(%arg0: i32) -> (i32, i32) {
    %c0_i32 = arith.constant 0 : i32
    %c0_i32_0 = arith.constant 0 : i32
    %c0_i32_1 = arith.constant 0 : i32
    return %c0_i32, %c0_i32_0 : i32, i32
  }
  func.func @transform_13(%arg0: i32) -> (i32, i32) {
    %c0_i32 = arith.constant 0 : i32
    %c0_i32_0 = arith.constant 0 : i32
    %c0_i32_1 = arith.constant 0 : i32
    return %c0_i32, %c0_i32_0 : i32, i32
  }
  func.func @transform_14(%arg0: i32) -> (i32, i32) {
    %c0_i32 = arith.constant 0 : i32
    %c0_i32_0 = arith.constant 0 : i32
    return %arg0, %c0_i32 : i32, i32
  }
}

module attributes {stable_mosaic.version = 14 : i64} {
  func.func @_tail_body(%arg0: i32, %arg1: memref<1536x512xf32, #tpu.memory_space<vmem>>, %arg2: memref<1536x32xf32, #tpu.memory_space<vmem>>, %arg3: memref<32x128xf32, #tpu.memory_space<vmem>>, %arg4: memref<32x96xf32, #tpu.memory_space<vmem>>, %arg5: memref<32x8xf32, #tpu.memory_space<vmem>>, %arg6: memref<32x8xf32, #tpu.memory_space<vmem>>, %arg7: memref<32x8xf32, #tpu.memory_space<vmem>>, %arg8: memref<32x128xf32, #tpu.memory_space<vmem>>, %arg9: memref<32x96xf32, #tpu.memory_space<vmem>>, %arg10: memref<32x256xf32, #tpu.memory_space<vmem>>, %arg11: memref<32x9xf32, #tpu.memory_space<vmem>>, %arg12: memref<32x3xf32, #tpu.memory_space<vmem>>, %arg13: memref<32x8xf32, #tpu.memory_space<vmem>>, %arg14: memref<1x8xf32, #tpu.memory_space<vmem>>, %arg15: memref<512x256xf32, #tpu.memory_space<vmem>>, %arg16: memref<1x256xf32, #tpu.memory_space<vmem>>, %arg17: memref<1x256xf32, #tpu.memory_space<vmem>>, %arg18: memref<1x256xf32, #tpu.memory_space<vmem>>, %arg19: memref<256x256xf32, #tpu.memory_space<vmem>>, %arg20: memref<1x256xf32, #tpu.memory_space<vmem>>, %arg21: memref<256x256xf32, #tpu.memory_space<vmem>>, %arg22: memref<1x256xf32, #tpu.memory_space<vmem>>, %arg23: memref<256x256xf32, #tpu.memory_space<vmem>>, %arg24: memref<1x256xf32, #tpu.memory_space<vmem>>, %arg25: memref<1x256xf32, #tpu.memory_space<vmem>>, %arg26: memref<1x256xf32, #tpu.memory_space<vmem>>, %arg27: memref<256x256xf32, #tpu.memory_space<vmem>>, %arg28: memref<1x256xf32, #tpu.memory_space<vmem>>, %arg29: memref<256x256xf32, #tpu.memory_space<vmem>>, %arg30: memref<1x256xf32, #tpu.memory_space<vmem>>, %arg31: memref<256x256xf32, #tpu.memory_space<vmem>>, %arg32: memref<1x256xf32, #tpu.memory_space<vmem>>, %arg33: memref<256x21xf32, #tpu.memory_space<vmem>>, %arg34: memref<1x21xf32, #tpu.memory_space<vmem>>, %arg35: memref<32x20xf32, #tpu.memory_space<vmem>>, %arg36: memref<32x1xf32, #tpu.memory_space<vmem>>) attributes {dimension_semantics = [#tpu.dimension_semantics<arbitrary>], iteration_bounds = array<i64: 32>, scalar_prefetch = 0 : i64, scratch_operands = 0 : i64, tpu.core_type = #tpu.core_type<tc>, window_params = [{transform_indices = @transform_0, window_bounds = array<i64: 1536, 512>}, {transform_indices = @transform_1, window_bounds = array<i64: 1536, 32>}, {transform_indices = @transform_2, window_bounds = array<i64: 32, 128>}, {transform_indices = @transform_3, window_bounds = array<i64: 32, 96>}, {transform_indices = @transform_4, window_bounds = array<i64: 32, 8>}, {transform_indices = @transform_5, window_bounds = array<i64: 32, 8>}, {transform_indices = @transform_6, window_bounds = array<i64: 32, 8>}, {transform_indices = @transform_7, window_bounds = array<i64: 32, 128>}, {transform_indices = @transform_8, window_bounds = array<i64: 32, 96>}, {transform_indices = @transform_9, window_bounds = array<i64: 32, 256>}, {transform_indices = @transform_10, window_bounds = array<i64: 32, 9>}, {transform_indices = @transform_11, window_bounds = array<i64: 32, 3>}, {pipeline_mode = #tpu.pipeline_mode<synchronous>, transform_indices = @transform_12, window_bounds = array<i64: 32, 8>}, {pipeline_mode = #tpu.pipeline_mode<synchronous>, transform_indices = @transform_13, window_bounds = array<i64: 1, 8>}, {pipeline_mode = #tpu.pipeline_mode<synchronous>, transform_indices = @transform_14, window_bounds = array<i64: 512, 256>}, {pipeline_mode = #tpu.pipeline_mode<synchronous>, transform_indices = @transform_15, window_bounds = array<i64: 1, 256>}, {pipeline_mode = #tpu.pipeline_mode<synchronous>, transform_indices = @transform_16, window_bounds = array<i64: 1, 256>}, {pipeline_mode = #tpu.pipeline_mode<synchronous>, transform_indices = @transform_17, window_bounds = array<i64: 1, 256>}, {pipeline_mode = #tpu.pipeline_mode<synchronous>, transform_indices = @transform_18, window_bounds = array<i64: 256, 256>}, {pipeline_mode = #tpu.pipeline_mode<synchronous>, transform_indices = @transform_19, window_bounds = array<i64: 1, 256>}, {pipeline_mode = #tpu.pipeline_mode<synchronous>, transform_indices = @transform_20, window_bounds = array<i64: 256, 256>}, {pipeline_mode = #tpu.pipeline_mode<synchronous>, transform_indices = @transform_21, window_bounds = array<i64: 1, 256>}, {pipeline_mode = #tpu.pipeline_mode<synchronous>, transform_indices = @transform_22, window_bounds = array<i64: 256, 256>}, {pipeline_mode = #tpu.pipeline_mode<synchronous>, transform_indices = @transform_23, window_bounds = array<i64: 1, 256>}, {pipeline_mode = #tpu.pipeline_mode<synchronous>, transform_indices = @transform_24, window_bounds = array<i64: 1, 256>}, {pipeline_mode = #tpu.pipeline_mode<synchronous>, transform_indices = @transform_25, window_bounds = array<i64: 1, 256>}, {pipeline_mode = #tpu.pipeline_mode<synchronous>, transform_indices = @transform_26, window_bounds = array<i64: 256, 256>}, {pipeline_mode = #tpu.pipeline_mode<synchronous>, transform_indices = @transform_27, window_bounds = array<i64: 1, 256>}, {pipeline_mode = #tpu.pipeline_mode<synchronous>, transform_indices = @transform_28, window_bounds = array<i64: 256, 256>}, {pipeline_mode = #tpu.pipeline_mode<synchronous>, transform_indices = @transform_29, window_bounds = array<i64: 1, 256>}, {pipeline_mode = #tpu.pipeline_mode<synchronous>, transform_indices = @transform_30, window_bounds = array<i64: 256, 256>}, {pipeline_mode = #tpu.pipeline_mode<synchronous>, transform_indices = @transform_31, window_bounds = array<i64: 1, 256>}, {pipeline_mode = #tpu.pipeline_mode<synchronous>, transform_indices = @transform_32, window_bounds = array<i64: 256, 21>}, {pipeline_mode = #tpu.pipeline_mode<synchronous>, transform_indices = @transform_33, window_bounds = array<i64: 1, 21>}, {transform_indices = @transform_34, window_bounds = array<i64: 32, 20>}, {transform_indices = @transform_35, window_bounds = array<i64: 32, 1>}]} {
    %get3A = arith.constant 0 : index
    %get3A_0 = arith.constant 0 : index
    %get3A_1 = vector.load %arg1[%get3A, %get3A_0] : memref<1536x512xf32, #tpu.memory_space<vmem>>, vector<1536x512xf32>
    %get3A_2 = arith.constant 0 : index
    %get3A_3 = arith.constant 0 : index
    %get3A_4 = vector.load %arg2[%get3A_2, %get3A_3] : memref<1536x32xf32, #tpu.memory_space<vmem>>, vector<1536x32xf32>
    %get3A_5 = arith.constant 0 : index
    %get3A_6 = arith.constant 0 : index
    %get3A_7 = vector.load %arg14[%get3A_5, %get3A_6] : memref<1x8xf32, #tpu.memory_space<vmem>>, vector<1x8xf32>
    %iota3A = tpu.iota {dimensions = array<i32: 0>} : vector<128x8xi32>
    %iota3A_8 = tpu.iota {dimensions = array<i32: 1>} : vector<128x8xi32>
    %jit3A = arith.constant 16 : i32
    %div3A = vector.broadcast %jit3A : i32 to vector<128x8xi32>
    %div3A_9 = arith.divsi %iota3A, %div3A : vector<128x8xi32>
    %sign3A = arith.constant 0 : i32
    %sign3A_10 = vector.broadcast %sign3A : i32 to vector<128x8xi32>
    %sign3A_11 = arith.cmpi sgt, %iota3A, %sign3A_10 : vector<128x8xi32>
    %sign3A_12 = arith.extui %sign3A_11 : vector<128x8xi1> to vector<128x8xi32>
    %sign3A_13 = arith.constant 0 : i32
    %sign3A_14 = vector.broadcast %sign3A_13 : i32 to vector<128x8xi32>
    %sign3A_15 = arith.cmpi slt, %iota3A, %sign3A_14 : vector<128x8xi32>
    %sign3A_16 = arith.extui %sign3A_15 : vector<128x8xi1> to vector<128x8xi32>
    %sign3A_17 = arith.subi %sign3A_12, %sign3A_16 : vector<128x8xi32>
    %sign3A_18 = arith.constant 0 : i32
    %sign3A_19 = arith.cmpi sgt, %jit3A, %sign3A_18 : i32
    %sign3A_20 = arith.extui %sign3A_19 : i1 to i32
    %sign3A_21 = arith.constant 0 : i32
    %sign3A_22 = arith.cmpi slt, %jit3A, %sign3A_21 : i32
    %sign3A_23 = arith.extui %sign3A_22 : i1 to i32
    %sign3A_24 = arith.subi %sign3A_20, %sign3A_23 : i32
    %ne3A = vector.broadcast %sign3A_24 : i32 to vector<128x8xi32>
    %ne3A_25 = arith.cmpi ne, %sign3A_17, %ne3A : vector<128x8xi32>
    %rem3A = vector.broadcast %jit3A : i32 to vector<128x8xi32>
    %rem3A_26 = arith.remsi %iota3A, %rem3A : vector<128x8xi32>
    %ne3A_27 = arith.constant 0 : i32
    %ne3A_28 = vector.broadcast %ne3A_27 : i32 to vector<128x8xi32>
    %ne3A_29 = arith.cmpi ne, %rem3A_26, %ne3A_28 : vector<128x8xi32>
    %and3A = arith.andi %ne3A_25, %ne3A_29 : vector<128x8xi1>
    %sub3A = arith.constant 1 : i32
    %sub3A_30 = vector.broadcast %sub3A : i32 to vector<128x8xi32>
    %sub3A_31 = arith.subi %div3A_9, %sub3A_30 : vector<128x8xi32>
    %select_n3A = arith.select %and3A, %sub3A_31, %div3A_9 : vector<128x8xi1>, vector<128x8xi32>
    %eq3A = arith.cmpi eq, %select_n3A, %iota3A_8 : vector<128x8xi32>
    %jit3A_32 = arith.constant 1.000000e+00 : f32
    %jit3A_33 = arith.constant 0.000000e+00 : f32
    %broadcast_in_dim3A = vector.broadcast %jit3A_32 : f32 to vector<128x8xf32>
    %broadcast_in_dim3A_34 = vector.broadcast %jit3A_33 : f32 to vector<128x8xf32>
    %select_n3A_35 = arith.select %eq3A, %broadcast_in_dim3A, %broadcast_in_dim3A_34 : vector<128x8xi1>, vector<128x8xf32>
    %iota3A_36 = tpu.iota {dimensions = array<i32: 0>} : vector<96x8xi32>
    %iota3A_37 = tpu.iota {dimensions = array<i32: 1>} : vector<96x8xi32>
    %jit3A_38 = arith.constant 12 : i32
    %div3A_39 = vector.broadcast %jit3A_38 : i32 to vector<96x8xi32>
    %div3A_40 = arith.divsi %iota3A_36, %div3A_39 : vector<96x8xi32>
    %sign3A_41 = arith.constant 0 : i32
    %sign3A_42 = vector.broadcast %sign3A_41 : i32 to vector<96x8xi32>
    %sign3A_43 = arith.cmpi sgt, %iota3A_36, %sign3A_42 : vector<96x8xi32>
    %sign3A_44 = arith.extui %sign3A_43 : vector<96x8xi1> to vector<96x8xi32>
    %sign3A_45 = arith.constant 0 : i32
    %sign3A_46 = vector.broadcast %sign3A_45 : i32 to vector<96x8xi32>
    %sign3A_47 = arith.cmpi slt, %iota3A_36, %sign3A_46 : vector<96x8xi32>
    %sign3A_48 = arith.extui %sign3A_47 : vector<96x8xi1> to vector<96x8xi32>
    %sign3A_49 = arith.subi %sign3A_44, %sign3A_48 : vector<96x8xi32>
    %sign3A_50 = arith.constant 0 : i32
    %sign3A_51 = arith.cmpi sgt, %jit3A_38, %sign3A_50 : i32
    %sign3A_52 = arith.extui %sign3A_51 : i1 to i32
    %sign3A_53 = arith.constant 0 : i32
    %sign3A_54 = arith.cmpi slt, %jit3A_38, %sign3A_53 : i32
    %sign3A_55 = arith.extui %sign3A_54 : i1 to i32
    %sign3A_56 = arith.subi %sign3A_52, %sign3A_55 : i32
    %ne3A_57 = vector.broadcast %sign3A_56 : i32 to vector<96x8xi32>
    %ne3A_58 = arith.cmpi ne, %sign3A_49, %ne3A_57 : vector<96x8xi32>
    %rem3A_59 = vector.broadcast %jit3A_38 : i32 to vector<96x8xi32>
    %rem3A_60 = arith.remsi %iota3A_36, %rem3A_59 : vector<96x8xi32>
    %ne3A_61 = arith.constant 0 : i32
    %ne3A_62 = vector.broadcast %ne3A_61 : i32 to vector<96x8xi32>
    %ne3A_63 = arith.cmpi ne, %rem3A_60, %ne3A_62 : vector<96x8xi32>
    %and3A_64 = arith.andi %ne3A_58, %ne3A_63 : vector<96x8xi1>
    %sub3A_65 = arith.constant 1 : i32
    %sub3A_66 = vector.broadcast %sub3A_65 : i32 to vector<96x8xi32>
    %sub3A_67 = arith.subi %div3A_40, %sub3A_66 : vector<96x8xi32>
    %select_n3A_68 = arith.select %and3A_64, %sub3A_67, %div3A_40 : vector<96x8xi1>, vector<96x8xi32>
    %eq3A_69 = arith.cmpi eq, %select_n3A_68, %iota3A_37 : vector<96x8xi32>
    %jit3A_70 = arith.constant 1.000000e+00 : f32
    %jit3A_71 = arith.constant 0.000000e+00 : f32
    %broadcast_in_dim3A_72 = vector.broadcast %jit3A_70 : f32 to vector<96x8xf32>
    %broadcast_in_dim3A_73 = vector.broadcast %jit3A_71 : f32 to vector<96x8xf32>
    %select_n3A_74 = arith.select %eq3A_69, %broadcast_in_dim3A_72, %broadcast_in_dim3A_73 : vector<96x8xi1>, vector<96x8xf32>
    %iota3A_75 = tpu.iota {dimensions = array<i32: 0>} : vector<8x128xi32>
    %iota3A_76 = tpu.iota {dimensions = array<i32: 1>} : vector<8x128xi32>
    %jit3A_77 = arith.constant 16 : i32
    %div3A_78 = vector.broadcast %jit3A_77 : i32 to vector<8x128xi32>
    %div3A_79 = arith.divsi %iota3A_76, %div3A_78 : vector<8x128xi32>
    %sign3A_80 = arith.constant 0 : i32
    %sign3A_81 = vector.broadcast %sign3A_80 : i32 to vector<8x128xi32>
    %sign3A_82 = arith.cmpi sgt, %iota3A_76, %sign3A_81 : vector<8x128xi32>
    %sign3A_83 = arith.extui %sign3A_82 : vector<8x128xi1> to vector<8x128xi32>
    %sign3A_84 = arith.constant 0 : i32
    %sign3A_85 = vector.broadcast %sign3A_84 : i32 to vector<8x128xi32>
    %sign3A_86 = arith.cmpi slt, %iota3A_76, %sign3A_85 : vector<8x128xi32>
    %sign3A_87 = arith.extui %sign3A_86 : vector<8x128xi1> to vector<8x128xi32>
    %sign3A_88 = arith.subi %sign3A_83, %sign3A_87 : vector<8x128xi32>
    %sign3A_89 = arith.constant 0 : i32
    %sign3A_90 = arith.cmpi sgt, %jit3A_77, %sign3A_89 : i32
    %sign3A_91 = arith.extui %sign3A_90 : i1 to i32
    %sign3A_92 = arith.constant 0 : i32
    %sign3A_93 = arith.cmpi slt, %jit3A_77, %sign3A_92 : i32
    %sign3A_94 = arith.extui %sign3A_93 : i1 to i32
    %sign3A_95 = arith.subi %sign3A_91, %sign3A_94 : i32
    %ne3A_96 = vector.broadcast %sign3A_95 : i32 to vector<8x128xi32>
    %ne3A_97 = arith.cmpi ne, %sign3A_88, %ne3A_96 : vector<8x128xi32>
    %rem3A_98 = vector.broadcast %jit3A_77 : i32 to vector<8x128xi32>
    %rem3A_99 = arith.remsi %iota3A_76, %rem3A_98 : vector<8x128xi32>
    %ne3A_100 = arith.constant 0 : i32
    %ne3A_101 = vector.broadcast %ne3A_100 : i32 to vector<8x128xi32>
    %ne3A_102 = arith.cmpi ne, %rem3A_99, %ne3A_101 : vector<8x128xi32>
    %and3A_103 = arith.andi %ne3A_97, %ne3A_102 : vector<8x128xi1>
    %sub3A_104 = arith.constant 1 : i32
    %sub3A_105 = vector.broadcast %sub3A_104 : i32 to vector<8x128xi32>
    %sub3A_106 = arith.subi %div3A_79, %sub3A_105 : vector<8x128xi32>
    %select_n3A_107 = arith.select %and3A_103, %sub3A_106, %div3A_79 : vector<8x128xi1>, vector<8x128xi32>
    %eq3A_108 = arith.cmpi eq, %select_n3A_107, %iota3A_75 : vector<8x128xi32>
    %jit3A_109 = arith.constant 1.000000e+00 : f32
    %jit3A_110 = arith.constant 0.000000e+00 : f32
    %broadcast_in_dim3A_111 = vector.broadcast %jit3A_109 : f32 to vector<8x128xf32>
    %broadcast_in_dim3A_112 = vector.broadcast %jit3A_110 : f32 to vector<8x128xf32>
    %select_n3A_113 = arith.select %eq3A_108, %broadcast_in_dim3A_111, %broadcast_in_dim3A_112 : vector<8x128xi1>, vector<8x128xf32>
    %iota3A_114 = tpu.iota {dimensions = array<i32: 0>} : vector<8x96xi32>
    %iota3A_115 = tpu.iota {dimensions = array<i32: 1>} : vector<8x96xi32>
    %jit3A_116 = arith.constant 12 : i32
    %div3A_117 = vector.broadcast %jit3A_116 : i32 to vector<8x96xi32>
    %div3A_118 = arith.divsi %iota3A_115, %div3A_117 : vector<8x96xi32>
    %sign3A_119 = arith.constant 0 : i32
    %sign3A_120 = vector.broadcast %sign3A_119 : i32 to vector<8x96xi32>
    %sign3A_121 = arith.cmpi sgt, %iota3A_115, %sign3A_120 : vector<8x96xi32>
    %sign3A_122 = arith.extui %sign3A_121 : vector<8x96xi1> to vector<8x96xi32>
    %sign3A_123 = arith.constant 0 : i32
    %sign3A_124 = vector.broadcast %sign3A_123 : i32 to vector<8x96xi32>
    %sign3A_125 = arith.cmpi slt, %iota3A_115, %sign3A_124 : vector<8x96xi32>
    %sign3A_126 = arith.extui %sign3A_125 : vector<8x96xi1> to vector<8x96xi32>
    %sign3A_127 = arith.subi %sign3A_122, %sign3A_126 : vector<8x96xi32>
    %sign3A_128 = arith.constant 0 : i32
    %sign3A_129 = arith.cmpi sgt, %jit3A_116, %sign3A_128 : i32
    %sign3A_130 = arith.extui %sign3A_129 : i1 to i32
    %sign3A_131 = arith.constant 0 : i32
    %sign3A_132 = arith.cmpi slt, %jit3A_116, %sign3A_131 : i32
    %sign3A_133 = arith.extui %sign3A_132 : i1 to i32
    %sign3A_134 = arith.subi %sign3A_130, %sign3A_133 : i32
    %ne3A_135 = vector.broadcast %sign3A_134 : i32 to vector<8x96xi32>
    %ne3A_136 = arith.cmpi ne, %sign3A_127, %ne3A_135 : vector<8x96xi32>
    %rem3A_137 = vector.broadcast %jit3A_116 : i32 to vector<8x96xi32>
    %rem3A_138 = arith.remsi %iota3A_115, %rem3A_137 : vector<8x96xi32>
    %ne3A_139 = arith.constant 0 : i32
    %ne3A_140 = vector.broadcast %ne3A_139 : i32 to vector<8x96xi32>
    %ne3A_141 = arith.cmpi ne, %rem3A_138, %ne3A_140 : vector<8x96xi32>
    %and3A_142 = arith.andi %ne3A_136, %ne3A_141 : vector<8x96xi1>
    %sub3A_143 = arith.constant 1 : i32
    %sub3A_144 = vector.broadcast %sub3A_143 : i32 to vector<8x96xi32>
    %sub3A_145 = arith.subi %div3A_118, %sub3A_144 : vector<8x96xi32>
    %select_n3A_146 = arith.select %and3A_142, %sub3A_145, %div3A_118 : vector<8x96xi1>, vector<8x96xi32>
    %eq3A_147 = arith.cmpi eq, %select_n3A_146, %iota3A_114 : vector<8x96xi32>
    %jit3A_148 = arith.constant 1.000000e+00 : f32
    %jit3A_149 = arith.constant 0.000000e+00 : f32
    %broadcast_in_dim3A_150 = vector.broadcast %jit3A_148 : f32 to vector<8x96xf32>
    %broadcast_in_dim3A_151 = vector.broadcast %jit3A_149 : f32 to vector<8x96xf32>
    %select_n3A_152 = arith.select %eq3A_147, %broadcast_in_dim3A_150, %broadcast_in_dim3A_151 : vector<8x96xi1>, vector<8x96xf32>
    %iota3A_153 = tpu.iota {dimensions = array<i32: 0>} : vector<3x96xi32>
    %iota3A_154 = tpu.iota {dimensions = array<i32: 1>} : vector<3x96xi32>
    %jit3A_155 = arith.constant 3 : i32
    %eq3A_156 = arith.constant 0 : i32
    %eq3A_157 = arith.cmpi eq, %jit3A_155, %eq3A_156 : i32
    %jit3A_158 = arith.constant 1 : i32
    %select_n3A_159 = arith.select %eq3A_157, %jit3A_158, %jit3A_155 : i32
    %rem3A_160 = vector.broadcast %select_n3A_159 : i32 to vector<3x96xi32>
    %rem3A_161 = arith.remsi %iota3A_154, %rem3A_160 : vector<3x96xi32>
    %ne3A_162 = arith.constant 0 : i32
    %ne3A_163 = vector.broadcast %ne3A_162 : i32 to vector<3x96xi32>
    %ne3A_164 = arith.cmpi ne, %rem3A_161, %ne3A_163 : vector<3x96xi32>
    %lt3A = arith.constant 0 : i32
    %lt3A_165 = vector.broadcast %lt3A : i32 to vector<3x96xi32>
    %lt3A_166 = arith.cmpi slt, %rem3A_161, %lt3A_165 : vector<3x96xi32>
    %lt3A_167 = arith.constant 0 : i32
    %lt3A_168 = arith.cmpi slt, %select_n3A_159, %lt3A_167 : i32
    %ne3A_169 = vector.broadcast %lt3A_168 : i1 to vector<3x96xi1>
    %ne3A_170 = vector.broadcast %ne3A_169 : vector<3x96xi1> to vector<3x96xi1>
    %ne3A_171 = arith.xori %lt3A_166, %ne3A_170 : vector<3x96xi1>
    %and3A_172 = arith.andi %ne3A_171, %ne3A_164 : vector<3x96xi1>
    %add3A = vector.broadcast %select_n3A_159 : i32 to vector<3x96xi32>
    %add3A_173 = arith.addi %rem3A_161, %add3A : vector<3x96xi32>
    %select_n3A_174 = arith.select %and3A_172, %add3A_173, %rem3A_161 : vector<3x96xi1>, vector<3x96xi32>
    %eq3A_175 = arith.cmpi eq, %select_n3A_174, %iota3A_153 : vector<3x96xi32>
    %jit3A_176 = arith.constant 1.000000e+00 : f32
    %jit3A_177 = arith.constant 0.000000e+00 : f32
    %broadcast_in_dim3A_178 = vector.broadcast %jit3A_176 : f32 to vector<3x96xf32>
    %broadcast_in_dim3A_179 = vector.broadcast %jit3A_177 : f32 to vector<3x96xf32>
    %select_n3A_180 = arith.select %eq3A_175, %broadcast_in_dim3A_178, %broadcast_in_dim3A_179 : vector<3x96xi1>, vector<3x96xf32>
    %iota3A_181 = tpu.iota {dimensions = array<i32: 0>} : vector<96x32xi32>
    %iota3A_182 = tpu.iota {dimensions = array<i32: 1>} : vector<96x32xi32>
    %jit3A_183 = arith.constant 3 : i32
    %div3A_184 = vector.broadcast %jit3A_183 : i32 to vector<96x32xi32>
    %div3A_185 = arith.divsi %iota3A_181, %div3A_184 : vector<96x32xi32>
    %sign3A_186 = arith.constant 0 : i32
    %sign3A_187 = vector.broadcast %sign3A_186 : i32 to vector<96x32xi32>
    %sign3A_188 = arith.cmpi sgt, %iota3A_181, %sign3A_187 : vector<96x32xi32>
    %sign3A_189 = arith.extui %sign3A_188 : vector<96x32xi1> to vector<96x32xi32>
    %sign3A_190 = arith.constant 0 : i32
    %sign3A_191 = vector.broadcast %sign3A_190 : i32 to vector<96x32xi32>
    %sign3A_192 = arith.cmpi slt, %iota3A_181, %sign3A_191 : vector<96x32xi32>
    %sign3A_193 = arith.extui %sign3A_192 : vector<96x32xi1> to vector<96x32xi32>
    %sign3A_194 = arith.subi %sign3A_189, %sign3A_193 : vector<96x32xi32>
    %sign3A_195 = arith.constant 0 : i32
    %sign3A_196 = arith.cmpi sgt, %jit3A_183, %sign3A_195 : i32
    %sign3A_197 = arith.extui %sign3A_196 : i1 to i32
    %sign3A_198 = arith.constant 0 : i32
    %sign3A_199 = arith.cmpi slt, %jit3A_183, %sign3A_198 : i32
    %sign3A_200 = arith.extui %sign3A_199 : i1 to i32
    %sign3A_201 = arith.subi %sign3A_197, %sign3A_200 : i32
    %ne3A_202 = vector.broadcast %sign3A_201 : i32 to vector<96x32xi32>
    %ne3A_203 = arith.cmpi ne, %sign3A_194, %ne3A_202 : vector<96x32xi32>
    %rem3A_204 = vector.broadcast %jit3A_183 : i32 to vector<96x32xi32>
    %rem3A_205 = arith.remsi %iota3A_181, %rem3A_204 : vector<96x32xi32>
    %ne3A_206 = arith.constant 0 : i32
    %ne3A_207 = vector.broadcast %ne3A_206 : i32 to vector<96x32xi32>
    %ne3A_208 = arith.cmpi ne, %rem3A_205, %ne3A_207 : vector<96x32xi32>
    %and3A_209 = arith.andi %ne3A_203, %ne3A_208 : vector<96x32xi1>
    %sub3A_210 = arith.constant 1 : i32
    %sub3A_211 = vector.broadcast %sub3A_210 : i32 to vector<96x32xi32>
    %sub3A_212 = arith.subi %div3A_185, %sub3A_211 : vector<96x32xi32>
    %select_n3A_213 = arith.select %and3A_209, %sub3A_212, %div3A_185 : vector<96x32xi1>, vector<96x32xi32>
    %eq3A_214 = arith.cmpi eq, %select_n3A_213, %iota3A_182 : vector<96x32xi32>
    %jit3A_215 = arith.constant 1.000000e+00 : f32
    %jit3A_216 = arith.constant 0.000000e+00 : f32
    %broadcast_in_dim3A_217 = vector.broadcast %jit3A_215 : f32 to vector<96x32xf32>
    %broadcast_in_dim3A_218 = vector.broadcast %jit3A_216 : f32 to vector<96x32xf32>
    %select_n3A_219 = arith.select %eq3A_214, %broadcast_in_dim3A_217, %broadcast_in_dim3A_218 : vector<96x32xi1>, vector<96x32xf32>
    %get3A_220 = arith.constant 0 : index
    %get3A_221 = arith.constant 0 : index
    %get3A_222 = vector.load %arg3[%get3A_220, %get3A_221] : memref<32x128xf32, #tpu.memory_space<vmem>>, vector<32x128xf32>
    %broadcast_in_dim3A_223 = vector.shape_cast %get3A_222 : vector<32x128xf32> to vector<32x1x128xf32>
    %broadcast_in_dim3A_224 = vector.shape_cast %broadcast_in_dim3A_223 : vector<32x1x128xf32> to vector<32x1x128xf32>
    %broadcast_in_dim3A_225 = vector.broadcast %broadcast_in_dim3A_224 : vector<32x1x128xf32> to vector<32x48x128xf32>
    %reshape3A = vector.shape_cast %broadcast_in_dim3A_225 : vector<32x48x128xf32> to vector<1536x128xf32>
    %get3A_226 = arith.constant 0 : index
    %get3A_227 = arith.constant 0 : index
    %get3A_228 = vector.load %arg4[%get3A_226, %get3A_227] : memref<32x96xf32, #tpu.memory_space<vmem>>, vector<32x96xf32>
    %broadcast_in_dim3A_229 = vector.shape_cast %get3A_228 : vector<32x96xf32> to vector<32x1x96xf32>
    %broadcast_in_dim3A_230 = vector.shape_cast %broadcast_in_dim3A_229 : vector<32x1x96xf32> to vector<32x1x96xf32>
    %broadcast_in_dim3A_231 = vector.broadcast %broadcast_in_dim3A_230 : vector<32x1x96xf32> to vector<32x48x96xf32>
    %reshape3A_232 = vector.shape_cast %broadcast_in_dim3A_231 : vector<32x48x96xf32> to vector<1536x96xf32>
    %get3A_233 = arith.constant 0 : index
    %get3A_234 = arith.constant 0 : index
    %get3A_235 = vector.load %arg5[%get3A_233, %get3A_234] : memref<32x8xf32, #tpu.memory_space<vmem>>, vector<32x8xf32>
    %broadcast_in_dim3A_236 = vector.shape_cast %get3A_235 : vector<32x8xf32> to vector<32x1x8xf32>
    %broadcast_in_dim3A_237 = vector.shape_cast %broadcast_in_dim3A_236 : vector<32x1x8xf32> to vector<32x1x8xf32>
    %broadcast_in_dim3A_238 = vector.broadcast %broadcast_in_dim3A_237 : vector<32x1x8xf32> to vector<32x48x8xf32>
    %reshape3A_239 = vector.shape_cast %broadcast_in_dim3A_238 : vector<32x48x8xf32> to vector<1536x8xf32>
    %get3A_240 = arith.constant 0 : index
    %get3A_241 = arith.constant 0 : index
    %get3A_242 = vector.load %arg6[%get3A_240, %get3A_241] : memref<32x8xf32, #tpu.memory_space<vmem>>, vector<32x8xf32>
    %broadcast_in_dim3A_243 = vector.shape_cast %get3A_242 : vector<32x8xf32> to vector<32x1x8xf32>
    %broadcast_in_dim3A_244 = vector.shape_cast %broadcast_in_dim3A_243 : vector<32x1x8xf32> to vector<32x1x8xf32>
    %broadcast_in_dim3A_245 = vector.broadcast %broadcast_in_dim3A_244 : vector<32x1x8xf32> to vector<32x48x8xf32>
    %reshape3A_246 = vector.shape_cast %broadcast_in_dim3A_245 : vector<32x48x8xf32> to vector<1536x8xf32>
    %slice3A = vector.extract_strided_slice %get3A_1 {offsets = [0, 0], sizes = [1536, 128], strides = [1, 1]} : vector<1536x512xf32> to vector<1536x128xf32>
    %slice3A_247 = vector.extract_strided_slice %get3A_1 {offsets = [0, 128], sizes = [1536, 8], strides = [1, 1]} : vector<1536x512xf32> to vector<1536x8xf32>
    %slice3A_248 = vector.extract_strided_slice %get3A_1 {offsets = [0, 136], sizes = [1536, 96], strides = [1, 1]} : vector<1536x512xf32> to vector<1536x96xf32>
    %slice3A_249 = vector.extract_strided_slice %get3A_1 {offsets = [0, 256], sizes = [1536, 128], strides = [1, 1]} : vector<1536x512xf32> to vector<1536x128xf32>
    %slice3A_250 = vector.extract_strided_slice %get3A_1 {offsets = [0, 384], sizes = [1536, 96], strides = [1, 1]} : vector<1536x512xf32> to vector<1536x96xf32>
    %convert_element_type3A = arith.truncf %reshape3A : vector<1536x128xf32> to vector<1536x128xbf16>
    %convert_element_type3A_251 = arith.extf %convert_element_type3A : vector<1536x128xbf16> to vector<1536x128xf32>
    %convert_element_type3A_252 = arith.truncf %slice3A : vector<1536x128xf32> to vector<1536x128xbf16>
    %convert_element_type3A_253 = arith.extf %convert_element_type3A_252 : vector<1536x128xbf16> to vector<1536x128xf32>
    %mul3A = arith.mulf %convert_element_type3A_251, %convert_element_type3A_253 : vector<1536x128xf32>
    %dot_general3A = arith.constant dense<0.000000e+00> : vector<1536x8xf32>
    %dot_general3A_254 = tpu.matmul %mul3A, %select_n3A_35, %dot_general3A {dimension_numbers = #tpu.dot_dimension_numbers<[1], [0], [0], [1], [0, 0, 1, 1], [], []>, precision = #tpu.contract_precision<fp32>, transpose_lhs_hint = false} : vector<1536x128xf32>, vector<128x8xf32>, vector<1536x8xf32> -> vector<1536x8xf32>
    %convert_element_type3A_255 = arith.truncf %reshape3A_232 : vector<1536x96xf32> to vector<1536x96xbf16>
    %convert_element_type3A_256 = arith.extf %convert_element_type3A_255 : vector<1536x96xbf16> to vector<1536x96xf32>
    %convert_element_type3A_257 = arith.truncf %slice3A_248 : vector<1536x96xf32> to vector<1536x96xbf16>
    %convert_element_type3A_258 = arith.extf %convert_element_type3A_257 : vector<1536x96xbf16> to vector<1536x96xf32>
    %mul3A_259 = arith.mulf %convert_element_type3A_256, %convert_element_type3A_258 : vector<1536x96xf32>
    %dot_general3A_260 = arith.constant dense<0.000000e+00> : vector<1536x8xf32>
    %dot_general3A_261 = tpu.matmul %mul3A_259, %select_n3A_74, %dot_general3A_260 {dimension_numbers = #tpu.dot_dimension_numbers<[1], [0], [0], [1], [0, 0, 1, 1], [], []>, precision = #tpu.contract_precision<fp32>, transpose_lhs_hint = false} : vector<1536x96xf32>, vector<96x8xf32>, vector<1536x8xf32> -> vector<1536x8xf32>
    %add3A_262 = arith.addf %reshape3A_239, %slice3A_247 : vector<1536x8xf32>
    %mul3A_263 = arith.constant 2.000000e+00 : f32
    %mul3A_264 = vector.broadcast %mul3A_263 : f32 to vector<1536x8xf32>
    %mul3A_265 = arith.mulf %mul3A_264, %dot_general3A_261 : vector<1536x8xf32>
    %sub3A_266 = arith.subf %add3A_262, %mul3A_265 : vector<1536x8xf32>
    %mul3A_267 = arith.constant 0.144337565 : f32
    %mul3A_268 = vector.broadcast %mul3A_267 : f32 to vector<1536x8xf32>
    %mul3A_269 = arith.mulf %dot_general3A_254, %mul3A_268 : vector<1536x8xf32>
    %mul3A_270 = arith.constant 0.0680413842 : f32
    %mul3A_271 = vector.broadcast %mul3A_270 : f32 to vector<1x8xf32>
    %mul3A_272 = arith.mulf %mul3A_271, %get3A_7 : vector<1x8xf32>
    %mul3A_273 = vector.broadcast %mul3A_272 : vector<1x8xf32> to vector<1536x8xf32>
    %mul3A_274 = arith.mulf %mul3A_273, %sub3A_266 : vector<1536x8xf32>
    %sub3A_275 = arith.subf %mul3A_269, %mul3A_274 : vector<1536x8xf32>
    %get3A_276 = arith.constant 0 : index
    %get3A_277 = arith.constant 0 : index
    %get3A_278 = vector.load %arg13[%get3A_276, %get3A_277] : memref<32x8xf32, #tpu.memory_space<vmem>>, vector<32x8xf32>
    %dot_general3A_279 = arith.constant dense<0.000000e+00> : vector<1536x8xf32>
    %dot_general3A_280 = tpu.matmul %get3A_4, %get3A_278, %dot_general3A_279 {dimension_numbers = #tpu.dot_dimension_numbers<[1], [0], [0], [1], [0, 0, 1, 1], [], []>, transpose_lhs_hint = false} : vector<1536x32xf32>, vector<32x8xf32>, vector<1536x8xf32> -> vector<1536x8xf32>
    %mul3A_281 = arith.constant 0.577350259 : f32
    %mul3A_282 = vector.broadcast %mul3A_281 : f32 to vector<1536x8xf32>
    %mul3A_283 = arith.mulf %dot_general3A_280, %mul3A_282 : vector<1536x8xf32>
    %sub3A_284 = arith.subf %sub3A_275, %reshape3A_246 : vector<1536x8xf32>
    %exp3A = math.exp %sub3A_284 : vector<1536x8xf32>
    %add3A_285 = arith.addf %sub3A_275, %mul3A_283 : vector<1536x8xf32>
    %sub3A_286 = arith.subf %add3A_285, %reshape3A_246 : vector<1536x8xf32>
    %exp3A_287 = math.exp %sub3A_286 : vector<1536x8xf32>
    %sub3A_288 = arith.subf %exp3A_287, %exp3A : vector<1536x8xf32>
    %get3A_289 = arith.constant 0 : index
    %get3A_290 = arith.constant 0 : index
    %get3A_291 = vector.load %arg7[%get3A_289, %get3A_290] : memref<32x8xf32, #tpu.memory_space<vmem>>, vector<32x8xf32>
    %reshape3A_292 = vector.shape_cast %sub3A_288 : vector<1536x8xf32> to vector<32x48x8xf32>
    %reduce_sum3A = arith.constant dense<0.000000e+00> : vector<32x8xf32>
    %reduce_sum3A_293 = vector.multi_reduction <add>, %reshape3A_292, %reduce_sum3A [1] : vector<32x48x8xf32> to vector<32x8xf32>
    %add3A_294 = arith.addf %get3A_291, %reduce_sum3A_293 : vector<32x8xf32>
    %dot_general3A_295 = arith.constant dense<0.000000e+00> : vector<1536x128xf32>
    %dot_general3A_296 = tpu.matmul %sub3A_288, %select_n3A_113, %dot_general3A_295 {dimension_numbers = #tpu.dot_dimension_numbers<[1], [0], [0], [1], [0, 0, 1, 1], [], []>, precision = #tpu.contract_precision<fp32>, transpose_lhs_hint = false} : vector<1536x8xf32>, vector<8x128xf32>, vector<1536x128xf32> -> vector<1536x128xf32>
    %convert_element_type3A_297 = arith.truncf %slice3A_249 : vector<1536x128xf32> to vector<1536x128xbf16>
    %convert_element_type3A_298 = arith.extf %convert_element_type3A_297 : vector<1536x128xbf16> to vector<1536x128xf32>
    %mul3A_299 = arith.mulf %dot_general3A_296, %convert_element_type3A_298 : vector<1536x128xf32>
    %reshape3A_300 = vector.shape_cast %mul3A_299 : vector<1536x128xf32> to vector<32x48x128xf32>
    %reduce_sum3A_301 = arith.constant dense<0.000000e+00> : vector<32x128xf32>
    %reduce_sum3A_302 = vector.multi_reduction <add>, %reshape3A_300, %reduce_sum3A_301 [1] : vector<32x48x128xf32> to vector<32x128xf32>
    %dot_general3A_303 = arith.constant dense<0.000000e+00> : vector<1536x96xf32>
    %dot_general3A_304 = tpu.matmul %sub3A_288, %select_n3A_152, %dot_general3A_303 {dimension_numbers = #tpu.dot_dimension_numbers<[1], [0], [0], [1], [0, 0, 1, 1], [], []>, precision = #tpu.contract_precision<fp32>, transpose_lhs_hint = false} : vector<1536x8xf32>, vector<8x96xf32>, vector<1536x96xf32> -> vector<1536x96xf32>
    %convert_element_type3A_305 = arith.truncf %slice3A_250 : vector<1536x96xf32> to vector<1536x96xbf16>
    %convert_element_type3A_306 = arith.extf %convert_element_type3A_305 : vector<1536x96xbf16> to vector<1536x96xf32>
    %mul3A_307 = arith.mulf %dot_general3A_304, %convert_element_type3A_306 : vector<1536x96xf32>
    %reshape3A_308 = vector.shape_cast %mul3A_307 : vector<1536x96xf32> to vector<32x48x96xf32>
    %reduce_sum3A_309 = arith.constant dense<0.000000e+00> : vector<32x96xf32>
    %reduce_sum3A_310 = vector.multi_reduction <add>, %reshape3A_308, %reduce_sum3A_309 [1] : vector<32x48x96xf32> to vector<32x96xf32>
    %broadcast_in_dim3A_311 = vector.shape_cast %add3A_294 : vector<32x8xf32> to vector<32x1x8xf32>
    %broadcast_in_dim3A_312 = vector.shape_cast %broadcast_in_dim3A_311 : vector<32x1x8xf32> to vector<32x1x8xf32>
    %broadcast_in_dim3A_313 = vector.broadcast %broadcast_in_dim3A_312 : vector<32x1x8xf32> to vector<32x48x8xf32>
    %reshape3A_314 = vector.shape_cast %broadcast_in_dim3A_313 : vector<32x48x8xf32> to vector<1536x8xf32>
    %div3A_315 = arith.divf %exp3A_287, %reshape3A_314 : vector<1536x8xf32>
    %iota3A_316 = tpu.iota {dimensions = array<i32: 0>} : vector<8x256xi32>
    %iota3A_317 = tpu.iota {dimensions = array<i32: 1>} : vector<8x256xi32>
    %jit3A_318 = arith.constant 32 : i32
    %div3A_319 = vector.broadcast %jit3A_318 : i32 to vector<8x256xi32>
    %div3A_320 = arith.divsi %iota3A_317, %div3A_319 : vector<8x256xi32>
    %sign3A_321 = arith.constant 0 : i32
    %sign3A_322 = vector.broadcast %sign3A_321 : i32 to vector<8x256xi32>
    %sign3A_323 = arith.cmpi sgt, %iota3A_317, %sign3A_322 : vector<8x256xi32>
    %sign3A_324 = arith.extui %sign3A_323 : vector<8x256xi1> to vector<8x256xi32>
    %sign3A_325 = arith.constant 0 : i32
    %sign3A_326 = vector.broadcast %sign3A_325 : i32 to vector<8x256xi32>
    %sign3A_327 = arith.cmpi slt, %iota3A_317, %sign3A_326 : vector<8x256xi32>
    %sign3A_328 = arith.extui %sign3A_327 : vector<8x256xi1> to vector<8x256xi32>
    %sign3A_329 = arith.subi %sign3A_324, %sign3A_328 : vector<8x256xi32>
    %sign3A_330 = arith.constant 0 : i32
    %sign3A_331 = arith.cmpi sgt, %jit3A_318, %sign3A_330 : i32
    %sign3A_332 = arith.extui %sign3A_331 : i1 to i32
    %sign3A_333 = arith.constant 0 : i32
    %sign3A_334 = arith.cmpi slt, %jit3A_318, %sign3A_333 : i32
    %sign3A_335 = arith.extui %sign3A_334 : i1 to i32
    %sign3A_336 = arith.subi %sign3A_332, %sign3A_335 : i32
    %ne3A_337 = vector.broadcast %sign3A_336 : i32 to vector<8x256xi32>
    %ne3A_338 = arith.cmpi ne, %sign3A_329, %ne3A_337 : vector<8x256xi32>
    %rem3A_339 = vector.broadcast %jit3A_318 : i32 to vector<8x256xi32>
    %rem3A_340 = arith.remsi %iota3A_317, %rem3A_339 : vector<8x256xi32>
    %ne3A_341 = arith.constant 0 : i32
    %ne3A_342 = vector.broadcast %ne3A_341 : i32 to vector<8x256xi32>
    %ne3A_343 = arith.cmpi ne, %rem3A_340, %ne3A_342 : vector<8x256xi32>
    %and3A_344 = arith.andi %ne3A_338, %ne3A_343 : vector<8x256xi1>
    %sub3A_345 = arith.constant 1 : i32
    %sub3A_346 = vector.broadcast %sub3A_345 : i32 to vector<8x256xi32>
    %sub3A_347 = arith.subi %div3A_320, %sub3A_346 : vector<8x256xi32>
    %select_n3A_348 = arith.select %and3A_344, %sub3A_347, %div3A_320 : vector<8x256xi1>, vector<8x256xi32>
    %eq3A_349 = arith.cmpi eq, %select_n3A_348, %iota3A_316 : vector<8x256xi32>
    %jit3A_350 = arith.constant 1.000000e+00 : f32
    %jit3A_351 = arith.constant 0.000000e+00 : f32
    %broadcast_in_dim3A_352 = vector.broadcast %jit3A_350 : f32 to vector<8x256xf32>
    %broadcast_in_dim3A_353 = vector.broadcast %jit3A_351 : f32 to vector<8x256xf32>
    %select_n3A_354 = arith.select %eq3A_349, %broadcast_in_dim3A_352, %broadcast_in_dim3A_353 : vector<8x256xi1>, vector<8x256xf32>
    %iota3A_355 = tpu.iota {dimensions = array<i32: 0>} : vector<32x256xi32>
    %iota3A_356 = tpu.iota {dimensions = array<i32: 1>} : vector<32x256xi32>
    %jit3A_357 = arith.constant 32 : i32
    %eq3A_358 = arith.constant 0 : i32
    %eq3A_359 = arith.cmpi eq, %jit3A_357, %eq3A_358 : i32
    %jit3A_360 = arith.constant 1 : i32
    %select_n3A_361 = arith.select %eq3A_359, %jit3A_360, %jit3A_357 : i32
    %rem3A_362 = vector.broadcast %select_n3A_361 : i32 to vector<32x256xi32>
    %rem3A_363 = arith.remsi %iota3A_356, %rem3A_362 : vector<32x256xi32>
    %ne3A_364 = arith.constant 0 : i32
    %ne3A_365 = vector.broadcast %ne3A_364 : i32 to vector<32x256xi32>
    %ne3A_366 = arith.cmpi ne, %rem3A_363, %ne3A_365 : vector<32x256xi32>
    %lt3A_367 = arith.constant 0 : i32
    %lt3A_368 = vector.broadcast %lt3A_367 : i32 to vector<32x256xi32>
    %lt3A_369 = arith.cmpi slt, %rem3A_363, %lt3A_368 : vector<32x256xi32>
    %lt3A_370 = arith.constant 0 : i32
    %lt3A_371 = arith.cmpi slt, %select_n3A_361, %lt3A_370 : i32
    %ne3A_372 = vector.broadcast %lt3A_371 : i1 to vector<32x256xi1>
    %ne3A_373 = vector.broadcast %ne3A_372 : vector<32x256xi1> to vector<32x256xi1>
    %ne3A_374 = arith.xori %lt3A_369, %ne3A_373 : vector<32x256xi1>
    %and3A_375 = arith.andi %ne3A_374, %ne3A_366 : vector<32x256xi1>
    %add3A_376 = vector.broadcast %select_n3A_361 : i32 to vector<32x256xi32>
    %add3A_377 = arith.addi %rem3A_363, %add3A_376 : vector<32x256xi32>
    %select_n3A_378 = arith.select %and3A_375, %add3A_377, %rem3A_363 : vector<32x256xi1>, vector<32x256xi32>
    %eq3A_379 = arith.cmpi eq, %select_n3A_378, %iota3A_355 : vector<32x256xi32>
    %jit3A_380 = arith.constant 1.000000e+00 : f32
    %jit3A_381 = arith.constant 0.000000e+00 : f32
    %broadcast_in_dim3A_382 = vector.broadcast %jit3A_380 : f32 to vector<32x256xf32>
    %broadcast_in_dim3A_383 = vector.broadcast %jit3A_381 : f32 to vector<32x256xf32>
    %select_n3A_384 = arith.select %eq3A_379, %broadcast_in_dim3A_382, %broadcast_in_dim3A_383 : vector<32x256xi1>, vector<32x256xf32>
    %dot_general3A_385 = arith.constant dense<0.000000e+00> : vector<1536x256xf32>
    %dot_general3A_386 = tpu.matmul %div3A_315, %select_n3A_354, %dot_general3A_385 {dimension_numbers = #tpu.dot_dimension_numbers<[1], [0], [0], [1], [0, 0, 1, 1], [], []>, transpose_lhs_hint = false} : vector<1536x8xf32>, vector<8x256xf32>, vector<1536x256xf32> -> vector<1536x256xf32>
    %dot_general3A_387 = arith.constant dense<0.000000e+00> : vector<1536x256xf32>
    %dot_general3A_388 = tpu.matmul %get3A_4, %select_n3A_384, %dot_general3A_387 {dimension_numbers = #tpu.dot_dimension_numbers<[1], [0], [0], [1], [0, 0, 1, 1], [], []>, transpose_lhs_hint = false} : vector<1536x32xf32>, vector<32x256xf32>, vector<1536x256xf32> -> vector<1536x256xf32>
    %mul3A_389 = arith.mulf %dot_general3A_386, %dot_general3A_388 : vector<1536x256xf32>
    %reshape3A_390 = vector.shape_cast %mul3A_389 : vector<1536x256xf32> to vector<32x48x256xf32>
    %reduce_sum3A_391 = arith.constant dense<0.000000e+00> : vector<32x256xf32>
    %reduce_sum3A_392 = vector.multi_reduction <add>, %reshape3A_390, %reduce_sum3A_391 [1] : vector<32x48x256xf32> to vector<32x256xf32>
    %div3A_393 = arith.constant 1.000000e+00 : f32
    %div3A_394 = vector.broadcast %div3A_393 : f32 to vector<32x8xf32>
    %div3A_395 = arith.divf %div3A_394, %add3A_294 : vector<32x8xf32>
    %get3A_396 = arith.constant 0 : index
    %get3A_397 = arith.constant 0 : index
    %get3A_398 = vector.load %arg8[%get3A_396, %get3A_397] : memref<32x128xf32, #tpu.memory_space<vmem>>, vector<32x128xf32>
    %add3A_399 = arith.addf %get3A_398, %reduce_sum3A_302 : vector<32x128xf32>
    %dot_general3A_400 = arith.constant dense<0.000000e+00> : vector<32x128xf32>
    %dot_general3A_401 = tpu.matmul %div3A_395, %select_n3A_113, %dot_general3A_400 {dimension_numbers = #tpu.dot_dimension_numbers<[1], [0], [0], [1], [0, 0, 1, 1], [], []>, precision = #tpu.contract_precision<fp32>, transpose_lhs_hint = false} : vector<32x8xf32>, vector<8x128xf32>, vector<32x128xf32> -> vector<32x128xf32>
    %mul3A_402 = arith.mulf %add3A_399, %dot_general3A_401 : vector<32x128xf32>
    %get3A_403 = arith.constant 0 : index
    %get3A_404 = arith.constant 0 : index
    %get3A_405 = vector.load %arg9[%get3A_403, %get3A_404] : memref<32x96xf32, #tpu.memory_space<vmem>>, vector<32x96xf32>
    %add3A_406 = arith.addf %get3A_405, %reduce_sum3A_310 : vector<32x96xf32>
    %dot_general3A_407 = arith.constant dense<0.000000e+00> : vector<32x96xf32>
    %dot_general3A_408 = tpu.matmul %div3A_395, %select_n3A_152, %dot_general3A_407 {dimension_numbers = #tpu.dot_dimension_numbers<[1], [0], [0], [1], [0, 0, 1, 1], [], []>, precision = #tpu.contract_precision<fp32>, transpose_lhs_hint = false} : vector<32x8xf32>, vector<8x96xf32>, vector<32x96xf32> -> vector<32x96xf32>
    %mul3A_409 = arith.mulf %add3A_406, %dot_general3A_408 : vector<32x96xf32>
    %get3A_410 = arith.constant 0 : index
    %get3A_411 = arith.constant 0 : index
    %get3A_412 = vector.load %arg12[%get3A_410, %get3A_411] : memref<32x3xf32, #tpu.memory_space<vmem>>, vector<32x3xf32>
    %get3A_413 = arith.constant 0 : index
    %get3A_414 = arith.constant 0 : index
    %get3A_415 = vector.load %arg11[%get3A_413, %get3A_414] : memref<32x9xf32, #tpu.memory_space<vmem>>, vector<32x9xf32>
    %dot_general3A_416 = arith.constant dense<0.000000e+00> : vector<32x96xf32>
    %dot_general3A_417 = tpu.matmul %get3A_412, %select_n3A_180, %dot_general3A_416 {dimension_numbers = #tpu.dot_dimension_numbers<[1], [0], [0], [1], [0, 0, 1, 1], [], []>, precision = #tpu.contract_precision<fp32>, transpose_lhs_hint = false} : vector<32x3xf32>, vector<3x96xf32>, vector<32x96xf32> -> vector<32x96xf32>
    %sub3A_418 = arith.subf %mul3A_409, %dot_general3A_417 : vector<32x96xf32>
    %broadcast_in_dim3A_419 = arith.constant 0.000000e+00 : f32
    %broadcast_in_dim3A_420 = vector.broadcast %broadcast_in_dim3A_419 : f32 to vector<32x96xf32>
    %iota3A_421 = tpu.iota {dimensions = array<i32: 0>} : vector<32x96xi32>
    %iota3A_422 = tpu.iota {dimensions = array<i32: 1>} : vector<32x96xi32>
    %jit3A_423 = arith.constant 3 : i32
    %div3A_424 = vector.broadcast %jit3A_423 : i32 to vector<32x96xi32>
    %div3A_425 = arith.divsi %iota3A_422, %div3A_424 : vector<32x96xi32>
    %sign3A_426 = arith.constant 0 : i32
    %sign3A_427 = vector.broadcast %sign3A_426 : i32 to vector<32x96xi32>
    %sign3A_428 = arith.cmpi sgt, %iota3A_422, %sign3A_427 : vector<32x96xi32>
    %sign3A_429 = arith.extui %sign3A_428 : vector<32x96xi1> to vector<32x96xi32>
    %sign3A_430 = arith.constant 0 : i32
    %sign3A_431 = vector.broadcast %sign3A_430 : i32 to vector<32x96xi32>
    %sign3A_432 = arith.cmpi slt, %iota3A_422, %sign3A_431 : vector<32x96xi32>
    %sign3A_433 = arith.extui %sign3A_432 : vector<32x96xi1> to vector<32x96xi32>
    %sign3A_434 = arith.subi %sign3A_429, %sign3A_433 : vector<32x96xi32>
    %sign3A_435 = arith.constant 0 : i32
    %sign3A_436 = arith.cmpi sgt, %jit3A_423, %sign3A_435 : i32
    %sign3A_437 = arith.extui %sign3A_436 : i1 to i32
    %sign3A_438 = arith.constant 0 : i32
    %sign3A_439 = arith.cmpi slt, %jit3A_423, %sign3A_438 : i32
    %sign3A_440 = arith.extui %sign3A_439 : i1 to i32
    %sign3A_441 = arith.subi %sign3A_437, %sign3A_440 : i32
    %ne3A_442 = vector.broadcast %sign3A_441 : i32 to vector<32x96xi32>
    %ne3A_443 = arith.cmpi ne, %sign3A_434, %ne3A_442 : vector<32x96xi32>
    %rem3A_444 = vector.broadcast %jit3A_423 : i32 to vector<32x96xi32>
    %rem3A_445 = arith.remsi %iota3A_422, %rem3A_444 : vector<32x96xi32>
    %ne3A_446 = arith.constant 0 : i32
    %ne3A_447 = vector.broadcast %ne3A_446 : i32 to vector<32x96xi32>
    %ne3A_448 = arith.cmpi ne, %rem3A_445, %ne3A_447 : vector<32x96xi32>
    %and3A_449 = arith.andi %ne3A_443, %ne3A_448 : vector<32x96xi1>
    %sub3A_450 = arith.constant 1 : i32
    %sub3A_451 = vector.broadcast %sub3A_450 : i32 to vector<32x96xi32>
    %sub3A_452 = arith.subi %div3A_425, %sub3A_451 : vector<32x96xi32>
    %select_n3A_453 = arith.select %and3A_449, %sub3A_452, %div3A_425 : vector<32x96xi1>, vector<32x96xi32>
    %eq3A_454 = arith.cmpi eq, %select_n3A_453, %iota3A_421 : vector<32x96xi32>
    %jit3A_455 = arith.constant 3 : i32
    %eq3A_456 = arith.constant 0 : i32
    %eq3A_457 = arith.cmpi eq, %jit3A_455, %eq3A_456 : i32
    %jit3A_458 = arith.constant 1 : i32
    %select_n3A_459 = arith.select %eq3A_457, %jit3A_458, %jit3A_455 : i32
    %rem3A_460 = vector.broadcast %select_n3A_459 : i32 to vector<32x96xi32>
    %rem3A_461 = arith.remsi %iota3A_422, %rem3A_460 : vector<32x96xi32>
    %ne3A_462 = arith.constant 0 : i32
    %ne3A_463 = vector.broadcast %ne3A_462 : i32 to vector<32x96xi32>
    %ne3A_464 = arith.cmpi ne, %rem3A_461, %ne3A_463 : vector<32x96xi32>
    %lt3A_465 = arith.constant 0 : i32
    %lt3A_466 = vector.broadcast %lt3A_465 : i32 to vector<32x96xi32>
    %lt3A_467 = arith.cmpi slt, %rem3A_461, %lt3A_466 : vector<32x96xi32>
    %lt3A_468 = arith.constant 0 : i32
    %lt3A_469 = arith.cmpi slt, %select_n3A_459, %lt3A_468 : i32
    %ne3A_470 = vector.broadcast %lt3A_469 : i1 to vector<32x96xi1>
    %ne3A_471 = vector.broadcast %ne3A_470 : vector<32x96xi1> to vector<32x96xi1>
    %ne3A_472 = arith.xori %lt3A_467, %ne3A_471 : vector<32x96xi1>
    %and3A_473 = arith.andi %ne3A_472, %ne3A_464 : vector<32x96xi1>
    %add3A_474 = vector.broadcast %select_n3A_459 : i32 to vector<32x96xi32>
    %add3A_475 = arith.addi %rem3A_461, %add3A_474 : vector<32x96xi32>
    %select_n3A_476 = arith.select %and3A_473, %add3A_475, %rem3A_461 : vector<32x96xi1>, vector<32x96xi32>
    %eq3A_477 = arith.constant 0 : i32
    %eq3A_478 = vector.broadcast %eq3A_477 : i32 to vector<32x96xi32>
    %eq3A_479 = arith.cmpi eq, %select_n3A_476, %eq3A_478 : vector<32x96xi32>
    %and3A_480 = arith.andi %eq3A_454, %eq3A_479 : vector<32x96xi1>
    %jit3A_481 = arith.constant 1.000000e+00 : f32
    %jit3A_482 = arith.constant 0.000000e+00 : f32
    %broadcast_in_dim3A_483 = vector.broadcast %jit3A_481 : f32 to vector<32x96xf32>
    %broadcast_in_dim3A_484 = vector.broadcast %jit3A_482 : f32 to vector<32x96xf32>
    %select_n3A_485 = arith.select %and3A_480, %broadcast_in_dim3A_483, %broadcast_in_dim3A_484 : vector<32x96xi1>, vector<32x96xf32>
    %broadcast_in_dim3A_486 = arith.constant 0.000000e+00 : f32
    %broadcast_in_dim3A_487 = vector.broadcast %broadcast_in_dim3A_486 : f32 to vector<32x32xf32>
    %iota3A_488 = tpu.iota {dimensions = array<i32: 0>} : vector<96x32xi32>
    %iota3A_489 = tpu.iota {dimensions = array<i32: 1>} : vector<96x32xi32>
    %jit3A_490 = arith.constant 3 : i32
    %div3A_491 = vector.broadcast %jit3A_490 : i32 to vector<96x32xi32>
    %div3A_492 = arith.divsi %iota3A_488, %div3A_491 : vector<96x32xi32>
    %sign3A_493 = arith.constant 0 : i32
    %sign3A_494 = vector.broadcast %sign3A_493 : i32 to vector<96x32xi32>
    %sign3A_495 = arith.cmpi sgt, %iota3A_488, %sign3A_494 : vector<96x32xi32>
    %sign3A_496 = arith.extui %sign3A_495 : vector<96x32xi1> to vector<96x32xi32>
    %sign3A_497 = arith.constant 0 : i32
    %sign3A_498 = vector.broadcast %sign3A_497 : i32 to vector<96x32xi32>
    %sign3A_499 = arith.cmpi slt, %iota3A_488, %sign3A_498 : vector<96x32xi32>
    %sign3A_500 = arith.extui %sign3A_499 : vector<96x32xi1> to vector<96x32xi32>
    %sign3A_501 = arith.subi %sign3A_496, %sign3A_500 : vector<96x32xi32>
    %sign3A_502 = arith.constant 0 : i32
    %sign3A_503 = arith.cmpi sgt, %jit3A_490, %sign3A_502 : i32
    %sign3A_504 = arith.extui %sign3A_503 : i1 to i32
    %sign3A_505 = arith.constant 0 : i32
    %sign3A_506 = arith.cmpi slt, %jit3A_490, %sign3A_505 : i32
    %sign3A_507 = arith.extui %sign3A_506 : i1 to i32
    %sign3A_508 = arith.subi %sign3A_504, %sign3A_507 : i32
    %ne3A_509 = vector.broadcast %sign3A_508 : i32 to vector<96x32xi32>
    %ne3A_510 = arith.cmpi ne, %sign3A_501, %ne3A_509 : vector<96x32xi32>
    %rem3A_511 = vector.broadcast %jit3A_490 : i32 to vector<96x32xi32>
    %rem3A_512 = arith.remsi %iota3A_488, %rem3A_511 : vector<96x32xi32>
    %ne3A_513 = arith.constant 0 : i32
    %ne3A_514 = vector.broadcast %ne3A_513 : i32 to vector<96x32xi32>
    %ne3A_515 = arith.cmpi ne, %rem3A_512, %ne3A_514 : vector<96x32xi32>
    %and3A_516 = arith.andi %ne3A_510, %ne3A_515 : vector<96x32xi1>
    %sub3A_517 = arith.constant 1 : i32
    %sub3A_518 = vector.broadcast %sub3A_517 : i32 to vector<96x32xi32>
    %sub3A_519 = arith.subi %div3A_492, %sub3A_518 : vector<96x32xi32>
    %select_n3A_520 = arith.select %and3A_516, %sub3A_519, %div3A_492 : vector<96x32xi1>, vector<96x32xi32>
    %eq3A_521 = arith.cmpi eq, %select_n3A_520, %iota3A_489 : vector<96x32xi32>
    %jit3A_522 = arith.constant 3 : i32
    %eq3A_523 = arith.constant 0 : i32
    %eq3A_524 = arith.cmpi eq, %jit3A_522, %eq3A_523 : i32
    %jit3A_525 = arith.constant 1 : i32
    %select_n3A_526 = arith.select %eq3A_524, %jit3A_525, %jit3A_522 : i32
    %rem3A_527 = vector.broadcast %select_n3A_526 : i32 to vector<96x32xi32>
    %rem3A_528 = arith.remsi %iota3A_488, %rem3A_527 : vector<96x32xi32>
    %ne3A_529 = arith.constant 0 : i32
    %ne3A_530 = vector.broadcast %ne3A_529 : i32 to vector<96x32xi32>
    %ne3A_531 = arith.cmpi ne, %rem3A_528, %ne3A_530 : vector<96x32xi32>
    %lt3A_532 = arith.constant 0 : i32
    %lt3A_533 = vector.broadcast %lt3A_532 : i32 to vector<96x32xi32>
    %lt3A_534 = arith.cmpi slt, %rem3A_528, %lt3A_533 : vector<96x32xi32>
    %lt3A_535 = arith.constant 0 : i32
    %lt3A_536 = arith.cmpi slt, %select_n3A_526, %lt3A_535 : i32
    %ne3A_537 = vector.broadcast %lt3A_536 : i1 to vector<96x32xi1>
    %ne3A_538 = vector.broadcast %ne3A_537 : vector<96x32xi1> to vector<96x32xi1>
    %ne3A_539 = arith.xori %lt3A_534, %ne3A_538 : vector<96x32xi1>
    %and3A_540 = arith.andi %ne3A_539, %ne3A_531 : vector<96x32xi1>
    %add3A_541 = vector.broadcast %select_n3A_526 : i32 to vector<96x32xi32>
    %add3A_542 = arith.addi %rem3A_528, %add3A_541 : vector<96x32xi32>
    %select_n3A_543 = arith.select %and3A_540, %add3A_542, %rem3A_528 : vector<96x32xi1>, vector<96x32xi32>
    %eq3A_544 = arith.constant 0 : i32
    %eq3A_545 = vector.broadcast %eq3A_544 : i32 to vector<96x32xi32>
    %eq3A_546 = arith.cmpi eq, %select_n3A_543, %eq3A_545 : vector<96x32xi32>
    %and3A_547 = arith.andi %eq3A_521, %eq3A_546 : vector<96x32xi1>
    %jit3A_548 = arith.constant 1.000000e+00 : f32
    %jit3A_549 = arith.constant 0.000000e+00 : f32
    %broadcast_in_dim3A_550 = vector.broadcast %jit3A_548 : f32 to vector<96x32xf32>
    %broadcast_in_dim3A_551 = vector.broadcast %jit3A_549 : f32 to vector<96x32xf32>
    %select_n3A_552 = arith.select %and3A_547, %broadcast_in_dim3A_550, %broadcast_in_dim3A_551 : vector<96x32xi1>, vector<96x32xf32>
    %dot_general3A_553 = arith.constant dense<0.000000e+00> : vector<32x32xf32>
    %dot_general3A_554 = tpu.matmul %sub3A_418, %select_n3A_552, %dot_general3A_553 {dimension_numbers = #tpu.dot_dimension_numbers<[1], [0], [0], [1], [0, 0, 1, 1], [], []>, precision = #tpu.contract_precision<fp32>, transpose_lhs_hint = false} : vector<32x96xf32>, vector<96x32xf32>, vector<32x32xf32> -> vector<32x32xf32>
    %slice3A_555 = vector.extract_strided_slice %get3A_415 {offsets = [0, 0], sizes = [32, 1], strides = [1, 1]} : vector<32x9xf32> to vector<32x1xf32>
    %mul3A_556 = vector.broadcast %slice3A_555 : vector<32x1xf32> to vector<32x32xf32>
    %mul3A_557 = arith.mulf %dot_general3A_554, %mul3A_556 : vector<32x32xf32>
    %add3A_558 = arith.addf %broadcast_in_dim3A_487, %mul3A_557 : vector<32x32xf32>
    %iota3A_559 = tpu.iota {dimensions = array<i32: 0>} : vector<96x32xi32>
    %iota3A_560 = tpu.iota {dimensions = array<i32: 1>} : vector<96x32xi32>
    %jit3A_561 = arith.constant 3 : i32
    %div3A_562 = vector.broadcast %jit3A_561 : i32 to vector<96x32xi32>
    %div3A_563 = arith.divsi %iota3A_559, %div3A_562 : vector<96x32xi32>
    %sign3A_564 = arith.constant 0 : i32
    %sign3A_565 = vector.broadcast %sign3A_564 : i32 to vector<96x32xi32>
    %sign3A_566 = arith.cmpi sgt, %iota3A_559, %sign3A_565 : vector<96x32xi32>
    %sign3A_567 = arith.extui %sign3A_566 : vector<96x32xi1> to vector<96x32xi32>
    %sign3A_568 = arith.constant 0 : i32
    %sign3A_569 = vector.broadcast %sign3A_568 : i32 to vector<96x32xi32>
    %sign3A_570 = arith.cmpi slt, %iota3A_559, %sign3A_569 : vector<96x32xi32>
    %sign3A_571 = arith.extui %sign3A_570 : vector<96x32xi1> to vector<96x32xi32>
    %sign3A_572 = arith.subi %sign3A_567, %sign3A_571 : vector<96x32xi32>
    %sign3A_573 = arith.constant 0 : i32
    %sign3A_574 = arith.cmpi sgt, %jit3A_561, %sign3A_573 : i32
    %sign3A_575 = arith.extui %sign3A_574 : i1 to i32
    %sign3A_576 = arith.constant 0 : i32
    %sign3A_577 = arith.cmpi slt, %jit3A_561, %sign3A_576 : i32
    %sign3A_578 = arith.extui %sign3A_577 : i1 to i32
    %sign3A_579 = arith.subi %sign3A_575, %sign3A_578 : i32
    %ne3A_580 = vector.broadcast %sign3A_579 : i32 to vector<96x32xi32>
    %ne3A_581 = arith.cmpi ne, %sign3A_572, %ne3A_580 : vector<96x32xi32>
    %rem3A_582 = vector.broadcast %jit3A_561 : i32 to vector<96x32xi32>
    %rem3A_583 = arith.remsi %iota3A_559, %rem3A_582 : vector<96x32xi32>
    %ne3A_584 = arith.constant 0 : i32
    %ne3A_585 = vector.broadcast %ne3A_584 : i32 to vector<96x32xi32>
    %ne3A_586 = arith.cmpi ne, %rem3A_583, %ne3A_585 : vector<96x32xi32>
    %and3A_587 = arith.andi %ne3A_581, %ne3A_586 : vector<96x32xi1>
    %sub3A_588 = arith.constant 1 : i32
    %sub3A_589 = vector.broadcast %sub3A_588 : i32 to vector<96x32xi32>
    %sub3A_590 = arith.subi %div3A_563, %sub3A_589 : vector<96x32xi32>
    %select_n3A_591 = arith.select %and3A_587, %sub3A_590, %div3A_563 : vector<96x32xi1>, vector<96x32xi32>
    %eq3A_592 = arith.cmpi eq, %select_n3A_591, %iota3A_560 : vector<96x32xi32>
    %jit3A_593 = arith.constant 3 : i32
    %eq3A_594 = arith.constant 0 : i32
    %eq3A_595 = arith.cmpi eq, %jit3A_593, %eq3A_594 : i32
    %jit3A_596 = arith.constant 1 : i32
    %select_n3A_597 = arith.select %eq3A_595, %jit3A_596, %jit3A_593 : i32
    %rem3A_598 = vector.broadcast %select_n3A_597 : i32 to vector<96x32xi32>
    %rem3A_599 = arith.remsi %iota3A_559, %rem3A_598 : vector<96x32xi32>
    %ne3A_600 = arith.constant 0 : i32
    %ne3A_601 = vector.broadcast %ne3A_600 : i32 to vector<96x32xi32>
    %ne3A_602 = arith.cmpi ne, %rem3A_599, %ne3A_601 : vector<96x32xi32>
    %lt3A_603 = arith.constant 0 : i32
    %lt3A_604 = vector.broadcast %lt3A_603 : i32 to vector<96x32xi32>
    %lt3A_605 = arith.cmpi slt, %rem3A_599, %lt3A_604 : vector<96x32xi32>
    %lt3A_606 = arith.constant 0 : i32
    %lt3A_607 = arith.cmpi slt, %select_n3A_597, %lt3A_606 : i32
    %ne3A_608 = vector.broadcast %lt3A_607 : i1 to vector<96x32xi1>
    %ne3A_609 = vector.broadcast %ne3A_608 : vector<96x32xi1> to vector<96x32xi1>
    %ne3A_610 = arith.xori %lt3A_605, %ne3A_609 : vector<96x32xi1>
    %and3A_611 = arith.andi %ne3A_610, %ne3A_602 : vector<96x32xi1>
    %add3A_612 = vector.broadcast %select_n3A_597 : i32 to vector<96x32xi32>
    %add3A_613 = arith.addi %rem3A_599, %add3A_612 : vector<96x32xi32>
    %select_n3A_614 = arith.select %and3A_611, %add3A_613, %rem3A_599 : vector<96x32xi1>, vector<96x32xi32>
    %eq3A_615 = arith.constant 1 : i32
    %eq3A_616 = vector.broadcast %eq3A_615 : i32 to vector<96x32xi32>
    %eq3A_617 = arith.cmpi eq, %select_n3A_614, %eq3A_616 : vector<96x32xi32>
    %and3A_618 = arith.andi %eq3A_592, %eq3A_617 : vector<96x32xi1>
    %jit3A_619 = arith.constant 1.000000e+00 : f32
    %jit3A_620 = arith.constant 0.000000e+00 : f32
    %broadcast_in_dim3A_621 = vector.broadcast %jit3A_619 : f32 to vector<96x32xf32>
    %broadcast_in_dim3A_622 = vector.broadcast %jit3A_620 : f32 to vector<96x32xf32>
    %select_n3A_623 = arith.select %and3A_618, %broadcast_in_dim3A_621, %broadcast_in_dim3A_622 : vector<96x32xi1>, vector<96x32xf32>
    %dot_general3A_624 = arith.constant dense<0.000000e+00> : vector<32x32xf32>
    %dot_general3A_625 = tpu.matmul %sub3A_418, %select_n3A_623, %dot_general3A_624 {dimension_numbers = #tpu.dot_dimension_numbers<[1], [0], [0], [1], [0, 0, 1, 1], [], []>, precision = #tpu.contract_precision<fp32>, transpose_lhs_hint = false} : vector<32x96xf32>, vector<96x32xf32>, vector<32x32xf32> -> vector<32x32xf32>
    %slice3A_626 = vector.extract_strided_slice %get3A_415 {offsets = [0, 1], sizes = [32, 1], strides = [1, 1]} : vector<32x9xf32> to vector<32x1xf32>
    %mul3A_627 = vector.broadcast %slice3A_626 : vector<32x1xf32> to vector<32x32xf32>
    %mul3A_628 = arith.mulf %dot_general3A_625, %mul3A_627 : vector<32x32xf32>
    %add3A_629 = arith.addf %add3A_558, %mul3A_628 : vector<32x32xf32>
    %iota3A_630 = tpu.iota {dimensions = array<i32: 0>} : vector<96x32xi32>
    %iota3A_631 = tpu.iota {dimensions = array<i32: 1>} : vector<96x32xi32>
    %jit3A_632 = arith.constant 3 : i32
    %div3A_633 = vector.broadcast %jit3A_632 : i32 to vector<96x32xi32>
    %div3A_634 = arith.divsi %iota3A_630, %div3A_633 : vector<96x32xi32>
    %sign3A_635 = arith.constant 0 : i32
    %sign3A_636 = vector.broadcast %sign3A_635 : i32 to vector<96x32xi32>
    %sign3A_637 = arith.cmpi sgt, %iota3A_630, %sign3A_636 : vector<96x32xi32>
    %sign3A_638 = arith.extui %sign3A_637 : vector<96x32xi1> to vector<96x32xi32>
    %sign3A_639 = arith.constant 0 : i32
    %sign3A_640 = vector.broadcast %sign3A_639 : i32 to vector<96x32xi32>
    %sign3A_641 = arith.cmpi slt, %iota3A_630, %sign3A_640 : vector<96x32xi32>
    %sign3A_642 = arith.extui %sign3A_641 : vector<96x32xi1> to vector<96x32xi32>
    %sign3A_643 = arith.subi %sign3A_638, %sign3A_642 : vector<96x32xi32>
    %sign3A_644 = arith.constant 0 : i32
    %sign3A_645 = arith.cmpi sgt, %jit3A_632, %sign3A_644 : i32
    %sign3A_646 = arith.extui %sign3A_645 : i1 to i32
    %sign3A_647 = arith.constant 0 : i32
    %sign3A_648 = arith.cmpi slt, %jit3A_632, %sign3A_647 : i32
    %sign3A_649 = arith.extui %sign3A_648 : i1 to i32
    %sign3A_650 = arith.subi %sign3A_646, %sign3A_649 : i32
    %ne3A_651 = vector.broadcast %sign3A_650 : i32 to vector<96x32xi32>
    %ne3A_652 = arith.cmpi ne, %sign3A_643, %ne3A_651 : vector<96x32xi32>
    %rem3A_653 = vector.broadcast %jit3A_632 : i32 to vector<96x32xi32>
    %rem3A_654 = arith.remsi %iota3A_630, %rem3A_653 : vector<96x32xi32>
    %ne3A_655 = arith.constant 0 : i32
    %ne3A_656 = vector.broadcast %ne3A_655 : i32 to vector<96x32xi32>
    %ne3A_657 = arith.cmpi ne, %rem3A_654, %ne3A_656 : vector<96x32xi32>
    %and3A_658 = arith.andi %ne3A_652, %ne3A_657 : vector<96x32xi1>
    %sub3A_659 = arith.constant 1 : i32
    %sub3A_660 = vector.broadcast %sub3A_659 : i32 to vector<96x32xi32>
    %sub3A_661 = arith.subi %div3A_634, %sub3A_660 : vector<96x32xi32>
    %select_n3A_662 = arith.select %and3A_658, %sub3A_661, %div3A_634 : vector<96x32xi1>, vector<96x32xi32>
    %eq3A_663 = arith.cmpi eq, %select_n3A_662, %iota3A_631 : vector<96x32xi32>
    %jit3A_664 = arith.constant 3 : i32
    %eq3A_665 = arith.constant 0 : i32
    %eq3A_666 = arith.cmpi eq, %jit3A_664, %eq3A_665 : i32
    %jit3A_667 = arith.constant 1 : i32
    %select_n3A_668 = arith.select %eq3A_666, %jit3A_667, %jit3A_664 : i32
    %rem3A_669 = vector.broadcast %select_n3A_668 : i32 to vector<96x32xi32>
    %rem3A_670 = arith.remsi %iota3A_630, %rem3A_669 : vector<96x32xi32>
    %ne3A_671 = arith.constant 0 : i32
    %ne3A_672 = vector.broadcast %ne3A_671 : i32 to vector<96x32xi32>
    %ne3A_673 = arith.cmpi ne, %rem3A_670, %ne3A_672 : vector<96x32xi32>
    %lt3A_674 = arith.constant 0 : i32
    %lt3A_675 = vector.broadcast %lt3A_674 : i32 to vector<96x32xi32>
    %lt3A_676 = arith.cmpi slt, %rem3A_670, %lt3A_675 : vector<96x32xi32>
    %lt3A_677 = arith.constant 0 : i32
    %lt3A_678 = arith.cmpi slt, %select_n3A_668, %lt3A_677 : i32
    %ne3A_679 = vector.broadcast %lt3A_678 : i1 to vector<96x32xi1>
    %ne3A_680 = vector.broadcast %ne3A_679 : vector<96x32xi1> to vector<96x32xi1>
    %ne3A_681 = arith.xori %lt3A_676, %ne3A_680 : vector<96x32xi1>
    %and3A_682 = arith.andi %ne3A_681, %ne3A_673 : vector<96x32xi1>
    %add3A_683 = vector.broadcast %select_n3A_668 : i32 to vector<96x32xi32>
    %add3A_684 = arith.addi %rem3A_670, %add3A_683 : vector<96x32xi32>
    %select_n3A_685 = arith.select %and3A_682, %add3A_684, %rem3A_670 : vector<96x32xi1>, vector<96x32xi32>
    %eq3A_686 = arith.constant 2 : i32
    %eq3A_687 = vector.broadcast %eq3A_686 : i32 to vector<96x32xi32>
    %eq3A_688 = arith.cmpi eq, %select_n3A_685, %eq3A_687 : vector<96x32xi32>
    %and3A_689 = arith.andi %eq3A_663, %eq3A_688 : vector<96x32xi1>
    %jit3A_690 = arith.constant 1.000000e+00 : f32
    %jit3A_691 = arith.constant 0.000000e+00 : f32
    %broadcast_in_dim3A_692 = vector.broadcast %jit3A_690 : f32 to vector<96x32xf32>
    %broadcast_in_dim3A_693 = vector.broadcast %jit3A_691 : f32 to vector<96x32xf32>
    %select_n3A_694 = arith.select %and3A_689, %broadcast_in_dim3A_692, %broadcast_in_dim3A_693 : vector<96x32xi1>, vector<96x32xf32>
    %dot_general3A_695 = arith.constant dense<0.000000e+00> : vector<32x32xf32>
    %dot_general3A_696 = tpu.matmul %sub3A_418, %select_n3A_694, %dot_general3A_695 {dimension_numbers = #tpu.dot_dimension_numbers<[1], [0], [0], [1], [0, 0, 1, 1], [], []>, precision = #tpu.contract_precision<fp32>, transpose_lhs_hint = false} : vector<32x96xf32>, vector<96x32xf32>, vector<32x32xf32> -> vector<32x32xf32>
    %slice3A_697 = vector.extract_strided_slice %get3A_415 {offsets = [0, 2], sizes = [32, 1], strides = [1, 1]} : vector<32x9xf32> to vector<32x1xf32>
    %mul3A_698 = vector.broadcast %slice3A_697 : vector<32x1xf32> to vector<32x32xf32>
    %mul3A_699 = arith.mulf %dot_general3A_696, %mul3A_698 : vector<32x32xf32>
    %add3A_700 = arith.addf %add3A_629, %mul3A_699 : vector<32x32xf32>
    %dot_general3A_701 = arith.constant dense<0.000000e+00> : vector<32x96xf32>
    %dot_general3A_702 = tpu.matmul %add3A_700, %select_n3A_485, %dot_general3A_701 {dimension_numbers = #tpu.dot_dimension_numbers<[1], [0], [0], [1], [0, 0, 1, 1], [], []>, precision = #tpu.contract_precision<fp32>, transpose_lhs_hint = false} : vector<32x32xf32>, vector<32x96xf32>, vector<32x96xf32> -> vector<32x96xf32>
    %add3A_703 = arith.addf %broadcast_in_dim3A_420, %dot_general3A_702 : vector<32x96xf32>
    %iota3A_704 = tpu.iota {dimensions = array<i32: 0>} : vector<32x96xi32>
    %iota3A_705 = tpu.iota {dimensions = array<i32: 1>} : vector<32x96xi32>
    %jit3A_706 = arith.constant 3 : i32
    %div3A_707 = vector.broadcast %jit3A_706 : i32 to vector<32x96xi32>
    %div3A_708 = arith.divsi %iota3A_705, %div3A_707 : vector<32x96xi32>
    %sign3A_709 = arith.constant 0 : i32
    %sign3A_710 = vector.broadcast %sign3A_709 : i32 to vector<32x96xi32>
    %sign3A_711 = arith.cmpi sgt, %iota3A_705, %sign3A_710 : vector<32x96xi32>
    %sign3A_712 = arith.extui %sign3A_711 : vector<32x96xi1> to vector<32x96xi32>
    %sign3A_713 = arith.constant 0 : i32
    %sign3A_714 = vector.broadcast %sign3A_713 : i32 to vector<32x96xi32>
    %sign3A_715 = arith.cmpi slt, %iota3A_705, %sign3A_714 : vector<32x96xi32>
    %sign3A_716 = arith.extui %sign3A_715 : vector<32x96xi1> to vector<32x96xi32>
    %sign3A_717 = arith.subi %sign3A_712, %sign3A_716 : vector<32x96xi32>
    %sign3A_718 = arith.constant 0 : i32
    %sign3A_719 = arith.cmpi sgt, %jit3A_706, %sign3A_718 : i32
    %sign3A_720 = arith.extui %sign3A_719 : i1 to i32
    %sign3A_721 = arith.constant 0 : i32
    %sign3A_722 = arith.cmpi slt, %jit3A_706, %sign3A_721 : i32
    %sign3A_723 = arith.extui %sign3A_722 : i1 to i32
    %sign3A_724 = arith.subi %sign3A_720, %sign3A_723 : i32
    %ne3A_725 = vector.broadcast %sign3A_724 : i32 to vector<32x96xi32>
    %ne3A_726 = arith.cmpi ne, %sign3A_717, %ne3A_725 : vector<32x96xi32>
    %rem3A_727 = vector.broadcast %jit3A_706 : i32 to vector<32x96xi32>
    %rem3A_728 = arith.remsi %iota3A_705, %rem3A_727 : vector<32x96xi32>
    %ne3A_729 = arith.constant 0 : i32
    %ne3A_730 = vector.broadcast %ne3A_729 : i32 to vector<32x96xi32>
    %ne3A_731 = arith.cmpi ne, %rem3A_728, %ne3A_730 : vector<32x96xi32>
    %and3A_732 = arith.andi %ne3A_726, %ne3A_731 : vector<32x96xi1>
    %sub3A_733 = arith.constant 1 : i32
    %sub3A_734 = vector.broadcast %sub3A_733 : i32 to vector<32x96xi32>
    %sub3A_735 = arith.subi %div3A_708, %sub3A_734 : vector<32x96xi32>
    %select_n3A_736 = arith.select %and3A_732, %sub3A_735, %div3A_708 : vector<32x96xi1>, vector<32x96xi32>
    %eq3A_737 = arith.cmpi eq, %select_n3A_736, %iota3A_704 : vector<32x96xi32>
    %jit3A_738 = arith.constant 3 : i32
    %eq3A_739 = arith.constant 0 : i32
    %eq3A_740 = arith.cmpi eq, %jit3A_738, %eq3A_739 : i32
    %jit3A_741 = arith.constant 1 : i32
    %select_n3A_742 = arith.select %eq3A_740, %jit3A_741, %jit3A_738 : i32
    %rem3A_743 = vector.broadcast %select_n3A_742 : i32 to vector<32x96xi32>
    %rem3A_744 = arith.remsi %iota3A_705, %rem3A_743 : vector<32x96xi32>
    %ne3A_745 = arith.constant 0 : i32
    %ne3A_746 = vector.broadcast %ne3A_745 : i32 to vector<32x96xi32>
    %ne3A_747 = arith.cmpi ne, %rem3A_744, %ne3A_746 : vector<32x96xi32>
    %lt3A_748 = arith.constant 0 : i32
    %lt3A_749 = vector.broadcast %lt3A_748 : i32 to vector<32x96xi32>
    %lt3A_750 = arith.cmpi slt, %rem3A_744, %lt3A_749 : vector<32x96xi32>
    %lt3A_751 = arith.constant 0 : i32
    %lt3A_752 = arith.cmpi slt, %select_n3A_742, %lt3A_751 : i32
    %ne3A_753 = vector.broadcast %lt3A_752 : i1 to vector<32x96xi1>
    %ne3A_754 = vector.broadcast %ne3A_753 : vector<32x96xi1> to vector<32x96xi1>
    %ne3A_755 = arith.xori %lt3A_750, %ne3A_754 : vector<32x96xi1>
    %and3A_756 = arith.andi %ne3A_755, %ne3A_747 : vector<32x96xi1>
    %add3A_757 = vector.broadcast %select_n3A_742 : i32 to vector<32x96xi32>
    %add3A_758 = arith.addi %rem3A_744, %add3A_757 : vector<32x96xi32>
    %select_n3A_759 = arith.select %and3A_756, %add3A_758, %rem3A_744 : vector<32x96xi1>, vector<32x96xi32>
    %eq3A_760 = arith.constant 1 : i32
    %eq3A_761 = vector.broadcast %eq3A_760 : i32 to vector<32x96xi32>
    %eq3A_762 = arith.cmpi eq, %select_n3A_759, %eq3A_761 : vector<32x96xi32>
    %and3A_763 = arith.andi %eq3A_737, %eq3A_762 : vector<32x96xi1>
    %jit3A_764 = arith.constant 1.000000e+00 : f32
    %jit3A_765 = arith.constant 0.000000e+00 : f32
    %broadcast_in_dim3A_766 = vector.broadcast %jit3A_764 : f32 to vector<32x96xf32>
    %broadcast_in_dim3A_767 = vector.broadcast %jit3A_765 : f32 to vector<32x96xf32>
    %select_n3A_768 = arith.select %and3A_763, %broadcast_in_dim3A_766, %broadcast_in_dim3A_767 : vector<32x96xi1>, vector<32x96xf32>
    %broadcast_in_dim3A_769 = arith.constant 0.000000e+00 : f32
    %broadcast_in_dim3A_770 = vector.broadcast %broadcast_in_dim3A_769 : f32 to vector<32x32xf32>
    %iota3A_771 = tpu.iota {dimensions = array<i32: 0>} : vector<96x32xi32>
    %iota3A_772 = tpu.iota {dimensions = array<i32: 1>} : vector<96x32xi32>
    %jit3A_773 = arith.constant 3 : i32
    %div3A_774 = vector.broadcast %jit3A_773 : i32 to vector<96x32xi32>
    %div3A_775 = arith.divsi %iota3A_771, %div3A_774 : vector<96x32xi32>
    %sign3A_776 = arith.constant 0 : i32
    %sign3A_777 = vector.broadcast %sign3A_776 : i32 to vector<96x32xi32>
    %sign3A_778 = arith.cmpi sgt, %iota3A_771, %sign3A_777 : vector<96x32xi32>
    %sign3A_779 = arith.extui %sign3A_778 : vector<96x32xi1> to vector<96x32xi32>
    %sign3A_780 = arith.constant 0 : i32
    %sign3A_781 = vector.broadcast %sign3A_780 : i32 to vector<96x32xi32>
    %sign3A_782 = arith.cmpi slt, %iota3A_771, %sign3A_781 : vector<96x32xi32>
    %sign3A_783 = arith.extui %sign3A_782 : vector<96x32xi1> to vector<96x32xi32>
    %sign3A_784 = arith.subi %sign3A_779, %sign3A_783 : vector<96x32xi32>
    %sign3A_785 = arith.constant 0 : i32
    %sign3A_786 = arith.cmpi sgt, %jit3A_773, %sign3A_785 : i32
    %sign3A_787 = arith.extui %sign3A_786 : i1 to i32
    %sign3A_788 = arith.constant 0 : i32
    %sign3A_789 = arith.cmpi slt, %jit3A_773, %sign3A_788 : i32
    %sign3A_790 = arith.extui %sign3A_789 : i1 to i32
    %sign3A_791 = arith.subi %sign3A_787, %sign3A_790 : i32
    %ne3A_792 = vector.broadcast %sign3A_791 : i32 to vector<96x32xi32>
    %ne3A_793 = arith.cmpi ne, %sign3A_784, %ne3A_792 : vector<96x32xi32>
    %rem3A_794 = vector.broadcast %jit3A_773 : i32 to vector<96x32xi32>
    %rem3A_795 = arith.remsi %iota3A_771, %rem3A_794 : vector<96x32xi32>
    %ne3A_796 = arith.constant 0 : i32
    %ne3A_797 = vector.broadcast %ne3A_796 : i32 to vector<96x32xi32>
    %ne3A_798 = arith.cmpi ne, %rem3A_795, %ne3A_797 : vector<96x32xi32>
    %and3A_799 = arith.andi %ne3A_793, %ne3A_798 : vector<96x32xi1>
    %sub3A_800 = arith.constant 1 : i32
    %sub3A_801 = vector.broadcast %sub3A_800 : i32 to vector<96x32xi32>
    %sub3A_802 = arith.subi %div3A_775, %sub3A_801 : vector<96x32xi32>
    %select_n3A_803 = arith.select %and3A_799, %sub3A_802, %div3A_775 : vector<96x32xi1>, vector<96x32xi32>
    %eq3A_804 = arith.cmpi eq, %select_n3A_803, %iota3A_772 : vector<96x32xi32>
    %jit3A_805 = arith.constant 3 : i32
    %eq3A_806 = arith.constant 0 : i32
    %eq3A_807 = arith.cmpi eq, %jit3A_805, %eq3A_806 : i32
    %jit3A_808 = arith.constant 1 : i32
    %select_n3A_809 = arith.select %eq3A_807, %jit3A_808, %jit3A_805 : i32
    %rem3A_810 = vector.broadcast %select_n3A_809 : i32 to vector<96x32xi32>
    %rem3A_811 = arith.remsi %iota3A_771, %rem3A_810 : vector<96x32xi32>
    %ne3A_812 = arith.constant 0 : i32
    %ne3A_813 = vector.broadcast %ne3A_812 : i32 to vector<96x32xi32>
    %ne3A_814 = arith.cmpi ne, %rem3A_811, %ne3A_813 : vector<96x32xi32>
    %lt3A_815 = arith.constant 0 : i32
    %lt3A_816 = vector.broadcast %lt3A_815 : i32 to vector<96x32xi32>
    %lt3A_817 = arith.cmpi slt, %rem3A_811, %lt3A_816 : vector<96x32xi32>
    %lt3A_818 = arith.constant 0 : i32
    %lt3A_819 = arith.cmpi slt, %select_n3A_809, %lt3A_818 : i32
    %ne3A_820 = vector.broadcast %lt3A_819 : i1 to vector<96x32xi1>
    %ne3A_821 = vector.broadcast %ne3A_820 : vector<96x32xi1> to vector<96x32xi1>
    %ne3A_822 = arith.xori %lt3A_817, %ne3A_821 : vector<96x32xi1>
    %and3A_823 = arith.andi %ne3A_822, %ne3A_814 : vector<96x32xi1>
    %add3A_824 = vector.broadcast %select_n3A_809 : i32 to vector<96x32xi32>
    %add3A_825 = arith.addi %rem3A_811, %add3A_824 : vector<96x32xi32>
    %select_n3A_826 = arith.select %and3A_823, %add3A_825, %rem3A_811 : vector<96x32xi1>, vector<96x32xi32>
    %eq3A_827 = arith.constant 0 : i32
    %eq3A_828 = vector.broadcast %eq3A_827 : i32 to vector<96x32xi32>
    %eq3A_829 = arith.cmpi eq, %select_n3A_826, %eq3A_828 : vector<96x32xi32>
    %and3A_830 = arith.andi %eq3A_804, %eq3A_829 : vector<96x32xi1>
    %jit3A_831 = arith.constant 1.000000e+00 : f32
    %jit3A_832 = arith.constant 0.000000e+00 : f32
    %broadcast_in_dim3A_833 = vector.broadcast %jit3A_831 : f32 to vector<96x32xf32>
    %broadcast_in_dim3A_834 = vector.broadcast %jit3A_832 : f32 to vector<96x32xf32>
    %select_n3A_835 = arith.select %and3A_830, %broadcast_in_dim3A_833, %broadcast_in_dim3A_834 : vector<96x32xi1>, vector<96x32xf32>
    %dot_general3A_836 = arith.constant dense<0.000000e+00> : vector<32x32xf32>
    %dot_general3A_837 = tpu.matmul %sub3A_418, %select_n3A_835, %dot_general3A_836 {dimension_numbers = #tpu.dot_dimension_numbers<[1], [0], [0], [1], [0, 0, 1, 1], [], []>, precision = #tpu.contract_precision<fp32>, transpose_lhs_hint = false} : vector<32x96xf32>, vector<96x32xf32>, vector<32x32xf32> -> vector<32x32xf32>
    %slice3A_838 = vector.extract_strided_slice %get3A_415 {offsets = [0, 3], sizes = [32, 1], strides = [1, 1]} : vector<32x9xf32> to vector<32x1xf32>
    %mul3A_839 = vector.broadcast %slice3A_838 : vector<32x1xf32> to vector<32x32xf32>
    %mul3A_840 = arith.mulf %dot_general3A_837, %mul3A_839 : vector<32x32xf32>
    %add3A_841 = arith.addf %broadcast_in_dim3A_770, %mul3A_840 : vector<32x32xf32>
    %iota3A_842 = tpu.iota {dimensions = array<i32: 0>} : vector<96x32xi32>
    %iota3A_843 = tpu.iota {dimensions = array<i32: 1>} : vector<96x32xi32>
    %jit3A_844 = arith.constant 3 : i32
    %div3A_845 = vector.broadcast %jit3A_844 : i32 to vector<96x32xi32>
    %div3A_846 = arith.divsi %iota3A_842, %div3A_845 : vector<96x32xi32>
    %sign3A_847 = arith.constant 0 : i32
    %sign3A_848 = vector.broadcast %sign3A_847 : i32 to vector<96x32xi32>
    %sign3A_849 = arith.cmpi sgt, %iota3A_842, %sign3A_848 : vector<96x32xi32>
    %sign3A_850 = arith.extui %sign3A_849 : vector<96x32xi1> to vector<96x32xi32>
    %sign3A_851 = arith.constant 0 : i32
    %sign3A_852 = vector.broadcast %sign3A_851 : i32 to vector<96x32xi32>
    %sign3A_853 = arith.cmpi slt, %iota3A_842, %sign3A_852 : vector<96x32xi32>
    %sign3A_854 = arith.extui %sign3A_853 : vector<96x32xi1> to vector<96x32xi32>
    %sign3A_855 = arith.subi %sign3A_850, %sign3A_854 : vector<96x32xi32>
    %sign3A_856 = arith.constant 0 : i32
    %sign3A_857 = arith.cmpi sgt, %jit3A_844, %sign3A_856 : i32
    %sign3A_858 = arith.extui %sign3A_857 : i1 to i32
    %sign3A_859 = arith.constant 0 : i32
    %sign3A_860 = arith.cmpi slt, %jit3A_844, %sign3A_859 : i32
    %sign3A_861 = arith.extui %sign3A_860 : i1 to i32
    %sign3A_862 = arith.subi %sign3A_858, %sign3A_861 : i32
    %ne3A_863 = vector.broadcast %sign3A_862 : i32 to vector<96x32xi32>
    %ne3A_864 = arith.cmpi ne, %sign3A_855, %ne3A_863 : vector<96x32xi32>
    %rem3A_865 = vector.broadcast %jit3A_844 : i32 to vector<96x32xi32>
    %rem3A_866 = arith.remsi %iota3A_842, %rem3A_865 : vector<96x32xi32>
    %ne3A_867 = arith.constant 0 : i32
    %ne3A_868 = vector.broadcast %ne3A_867 : i32 to vector<96x32xi32>
    %ne3A_869 = arith.cmpi ne, %rem3A_866, %ne3A_868 : vector<96x32xi32>
    %and3A_870 = arith.andi %ne3A_864, %ne3A_869 : vector<96x32xi1>
    %sub3A_871 = arith.constant 1 : i32
    %sub3A_872 = vector.broadcast %sub3A_871 : i32 to vector<96x32xi32>
    %sub3A_873 = arith.subi %div3A_846, %sub3A_872 : vector<96x32xi32>
    %select_n3A_874 = arith.select %and3A_870, %sub3A_873, %div3A_846 : vector<96x32xi1>, vector<96x32xi32>
    %eq3A_875 = arith.cmpi eq, %select_n3A_874, %iota3A_843 : vector<96x32xi32>
    %jit3A_876 = arith.constant 3 : i32
    %eq3A_877 = arith.constant 0 : i32
    %eq3A_878 = arith.cmpi eq, %jit3A_876, %eq3A_877 : i32
    %jit3A_879 = arith.constant 1 : i32
    %select_n3A_880 = arith.select %eq3A_878, %jit3A_879, %jit3A_876 : i32
    %rem3A_881 = vector.broadcast %select_n3A_880 : i32 to vector<96x32xi32>
    %rem3A_882 = arith.remsi %iota3A_842, %rem3A_881 : vector<96x32xi32>
    %ne3A_883 = arith.constant 0 : i32
    %ne3A_884 = vector.broadcast %ne3A_883 : i32 to vector<96x32xi32>
    %ne3A_885 = arith.cmpi ne, %rem3A_882, %ne3A_884 : vector<96x32xi32>
    %lt3A_886 = arith.constant 0 : i32
    %lt3A_887 = vector.broadcast %lt3A_886 : i32 to vector<96x32xi32>
    %lt3A_888 = arith.cmpi slt, %rem3A_882, %lt3A_887 : vector<96x32xi32>
    %lt3A_889 = arith.constant 0 : i32
    %lt3A_890 = arith.cmpi slt, %select_n3A_880, %lt3A_889 : i32
    %ne3A_891 = vector.broadcast %lt3A_890 : i1 to vector<96x32xi1>
    %ne3A_892 = vector.broadcast %ne3A_891 : vector<96x32xi1> to vector<96x32xi1>
    %ne3A_893 = arith.xori %lt3A_888, %ne3A_892 : vector<96x32xi1>
    %and3A_894 = arith.andi %ne3A_893, %ne3A_885 : vector<96x32xi1>
    %add3A_895 = vector.broadcast %select_n3A_880 : i32 to vector<96x32xi32>
    %add3A_896 = arith.addi %rem3A_882, %add3A_895 : vector<96x32xi32>
    %select_n3A_897 = arith.select %and3A_894, %add3A_896, %rem3A_882 : vector<96x32xi1>, vector<96x32xi32>
    %eq3A_898 = arith.constant 1 : i32
    %eq3A_899 = vector.broadcast %eq3A_898 : i32 to vector<96x32xi32>
    %eq3A_900 = arith.cmpi eq, %select_n3A_897, %eq3A_899 : vector<96x32xi32>
    %and3A_901 = arith.andi %eq3A_875, %eq3A_900 : vector<96x32xi1>
    %jit3A_902 = arith.constant 1.000000e+00 : f32
    %jit3A_903 = arith.constant 0.000000e+00 : f32
    %broadcast_in_dim3A_904 = vector.broadcast %jit3A_902 : f32 to vector<96x32xf32>
    %broadcast_in_dim3A_905 = vector.broadcast %jit3A_903 : f32 to vector<96x32xf32>
    %select_n3A_906 = arith.select %and3A_901, %broadcast_in_dim3A_904, %broadcast_in_dim3A_905 : vector<96x32xi1>, vector<96x32xf32>
    %dot_general3A_907 = arith.constant dense<0.000000e+00> : vector<32x32xf32>
    %dot_general3A_908 = tpu.matmul %sub3A_418, %select_n3A_906, %dot_general3A_907 {dimension_numbers = #tpu.dot_dimension_numbers<[1], [0], [0], [1], [0, 0, 1, 1], [], []>, precision = #tpu.contract_precision<fp32>, transpose_lhs_hint = false} : vector<32x96xf32>, vector<96x32xf32>, vector<32x32xf32> -> vector<32x32xf32>
    %slice3A_909 = vector.extract_strided_slice %get3A_415 {offsets = [0, 4], sizes = [32, 1], strides = [1, 1]} : vector<32x9xf32> to vector<32x1xf32>
    %mul3A_910 = vector.broadcast %slice3A_909 : vector<32x1xf32> to vector<32x32xf32>
    %mul3A_911 = arith.mulf %dot_general3A_908, %mul3A_910 : vector<32x32xf32>
    %add3A_912 = arith.addf %add3A_841, %mul3A_911 : vector<32x32xf32>
    %iota3A_913 = tpu.iota {dimensions = array<i32: 0>} : vector<96x32xi32>
    %iota3A_914 = tpu.iota {dimensions = array<i32: 1>} : vector<96x32xi32>
    %jit3A_915 = arith.constant 3 : i32
    %div3A_916 = vector.broadcast %jit3A_915 : i32 to vector<96x32xi32>
    %div3A_917 = arith.divsi %iota3A_913, %div3A_916 : vector<96x32xi32>
    %sign3A_918 = arith.constant 0 : i32
    %sign3A_919 = vector.broadcast %sign3A_918 : i32 to vector<96x32xi32>
    %sign3A_920 = arith.cmpi sgt, %iota3A_913, %sign3A_919 : vector<96x32xi32>
    %sign3A_921 = arith.extui %sign3A_920 : vector<96x32xi1> to vector<96x32xi32>
    %sign3A_922 = arith.constant 0 : i32
    %sign3A_923 = vector.broadcast %sign3A_922 : i32 to vector<96x32xi32>
    %sign3A_924 = arith.cmpi slt, %iota3A_913, %sign3A_923 : vector<96x32xi32>
    %sign3A_925 = arith.extui %sign3A_924 : vector<96x32xi1> to vector<96x32xi32>
    %sign3A_926 = arith.subi %sign3A_921, %sign3A_925 : vector<96x32xi32>
    %sign3A_927 = arith.constant 0 : i32
    %sign3A_928 = arith.cmpi sgt, %jit3A_915, %sign3A_927 : i32
    %sign3A_929 = arith.extui %sign3A_928 : i1 to i32
    %sign3A_930 = arith.constant 0 : i32
    %sign3A_931 = arith.cmpi slt, %jit3A_915, %sign3A_930 : i32
    %sign3A_932 = arith.extui %sign3A_931 : i1 to i32
    %sign3A_933 = arith.subi %sign3A_929, %sign3A_932 : i32
    %ne3A_934 = vector.broadcast %sign3A_933 : i32 to vector<96x32xi32>
    %ne3A_935 = arith.cmpi ne, %sign3A_926, %ne3A_934 : vector<96x32xi32>
    %rem3A_936 = vector.broadcast %jit3A_915 : i32 to vector<96x32xi32>
    %rem3A_937 = arith.remsi %iota3A_913, %rem3A_936 : vector<96x32xi32>
    %ne3A_938 = arith.constant 0 : i32
    %ne3A_939 = vector.broadcast %ne3A_938 : i32 to vector<96x32xi32>
    %ne3A_940 = arith.cmpi ne, %rem3A_937, %ne3A_939 : vector<96x32xi32>
    %and3A_941 = arith.andi %ne3A_935, %ne3A_940 : vector<96x32xi1>
    %sub3A_942 = arith.constant 1 : i32
    %sub3A_943 = vector.broadcast %sub3A_942 : i32 to vector<96x32xi32>
    %sub3A_944 = arith.subi %div3A_917, %sub3A_943 : vector<96x32xi32>
    %select_n3A_945 = arith.select %and3A_941, %sub3A_944, %div3A_917 : vector<96x32xi1>, vector<96x32xi32>
    %eq3A_946 = arith.cmpi eq, %select_n3A_945, %iota3A_914 : vector<96x32xi32>
    %jit3A_947 = arith.constant 3 : i32
    %eq3A_948 = arith.constant 0 : i32
    %eq3A_949 = arith.cmpi eq, %jit3A_947, %eq3A_948 : i32
    %jit3A_950 = arith.constant 1 : i32
    %select_n3A_951 = arith.select %eq3A_949, %jit3A_950, %jit3A_947 : i32
    %rem3A_952 = vector.broadcast %select_n3A_951 : i32 to vector<96x32xi32>
    %rem3A_953 = arith.remsi %iota3A_913, %rem3A_952 : vector<96x32xi32>
    %ne3A_954 = arith.constant 0 : i32
    %ne3A_955 = vector.broadcast %ne3A_954 : i32 to vector<96x32xi32>
    %ne3A_956 = arith.cmpi ne, %rem3A_953, %ne3A_955 : vector<96x32xi32>
    %lt3A_957 = arith.constant 0 : i32
    %lt3A_958 = vector.broadcast %lt3A_957 : i32 to vector<96x32xi32>
    %lt3A_959 = arith.cmpi slt, %rem3A_953, %lt3A_958 : vector<96x32xi32>
    %lt3A_960 = arith.constant 0 : i32
    %lt3A_961 = arith.cmpi slt, %select_n3A_951, %lt3A_960 : i32
    %ne3A_962 = vector.broadcast %lt3A_961 : i1 to vector<96x32xi1>
    %ne3A_963 = vector.broadcast %ne3A_962 : vector<96x32xi1> to vector<96x32xi1>
    %ne3A_964 = arith.xori %lt3A_959, %ne3A_963 : vector<96x32xi1>
    %and3A_965 = arith.andi %ne3A_964, %ne3A_956 : vector<96x32xi1>
    %add3A_966 = vector.broadcast %select_n3A_951 : i32 to vector<96x32xi32>
    %add3A_967 = arith.addi %rem3A_953, %add3A_966 : vector<96x32xi32>
    %select_n3A_968 = arith.select %and3A_965, %add3A_967, %rem3A_953 : vector<96x32xi1>, vector<96x32xi32>
    %eq3A_969 = arith.constant 2 : i32
    %eq3A_970 = vector.broadcast %eq3A_969 : i32 to vector<96x32xi32>
    %eq3A_971 = arith.cmpi eq, %select_n3A_968, %eq3A_970 : vector<96x32xi32>
    %and3A_972 = arith.andi %eq3A_946, %eq3A_971 : vector<96x32xi1>
    %jit3A_973 = arith.constant 1.000000e+00 : f32
    %jit3A_974 = arith.constant 0.000000e+00 : f32
    %broadcast_in_dim3A_975 = vector.broadcast %jit3A_973 : f32 to vector<96x32xf32>
    %broadcast_in_dim3A_976 = vector.broadcast %jit3A_974 : f32 to vector<96x32xf32>
    %select_n3A_977 = arith.select %and3A_972, %broadcast_in_dim3A_975, %broadcast_in_dim3A_976 : vector<96x32xi1>, vector<96x32xf32>
    %dot_general3A_978 = arith.constant dense<0.000000e+00> : vector<32x32xf32>
    %dot_general3A_979 = tpu.matmul %sub3A_418, %select_n3A_977, %dot_general3A_978 {dimension_numbers = #tpu.dot_dimension_numbers<[1], [0], [0], [1], [0, 0, 1, 1], [], []>, precision = #tpu.contract_precision<fp32>, transpose_lhs_hint = false} : vector<32x96xf32>, vector<96x32xf32>, vector<32x32xf32> -> vector<32x32xf32>
    %slice3A_980 = vector.extract_strided_slice %get3A_415 {offsets = [0, 5], sizes = [32, 1], strides = [1, 1]} : vector<32x9xf32> to vector<32x1xf32>
    %mul3A_981 = vector.broadcast %slice3A_980 : vector<32x1xf32> to vector<32x32xf32>
    %mul3A_982 = arith.mulf %dot_general3A_979, %mul3A_981 : vector<32x32xf32>
    %add3A_983 = arith.addf %add3A_912, %mul3A_982 : vector<32x32xf32>
    %dot_general3A_984 = arith.constant dense<0.000000e+00> : vector<32x96xf32>
    %dot_general3A_985 = tpu.matmul %add3A_983, %select_n3A_768, %dot_general3A_984 {dimension_numbers = #tpu.dot_dimension_numbers<[1], [0], [0], [1], [0, 0, 1, 1], [], []>, precision = #tpu.contract_precision<fp32>, transpose_lhs_hint = false} : vector<32x32xf32>, vector<32x96xf32>, vector<32x96xf32> -> vector<32x96xf32>
    %add3A_986 = arith.addf %add3A_703, %dot_general3A_985 : vector<32x96xf32>
    %iota3A_987 = tpu.iota {dimensions = array<i32: 0>} : vector<32x96xi32>
    %iota3A_988 = tpu.iota {dimensions = array<i32: 1>} : vector<32x96xi32>
    %jit3A_989 = arith.constant 3 : i32
    %div3A_990 = vector.broadcast %jit3A_989 : i32 to vector<32x96xi32>
    %div3A_991 = arith.divsi %iota3A_988, %div3A_990 : vector<32x96xi32>
    %sign3A_992 = arith.constant 0 : i32
    %sign3A_993 = vector.broadcast %sign3A_992 : i32 to vector<32x96xi32>
    %sign3A_994 = arith.cmpi sgt, %iota3A_988, %sign3A_993 : vector<32x96xi32>
    %sign3A_995 = arith.extui %sign3A_994 : vector<32x96xi1> to vector<32x96xi32>
    %sign3A_996 = arith.constant 0 : i32
    %sign3A_997 = vector.broadcast %sign3A_996 : i32 to vector<32x96xi32>
    %sign3A_998 = arith.cmpi slt, %iota3A_988, %sign3A_997 : vector<32x96xi32>
    %sign3A_999 = arith.extui %sign3A_998 : vector<32x96xi1> to vector<32x96xi32>
    %sign3A_1000 = arith.subi %sign3A_995, %sign3A_999 : vector<32x96xi32>
    %sign3A_1001 = arith.constant 0 : i32
    %sign3A_1002 = arith.cmpi sgt, %jit3A_989, %sign3A_1001 : i32
    %sign3A_1003 = arith.extui %sign3A_1002 : i1 to i32
    %sign3A_1004 = arith.constant 0 : i32
    %sign3A_1005 = arith.cmpi slt, %jit3A_989, %sign3A_1004 : i32
    %sign3A_1006 = arith.extui %sign3A_1005 : i1 to i32
    %sign3A_1007 = arith.subi %sign3A_1003, %sign3A_1006 : i32
    %ne3A_1008 = vector.broadcast %sign3A_1007 : i32 to vector<32x96xi32>
    %ne3A_1009 = arith.cmpi ne, %sign3A_1000, %ne3A_1008 : vector<32x96xi32>
    %rem3A_1010 = vector.broadcast %jit3A_989 : i32 to vector<32x96xi32>
    %rem3A_1011 = arith.remsi %iota3A_988, %rem3A_1010 : vector<32x96xi32>
    %ne3A_1012 = arith.constant 0 : i32
    %ne3A_1013 = vector.broadcast %ne3A_1012 : i32 to vector<32x96xi32>
    %ne3A_1014 = arith.cmpi ne, %rem3A_1011, %ne3A_1013 : vector<32x96xi32>
    %and3A_1015 = arith.andi %ne3A_1009, %ne3A_1014 : vector<32x96xi1>
    %sub3A_1016 = arith.constant 1 : i32
    %sub3A_1017 = vector.broadcast %sub3A_1016 : i32 to vector<32x96xi32>
    %sub3A_1018 = arith.subi %div3A_991, %sub3A_1017 : vector<32x96xi32>
    %select_n3A_1019 = arith.select %and3A_1015, %sub3A_1018, %div3A_991 : vector<32x96xi1>, vector<32x96xi32>
    %eq3A_1020 = arith.cmpi eq, %select_n3A_1019, %iota3A_987 : vector<32x96xi32>
    %jit3A_1021 = arith.constant 3 : i32
    %eq3A_1022 = arith.constant 0 : i32
    %eq3A_1023 = arith.cmpi eq, %jit3A_1021, %eq3A_1022 : i32
    %jit3A_1024 = arith.constant 1 : i32
    %select_n3A_1025 = arith.select %eq3A_1023, %jit3A_1024, %jit3A_1021 : i32
    %rem3A_1026 = vector.broadcast %select_n3A_1025 : i32 to vector<32x96xi32>
    %rem3A_1027 = arith.remsi %iota3A_988, %rem3A_1026 : vector<32x96xi32>
    %ne3A_1028 = arith.constant 0 : i32
    %ne3A_1029 = vector.broadcast %ne3A_1028 : i32 to vector<32x96xi32>
    %ne3A_1030 = arith.cmpi ne, %rem3A_1027, %ne3A_1029 : vector<32x96xi32>
    %lt3A_1031 = arith.constant 0 : i32
    %lt3A_1032 = vector.broadcast %lt3A_1031 : i32 to vector<32x96xi32>
    %lt3A_1033 = arith.cmpi slt, %rem3A_1027, %lt3A_1032 : vector<32x96xi32>
    %lt3A_1034 = arith.constant 0 : i32
    %lt3A_1035 = arith.cmpi slt, %select_n3A_1025, %lt3A_1034 : i32
    %ne3A_1036 = vector.broadcast %lt3A_1035 : i1 to vector<32x96xi1>
    %ne3A_1037 = vector.broadcast %ne3A_1036 : vector<32x96xi1> to vector<32x96xi1>
    %ne3A_1038 = arith.xori %lt3A_1033, %ne3A_1037 : vector<32x96xi1>
    %and3A_1039 = arith.andi %ne3A_1038, %ne3A_1030 : vector<32x96xi1>
    %add3A_1040 = vector.broadcast %select_n3A_1025 : i32 to vector<32x96xi32>
    %add3A_1041 = arith.addi %rem3A_1027, %add3A_1040 : vector<32x96xi32>
    %select_n3A_1042 = arith.select %and3A_1039, %add3A_1041, %rem3A_1027 : vector<32x96xi1>, vector<32x96xi32>
    %eq3A_1043 = arith.constant 2 : i32
    %eq3A_1044 = vector.broadcast %eq3A_1043 : i32 to vector<32x96xi32>
    %eq3A_1045 = arith.cmpi eq, %select_n3A_1042, %eq3A_1044 : vector<32x96xi32>
    %and3A_1046 = arith.andi %eq3A_1020, %eq3A_1045 : vector<32x96xi1>
    %jit3A_1047 = arith.constant 1.000000e+00 : f32
    %jit3A_1048 = arith.constant 0.000000e+00 : f32
    %broadcast_in_dim3A_1049 = vector.broadcast %jit3A_1047 : f32 to vector<32x96xf32>
    %broadcast_in_dim3A_1050 = vector.broadcast %jit3A_1048 : f32 to vector<32x96xf32>
    %select_n3A_1051 = arith.select %and3A_1046, %broadcast_in_dim3A_1049, %broadcast_in_dim3A_1050 : vector<32x96xi1>, vector<32x96xf32>
    %broadcast_in_dim3A_1052 = arith.constant 0.000000e+00 : f32
    %broadcast_in_dim3A_1053 = vector.broadcast %broadcast_in_dim3A_1052 : f32 to vector<32x32xf32>
    %iota3A_1054 = tpu.iota {dimensions = array<i32: 0>} : vector<96x32xi32>
    %iota3A_1055 = tpu.iota {dimensions = array<i32: 1>} : vector<96x32xi32>
    %jit3A_1056 = arith.constant 3 : i32
    %div3A_1057 = vector.broadcast %jit3A_1056 : i32 to vector<96x32xi32>
    %div3A_1058 = arith.divsi %iota3A_1054, %div3A_1057 : vector<96x32xi32>
    %sign3A_1059 = arith.constant 0 : i32
    %sign3A_1060 = vector.broadcast %sign3A_1059 : i32 to vector<96x32xi32>
    %sign3A_1061 = arith.cmpi sgt, %iota3A_1054, %sign3A_1060 : vector<96x32xi32>
    %sign3A_1062 = arith.extui %sign3A_1061 : vector<96x32xi1> to vector<96x32xi32>
    %sign3A_1063 = arith.constant 0 : i32
    %sign3A_1064 = vector.broadcast %sign3A_1063 : i32 to vector<96x32xi32>
    %sign3A_1065 = arith.cmpi slt, %iota3A_1054, %sign3A_1064 : vector<96x32xi32>
    %sign3A_1066 = arith.extui %sign3A_1065 : vector<96x32xi1> to vector<96x32xi32>
    %sign3A_1067 = arith.subi %sign3A_1062, %sign3A_1066 : vector<96x32xi32>
    %sign3A_1068 = arith.constant 0 : i32
    %sign3A_1069 = arith.cmpi sgt, %jit3A_1056, %sign3A_1068 : i32
    %sign3A_1070 = arith.extui %sign3A_1069 : i1 to i32
    %sign3A_1071 = arith.constant 0 : i32
    %sign3A_1072 = arith.cmpi slt, %jit3A_1056, %sign3A_1071 : i32
    %sign3A_1073 = arith.extui %sign3A_1072 : i1 to i32
    %sign3A_1074 = arith.subi %sign3A_1070, %sign3A_1073 : i32
    %ne3A_1075 = vector.broadcast %sign3A_1074 : i32 to vector<96x32xi32>
    %ne3A_1076 = arith.cmpi ne, %sign3A_1067, %ne3A_1075 : vector<96x32xi32>
    %rem3A_1077 = vector.broadcast %jit3A_1056 : i32 to vector<96x32xi32>
    %rem3A_1078 = arith.remsi %iota3A_1054, %rem3A_1077 : vector<96x32xi32>
    %ne3A_1079 = arith.constant 0 : i32
    %ne3A_1080 = vector.broadcast %ne3A_1079 : i32 to vector<96x32xi32>
    %ne3A_1081 = arith.cmpi ne, %rem3A_1078, %ne3A_1080 : vector<96x32xi32>
    %and3A_1082 = arith.andi %ne3A_1076, %ne3A_1081 : vector<96x32xi1>
    %sub3A_1083 = arith.constant 1 : i32
    %sub3A_1084 = vector.broadcast %sub3A_1083 : i32 to vector<96x32xi32>
    %sub3A_1085 = arith.subi %div3A_1058, %sub3A_1084 : vector<96x32xi32>
    %select_n3A_1086 = arith.select %and3A_1082, %sub3A_1085, %div3A_1058 : vector<96x32xi1>, vector<96x32xi32>
    %eq3A_1087 = arith.cmpi eq, %select_n3A_1086, %iota3A_1055 : vector<96x32xi32>
    %jit3A_1088 = arith.constant 3 : i32
    %eq3A_1089 = arith.constant 0 : i32
    %eq3A_1090 = arith.cmpi eq, %jit3A_1088, %eq3A_1089 : i32
    %jit3A_1091 = arith.constant 1 : i32
    %select_n3A_1092 = arith.select %eq3A_1090, %jit3A_1091, %jit3A_1088 : i32
    %rem3A_1093 = vector.broadcast %select_n3A_1092 : i32 to vector<96x32xi32>
    %rem3A_1094 = arith.remsi %iota3A_1054, %rem3A_1093 : vector<96x32xi32>
    %ne3A_1095 = arith.constant 0 : i32
    %ne3A_1096 = vector.broadcast %ne3A_1095 : i32 to vector<96x32xi32>
    %ne3A_1097 = arith.cmpi ne, %rem3A_1094, %ne3A_1096 : vector<96x32xi32>
    %lt3A_1098 = arith.constant 0 : i32
    %lt3A_1099 = vector.broadcast %lt3A_1098 : i32 to vector<96x32xi32>
    %lt3A_1100 = arith.cmpi slt, %rem3A_1094, %lt3A_1099 : vector<96x32xi32>
    %lt3A_1101 = arith.constant 0 : i32
    %lt3A_1102 = arith.cmpi slt, %select_n3A_1092, %lt3A_1101 : i32
    %ne3A_1103 = vector.broadcast %lt3A_1102 : i1 to vector<96x32xi1>
    %ne3A_1104 = vector.broadcast %ne3A_1103 : vector<96x32xi1> to vector<96x32xi1>
    %ne3A_1105 = arith.xori %lt3A_1100, %ne3A_1104 : vector<96x32xi1>
    %and3A_1106 = arith.andi %ne3A_1105, %ne3A_1097 : vector<96x32xi1>
    %add3A_1107 = vector.broadcast %select_n3A_1092 : i32 to vector<96x32xi32>
    %add3A_1108 = arith.addi %rem3A_1094, %add3A_1107 : vector<96x32xi32>
    %select_n3A_1109 = arith.select %and3A_1106, %add3A_1108, %rem3A_1094 : vector<96x32xi1>, vector<96x32xi32>
    %eq3A_1110 = arith.constant 0 : i32
    %eq3A_1111 = vector.broadcast %eq3A_1110 : i32 to vector<96x32xi32>
    %eq3A_1112 = arith.cmpi eq, %select_n3A_1109, %eq3A_1111 : vector<96x32xi32>
    %and3A_1113 = arith.andi %eq3A_1087, %eq3A_1112 : vector<96x32xi1>
    %jit3A_1114 = arith.constant 1.000000e+00 : f32
    %jit3A_1115 = arith.constant 0.000000e+00 : f32
    %broadcast_in_dim3A_1116 = vector.broadcast %jit3A_1114 : f32 to vector<96x32xf32>
    %broadcast_in_dim3A_1117 = vector.broadcast %jit3A_1115 : f32 to vector<96x32xf32>
    %select_n3A_1118 = arith.select %and3A_1113, %broadcast_in_dim3A_1116, %broadcast_in_dim3A_1117 : vector<96x32xi1>, vector<96x32xf32>
    %dot_general3A_1119 = arith.constant dense<0.000000e+00> : vector<32x32xf32>
    %dot_general3A_1120 = tpu.matmul %sub3A_418, %select_n3A_1118, %dot_general3A_1119 {dimension_numbers = #tpu.dot_dimension_numbers<[1], [0], [0], [1], [0, 0, 1, 1], [], []>, precision = #tpu.contract_precision<fp32>, transpose_lhs_hint = false} : vector<32x96xf32>, vector<96x32xf32>, vector<32x32xf32> -> vector<32x32xf32>
    %slice3A_1121 = vector.extract_strided_slice %get3A_415 {offsets = [0, 6], sizes = [32, 1], strides = [1, 1]} : vector<32x9xf32> to vector<32x1xf32>
    %mul3A_1122 = vector.broadcast %slice3A_1121 : vector<32x1xf32> to vector<32x32xf32>
    %mul3A_1123 = arith.mulf %dot_general3A_1120, %mul3A_1122 : vector<32x32xf32>
    %add3A_1124 = arith.addf %broadcast_in_dim3A_1053, %mul3A_1123 : vector<32x32xf32>
    %iota3A_1125 = tpu.iota {dimensions = array<i32: 0>} : vector<96x32xi32>
    %iota3A_1126 = tpu.iota {dimensions = array<i32: 1>} : vector<96x32xi32>
    %jit3A_1127 = arith.constant 3 : i32
    %div3A_1128 = vector.broadcast %jit3A_1127 : i32 to vector<96x32xi32>
    %div3A_1129 = arith.divsi %iota3A_1125, %div3A_1128 : vector<96x32xi32>
    %sign3A_1130 = arith.constant 0 : i32
    %sign3A_1131 = vector.broadcast %sign3A_1130 : i32 to vector<96x32xi32>
    %sign3A_1132 = arith.cmpi sgt, %iota3A_1125, %sign3A_1131 : vector<96x32xi32>
    %sign3A_1133 = arith.extui %sign3A_1132 : vector<96x32xi1> to vector<96x32xi32>
    %sign3A_1134 = arith.constant 0 : i32
    %sign3A_1135 = vector.broadcast %sign3A_1134 : i32 to vector<96x32xi32>
    %sign3A_1136 = arith.cmpi slt, %iota3A_1125, %sign3A_1135 : vector<96x32xi32>
    %sign3A_1137 = arith.extui %sign3A_1136 : vector<96x32xi1> to vector<96x32xi32>
    %sign3A_1138 = arith.subi %sign3A_1133, %sign3A_1137 : vector<96x32xi32>
    %sign3A_1139 = arith.constant 0 : i32
    %sign3A_1140 = arith.cmpi sgt, %jit3A_1127, %sign3A_1139 : i32
    %sign3A_1141 = arith.extui %sign3A_1140 : i1 to i32
    %sign3A_1142 = arith.constant 0 : i32
    %sign3A_1143 = arith.cmpi slt, %jit3A_1127, %sign3A_1142 : i32
    %sign3A_1144 = arith.extui %sign3A_1143 : i1 to i32
    %sign3A_1145 = arith.subi %sign3A_1141, %sign3A_1144 : i32
    %ne3A_1146 = vector.broadcast %sign3A_1145 : i32 to vector<96x32xi32>
    %ne3A_1147 = arith.cmpi ne, %sign3A_1138, %ne3A_1146 : vector<96x32xi32>
    %rem3A_1148 = vector.broadcast %jit3A_1127 : i32 to vector<96x32xi32>
    %rem3A_1149 = arith.remsi %iota3A_1125, %rem3A_1148 : vector<96x32xi32>
    %ne3A_1150 = arith.constant 0 : i32
    %ne3A_1151 = vector.broadcast %ne3A_1150 : i32 to vector<96x32xi32>
    %ne3A_1152 = arith.cmpi ne, %rem3A_1149, %ne3A_1151 : vector<96x32xi32>
    %and3A_1153 = arith.andi %ne3A_1147, %ne3A_1152 : vector<96x32xi1>
    %sub3A_1154 = arith.constant 1 : i32
    %sub3A_1155 = vector.broadcast %sub3A_1154 : i32 to vector<96x32xi32>
    %sub3A_1156 = arith.subi %div3A_1129, %sub3A_1155 : vector<96x32xi32>
    %select_n3A_1157 = arith.select %and3A_1153, %sub3A_1156, %div3A_1129 : vector<96x32xi1>, vector<96x32xi32>
    %eq3A_1158 = arith.cmpi eq, %select_n3A_1157, %iota3A_1126 : vector<96x32xi32>
    %jit3A_1159 = arith.constant 3 : i32
    %eq3A_1160 = arith.constant 0 : i32
    %eq3A_1161 = arith.cmpi eq, %jit3A_1159, %eq3A_1160 : i32
    %jit3A_1162 = arith.constant 1 : i32
    %select_n3A_1163 = arith.select %eq3A_1161, %jit3A_1162, %jit3A_1159 : i32
    %rem3A_1164 = vector.broadcast %select_n3A_1163 : i32 to vector<96x32xi32>
    %rem3A_1165 = arith.remsi %iota3A_1125, %rem3A_1164 : vector<96x32xi32>
    %ne3A_1166 = arith.constant 0 : i32
    %ne3A_1167 = vector.broadcast %ne3A_1166 : i32 to vector<96x32xi32>
    %ne3A_1168 = arith.cmpi ne, %rem3A_1165, %ne3A_1167 : vector<96x32xi32>
    %lt3A_1169 = arith.constant 0 : i32
    %lt3A_1170 = vector.broadcast %lt3A_1169 : i32 to vector<96x32xi32>
    %lt3A_1171 = arith.cmpi slt, %rem3A_1165, %lt3A_1170 : vector<96x32xi32>
    %lt3A_1172 = arith.constant 0 : i32
    %lt3A_1173 = arith.cmpi slt, %select_n3A_1163, %lt3A_1172 : i32
    %ne3A_1174 = vector.broadcast %lt3A_1173 : i1 to vector<96x32xi1>
    %ne3A_1175 = vector.broadcast %ne3A_1174 : vector<96x32xi1> to vector<96x32xi1>
    %ne3A_1176 = arith.xori %lt3A_1171, %ne3A_1175 : vector<96x32xi1>
    %and3A_1177 = arith.andi %ne3A_1176, %ne3A_1168 : vector<96x32xi1>
    %add3A_1178 = vector.broadcast %select_n3A_1163 : i32 to vector<96x32xi32>
    %add3A_1179 = arith.addi %rem3A_1165, %add3A_1178 : vector<96x32xi32>
    %select_n3A_1180 = arith.select %and3A_1177, %add3A_1179, %rem3A_1165 : vector<96x32xi1>, vector<96x32xi32>
    %eq3A_1181 = arith.constant 1 : i32
    %eq3A_1182 = vector.broadcast %eq3A_1181 : i32 to vector<96x32xi32>
    %eq3A_1183 = arith.cmpi eq, %select_n3A_1180, %eq3A_1182 : vector<96x32xi32>
    %and3A_1184 = arith.andi %eq3A_1158, %eq3A_1183 : vector<96x32xi1>
    %jit3A_1185 = arith.constant 1.000000e+00 : f32
    %jit3A_1186 = arith.constant 0.000000e+00 : f32
    %broadcast_in_dim3A_1187 = vector.broadcast %jit3A_1185 : f32 to vector<96x32xf32>
    %broadcast_in_dim3A_1188 = vector.broadcast %jit3A_1186 : f32 to vector<96x32xf32>
    %select_n3A_1189 = arith.select %and3A_1184, %broadcast_in_dim3A_1187, %broadcast_in_dim3A_1188 : vector<96x32xi1>, vector<96x32xf32>
    %dot_general3A_1190 = arith.constant dense<0.000000e+00> : vector<32x32xf32>
    %dot_general3A_1191 = tpu.matmul %sub3A_418, %select_n3A_1189, %dot_general3A_1190 {dimension_numbers = #tpu.dot_dimension_numbers<[1], [0], [0], [1], [0, 0, 1, 1], [], []>, precision = #tpu.contract_precision<fp32>, transpose_lhs_hint = false} : vector<32x96xf32>, vector<96x32xf32>, vector<32x32xf32> -> vector<32x32xf32>
    %slice3A_1192 = vector.extract_strided_slice %get3A_415 {offsets = [0, 7], sizes = [32, 1], strides = [1, 1]} : vector<32x9xf32> to vector<32x1xf32>
    %mul3A_1193 = vector.broadcast %slice3A_1192 : vector<32x1xf32> to vector<32x32xf32>
    %mul3A_1194 = arith.mulf %dot_general3A_1191, %mul3A_1193 : vector<32x32xf32>
    %add3A_1195 = arith.addf %add3A_1124, %mul3A_1194 : vector<32x32xf32>
    %iota3A_1196 = tpu.iota {dimensions = array<i32: 0>} : vector<96x32xi32>
    %iota3A_1197 = tpu.iota {dimensions = array<i32: 1>} : vector<96x32xi32>
    %jit3A_1198 = arith.constant 3 : i32
    %div3A_1199 = vector.broadcast %jit3A_1198 : i32 to vector<96x32xi32>
    %div3A_1200 = arith.divsi %iota3A_1196, %div3A_1199 : vector<96x32xi32>
    %sign3A_1201 = arith.constant 0 : i32
    %sign3A_1202 = vector.broadcast %sign3A_1201 : i32 to vector<96x32xi32>
    %sign3A_1203 = arith.cmpi sgt, %iota3A_1196, %sign3A_1202 : vector<96x32xi32>
    %sign3A_1204 = arith.extui %sign3A_1203 : vector<96x32xi1> to vector<96x32xi32>
    %sign3A_1205 = arith.constant 0 : i32
    %sign3A_1206 = vector.broadcast %sign3A_1205 : i32 to vector<96x32xi32>
    %sign3A_1207 = arith.cmpi slt, %iota3A_1196, %sign3A_1206 : vector<96x32xi32>
    %sign3A_1208 = arith.extui %sign3A_1207 : vector<96x32xi1> to vector<96x32xi32>
    %sign3A_1209 = arith.subi %sign3A_1204, %sign3A_1208 : vector<96x32xi32>
    %sign3A_1210 = arith.constant 0 : i32
    %sign3A_1211 = arith.cmpi sgt, %jit3A_1198, %sign3A_1210 : i32
    %sign3A_1212 = arith.extui %sign3A_1211 : i1 to i32
    %sign3A_1213 = arith.constant 0 : i32
    %sign3A_1214 = arith.cmpi slt, %jit3A_1198, %sign3A_1213 : i32
    %sign3A_1215 = arith.extui %sign3A_1214 : i1 to i32
    %sign3A_1216 = arith.subi %sign3A_1212, %sign3A_1215 : i32
    %ne3A_1217 = vector.broadcast %sign3A_1216 : i32 to vector<96x32xi32>
    %ne3A_1218 = arith.cmpi ne, %sign3A_1209, %ne3A_1217 : vector<96x32xi32>
    %rem3A_1219 = vector.broadcast %jit3A_1198 : i32 to vector<96x32xi32>
    %rem3A_1220 = arith.remsi %iota3A_1196, %rem3A_1219 : vector<96x32xi32>
    %ne3A_1221 = arith.constant 0 : i32
    %ne3A_1222 = vector.broadcast %ne3A_1221 : i32 to vector<96x32xi32>
    %ne3A_1223 = arith.cmpi ne, %rem3A_1220, %ne3A_1222 : vector<96x32xi32>
    %and3A_1224 = arith.andi %ne3A_1218, %ne3A_1223 : vector<96x32xi1>
    %sub3A_1225 = arith.constant 1 : i32
    %sub3A_1226 = vector.broadcast %sub3A_1225 : i32 to vector<96x32xi32>
    %sub3A_1227 = arith.subi %div3A_1200, %sub3A_1226 : vector<96x32xi32>
    %select_n3A_1228 = arith.select %and3A_1224, %sub3A_1227, %div3A_1200 : vector<96x32xi1>, vector<96x32xi32>
    %eq3A_1229 = arith.cmpi eq, %select_n3A_1228, %iota3A_1197 : vector<96x32xi32>
    %jit3A_1230 = arith.constant 3 : i32
    %eq3A_1231 = arith.constant 0 : i32
    %eq3A_1232 = arith.cmpi eq, %jit3A_1230, %eq3A_1231 : i32
    %jit3A_1233 = arith.constant 1 : i32
    %select_n3A_1234 = arith.select %eq3A_1232, %jit3A_1233, %jit3A_1230 : i32
    %rem3A_1235 = vector.broadcast %select_n3A_1234 : i32 to vector<96x32xi32>
    %rem3A_1236 = arith.remsi %iota3A_1196, %rem3A_1235 : vector<96x32xi32>
    %ne3A_1237 = arith.constant 0 : i32
    %ne3A_1238 = vector.broadcast %ne3A_1237 : i32 to vector<96x32xi32>
    %ne3A_1239 = arith.cmpi ne, %rem3A_1236, %ne3A_1238 : vector<96x32xi32>
    %lt3A_1240 = arith.constant 0 : i32
    %lt3A_1241 = vector.broadcast %lt3A_1240 : i32 to vector<96x32xi32>
    %lt3A_1242 = arith.cmpi slt, %rem3A_1236, %lt3A_1241 : vector<96x32xi32>
    %lt3A_1243 = arith.constant 0 : i32
    %lt3A_1244 = arith.cmpi slt, %select_n3A_1234, %lt3A_1243 : i32
    %ne3A_1245 = vector.broadcast %lt3A_1244 : i1 to vector<96x32xi1>
    %ne3A_1246 = vector.broadcast %ne3A_1245 : vector<96x32xi1> to vector<96x32xi1>
    %ne3A_1247 = arith.xori %lt3A_1242, %ne3A_1246 : vector<96x32xi1>
    %and3A_1248 = arith.andi %ne3A_1247, %ne3A_1239 : vector<96x32xi1>
    %add3A_1249 = vector.broadcast %select_n3A_1234 : i32 to vector<96x32xi32>
    %add3A_1250 = arith.addi %rem3A_1236, %add3A_1249 : vector<96x32xi32>
    %select_n3A_1251 = arith.select %and3A_1248, %add3A_1250, %rem3A_1236 : vector<96x32xi1>, vector<96x32xi32>
    %eq3A_1252 = arith.constant 2 : i32
    %eq3A_1253 = vector.broadcast %eq3A_1252 : i32 to vector<96x32xi32>
    %eq3A_1254 = arith.cmpi eq, %select_n3A_1251, %eq3A_1253 : vector<96x32xi32>
    %and3A_1255 = arith.andi %eq3A_1229, %eq3A_1254 : vector<96x32xi1>
    %jit3A_1256 = arith.constant 1.000000e+00 : f32
    %jit3A_1257 = arith.constant 0.000000e+00 : f32
    %broadcast_in_dim3A_1258 = vector.broadcast %jit3A_1256 : f32 to vector<96x32xf32>
    %broadcast_in_dim3A_1259 = vector.broadcast %jit3A_1257 : f32 to vector<96x32xf32>
    %select_n3A_1260 = arith.select %and3A_1255, %broadcast_in_dim3A_1258, %broadcast_in_dim3A_1259 : vector<96x32xi1>, vector<96x32xf32>
    %dot_general3A_1261 = arith.constant dense<0.000000e+00> : vector<32x32xf32>
    %dot_general3A_1262 = tpu.matmul %sub3A_418, %select_n3A_1260, %dot_general3A_1261 {dimension_numbers = #tpu.dot_dimension_numbers<[1], [0], [0], [1], [0, 0, 1, 1], [], []>, precision = #tpu.contract_precision<fp32>, transpose_lhs_hint = false} : vector<32x96xf32>, vector<96x32xf32>, vector<32x32xf32> -> vector<32x32xf32>
    %slice3A_1263 = vector.extract_strided_slice %get3A_415 {offsets = [0, 8], sizes = [32, 1], strides = [1, 1]} : vector<32x9xf32> to vector<32x1xf32>
    %mul3A_1264 = vector.broadcast %slice3A_1263 : vector<32x1xf32> to vector<32x32xf32>
    %mul3A_1265 = arith.mulf %dot_general3A_1262, %mul3A_1264 : vector<32x32xf32>
    %add3A_1266 = arith.addf %add3A_1195, %mul3A_1265 : vector<32x32xf32>
    %dot_general3A_1267 = arith.constant dense<0.000000e+00> : vector<32x96xf32>
    %dot_general3A_1268 = tpu.matmul %add3A_1266, %select_n3A_1051, %dot_general3A_1267 {dimension_numbers = #tpu.dot_dimension_numbers<[1], [0], [0], [1], [0, 0, 1, 1], [], []>, precision = #tpu.contract_precision<fp32>, transpose_lhs_hint = false} : vector<32x32xf32>, vector<32x96xf32>, vector<32x96xf32> -> vector<32x96xf32>
    %add3A_1269 = arith.addf %add3A_986, %dot_general3A_1268 : vector<32x96xf32>
    %mul3A_1270 = arith.mulf %add3A_1269, %add3A_1269 : vector<32x96xf32>
    %dot_general3A_1271 = arith.constant dense<0.000000e+00> : vector<32x32xf32>
    %dot_general3A_1272 = tpu.matmul %mul3A_1270, %select_n3A_219, %dot_general3A_1271 {dimension_numbers = #tpu.dot_dimension_numbers<[1], [0], [0], [1], [0, 0, 1, 1], [], []>, precision = #tpu.contract_precision<fp32>, transpose_lhs_hint = false} : vector<32x96xf32>, vector<96x32xf32>, vector<32x32xf32> -> vector<32x32xf32>
    %add3A_1273 = arith.constant 9.99999993E-9 : f32
    %add3A_1274 = vector.broadcast %add3A_1273 : f32 to vector<32x32xf32>
    %add3A_1275 = arith.addf %dot_general3A_1272, %add3A_1274 : vector<32x32xf32>
    %sqrt3A = math.sqrt %add3A_1275 : vector<32x32xf32>
    %concatenate3A = tpu.concatenate %mul3A_402, %reduce_sum3A_392, %add3A_1269, %sqrt3A in 1 : vector<32x128xf32>, vector<32x256xf32>, vector<32x96xf32>, vector<32x32xf32> -> vector<32x512xf32>
    %get3A_1276 = arith.constant 0 : index
    %get3A_1277 = arith.constant 0 : index
    %get3A_1278 = vector.load %arg15[%get3A_1276, %get3A_1277] : memref<512x256xf32, #tpu.memory_space<vmem>>, vector<512x256xf32>
    %get3A_1279 = arith.constant 0 : index
    %get3A_1280 = arith.constant 0 : index
    %get3A_1281 = vector.load %arg16[%get3A_1279, %get3A_1280] : memref<1x256xf32, #tpu.memory_space<vmem>>, vector<1x256xf32>
    %get3A_1282 = arith.constant 0 : index
    %get3A_1283 = arith.constant 0 : index
    %get3A_1284 = vector.load %arg17[%get3A_1282, %get3A_1283] : memref<1x256xf32, #tpu.memory_space<vmem>>, vector<1x256xf32>
    %get3A_1285 = arith.constant 0 : index
    %get3A_1286 = arith.constant 0 : index
    %get3A_1287 = vector.load %arg18[%get3A_1285, %get3A_1286] : memref<1x256xf32, #tpu.memory_space<vmem>>, vector<1x256xf32>
    %get3A_1288 = arith.constant 0 : index
    %get3A_1289 = arith.constant 0 : index
    %get3A_1290 = vector.load %arg19[%get3A_1288, %get3A_1289] : memref<256x256xf32, #tpu.memory_space<vmem>>, vector<256x256xf32>
    %get3A_1291 = arith.constant 0 : index
    %get3A_1292 = arith.constant 0 : index
    %get3A_1293 = vector.load %arg20[%get3A_1291, %get3A_1292] : memref<1x256xf32, #tpu.memory_space<vmem>>, vector<1x256xf32>
    %get3A_1294 = arith.constant 0 : index
    %get3A_1295 = arith.constant 0 : index
    %get3A_1296 = vector.load %arg21[%get3A_1294, %get3A_1295] : memref<256x256xf32, #tpu.memory_space<vmem>>, vector<256x256xf32>
    %get3A_1297 = arith.constant 0 : index
    %get3A_1298 = arith.constant 0 : index
    %get3A_1299 = vector.load %arg22[%get3A_1297, %get3A_1298] : memref<1x256xf32, #tpu.memory_space<vmem>>, vector<1x256xf32>
    %get3A_1300 = arith.constant 0 : index
    %get3A_1301 = arith.constant 0 : index
    %get3A_1302 = vector.load %arg23[%get3A_1300, %get3A_1301] : memref<256x256xf32, #tpu.memory_space<vmem>>, vector<256x256xf32>
    %get3A_1303 = arith.constant 0 : index
    %get3A_1304 = arith.constant 0 : index
    %get3A_1305 = vector.load %arg24[%get3A_1303, %get3A_1304] : memref<1x256xf32, #tpu.memory_space<vmem>>, vector<1x256xf32>
    %get3A_1306 = arith.constant 0 : index
    %get3A_1307 = arith.constant 0 : index
    %get3A_1308 = vector.load %arg25[%get3A_1306, %get3A_1307] : memref<1x256xf32, #tpu.memory_space<vmem>>, vector<1x256xf32>
    %get3A_1309 = arith.constant 0 : index
    %get3A_1310 = arith.constant 0 : index
    %get3A_1311 = vector.load %arg26[%get3A_1309, %get3A_1310] : memref<1x256xf32, #tpu.memory_space<vmem>>, vector<1x256xf32>
    %get3A_1312 = arith.constant 0 : index
    %get3A_1313 = arith.constant 0 : index
    %get3A_1314 = vector.load %arg27[%get3A_1312, %get3A_1313] : memref<256x256xf32, #tpu.memory_space<vmem>>, vector<256x256xf32>
    %get3A_1315 = arith.constant 0 : index
    %get3A_1316 = arith.constant 0 : index
    %get3A_1317 = vector.load %arg28[%get3A_1315, %get3A_1316] : memref<1x256xf32, #tpu.memory_space<vmem>>, vector<1x256xf32>
    %get3A_1318 = arith.constant 0 : index
    %get3A_1319 = arith.constant 0 : index
    %get3A_1320 = vector.load %arg29[%get3A_1318, %get3A_1319] : memref<256x256xf32, #tpu.memory_space<vmem>>, vector<256x256xf32>
    %get3A_1321 = arith.constant 0 : index
    %get3A_1322 = arith.constant 0 : index
    %get3A_1323 = vector.load %arg30[%get3A_1321, %get3A_1322] : memref<1x256xf32, #tpu.memory_space<vmem>>, vector<1x256xf32>
    %get3A_1324 = arith.constant 0 : index
    %get3A_1325 = arith.constant 0 : index
    %get3A_1326 = vector.load %arg31[%get3A_1324, %get3A_1325] : memref<256x256xf32, #tpu.memory_space<vmem>>, vector<256x256xf32>
    %get3A_1327 = arith.constant 0 : index
    %get3A_1328 = arith.constant 0 : index
    %get3A_1329 = vector.load %arg32[%get3A_1327, %get3A_1328] : memref<1x256xf32, #tpu.memory_space<vmem>>, vector<1x256xf32>
    %get3A_1330 = arith.constant 0 : index
    %get3A_1331 = arith.constant 0 : index
    %get3A_1332 = vector.load %arg33[%get3A_1330, %get3A_1331] : memref<256x21xf32, #tpu.memory_space<vmem>>, vector<256x21xf32>
    %get3A_1333 = arith.constant 0 : index
    %get3A_1334 = arith.constant 0 : index
    %get3A_1335 = vector.load %arg34[%get3A_1333, %get3A_1334] : memref<1x21xf32, #tpu.memory_space<vmem>>, vector<1x21xf32>
    %get3A_1336 = arith.constant 0 : index
    %get3A_1337 = arith.constant 0 : index
    %get3A_1338 = vector.load %arg10[%get3A_1336, %get3A_1337] : memref<32x256xf32, #tpu.memory_space<vmem>>, vector<32x256xf32>
    %dot_general3A_1339 = arith.constant dense<0.000000e+00> : vector<32x256xf32>
    %dot_general3A_1340 = tpu.matmul %concatenate3A, %get3A_1278, %dot_general3A_1339 {dimension_numbers = #tpu.dot_dimension_numbers<[1], [0], [0], [1], [0, 0, 1, 1], [], []>, transpose_lhs_hint = false} : vector<32x512xf32>, vector<512x256xf32>, vector<32x256xf32> -> vector<32x256xf32>
    %add3A_1341 = arith.addf %get3A_1338, %dot_general3A_1340 : vector<32x256xf32>
    %add3A_1342 = vector.broadcast %get3A_1281 : vector<1x256xf32> to vector<32x256xf32>
    %add3A_1343 = arith.addf %add3A_1341, %add3A_1342 : vector<32x256xf32>
    %reduce_sum3A_1344 = arith.constant dense<0.000000e+00> : vector<32xf32>
    %reduce_sum3A_1345 = vector.multi_reduction <add>, %add3A_1343, %reduce_sum3A_1344 [1] : vector<32x256xf32> to vector<32xf32>
    %broadcast_in_dim3A_1346 = vector.shape_cast %reduce_sum3A_1345 : vector<32xf32> to vector<32x1xf32>
    %div3A_1347 = arith.constant 2.560000e+02 : f32
    %div3A_1348 = vector.broadcast %div3A_1347 : f32 to vector<32x1xf32>
    %div3A_1349 = arith.divf %broadcast_in_dim3A_1346, %div3A_1348 : vector<32x1xf32>
    %sub3A_1350 = vector.broadcast %div3A_1349 : vector<32x1xf32> to vector<32x256xf32>
    %sub3A_1351 = arith.subf %add3A_1343, %sub3A_1350 : vector<32x256xf32>
    %sub3A_1352 = vector.broadcast %div3A_1349 : vector<32x1xf32> to vector<32x256xf32>
    %sub3A_1353 = arith.subf %add3A_1343, %sub3A_1352 : vector<32x256xf32>
    %mul3A_1354 = arith.mulf %sub3A_1351, %sub3A_1353 : vector<32x256xf32>
    %reduce_sum3A_1355 = arith.constant dense<0.000000e+00> : vector<32xf32>
    %reduce_sum3A_1356 = vector.multi_reduction <add>, %mul3A_1354, %reduce_sum3A_1355 [1] : vector<32x256xf32> to vector<32xf32>
    %broadcast_in_dim3A_1357 = vector.shape_cast %reduce_sum3A_1356 : vector<32xf32> to vector<32x1xf32>
    %div3A_1358 = arith.constant 2.560000e+02 : f32
    %div3A_1359 = vector.broadcast %div3A_1358 : f32 to vector<32x1xf32>
    %div3A_1360 = arith.divf %broadcast_in_dim3A_1357, %div3A_1359 : vector<32x1xf32>
    %sub3A_1361 = vector.broadcast %div3A_1349 : vector<32x1xf32> to vector<32x256xf32>
    %sub3A_1362 = arith.subf %add3A_1343, %sub3A_1361 : vector<32x256xf32>
    %add3A_1363 = arith.constant 9.99999974E-6 : f32
    %add3A_1364 = vector.broadcast %add3A_1363 : f32 to vector<32x1xf32>
    %add3A_1365 = arith.addf %div3A_1360, %add3A_1364 : vector<32x1xf32>
    %sqrt3A_1366 = math.sqrt %add3A_1365 : vector<32x1xf32>
    %div3A_1367 = vector.broadcast %sqrt3A_1366 : vector<32x1xf32> to vector<32x256xf32>
    %div3A_1368 = arith.divf %sub3A_1362, %div3A_1367 : vector<32x256xf32>
    %mul3A_1369 = vector.broadcast %get3A_1284 : vector<1x256xf32> to vector<32x256xf32>
    %mul3A_1370 = arith.mulf %div3A_1368, %mul3A_1369 : vector<32x256xf32>
    %add3A_1371 = vector.broadcast %get3A_1287 : vector<1x256xf32> to vector<32x256xf32>
    %add3A_1372 = arith.addf %mul3A_1370, %add3A_1371 : vector<32x256xf32>
    %dot_general3A_1373 = arith.constant dense<0.000000e+00> : vector<32x256xf32>
    %dot_general3A_1374 = tpu.matmul %add3A_1372, %get3A_1290, %dot_general3A_1373 {dimension_numbers = #tpu.dot_dimension_numbers<[1], [0], [0], [1], [0, 0, 1, 1], [], []>, transpose_lhs_hint = false} : vector<32x256xf32>, vector<256x256xf32>, vector<32x256xf32> -> vector<32x256xf32>
    %add3A_1375 = vector.broadcast %get3A_1293 : vector<1x256xf32> to vector<32x256xf32>
    %add3A_1376 = arith.addf %dot_general3A_1374, %add3A_1375 : vector<32x256xf32>
    %max3A = arith.constant 0.000000e+00 : f32
    %max3A_1377 = vector.broadcast %max3A : f32 to vector<32x256xf32>
    %max3A_1378 = arith.maximumf %add3A_1376, %max3A_1377 : vector<32x256xf32>
    %dot_general3A_1379 = arith.constant dense<0.000000e+00> : vector<32x256xf32>
    %dot_general3A_1380 = tpu.matmul %max3A_1378, %get3A_1296, %dot_general3A_1379 {dimension_numbers = #tpu.dot_dimension_numbers<[1], [0], [0], [1], [0, 0, 1, 1], [], []>, transpose_lhs_hint = false} : vector<32x256xf32>, vector<256x256xf32>, vector<32x256xf32> -> vector<32x256xf32>
    %add3A_1381 = vector.broadcast %get3A_1299 : vector<1x256xf32> to vector<32x256xf32>
    %add3A_1382 = arith.addf %dot_general3A_1380, %add3A_1381 : vector<32x256xf32>
    %max3A_1383 = arith.constant 0.000000e+00 : f32
    %max3A_1384 = vector.broadcast %max3A_1383 : f32 to vector<32x256xf32>
    %max3A_1385 = arith.maximumf %add3A_1382, %max3A_1384 : vector<32x256xf32>
    %dot_general3A_1386 = arith.constant dense<0.000000e+00> : vector<32x256xf32>
    %dot_general3A_1387 = tpu.matmul %max3A_1385, %get3A_1302, %dot_general3A_1386 {dimension_numbers = #tpu.dot_dimension_numbers<[1], [0], [0], [1], [0, 0, 1, 1], [], []>, transpose_lhs_hint = false} : vector<32x256xf32>, vector<256x256xf32>, vector<32x256xf32> -> vector<32x256xf32>
    %add3A_1388 = vector.broadcast %get3A_1305 : vector<1x256xf32> to vector<32x256xf32>
    %add3A_1389 = arith.addf %dot_general3A_1387, %add3A_1388 : vector<32x256xf32>
    %add3A_1390 = arith.addf %add3A_1372, %add3A_1389 : vector<32x256xf32>
    %reduce_sum3A_1391 = arith.constant dense<0.000000e+00> : vector<32xf32>
    %reduce_sum3A_1392 = vector.multi_reduction <add>, %add3A_1390, %reduce_sum3A_1391 [1] : vector<32x256xf32> to vector<32xf32>
    %broadcast_in_dim3A_1393 = vector.shape_cast %reduce_sum3A_1392 : vector<32xf32> to vector<32x1xf32>
    %div3A_1394 = arith.constant 2.560000e+02 : f32
    %div3A_1395 = vector.broadcast %div3A_1394 : f32 to vector<32x1xf32>
    %div3A_1396 = arith.divf %broadcast_in_dim3A_1393, %div3A_1395 : vector<32x1xf32>
    %sub3A_1397 = vector.broadcast %div3A_1396 : vector<32x1xf32> to vector<32x256xf32>
    %sub3A_1398 = arith.subf %add3A_1390, %sub3A_1397 : vector<32x256xf32>
    %sub3A_1399 = vector.broadcast %div3A_1396 : vector<32x1xf32> to vector<32x256xf32>
    %sub3A_1400 = arith.subf %add3A_1390, %sub3A_1399 : vector<32x256xf32>
    %mul3A_1401 = arith.mulf %sub3A_1398, %sub3A_1400 : vector<32x256xf32>
    %reduce_sum3A_1402 = arith.constant dense<0.000000e+00> : vector<32xf32>
    %reduce_sum3A_1403 = vector.multi_reduction <add>, %mul3A_1401, %reduce_sum3A_1402 [1] : vector<32x256xf32> to vector<32xf32>
    %broadcast_in_dim3A_1404 = vector.shape_cast %reduce_sum3A_1403 : vector<32xf32> to vector<32x1xf32>
    %div3A_1405 = arith.constant 2.560000e+02 : f32
    %div3A_1406 = vector.broadcast %div3A_1405 : f32 to vector<32x1xf32>
    %div3A_1407 = arith.divf %broadcast_in_dim3A_1404, %div3A_1406 : vector<32x1xf32>
    %sub3A_1408 = vector.broadcast %div3A_1396 : vector<32x1xf32> to vector<32x256xf32>
    %sub3A_1409 = arith.subf %add3A_1390, %sub3A_1408 : vector<32x256xf32>
    %add3A_1410 = arith.constant 9.99999974E-6 : f32
    %add3A_1411 = vector.broadcast %add3A_1410 : f32 to vector<32x1xf32>
    %add3A_1412 = arith.addf %div3A_1407, %add3A_1411 : vector<32x1xf32>
    %sqrt3A_1413 = math.sqrt %add3A_1412 : vector<32x1xf32>
    %div3A_1414 = vector.broadcast %sqrt3A_1413 : vector<32x1xf32> to vector<32x256xf32>
    %div3A_1415 = arith.divf %sub3A_1409, %div3A_1414 : vector<32x256xf32>
    %mul3A_1416 = vector.broadcast %get3A_1308 : vector<1x256xf32> to vector<32x256xf32>
    %mul3A_1417 = arith.mulf %div3A_1415, %mul3A_1416 : vector<32x256xf32>
    %add3A_1418 = vector.broadcast %get3A_1311 : vector<1x256xf32> to vector<32x256xf32>
    %add3A_1419 = arith.addf %mul3A_1417, %add3A_1418 : vector<32x256xf32>
    %dot_general3A_1420 = arith.constant dense<0.000000e+00> : vector<32x256xf32>
    %dot_general3A_1421 = tpu.matmul %add3A_1419, %get3A_1314, %dot_general3A_1420 {dimension_numbers = #tpu.dot_dimension_numbers<[1], [0], [0], [1], [0, 0, 1, 1], [], []>, transpose_lhs_hint = false} : vector<32x256xf32>, vector<256x256xf32>, vector<32x256xf32> -> vector<32x256xf32>
    %add3A_1422 = vector.broadcast %get3A_1317 : vector<1x256xf32> to vector<32x256xf32>
    %add3A_1423 = arith.addf %dot_general3A_1421, %add3A_1422 : vector<32x256xf32>
    %max3A_1424 = arith.constant 0.000000e+00 : f32
    %max3A_1425 = vector.broadcast %max3A_1424 : f32 to vector<32x256xf32>
    %max3A_1426 = arith.maximumf %add3A_1423, %max3A_1425 : vector<32x256xf32>
    %dot_general3A_1427 = arith.constant dense<0.000000e+00> : vector<32x256xf32>
    %dot_general3A_1428 = tpu.matmul %max3A_1426, %get3A_1320, %dot_general3A_1427 {dimension_numbers = #tpu.dot_dimension_numbers<[1], [0], [0], [1], [0, 0, 1, 1], [], []>, transpose_lhs_hint = false} : vector<32x256xf32>, vector<256x256xf32>, vector<32x256xf32> -> vector<32x256xf32>
    %add3A_1429 = vector.broadcast %get3A_1323 : vector<1x256xf32> to vector<32x256xf32>
    %add3A_1430 = arith.addf %dot_general3A_1428, %add3A_1429 : vector<32x256xf32>
    %max3A_1431 = arith.constant 0.000000e+00 : f32
    %max3A_1432 = vector.broadcast %max3A_1431 : f32 to vector<32x256xf32>
    %max3A_1433 = arith.maximumf %add3A_1430, %max3A_1432 : vector<32x256xf32>
    %dot_general3A_1434 = arith.constant dense<0.000000e+00> : vector<32x256xf32>
    %dot_general3A_1435 = tpu.matmul %max3A_1433, %get3A_1326, %dot_general3A_1434 {dimension_numbers = #tpu.dot_dimension_numbers<[1], [0], [0], [1], [0, 0, 1, 1], [], []>, transpose_lhs_hint = false} : vector<32x256xf32>, vector<256x256xf32>, vector<32x256xf32> -> vector<32x256xf32>
    %add3A_1436 = vector.broadcast %get3A_1329 : vector<1x256xf32> to vector<32x256xf32>
    %add3A_1437 = arith.addf %dot_general3A_1435, %add3A_1436 : vector<32x256xf32>
    %max3A_1438 = arith.constant 0.000000e+00 : f32
    %max3A_1439 = vector.broadcast %max3A_1438 : f32 to vector<32x256xf32>
    %max3A_1440 = arith.maximumf %add3A_1437, %max3A_1439 : vector<32x256xf32>
    %add3A_1441 = arith.addf %max3A_1440, %max3A_1426 : vector<32x256xf32>
    %dot_general3A_1442 = arith.constant dense<0.000000e+00> : vector<32x21xf32>
    %dot_general3A_1443 = tpu.matmul %add3A_1441, %get3A_1332, %dot_general3A_1442 {dimension_numbers = #tpu.dot_dimension_numbers<[1], [0], [0], [1], [0, 0, 1, 1], [], []>, transpose_lhs_hint = false} : vector<32x256xf32>, vector<256x21xf32>, vector<32x21xf32> -> vector<32x21xf32>
    %add3A_1444 = vector.broadcast %get3A_1335 : vector<1x21xf32> to vector<32x21xf32>
    %add3A_1445 = arith.addf %dot_general3A_1443, %add3A_1444 : vector<32x21xf32>
    %slice3A_1446 = vector.extract_strided_slice %add3A_1445 {offsets = [0, 0], sizes = [32, 20], strides = [1, 1]} : vector<32x21xf32> to vector<32x20xf32>
    %reduce_max3A = arith.constant dense<0xFF800000> : vector<32xf32>
    %reduce_max3A_1447 = vector.multi_reduction <maximumf>, %slice3A_1446, %reduce_max3A [1] : vector<32x20xf32> to vector<32xf32>
    %broadcast_in_dim3A_1448 = vector.shape_cast %reduce_max3A_1447 : vector<32xf32> to vector<32x1xf32>
    %sub3A_1449 = vector.broadcast %broadcast_in_dim3A_1448 : vector<32x1xf32> to vector<32x20xf32>
    %sub3A_1450 = arith.subf %slice3A_1446, %sub3A_1449 : vector<32x20xf32>
    %exp3A_1451 = math.exp %sub3A_1450 : vector<32x20xf32>
    %reduce_sum3A_1452 = arith.constant dense<0.000000e+00> : vector<32xf32>
    %reduce_sum3A_1453 = vector.multi_reduction <add>, %exp3A_1451, %reduce_sum3A_1452 [1] : vector<32x20xf32> to vector<32xf32>
    %broadcast_in_dim3A_1454 = vector.shape_cast %reduce_sum3A_1453 : vector<32xf32> to vector<32x1xf32>
    %div3A_1455 = vector.broadcast %broadcast_in_dim3A_1454 : vector<32x1xf32> to vector<32x20xf32>
    %div3A_1456 = arith.divf %exp3A_1451, %div3A_1455 : vector<32x20xf32>
    %slice3A_1457 = vector.extract_strided_slice %add3A_1445 {offsets = [0, 20], sizes = [32, 1], strides = [1, 1]} : vector<32x21xf32> to vector<32x1xf32>
    %neg3A = arith.constant 0.000000e+00 : f32
    %neg3A_1458 = vector.broadcast %neg3A : f32 to vector<32x1xf32>
    %neg3A_1459 = arith.subf %neg3A_1458, %slice3A_1457 : vector<32x1xf32>
    %exp3A_1460 = math.exp %neg3A_1459 : vector<32x1xf32>
    %add3A_1461 = arith.constant 1.000000e+00 : f32
    %add3A_1462 = vector.broadcast %add3A_1461 : f32 to vector<32x1xf32>
    %add3A_1463 = arith.addf %add3A_1462, %exp3A_1460 : vector<32x1xf32>
    %div3A_1464 = arith.constant 1.000000e+00 : f32
    %div3A_1465 = vector.broadcast %div3A_1464 : f32 to vector<32x1xf32>
    %div3A_1466 = arith.divf %div3A_1465, %add3A_1463 : vector<32x1xf32>
    %mul3A_1467 = vector.broadcast %div3A_1466 : vector<32x1xf32> to vector<32x20xf32>
    %mul3A_1468 = arith.mulf %mul3A_1467, %div3A_1456 : vector<32x20xf32>
    %sub3A_1469 = arith.constant 1.000000e+00 : f32
    %sub3A_1470 = vector.broadcast %sub3A_1469 : f32 to vector<32x1xf32>
    %sub3A_1471 = arith.subf %sub3A_1470, %div3A_1466 : vector<32x1xf32>
    %div3A_1472 = arith.constant 2.000000e+01 : f32
    %div3A_1473 = vector.broadcast %div3A_1472 : f32 to vector<32x1xf32>
    %div3A_1474 = arith.divf %sub3A_1471, %div3A_1473 : vector<32x1xf32>
    %add3A_1475 = vector.broadcast %div3A_1474 : vector<32x1xf32> to vector<32x20xf32>
    %add3A_1476 = arith.addf %mul3A_1468, %add3A_1475 : vector<32x20xf32>
    %swap3A = arith.constant 0 : index
    %swap3A_1477 = arith.constant 0 : index
    %swap3A_1478 = vector.load %arg35[%swap3A, %swap3A_1477] : memref<32x20xf32, #tpu.memory_space<vmem>>, vector<32x20xf32>
    tpu.vector_store %arg35[%swap3A, %swap3A_1477], %add3A_1476 {strides = array<i32>} : memref<32x20xf32, #tpu.memory_space<vmem>>, vector<32x20xf32>,
    %swap3A_1479 = arith.constant 0 : index
    %swap3A_1480 = arith.constant 0 : index
    %swap3A_1481 = vector.load %arg36[%swap3A_1479, %swap3A_1480] : memref<32x1xf32, #tpu.memory_space<vmem>>, vector<32x1xf32>
    tpu.vector_store %arg36[%swap3A_1479, %swap3A_1480], %div3A_1466 {strides = array<i32>} : memref<32x1xf32, #tpu.memory_space<vmem>>, vector<32x1xf32>,
    return
  }
  func.func @transform_0(%arg0: i32) -> (i32, i32) {
    %c0_i32 = arith.constant 0 : i32
    %c0_i32_0 = arith.constant 0 : i32
    return %arg0, %c0_i32 : i32, i32
  }
  func.func @transform_1(%arg0: i32) -> (i32, i32) {
    %c0_i32 = arith.constant 0 : i32
    %c0_i32_0 = arith.constant 0 : i32
    return %arg0, %c0_i32 : i32, i32
  }
  func.func @transform_2(%arg0: i32) -> (i32, i32) {
    %c0_i32 = arith.constant 0 : i32
    %c0_i32_0 = arith.constant 0 : i32
    return %arg0, %c0_i32 : i32, i32
  }
  func.func @transform_3(%arg0: i32) -> (i32, i32) {
    %c0_i32 = arith.constant 0 : i32
    %c0_i32_0 = arith.constant 0 : i32
    return %arg0, %c0_i32 : i32, i32
  }
  func.func @transform_4(%arg0: i32) -> (i32, i32) {
    %c0_i32 = arith.constant 0 : i32
    %c0_i32_0 = arith.constant 0 : i32
    return %arg0, %c0_i32 : i32, i32
  }
  func.func @transform_5(%arg0: i32) -> (i32, i32) {
    %c0_i32 = arith.constant 0 : i32
    %c0_i32_0 = arith.constant 0 : i32
    return %arg0, %c0_i32 : i32, i32
  }
  func.func @transform_6(%arg0: i32) -> (i32, i32) {
    %c0_i32 = arith.constant 0 : i32
    %c0_i32_0 = arith.constant 0 : i32
    return %arg0, %c0_i32 : i32, i32
  }
  func.func @transform_7(%arg0: i32) -> (i32, i32) {
    %c0_i32 = arith.constant 0 : i32
    %c0_i32_0 = arith.constant 0 : i32
    return %arg0, %c0_i32 : i32, i32
  }
  func.func @transform_8(%arg0: i32) -> (i32, i32) {
    %c0_i32 = arith.constant 0 : i32
    %c0_i32_0 = arith.constant 0 : i32
    return %arg0, %c0_i32 : i32, i32
  }
  func.func @transform_9(%arg0: i32) -> (i32, i32) {
    %c0_i32 = arith.constant 0 : i32
    %c0_i32_0 = arith.constant 0 : i32
    return %arg0, %c0_i32 : i32, i32
  }
  func.func @transform_10(%arg0: i32) -> (i32, i32) {
    %c0_i32 = arith.constant 0 : i32
    %c0_i32_0 = arith.constant 0 : i32
    return %arg0, %c0_i32 : i32, i32
  }
  func.func @transform_11(%arg0: i32) -> (i32, i32) {
    %c0_i32 = arith.constant 0 : i32
    %c0_i32_0 = arith.constant 0 : i32
    return %arg0, %c0_i32 : i32, i32
  }
  func.func @transform_12(%arg0: i32) -> (i32, i32) {
    %c0_i32 = arith.constant 0 : i32
    %c0_i32_0 = arith.constant 0 : i32
    %c0_i32_1 = arith.constant 0 : i32
    return %c0_i32, %c0_i32_0 : i32, i32
  }
  func.func @transform_13(%arg0: i32) -> (i32, i32) {
    %c0_i32 = arith.constant 0 : i32
    %c0_i32_0 = arith.constant 0 : i32
    %c0_i32_1 = arith.constant 0 : i32
    return %c0_i32, %c0_i32_0 : i32, i32
  }
  func.func @transform_14(%arg0: i32) -> (i32, i32) {
    %c0_i32 = arith.constant 0 : i32
    %c0_i32_0 = arith.constant 0 : i32
    %c0_i32_1 = arith.constant 0 : i32
    return %c0_i32, %c0_i32_0 : i32, i32
  }
  func.func @transform_15(%arg0: i32) -> (i32, i32) {
    %c0_i32 = arith.constant 0 : i32
    %c0_i32_0 = arith.constant 0 : i32
    %c0_i32_1 = arith.constant 0 : i32
    return %c0_i32, %c0_i32_0 : i32, i32
  }
  func.func @transform_16(%arg0: i32) -> (i32, i32) {
    %c0_i32 = arith.constant 0 : i32
    %c0_i32_0 = arith.constant 0 : i32
    %c0_i32_1 = arith.constant 0 : i32
    return %c0_i32, %c0_i32_0 : i32, i32
  }
  func.func @transform_17(%arg0: i32) -> (i32, i32) {
    %c0_i32 = arith.constant 0 : i32
    %c0_i32_0 = arith.constant 0 : i32
    %c0_i32_1 = arith.constant 0 : i32
    return %c0_i32, %c0_i32_0 : i32, i32
  }
  func.func @transform_18(%arg0: i32) -> (i32, i32) {
    %c0_i32 = arith.constant 0 : i32
    %c0_i32_0 = arith.constant 0 : i32
    %c0_i32_1 = arith.constant 0 : i32
    return %c0_i32, %c0_i32_0 : i32, i32
  }
  func.func @transform_19(%arg0: i32) -> (i32, i32) {
    %c0_i32 = arith.constant 0 : i32
    %c0_i32_0 = arith.constant 0 : i32
    %c0_i32_1 = arith.constant 0 : i32
    return %c0_i32, %c0_i32_0 : i32, i32
  }
  func.func @transform_20(%arg0: i32) -> (i32, i32) {
    %c0_i32 = arith.constant 0 : i32
    %c0_i32_0 = arith.constant 0 : i32
    %c0_i32_1 = arith.constant 0 : i32
    return %c0_i32, %c0_i32_0 : i32, i32
  }
  func.func @transform_21(%arg0: i32) -> (i32, i32) {
    %c0_i32 = arith.constant 0 : i32
    %c0_i32_0 = arith.constant 0 : i32
    %c0_i32_1 = arith.constant 0 : i32
    return %c0_i32, %c0_i32_0 : i32, i32
  }
  func.func @transform_22(%arg0: i32) -> (i32, i32) {
    %c0_i32 = arith.constant 0 : i32
    %c0_i32_0 = arith.constant 0 : i32
    %c0_i32_1 = arith.constant 0 : i32
    return %c0_i32, %c0_i32_0 : i32, i32
  }
  func.func @transform_23(%arg0: i32) -> (i32, i32) {
    %c0_i32 = arith.constant 0 : i32
    %c0_i32_0 = arith.constant 0 : i32
    %c0_i32_1 = arith.constant 0 : i32
    return %c0_i32, %c0_i32_0 : i32, i32
  }
  func.func @transform_24(%arg0: i32) -> (i32, i32) {
    %c0_i32 = arith.constant 0 : i32
    %c0_i32_0 = arith.constant 0 : i32
    %c0_i32_1 = arith.constant 0 : i32
    return %c0_i32, %c0_i32_0 : i32, i32
  }
  func.func @transform_25(%arg0: i32) -> (i32, i32) {
    %c0_i32 = arith.constant 0 : i32
    %c0_i32_0 = arith.constant 0 : i32
    %c0_i32_1 = arith.constant 0 : i32
    return %c0_i32, %c0_i32_0 : i32, i32
  }
  func.func @transform_26(%arg0: i32) -> (i32, i32) {
    %c0_i32 = arith.constant 0 : i32
    %c0_i32_0 = arith.constant 0 : i32
    %c0_i32_1 = arith.constant 0 : i32
    return %c0_i32, %c0_i32_0 : i32, i32
  }
  func.func @transform_27(%arg0: i32) -> (i32, i32) {
    %c0_i32 = arith.constant 0 : i32
    %c0_i32_0 = arith.constant 0 : i32
    %c0_i32_1 = arith.constant 0 : i32
    return %c0_i32, %c0_i32_0 : i32, i32
  }
  func.func @transform_28(%arg0: i32) -> (i32, i32) {
    %c0_i32 = arith.constant 0 : i32
    %c0_i32_0 = arith.constant 0 : i32
    %c0_i32_1 = arith.constant 0 : i32
    return %c0_i32, %c0_i32_0 : i32, i32
  }
  func.func @transform_29(%arg0: i32) -> (i32, i32) {
    %c0_i32 = arith.constant 0 : i32
    %c0_i32_0 = arith.constant 0 : i32
    %c0_i32_1 = arith.constant 0 : i32
    return %c0_i32, %c0_i32_0 : i32, i32
  }
  func.func @transform_30(%arg0: i32) -> (i32, i32) {
    %c0_i32 = arith.constant 0 : i32
    %c0_i32_0 = arith.constant 0 : i32
    %c0_i32_1 = arith.constant 0 : i32
    return %c0_i32, %c0_i32_0 : i32, i32
  }
  func.func @transform_31(%arg0: i32) -> (i32, i32) {
    %c0_i32 = arith.constant 0 : i32
    %c0_i32_0 = arith.constant 0 : i32
    %c0_i32_1 = arith.constant 0 : i32
    return %c0_i32, %c0_i32_0 : i32, i32
  }
  func.func @transform_32(%arg0: i32) -> (i32, i32) {
    %c0_i32 = arith.constant 0 : i32
    %c0_i32_0 = arith.constant 0 : i32
    %c0_i32_1 = arith.constant 0 : i32
    return %c0_i32, %c0_i32_0 : i32, i32
  }
  func.func @transform_33(%arg0: i32) -> (i32, i32) {
    %c0_i32 = arith.constant 0 : i32
    %c0_i32_0 = arith.constant 0 : i32
    %c0_i32_1 = arith.constant 0 : i32
    return %c0_i32, %c0_i32_0 : i32, i32
  }
  func.func @transform_34(%arg0: i32) -> (i32, i32) {
    %c0_i32 = arith.constant 0 : i32
    %c0_i32_0 = arith.constant 0 : i32
    return %arg0, %c0_i32 : i32, i32
  }
  func.func @transform_35(%arg0: i32) -> (i32, i32) {
    %c0_i32 = arith.constant 0 : i32
    %c0_i32_0 = arith.constant 0 : i32
    return %arg0, %c0_i32 : i32, i32
  }
}

</mosaic_0001>

<sc_bundles>
// kernel: kernel.10.cloned.1.call-start
scs
__scs_entry_jumppad:
0x0: {  	(pc) =	sbr.rel $0x88, $3  }
0x1: {  	(tag) =	ssettag $0x0;
	lr =	simm.s32 $0x1  }
0x2: {  	[smem:$0x3F6B] =	sst lr;
	_ =	strace $0xD0000000  }
0x3: {  	_ = 	snop  }
0x4: {  	_ = 	snop  }
0x5: {  	_ = 	snop  }
0x6: {  	_ = 	snop  }
0x7: {  	_ = 	snop  }
__scs_overlays_trampoline_lowered:
0x8: {  	[smem:$0x3F7A] =	sst s0  }
0x9: {  	[smem:$0x3F7B] =	sst s1  }
0xa: {  	[smem:$0x3F7C] =	sst s2  }
0xb: {  	[smem:$0x3F7D] =	sst s3  }
0xc: {  	[smem:$0x3F7E] =	sst s4  }
0xd: {  	[smem:$0x3F7F] =	sst s5  }
0xe: {  	[smem:$0x3F80] =	sst s6  }
0xf: {  	[smem:$0x3F81] =	sst s7  }
0x10: {  	[smem:$0x3F82] =	sst s8  }
0x11: {  	[smem:$0x3F83] =	sst s9;
	s0 =	simm.s32 @!p0 $0x0  }
0x12: {  	s1 =	sld [smem:$0x3F69];
	s0 =	simm.s32 @p0 $0x1  }
0x13: {  	[smem:$0x3F84] =	sst s0;
	s0 =	simm.s32 @!p1 $0x0  }
0x14: {  	s2 =	sld [smem:$0x3F68];
	s0 =	simm.s32 @p1 $0x1  }
0x15: {  	[smem:$0x3F85] =	sst s0;
	s0 =	simm.s32 @!p2 $0x0  }
0x16: {  	s3 =	sld [smem:$0x3FDB];
	s0 =	simm.s32 @p2 $0x1  }
0x17: {  	s4 =	simm.s32 $0x1BF5;
	[smem:$0x3F87] =	sst s0  }
0x18: {  	s0 =	sld [smem:$0x3F6A];
	_ =	swait.ge [sflag:s4], $0x0  }
0x19: {  	s7 =	sld [smem:$0x3F6B]  }
0x1a: {  	s8 =	sadd.s32 $0xFFFFE003, lr  }
0x1b: {  	s9 =	sadd.s32 $0xFFFFFEF7, lr;
	s5 =	simm.s32 $0xFFFFFFFF;
	p2 =	slt.u32 s8, $0xFFFFF086  }
0x1c: {  	p1 =	slt.u32 s9, $0xF7A;
	s5 =	simm.s32 @!p2 $0x0  }
0x1d: {  	s5 =	simm.s32 @p1 $0x1;
	p0 =	seq.s32 s7, s2  }
0x1e: {  	s7 =	smul.u32 @!p0 $0xF7A, s2;
	p2 =	seq.s32 @!p0 s5, $0x0  }
0x1f: {  	s9 =	smul.u32 $0xF7A, s1;
	s8 =	simm.s32 @!p0 $0x1BF5;
	p2 =	por !p2, p0  }
0x20: {  	[sflag:s8] =	ssyncset.s32 @!p0 $0xFFFFF086;
	s6 =	sadd.s32 @!p0 s3, s7;
	s7 =	simm.s32 @!p0 $0x108  }
0x21: {  	s3 =	sadd.s32 s3, s9;
	s6 =	sadd.s32 @!p0 $0x88, s6;
	s7 =	simm.s32 @p2 $0x1082  }
0x22: {  	[simem:s7], [sflag:s8] =	dma.local @!p0 [hbm:s6], $0xF7A  }
0x23: {  	s9 =	sor.u32 $0xD0000000, s2;
	s6 =	simm.s32 $0x108;
	_ =	swait.ge @!p0 [sflag:s8], $0x0  }
0x24: {  	s3 =	sadd.s32 $0x88, s3;
	s6 =	simm.s32 @!p1 $0x1082;
	[sflag:s4] =	ssyncset.s32 $0xFFFFF086  }
0x25: {  	[simem:s6], [sflag:s4] =	dma.local [hbm:s3], $0xF7A  }
0x26: {  	[smem:$0x3F6B] =	sst s1;
	(tag) =	ssettag s2;
	_ =	strace s9  }
0x27: {  	s1 =	sld [smem:$0x3F7B]  }
0x28: {  	s2 =	sld [smem:$0x3F7C]  }
0x29: {  	s4 =	sld [smem:$0x3F7E]  }
0x2a: {  	p0 =	seq.s32 s5, $0x0;
	s5 =	sld [smem:$0x3F7F]  }
0x2b: {  	s6 =	sld [smem:$0x3F80]  }
0x2c: {  	s7 =	sld [smem:$0x3F81]  }
0x2d: {  	s3 =	simm.s32 $0x108;
	s8 =	sld [smem:$0x3F82]  }
0x2e: {  	s3 =	simm.s32 @!p0 $0x1082;
	s9 =	sld [smem:$0x3F83]  }
0x2f: {  	lr =	sadd.s32 s0, s3;
	s0 =	sld [smem:$0x3F7A]  }
0x30: {  	s3 =	sld [smem:$0x3F7D]  }
0x31: {  	[smem:$0x3F86] =	sst s10  }
0x32: {  	s10 =	sld [smem:$0x3F84];
	_ =	sdelay $0x3  }
0x33: {  	p0 =	seq.s32 s10, $0x1;
	s10 =	sld [smem:$0x3F86];
	_ =	sdelay $0x3  }
0x34: {  	[smem:$0x3F86] =	sst s10  }
0x35: {  	s10 =	sld [smem:$0x3F85];
	_ =	sdelay $0x3  }
0x36: {  	p1 =	seq.s32 s10, $0x1;
	s10 =	sld [smem:$0x3F86];
	_ =	sdelay $0x3  }
0x37: {  	[smem:$0x3F86] =	sst s10  }
0x38: {  	s10 =	sld [smem:$0x3F87]  }
0x39: {  	_ = 	snop;
	(pc) =	sbr.ind lr, $3  }
0x3a: {  	_ = 	snop  }
0x3b: {  	_ = 	snop  }
0x3c: {  	p2 =	seq.s32 s10, $0x1;
	s10 =	sld [smem:$0x3F86]  }
0x3d: {  	_ =	shalt  }
0x3e: {  	_ =	shalt  }
0x3f: {  	_ =	shalt  }
0x40: {  	_ =	shalt  }
0x41: {  	_ =	shalt  }
0x42: {  	_ =	shalt  }
0x43: {  	_ =	shalt  }
0x44: {  	_ =	shalt  }
0x45: {  	_ =	shalt  }
0x46: {  	_ =	shalt  }
0x47: {  	_ =	shalt  }
0x48: {  	_ =	shalt  }
0x49: {  	_ =	shalt  }
0x4a: {  	_ =	shalt  }
0x4b: {  	_ =	shalt  }
0x4c: {  	_ =	shalt  }
0x4d: {  	_ =	shalt  }
0x4e: {  	_ =	shalt  }
0x4f: {  	_ =	shalt  }
0x50: {  	_ =	shalt  }
0x51: {  	_ =	shalt  }
0x52: {  	_ =	shalt  }
0x53: {  	_ =	shalt  }
0x54: {  	_ =	shalt  }
0x55: {  	_ =	shalt  }
0x56: {  	_ =	shalt  }
0x57: {  	_ =	shalt  }
0x58: {  	_ =	shalt  }
0x59: {  	_ =	shalt  }
0x5a: {  	_ =	shalt  }
0x5b: {  	_ =	shalt  }
0x5c: {  	_ =	shalt  }
0x5d: {  	_ =	shalt  }
0x5e: {  	_ =	shalt  }
0x5f: {  	_ =	shalt  }
0x60: {  	_ =	shalt  }
0x61: {  	_ =	shalt  }
0x62: {  	_ =	shalt  }
0x63: {  	_ =	shalt  }
0x64: {  	_ =	shalt  }
0x65: {  	_ =	shalt  }
0x66: {  	_ =	shalt  }
0x67: {  	_ =	shalt  }
0x68: {  	_ =	shalt  }
0x69: {  	_ =	shalt  }
0x6a: {  	_ =	shalt  }
0x6b: {  	_ =	shalt  }
0x6c: {  	_ =	shalt  }
0x6d: {  	_ =	shalt  }
0x6e: {  	_ =	shalt  }
0x6f: {  	_ =	shalt  }
0x70: {  	_ =	shalt  }
0x71: {  	_ =	shalt  }
0x72: {  	_ =	shalt  }
0x73: {  	_ =	shalt  }
0x74: {  	_ =	shalt  }
0x75: {  	_ =	shalt  }
0x76: {  	_ =	shalt  }
0x77: {  	_ =	shalt  }
0x78: {  	_ =	shalt  }
0x79: {  	_ =	shalt  }
0x7a: {  	_ =	shalt  }
0x7b: {  	_ =	shalt  }
0x7c: {  	_ =	shalt  }
0x7d: {  	_ =	shalt  }
0x7e: {  	_ =	shalt  }
0x7f: {  	_ =	shalt  }
0x80: {  	_ =	shalt  }
0x81: {  	_ =	shalt  }
0x82: {  	_ =	shalt  }
0x83: {  	_ =	shalt  }
0x84: {  	_ =	shalt  }
0x85: {  	_ =	shalt  }
0x86: {  	_ =	shalt  }
0x87: {  	_ =	shalt  }
.Lfunc_end0:
.L_simem_size_0:
called_computation_lowered:
.L_overlay_start_0:
0x88: {  	s2 =	sld [smem:$0x3FD9]  }
0x89: {  	s3 =	sld [smem:$0x3FFE];
	_ =	sdelay $0x1  }
0x8a: {  	s1 =	srdreg.scid  }
0x8b: {  	s0 =	sand.u32 $0x1, s1  }
0x8c: {  	s16 =	sshll.u32 s0, $0xA;
	s2 =	sadd.s32 s3, s2  }
0x8d: {  	s2 =	sadd.s32 s2, s16  }
0x8e: {  	[smem:$0x3F92] =	sst s2  }
0x8f: {  	_ = 	snop  }
0x90: {  	(tm) =	ssettm $0x1  }
0x91: {  	s17 =	sld [smem:$0x3FFB];
	_ =	sdelay $0x3  }
0x92: {  	_ =	strace s17  }
0x93: {  	s2 =	sld [smem:$0x3FFC];
	_ =	sdelay $0x3  }
0x94: {  	_ =	strace s2  }
0x95: {  	s2 =	sld [smem:$0x3FFD];
	_ =	sdelay $0x3  }
0x96: {  	_ =	strace s2  }
0x97: {  	_ =	strace $0x8FFFFFFF  }
0x98: {  	s18 =	sld [smem:$0x3FDB];
	_ =	sdelay $0x1  }
0x99: {  	s19 =	simm.s32 $_scs_section_size  }
0x9a: {  	s4 =	simm.s32 $_size__tile_overlayer_lowered;
	s5 =	simm.s32 $_tile_overlayer_lowered  }
0x9b: {  	s22 =	simm.s32 $0x1BFF;
	s21 =	sshll.u32 s5, $0x1;
	s2 =	sadd.s32 s19, s18  }
0x9c: {  	s6 =	simm.s32 $0x0;
	s20 =	sshll.u32 s4, $0x1;
	s4 =	sadd.s32 s21, s2  }
0x9d: {  	[timem:s6], [sflag:s22] =	dma.local [hbm:s4], s20  }
0x9e: {  	_ =	swait.ge [sflag:s22], s20  }
0x9f: {  	s3 =	ssub.s32 $0x0, s20;
	[sflag:s22] =	ssyncset.done $0x0  }
0xa0: {  	[sflag:s22] =	ssyncadd.s32 s3;
	_ =	sdelay $0x1  }
0xa1: {  	s23 =	simm.s32 $0x1B8B  }
0xa2: {  	_ =	swait.ge [sflag:s23], $0x1  }
0xa3: {  	[sflag:s23] =	ssyncset.done $0x0  }
0xa4: {  	s25 =	simm.s32 $0x1B8E;
	s24 =	sld [smem:$0x3FFE];
	[sflag:s23] =	ssyncadd.s32 $0xFFFFFFFF  }
0xa5: {  	s26 =	simm.s32 $execute0_lowered;
	[smem:$0x3FD2] =	sst s25  }
0xa6: {  	s4 =	sshll.u32 s26, $0x1;
	_ =	strace $0x80000046;
	[dreg:$0x1] =	wrdreg $0xFFFFFFFF  }
0xa7: {  	s28 =	simm.s32 $_size_execute0_lowered;
	s2 =	sadd.s32 s2, s4;
	[dreg:$0x0] =	wrdreg $0x0  }
0xa8: {  	s4 =	sshll.u32 s28, $0x1;
	[dreg:$0x2] =	wrdreg s2  }
0xa9: {  	[dreg:$0x3] =	wrdreg s4  }
0xaa: {  	[dreg:$0x4] =	wrdreg $0xC0  }
0xab: {  	_ =	task [dreg:s6], $0x5FFFF  }
0xac: {  	[dreg:$0x1] =	wrdreg $0xFFFFFFFF  }
0xad: {  	[dreg:$0x0] =	wrdreg $0x60  }
0xae: {  	[dreg:$0x2] =	wrdreg s24  }
0xaf: {  	[dreg:$0x3] =	wrdreg $0x9  }
0xb0: {  	_ =	task.clear_ibuf [dreg:s6], $0x4FFFF;
	_ =	strace $0x90000046  }
0xb1: {  	s29 =	simm.s32 $0x9;
	_ =	strace $0x80000048  }
0xb2: {  	_ =	swait.ge [sflag:s29], $0x1  }
0xb3: {  	[sflag:s29] =	ssyncadd.s32 $0xFFFFFFFF  }
0xb4: {  	_ =	strace $0x90000048  }
0xb5: {  	_ =	sfence  }
0xb6: {  	s30 =	sld [smem:$0x0];
	_ =	sdelay $0x2  }
0xb7: {  	s31 =	sshll.u32 s1, $0xD;
	s1 =	sshrl.u32 s1, $0x2  }
0xb8: {  	s3 =	sand.u32 $0x4000, s31;
	s1 =	sadd.s32 s1, s30  }
0xb9: {  	s0 =	sor.u32 s3, s0;
	s1 =	sshll.u32 s1, $0x11  }
0xba: {  	s0 =	sor.u32 s1, s0  }
0xbb: {  	s0 =	sadd.s32 $0x8F2B, s0  }
0xbc: {  	[sflag:s0] =	ssyncadd.remote.s32 $0x1  }
0xbd: {  	_ =	sfence.sel $0xFFFF  }
0xbe: {  	[dreg:$0x0] =	wrdreg $0xFFFFFFFF;
	(pc) =	sbr.abs _section_cstart, $3  }
0xbf: {  	[dreg:$0x1] =	wrdreg $0xFFFFFFFF  }
0xc0: {  	_ =	task.clear_ibuf [dreg:s6], $0x2FFFF;
	_ =	strace $0x9FFFFFFF  }
0xc1: {  	(tm) =	ssettm $0x7FFFFFFF  }
tec
execute0_lowered:
.L_overlay_start_1:
0x0: {  	(tag) =	ssettag $0x1  }
0x1: {  	s4 =	rddreg [dreg:$0x0]  }
0x2: {  	s0 =	rddreg [dreg:$0x1];
	s2 =	simm.s32 $0x0;
	s1 =	stileid.u32  }
0x3: {  	s3 =	srdreg.scid;
	s10 =	simm.s32 $0x0;
	s6 =	smul.u32 $0xC00, s1  }
0x4: {  	[smem:$0x7FF] =	sst s2;
	s5 =	sand.u32 $0x1, s3;
	s8 =	smul.u32 $0xC000, s1  }
0x5: {  	s3 =	sadd.s32 $0x8A00, s4;
	s7 =	smul.u32 $0x600, s5;
	s9 =	ssub.s32 $0x2, s5  }
0x6: {  	_ =	strace $0x80000047;
	s5 =	smul.u32 $0x6000, s5;
	s31 =	sshrl.u32 s9, $0x1  }
0x7: {  	s8 =	sadd.s32 s8, s4;
	s6 =	sadd.s32 s7, s6;
	s7 =	ssub.s32 s9, s31  }
0x8: {  	s5 =	sadd.s32 s5, s8;
	s8 =	simm.s32 $0x80;
	s6 =	sshrl.u32 s6, $0x3  }
0x9: {  	s9 =	simm.s32 $0x1;
	s5 =	sadd.s32 $0xCA00, s5;
	s6 =	sadd.s32 s6, s4  }
0xa: {  	s4 =	smax.u32 s7, $0x1;
	s7 =	simm.s32 $0x2;
	s6 =	sadd.s32 $0x7200, s6  }
.LBB2_1:
0xb: {  	s11 =	sadd.s32 $0x0, s6  }
0xc: {  	[tilespmem:s2], [sflag:$0x2] =	stream.linear.gather [hbm4b:s11+s2], $0x80, $0x38;
	[tilespmem:$0x4080] =	vst v63  }
0xd: {  	_ =	swait.ge [sflag:s7], $0x80  }
0xe: {  	[sflag:s7] =	ssyncset.done $0x0  }
0xf: {  	[sflag:s7] =	ssyncadd.s32 $0xFFFFFF80  }
0x10: {  	[tilespmem:s8], [sflag:$0x1] =	stream.indirect.gather [hbm4b:s3+s8], $0x80, s2, s8, $0xb8;
	[tilespmem:$0x4080] =	vst v63  }
0x11: {  	_ =	swait.ge [sflag:s9], $0x4000  }
0x12: {  	[sflag:s9] =	ssyncset.done $0x0  }
0x13: {  	[sflag:s9] =	ssyncadd.s32 $0xFFFFC000  }
0x14: {  	[hbm4b:s5+s2] =	stream.linear.scatter [tilespmem:s8], [sflag:$0x2], $0x4000, $0x38;
	[tilespmem:$0x4080] =	vst v63  }
0x15: {  	s12 =	simm.s32 $0x10;
	_ =	swait.ge [sflag:s7], $0x4000  }
0x16: {  	s13 =	simm.s32 $0x20;
	s11 =	sadd.s32 $0x800, s5;
	[sflag:s7] =	ssyncset.done $0x0  }
.LBB2_2:
0x17: {  	s14 =	sadd.s32 s12, s6  }
0x18: {  	[sflag:s7] =	ssyncadd.s32 $0xFFFFC000;
	s12 =	smov.u32 s13;
	s15 =	sadd.s32 $0x10, s13  }
0x19: {  	[tilespmem:s2], [sflag:$0x2] =	stream.linear.gather [hbm4b:s14+s2], $0x80, $0x38;
	[tilespmem:$0x4080] =	vst v63  }
0x1a: {  	p0 =	sne.s32 s13, $0xB0;
	_ =	swait.ge [sflag:s7], $0x80  }
0x1b: {  	[sflag:s7] =	ssyncset.done $0x0  }
0x1c: {  	[sflag:s7] =	ssyncadd.s32 $0xFFFFFF80  }
0x1d: {  	[tilespmem:s8], [sflag:$0x1] =	stream.indirect.gather [hbm4b:s3+s8], $0x80, s2, s8, $0xb8;
	[tilespmem:$0x4080] =	vst v63  }
0x1e: {  	_ =	swait.ge [sflag:s9], $0x4000  }
.Ltmp0:
0x1f: {  	[sflag:s9] =	ssyncset.done $0x0;
	(pc) =	sbr.rel @p0 .LBB2_2-.Ltmp0, $4  }
0x20: {  	[sflag:s9] =	ssyncadd.s32 $0xFFFFC000  }
0x21: {  	[hbm4b:s11+s2] =	stream.linear.scatter [tilespmem:s8], [sflag:$0x2], $0x4000, $0x38;
	[tilespmem:$0x4080] =	vst v63  }
0x22: {  	_ =	swait.ge [sflag:s7], $0x4000  }
0x23: {  	s13 =	smov.u32 s15;
	s11 =	sadd.s32 $0x800, s11;
	[sflag:s7] =	ssyncset.done $0x0  }
0x24: {  	s12 =	sadd.s32 s12, s6;
	[sflag:s7] =	ssyncadd.s32 $0xFFFFC000  }
0x25: {  	[tilespmem:s2], [sflag:$0x2] =	stream.linear.gather [hbm4b:s12+s2], $0x80, $0x38;
	[tilespmem:$0x4080] =	vst v63  }
0x26: {  	_ =	swait.ge [sflag:s7], $0x80  }
0x27: {  	[sflag:s7] =	ssyncset.done $0x0  }
0x28: {  	[sflag:s7] =	ssyncadd.s32 $0xFFFFFF80  }
0x29: {  	[tilespmem:s8], [sflag:$0x1] =	stream.indirect.gather [hbm4b:s3+s8], $0x80, s2, s8, $0xb8;
	[tilespmem:$0x4080] =	vst v63  }
0x2a: {  	s10 =	sadd.s32 $0x1, s10;
	_ =	swait.ge [sflag:s9], $0x4000  }
0x2b: {  	p0 =	sne.s32 s10, s4;
	[sflag:s9] =	ssyncset.done $0x0  }
.Ltmp1:
0x2c: {  	[sflag:s9] =	ssyncadd.s32 $0xFFFFC000;
	(pc) =	sbr.rel @p0 .LBB2_1-.Ltmp1, $4  }
0x2d: {  	[hbm4b:s11+s2] =	stream.linear.scatter [tilespmem:s8], [sflag:$0x2], $0x4000, $0x38;
	[tilespmem:$0x4080] =	vst v63  }
0x2e: {  	_ =	swait.ge [sflag:s7], $0x4000  }
0x2f: {  	[sflag:s7] =	ssyncset.done $0x0  }
0x30: {  	[sflag:s7] =	ssyncadd.s32 $0xFFFFC000  }
0x31: {  	_ =	sfence.sel $0x180000  }
0x32: {  	[bflag:$0x0] =	sbarrier.arrive $0xFFFF  }
0x33: {  	p0 =	sne.s32 s1, $0x0;
	_ =	strace $0x90000047  }
0x34: {  	s0 =	sadd.s32 @!p0 $0x100000, s0;
	[bflag:$0x2] =	sbarrier.arrive $0xFFFF  }
0x35: {  	[sflag:s0] =	ssyncadd.tile.s32 @!p0 $0x1;
	_ =	shalt  }
.Lfunc_end2:
_tile_overlayer_lowered:
.L_overlay_start_2:
0x36: {  	(tag) =	ssettag $0x2  }
0x37: {  	s0 =	rddreg [dreg:$0x0];
	s2 =	stileid.u32  }
0x38: {  	s1 =	rddreg [dreg:$0x1];
	p0 =	sne.s32 s2, $0x0  }
0x39: {  	s3 =	rddreg [dreg:$0x2];
	[bflag:$0x3] =	sbarrier.arrive $0xFFFF;
	s2 =	simm.s32 @!p0 $0x1C02  }
0x3a: {  	[timem:s3], [sflag:s2] =	dma.local @!p0 [hbm:s0], s1  }
0x3b: {  	s0 =	simm.s32 @!p0 $0x2  }
0x3c: {  	_ =	swait.ge @!p0 [sflag:s0], s1  }
0x3d: {  	s1 =	ssub.s32 @!p0 $0x0, s1;
	[sflag:s0] =	ssyncset.done @!p0 $0x0  }
0x3e: {  	[sflag:s0] =	ssyncadd.s32 @!p0 s1  }
0x3f: {  	[bflag:$0x3] =	sbarrier.arrive $0xFFFF  }
0x40: {  	_ =	shalt  }

// kernel: kernel.13.cloned.1.call-start
scs
__scs_entry_jumppad:
0x0: {  	(pc) =	sbr.rel $0x88, $3  }
0x1: {  	(tag) =	ssettag $0x0;
	lr =	simm.s32 $0x1  }
0x2: {  	[smem:$0x3F6B] =	sst lr;
	_ =	strace $0xD0000000  }
0x3: {  	_ = 	snop  }
0x4: {  	_ = 	snop  }
0x5: {  	_ = 	snop  }
0x6: {  	_ = 	snop  }
0x7: {  	_ = 	snop  }
__scs_overlays_trampoline_lowered:
0x8: {  	[smem:$0x3F7A] =	sst s0  }
0x9: {  	[smem:$0x3F7B] =	sst s1  }
0xa: {  	[smem:$0x3F7C] =	sst s2  }
0xb: {  	[smem:$0x3F7D] =	sst s3  }
0xc: {  	[smem:$0x3F7E] =	sst s4  }
0xd: {  	[smem:$0x3F7F] =	sst s5  }
0xe: {  	[smem:$0x3F80] =	sst s6  }
0xf: {  	[smem:$0x3F81] =	sst s7  }
0x10: {  	[smem:$0x3F82] =	sst s8  }
0x11: {  	[smem:$0x3F83] =	sst s9;
	s0 =	simm.s32 @!p0 $0x0  }
0x12: {  	s1 =	sld [smem:$0x3F69];
	s0 =	simm.s32 @p0 $0x1  }
0x13: {  	[smem:$0x3F84] =	sst s0;
	s0 =	simm.s32 @!p1 $0x0  }
0x14: {  	s2 =	sld [smem:$0x3F68];
	s0 =	simm.s32 @p1 $0x1  }
0x15: {  	[smem:$0x3F85] =	sst s0;
	s0 =	simm.s32 @!p2 $0x0  }
0x16: {  	s3 =	sld [smem:$0x3FDB];
	s0 =	simm.s32 @p2 $0x1  }
0x17: {  	s4 =	simm.s32 $0x1BF5;
	[smem:$0x3F87] =	sst s0  }
0x18: {  	s0 =	sld [smem:$0x3F6A];
	_ =	swait.ge [sflag:s4], $0x0  }
0x19: {  	s7 =	sld [smem:$0x3F6B]  }
0x1a: {  	s8 =	sadd.s32 $0xFFFFE003, lr  }
0x1b: {  	s9 =	sadd.s32 $0xFFFFFEF7, lr;
	s5 =	simm.s32 $0xFFFFFFFF;
	p2 =	slt.u32 s8, $0xFFFFF086  }
0x1c: {  	p1 =	slt.u32 s9, $0xF7A;
	s5 =	simm.s32 @!p2 $0x0  }
0x1d: {  	s5 =	simm.s32 @p1 $0x1;
	p0 =	seq.s32 s7, s2  }
0x1e: {  	s7 =	smul.u32 @!p0 $0xF7A, s2;
	p2 =	seq.s32 @!p0 s5, $0x0  }
0x1f: {  	s9 =	smul.u32 $0xF7A, s1;
	s8 =	simm.s32 @!p0 $0x1BF5;
	p2 =	por !p2, p0  }
0x20: {  	[sflag:s8] =	ssyncset.s32 @!p0 $0xFFFFF086;
	s6 =	sadd.s32 @!p0 s3, s7;
	s7 =	simm.s32 @!p0 $0x108  }
0x21: {  	s3 =	sadd.s32 s3, s9;
	s6 =	sadd.s32 @!p0 $0x88, s6;
	s7 =	simm.s32 @p2 $0x1082  }
0x22: {  	[simem:s7], [sflag:s8] =	dma.local @!p0 [hbm:s6], $0xF7A  }
0x23: {  	s9 =	sor.u32 $0xD0000000, s2;
	s6 =	simm.s32 $0x108;
	_ =	swait.ge @!p0 [sflag:s8], $0x0  }
0x24: {  	s3 =	sadd.s32 $0x88, s3;
	s6 =	simm.s32 @!p1 $0x1082;
	[sflag:s4] =	ssyncset.s32 $0xFFFFF086  }
0x25: {  	[simem:s6], [sflag:s4] =	dma.local [hbm:s3], $0xF7A  }
0x26: {  	[smem:$0x3F6B] =	sst s1;
	(tag) =	ssettag s2;
	_ =	strace s9  }
0x27: {  	s1 =	sld [smem:$0x3F7B]  }
0x28: {  	s2 =	sld [smem:$0x3F7C]  }
0x29: {  	s4 =	sld [smem:$0x3F7E]  }
0x2a: {  	p0 =	seq.s32 s5, $0x0;
	s5 =	sld [smem:$0x3F7F]  }
0x2b: {  	s6 =	sld [smem:$0x3F80]  }
0x2c: {  	s7 =	sld [smem:$0x3F81]  }
0x2d: {  	s3 =	simm.s32 $0x108;
	s8 =	sld [smem:$0x3F82]  }
0x2e: {  	s3 =	simm.s32 @!p0 $0x1082;
	s9 =	sld [smem:$0x3F83]  }
0x2f: {  	lr =	sadd.s32 s0, s3;
	s0 =	sld [smem:$0x3F7A]  }
0x30: {  	s3 =	sld [smem:$0x3F7D]  }
0x31: {  	[smem:$0x3F86] =	sst s10  }
0x32: {  	s10 =	sld [smem:$0x3F84];
	_ =	sdelay $0x3  }
0x33: {  	p0 =	seq.s32 s10, $0x1;
	s10 =	sld [smem:$0x3F86];
	_ =	sdelay $0x3  }
0x34: {  	[smem:$0x3F86] =	sst s10  }
0x35: {  	s10 =	sld [smem:$0x3F85];
	_ =	sdelay $0x3  }
0x36: {  	p1 =	seq.s32 s10, $0x1;
	s10 =	sld [smem:$0x3F86];
	_ =	sdelay $0x3  }
0x37: {  	[smem:$0x3F86] =	sst s10  }
0x38: {  	s10 =	sld [smem:$0x3F87]  }
0x39: {  	_ = 	snop;
	(pc) =	sbr.ind lr, $3  }
0x3a: {  	_ = 	snop  }
0x3b: {  	_ = 	snop  }
0x3c: {  	p2 =	seq.s32 s10, $0x1;
	s10 =	sld [smem:$0x3F86]  }
0x3d: {  	_ =	shalt  }
0x3e: {  	_ =	shalt  }
0x3f: {  	_ =	shalt  }
0x40: {  	_ =	shalt  }
0x41: {  	_ =	shalt  }
0x42: {  	_ =	shalt  }
0x43: {  	_ =	shalt  }
0x44: {  	_ =	shalt  }
0x45: {  	_ =	shalt  }
0x46: {  	_ =	shalt  }
0x47: {  	_ =	shalt  }
0x48: {  	_ =	shalt  }
0x49: {  	_ =	shalt  }
0x4a: {  	_ =	shalt  }
0x4b: {  	_ =	shalt  }
0x4c: {  	_ =	shalt  }
0x4d: {  	_ =	shalt  }
0x4e: {  	_ =	shalt  }
0x4f: {  	_ =	shalt  }
0x50: {  	_ =	shalt  }
0x51: {  	_ =	shalt  }
0x52: {  	_ =	shalt  }
0x53: {  	_ =	shalt  }
0x54: {  	_ =	shalt  }
0x55: {  	_ =	shalt  }
0x56: {  	_ =	shalt  }
0x57: {  	_ =	shalt  }
0x58: {  	_ =	shalt  }
0x59: {  	_ =	shalt  }
0x5a: {  	_ =	shalt  }
0x5b: {  	_ =	shalt  }
0x5c: {  	_ =	shalt  }
0x5d: {  	_ =	shalt  }
0x5e: {  	_ =	shalt  }
0x5f: {  	_ =	shalt  }
0x60: {  	_ =	shalt  }
0x61: {  	_ =	shalt  }
0x62: {  	_ =	shalt  }
0x63: {  	_ =	shalt  }
0x64: {  	_ =	shalt  }
0x65: {  	_ =	shalt  }
0x66: {  	_ =	shalt  }
0x67: {  	_ =	shalt  }
0x68: {  	_ =	shalt  }
0x69: {  	_ =	shalt  }
0x6a: {  	_ =	shalt  }
0x6b: {  	_ =	shalt  }
0x6c: {  	_ =	shalt  }
0x6d: {  	_ =	shalt  }
0x6e: {  	_ =	shalt  }
0x6f: {  	_ =	shalt  }
0x70: {  	_ =	shalt  }
0x71: {  	_ =	shalt  }
0x72: {  	_ =	shalt  }
0x73: {  	_ =	shalt  }
0x74: {  	_ =	shalt  }
0x75: {  	_ =	shalt  }
0x76: {  	_ =	shalt  }
0x77: {  	_ =	shalt  }
0x78: {  	_ =	shalt  }
0x79: {  	_ =	shalt  }
0x7a: {  	_ =	shalt  }
0x7b: {  	_ =	shalt  }
0x7c: {  	_ =	shalt  }
0x7d: {  	_ =	shalt  }
0x7e: {  	_ =	shalt  }
0x7f: {  	_ =	shalt  }
0x80: {  	_ =	shalt  }
0x81: {  	_ =	shalt  }
0x82: {  	_ =	shalt  }
0x83: {  	_ =	shalt  }
0x84: {  	_ =	shalt  }
0x85: {  	_ =	shalt  }
0x86: {  	_ =	shalt  }
0x87: {  	_ =	shalt  }
.Lfunc_end0:
.L_simem_size_0:
called_computation.1_lowered:
.L_overlay_start_0:
0x88: {  	s2 =	sld [smem:$0x3FD9]  }
0x89: {  	s3 =	sld [smem:$0x3FFE];
	_ =	sdelay $0x1  }
0x8a: {  	s1 =	srdreg.scid  }
0x8b: {  	s0 =	sand.u32 $0x1, s1  }
0x8c: {  	s17 =	sshll.u32 s0, $0xA;
	s2 =	sadd.s32 s3, s2  }
0x8d: {  	s2 =	sadd.s32 s2, s17  }
0x8e: {  	[smem:$0x3F92] =	sst s2  }
0x8f: {  	_ = 	snop  }
0x90: {  	(tm) =	ssettm $0x1  }
0x91: {  	s18 =	sld [smem:$0x3FFB];
	_ =	sdelay $0x3  }
0x92: {  	_ =	strace s18  }
0x93: {  	s2 =	sld [smem:$0x3FFC];
	_ =	sdelay $0x3  }
0x94: {  	_ =	strace s2  }
0x95: {  	s2 =	sld [smem:$0x3FFD];
	_ =	sdelay $0x3  }
0x96: {  	_ =	strace s2  }
0x97: {  	_ =	strace $0x8FFFFFFF  }
0x98: {  	s19 =	sld [smem:$0x3FDB];
	_ =	sdelay $0x1  }
0x99: {  	s20 =	simm.s32 $_scs_section_size  }
0x9a: {  	s4 =	simm.s32 $_size__tile_overlayer_lowered;
	s5 =	simm.s32 $_tile_overlayer_lowered  }
0x9b: {  	s6 =	simm.s32 $0x1BFF;
	s21 =	sshll.u32 s5, $0x1;
	s3 =	sadd.s32 s20, s19  }
0x9c: {  	s22 =	simm.s32 $0x0;
	s4 =	sshll.u32 s4, $0x1;
	s5 =	sadd.s32 s21, s3  }
0x9d: {  	[timem:s22], [sflag:s6] =	dma.local [hbm:s5], s4  }
0x9e: {  	_ =	swait.ge [sflag:s6], s4  }
0x9f: {  	s4 =	ssub.s32 $0x0, s4;
	[sflag:s6] =	ssyncset.done $0x0  }
0xa0: {  	[sflag:s6] =	ssyncadd.s32 s4;
	_ =	sdelay $0x1  }
0xa1: {  	s23 =	simm.s32 $0x1B8B  }
0xa2: {  	_ =	swait.ge [sflag:s23], $0x1  }
0xa3: {  	[sflag:s23] =	ssyncset.done $0x0  }
0xa4: {  	[sflag:s23] =	ssyncadd.s32 $0xFFFFFFFF  }
0xa5: {  	s4 =	sld [smem:$0x0]  }
0xa6: {  	s5 =	sand.u32 $0xFFFFFFFE, s1  }
0xa7: {  	p0 =	sne.s32 s1, s5  }
0xa8: {  	s5 =	sshll.u32 @p0 s5, $0xE  }
0xa9: {  	s5 =	sadd.s32 @p0 $0x11B8D, s5;
	s6 =	sshll.u32 @p0 s4, $0x11  }
0xaa: {  	s5 =	sor.u32 @p0 s6, s5  }
0xab: {  	[sflag:s5] =	ssyncadd.remote.s32 @p0 $0x1;
	_ =	sdelay $0x1  }
0xac: {  	s5 =	simm.s32 @p0 $0x1B8D  }
0xad: {  	_ =	swait.eq @p0 [sflag:s5], $0x1  }
0xae: {  	[sflag:s5] =	ssyncadd.s32 @p0 $0xFFFFFFFF  }
0xaf: {  	s6 =	sshll.u32 @!p0 s1, $0xE  }
0xb0: {  	s6 =	sor.u32 @!p0 $0x4000, s6;
	s5 =	simm.s32 @!p0 $0x1B8D  }
0xb1: {  	s4 =	sshll.u32 @!p0 s4, $0x11;
	s6 =	sadd.s32 @!p0 $0x11B8D, s6;
	_ =	swait.eq @!p0 [sflag:s5], $0x1  }
0xb2: {  	s4 =	sor.u32 @!p0 s4, s6;
	[sflag:s5] =	ssyncadd.s32 @!p0 $0xFFFFFFFF  }
0xb3: {  	s25 =	simm.s32 $0x1B8E;
	s24 =	sld [smem:$0x3FFE];
	[sflag:s4] =	ssyncadd.remote.s32 @!p0 $0x1  }
0xb4: {  	s26 =	simm.s32 $execute0_lowered;
	[smem:$0x3FD2] =	sst s25  }
0xb5: {  	s5 =	sshll.u32 s26, $0x1;
	_ =	strace $0x80000049;
	[dreg:$0x1] =	wrdreg $0xFFFFFFFF  }
0xb6: {  	s28 =	simm.s32 $_size_execute0_lowered;
	s3 =	sadd.s32 s3, s5;
	[dreg:$0x0] =	wrdreg $0x0  }
0xb7: {  	s5 =	sshll.u32 s28, $0x1;
	[dreg:$0x2] =	wrdreg s3  }
0xb8: {  	[dreg:$0x3] =	wrdreg s5  }
0xb9: {  	[dreg:$0x4] =	wrdreg $0xC0  }
0xba: {  	_ =	task [dreg:s22], $0x5FFFF  }
0xbb: {  	[dreg:$0x1] =	wrdreg $0xFFFFFFFF  }
0xbc: {  	[dreg:$0x0] =	wrdreg $0x60  }
0xbd: {  	[dreg:$0x2] =	wrdreg s24  }
0xbe: {  	[dreg:$0x3] =	wrdreg $0xA  }
0xbf: {  	_ =	task.clear_ibuf [dreg:s22], $0x4FFFF;
	_ =	strace $0x90000049  }
0xc0: {  	s29 =	simm.s32 $0xA;
	_ =	strace $0x8000004B  }
0xc1: {  	_ =	swait.ge [sflag:s29], $0x1  }
0xc2: {  	[sflag:s29] =	ssyncadd.s32 $0xFFFFFFFF  }
0xc3: {  	_ =	strace $0x9000004B  }
0xc4: {  	_ =	sfence  }
0xc5: {  	s30 =	sld [smem:$0x0];
	_ =	sdelay $0x2  }
0xc6: {  	s31 =	sshll.u32 s1, $0xD;
	s1 =	sshrl.u32 s1, $0x2  }
0xc7: {  	s4 =	sand.u32 $0x4000, s31;
	s1 =	sadd.s32 s1, s30  }
0xc8: {  	s0 =	sor.u32 s4, s0;
	s1 =	sshll.u32 s1, $0x11  }
0xc9: {  	s0 =	sor.u32 s1, s0  }
0xca: {  	s0 =	sadd.s32 $0x8F2B, s0  }
0xcb: {  	[sflag:s0] =	ssyncadd.remote.s32 $0x1  }
0xcc: {  	_ =	sfence.sel $0xFFFF  }
0xcd: {  	[dreg:$0x0] =	wrdreg $0xFFFFFFFF;
	(pc) =	sbr.abs _section_cstart, $3  }
0xce: {  	[dreg:$0x1] =	wrdreg $0xFFFFFFFF  }
0xcf: {  	_ =	task.clear_ibuf [dreg:s22], $0x2FFFF;
	_ =	strace $0x9FFFFFFF  }
0xd0: {  	(tm) =	ssettm $0x7FFFFFFF  }
0xd1: {  	_ =	shalt  }
tec
execute0_lowered:
.L_overlay_start_1:
0x0: {  	(tag) =	ssettag $0x1  }
0x1: {  	s0 =	srdreg.scid  }
0x2: {  	s3 =	stileid.u32;
	s4 =	rddreg [dreg:$0x0];
	s15 =	simm.s32 $0x880  }
0x3: {  	s16 =	simm.s32 $0x1080;
	s18 =	simm.s32 $0x1880;
	s19 =	simm.s32 $0x2080  }
0x4: {  	s20 =	simm.s32 $0x2880;
	s0 =	sand.u32 $0x1, s0;
	s1 =	smul.u32 $0xC00, s3  }
0x5: {  	s21 =	simm.s32 $0x3080;
	s22 =	simm.s32 $0x3880;
	s2 =	smul.u32 $0x600, s0  }
0x6: {  	s23 =	simm.s32 $0x4080;
	s24 =	simm.s32 $0x4880;
	s25 =	simm.s32 $0x5080  }
0x7: {  	s26 =	simm.s32 $0x5880;
	s1 =	sadd.s32 s2, s1;
	s2 =	simm.s32 $0x0  }
0x8: {  	s8 =	simm.s32 $0x80;
	s9 =	simm.s32 $0x6080;
	[smem:$0x7FF] =	sst s2  }
0x9: {  	s10 =	simm.s32 $0x6880;
	_ =	strace $0x8000004A;
	[dreg:$0x3] =	wrdreg s15  }
0xa: {  	s11 =	simm.s32 $0x7080;
	s12 =	simm.s32 $0x7880;
	[dreg:$0x4] =	wrdreg s16  }
0xb: {  	s5 =	smul.u32 $0x30000, s3;
	s17 =	ssub.s32 $0x2, s0;
	[dreg:$0x5] =	wrdreg s18  }
0xc: {  	s13 =	simm.s32 $0x8080;
	s7 =	sshrl.u32 s17, $0x1;
	[dreg:$0x6] =	wrdreg s19  }
0xd: {  	s6 =	sadd.s32 s5, s4;
	s5 =	ssub.s32 s17, s7;
	[dreg:$0x7] =	wrdreg s20  }
0xe: {  	s0 =	smul.u32 $0x18000, s0;
	s5 =	smax.u32 s5, $0x1;
	[dreg:$0x8] =	wrdreg s21  }
0xf: {  	s14 =	simm.s32 $0x8880;
	s28 =	simm.s32 $0xF080;
	[dreg:$0xe] =	wrdreg s5  }
0x10: {  	s29 =	simm.s32 $0xF880;
	s0 =	sadd.s32 s0, s6;
	[dreg:$0x9] =	wrdreg s22  }
0x11: {  	s30 =	simm.s32 $0x1;
	s0 =	sadd.s32 $0xDCA00, s0;
	[dreg:$0xa] =	wrdreg s23  }
0x12: {  	s31 =	simm.s32 $0x0;
	s3 =	sadd.s32 $0xCCA00, s4;
	[dreg:$0xf] =	wrdreg s0  }
0x13: {  	s7 =	simm.s32 $0x2;
	s1 =	sshrl.u32 s1, $0x3;
	[dreg:$0xb] =	wrdreg s24  }
0x14: {  	s17 =	simm.s32 $0xA080;
	s1 =	sadd.s32 s1, s4;
	[dreg:$0xc] =	wrdreg s25  }
0x15: {  	s4 =	sadd.s32 $0xCCB00, s4;
	[dreg:$0xd] =	wrdreg s26;
	s15 =	simm.s32 $0x9080  }
0x16: {  	s16 =	simm.s32 $0x9880;
	s18 =	simm.s32 $0xA880;
	s19 =	simm.s32 $0xB080  }
0x17: {  	v2 =	vlaneseq.u32;
	s20 =	simm.s32 $0xB880;
	s21 =	simm.s32 $0xC080;
	s22 =	simm.s32 $0xC880  }
0x18: {  	vm0 =	vmmov $0xffff;
	v1 =	vshrl.u32 v2, $0x3;
	s23 =	simm.s32 $0xD080;
	s24 =	simm.s32 $0xD880;
	s1 =	sadd.s32 $0x7200, s1  }
0x19: {  	v0 =	vand.u32 $0x7, v2;
	v2 =	vor.u32 $0x8, v2;
	v1 =	vmul.u32 $0x8, v1;
	s25 =	simm.s32 $0xE080;
	s26 =	simm.s32 $0xE880;
	[dreg:$0x2] =	wrdreg s1  }
.LBB2_1:
0x1a: {  	s6 =	rddreg [dreg:$0xf];
	s0 =	simm.s32 $0x0  }
.LBB2_2:
0x1b: {  	s5 =	rddreg [dreg:$0x2]  }
0x1c: {  	s5 =	sadd.s32 s0, s5  }
0x1d: {  	[tilespmem:s2], [sflag:$0x2] =	stream.linear.gather [hbm4b:s5+s2], $0x80, $0x38;
	[tilespmem:$0x10080] =	vst v63  }
0x1e: {  	_ =	swait.ge [sflag:s7], $0x80  }
0x1f: {  	[sflag:s7] =	ssyncset.done $0x0  }
0x20: {  	[sflag:s7] =	ssyncadd.s32 $0xFFFFFF80  }
0x21: {  	v3 =	vld [tilespmem:$0x0];
	_ =	sdelay $0x4  }
0x22: {  	v4 =	vshll.u32 v3, $0x2  }
0x23: {  	v3 =	vand.u32 $0x7, v3;
	v4 =	vand.u32 $0xFFFFFFE0, v4  }
0x24: {  	v3 =	vor.u32 v3, v4  }
0x25: {  	v4 =	vperm.xlane v3, v0;
	_ =	sdelay $0x1  }
0x26: {  	v4 =	vadd.s32 v1, v4;
	_ =	sdelay $0x1  }
0x27: {  	v3 =	vperm.xlane v3, v2;
	_ =	sdelay $0x1  }
0x28: {  	v3 =	vadd.s32 v1, v3  }
0x29: {  	[tilespmem:s8], [sflag:$0x1] =	stream.indirect_vreg.gather [hbm4b:s3+s2], $0x80, v4, vm0, $0xb8;
	[tilespmem:$0x10080] =	vst v63  }
0x2a: {  	s5 =	rddreg [dreg:$0x3]  }
0x2b: {  	[tilespmem:s5], [sflag:$0x1] =	stream.indirect_vreg.gather [hbm4b:s4+s2], $0x80, v4, vm0, $0xb8;
	[tilespmem:$0x10080] =	vst v63  }
0x2c: {  	s1 =	rddreg [dreg:$0x4]  }
0x2d: {  	[tilespmem:s1], [sflag:$0x1] =	stream.indirect_vreg.gather [hbm4b:s3+s2], $0x80, v3, vm0, $0xb8;
	[tilespmem:$0x10080] =	vst v63  }
0x2e: {  	s5 =	rddreg [dreg:$0x5]  }
0x2f: {  	[tilespmem:s5], [sflag:$0x1] =	stream.indirect_vreg.gather [hbm4b:s4+s2], $0x80, v3, vm0, $0xb8;
	[tilespmem:$0x10080] =	vst v63  }
0x30: {  	v3 =	vld [tilespmem:$0x10];
	_ =	sdelay $0x4  }
0x31: {  	v57 =	vshll.u32 v3, $0x2  }
0x32: {  	v3 =	vand.u32 $0x7, v3;
	v4 =	vand.u32 $0xFFFFFFE0, v57  }
0x33: {  	v3 =	vor.u32 v3, v4  }
0x34: {  	v4 =	vperm.xlane v3, v0;
	_ =	sdelay $0x1  }
0x35: {  	v4 =	vadd.s32 v1, v4;
	_ =	sdelay $0x1  }
0x36: {  	v3 =	vperm.xlane v3, v2;
	_ =	sdelay $0x1  }
0x37: {  	s1 =	rddreg [dreg:$0x6];
	v3 =	vadd.s32 v1, v3  }
0x38: {  	[tilespmem:s1], [sflag:$0x1] =	stream.indirect_vreg.gather [hbm4b:s3+s2], $0x80, v4, vm0, $0xb8;
	[tilespmem:$0x10080] =	vst v63  }
0x39: {  	s5 =	rddreg [dreg:$0x7]  }
0x3a: {  	[tilespmem:s5], [sflag:$0x1] =	stream.indirect_vreg.gather [hbm4b:s4+s2], $0x80, v4, vm0, $0xb8;
	[tilespmem:$0x10080] =	vst v63  }
0x3b: {  	s1 =	rddreg [dreg:$0x8]  }
0x3c: {  	[tilespmem:s1], [sflag:$0x1] =	stream.indirect_vreg.gather [hbm4b:s3+s2], $0x80, v3, vm0, $0xb8;
	[tilespmem:$0x10080] =	vst v63  }
0x3d: {  	s5 =	rddreg [dreg:$0x9]  }
0x3e: {  	[tilespmem:s5], [sflag:$0x1] =	stream.indirect_vreg.gather [hbm4b:s4+s2], $0x80, v3, vm0, $0xb8;
	[tilespmem:$0x10080] =	vst v63  }
0x3f: {  	v3 =	vld [tilespmem:$0x20];
	_ =	sdelay $0x4  }
0x40: {  	v58 =	vshll.u32 v3, $0x2  }
0x41: {  	v3 =	vand.u32 $0x7, v3;
	v4 =	vand.u32 $0xFFFFFFE0, v58  }
0x42: {  	v3 =	vor.u32 v3, v4  }
0x43: {  	v4 =	vperm.xlane v3, v0;
	_ =	sdelay $0x1  }
0x44: {  	v4 =	vadd.s32 v1, v4;
	_ =	sdelay $0x1  }
0x45: {  	v3 =	vperm.xlane v3, v2;
	_ =	sdelay $0x1  }
0x46: {  	s1 =	rddreg [dreg:$0xa];
	v3 =	vadd.s32 v1, v3  }
0x47: {  	[tilespmem:s1], [sflag:$0x1] =	stream.indirect_vreg.gather [hbm4b:s3+s2], $0x80, v4, vm0, $0xb8;
	[tilespmem:$0x10080] =	vst v63  }
0x48: {  	s5 =	rddreg [dreg:$0xb]  }
0x49: {  	[tilespmem:s5], [sflag:$0x1] =	stream.indirect_vreg.gather [hbm4b:s4+s2], $0x80, v4, vm0, $0xb8;
	[tilespmem:$0x10080] =	vst v63  }
0x4a: {  	s1 =	rddreg [dreg:$0xc]  }
0x4b: {  	[tilespmem:s1], [sflag:$0x1] =	stream.indirect_vreg.gather [hbm4b:s3+s2], $0x80, v3, vm0, $0xb8;
	[tilespmem:$0x10080] =	vst v63  }
0x4c: {  	s5 =	rddreg [dreg:$0xd]  }
0x4d: {  	[tilespmem:s5], [sflag:$0x1] =	stream.indirect_vreg.gather [hbm4b:s4+s2], $0x80, v3, vm0, $0xb8;
	[tilespmem:$0x10080] =	vst v63  }
0x4e: {  	v3 =	vld [tilespmem:$0x30];
	_ =	sdelay $0x4  }
0x4f: {  	v59 =	vshll.u32 v3, $0x2  }
0x50: {  	v3 =	vand.u32 $0x7, v3;
	v4 =	vand.u32 $0xFFFFFFE0, v59  }
0x51: {  	v3 =	vor.u32 v3, v4  }
0x52: {  	v4 =	vperm.xlane v3, v0;
	_ =	sdelay $0x1  }
0x53: {  	v4 =	vadd.s32 v1, v4;
	_ =	sdelay $0x1  }
0x54: {  	v3 =	vperm.xlane v3, v2;
	_ =	sdelay $0x1  }
0x55: {  	v3 =	vadd.s32 v1, v3  }
0x56: {  	[tilespmem:s9], [sflag:$0x1] =	stream.indirect_vreg.gather [hbm4b:s3+s2], $0x80, v4, vm0, $0xb8;
	[tilespmem:$0x10080] =	vst v63  }
0x57: {  	_ = 	snop  }
0x58: {  	[tilespmem:s10], [sflag:$0x1] =	stream.indirect_vreg.gather [hbm4b:s4+s2], $0x80, v4, vm0, $0xb8;
	[tilespmem:$0x10080] =	vst v63  }
0x59: {  	_ = 	snop  }
0x5a: {  	[tilespmem:s11], [sflag:$0x1] =	stream.indirect_vreg.gather [hbm4b:s3+s2], $0x80, v3, vm0, $0xb8;
	[tilespmem:$0x10080] =	vst v63  }
0x5b: {  	_ = 	snop  }
0x5c: {  	[tilespmem:s12], [sflag:$0x1] =	stream.indirect_vreg.gather [hbm4b:s4+s2], $0x80, v3, vm0, $0xb8;
	[tilespmem:$0x10080] =	vst v63  }
0x5d: {  	v3 =	vld [tilespmem:$0x40];
	_ =	sdelay $0x4  }
0x5e: {  	v60 =	vshll.u32 v3, $0x2  }
0x5f: {  	v3 =	vand.u32 $0x7, v3;
	v4 =	vand.u32 $0xFFFFFFE0, v60  }
0x60: {  	v3 =	vor.u32 v3, v4  }
0x61: {  	v4 =	vperm.xlane v3, v0;
	_ =	sdelay $0x1  }
0x62: {  	v4 =	vadd.s32 v1, v4;
	_ =	sdelay $0x1  }
0x63: {  	v3 =	vperm.xlane v3, v2;
	_ =	sdelay $0x1  }
0x64: {  	v3 =	vadd.s32 v1, v3  }
0x65: {  	[tilespmem:s13], [sflag:$0x1] =	stream.indirect_vreg.gather [hbm4b:s3+s2], $0x80, v4, vm0, $0xb8;
	[tilespmem:$0x10080] =	vst v63  }
0x66: {  	_ = 	snop  }
0x67: {  	[tilespmem:s14], [sflag:$0x1] =	stream.indirect_vreg.gather [hbm4b:s4+s2], $0x80, v4, vm0, $0xb8;
	[tilespmem:$0x10080] =	vst v63  }
0x68: {  	_ = 	snop  }
0x69: {  	[tilespmem:s15], [sflag:$0x1] =	stream.indirect_vreg.gather [hbm4b:s3+s2], $0x80, v3, vm0, $0xb8;
	[tilespmem:$0x10080] =	vst v63  }
0x6a: {  	_ = 	snop  }
0x6b: {  	[tilespmem:s16], [sflag:$0x1] =	stream.indirect_vreg.gather [hbm4b:s4+s2], $0x80, v3, vm0, $0xb8;
	[tilespmem:$0x10080] =	vst v63  }
0x6c: {  	v3 =	vld [tilespmem:$0x50];
	_ =	sdelay $0x4  }
0x6d: {  	v61 =	vshll.u32 v3, $0x2  }
0x6e: {  	v3 =	vand.u32 $0x7, v3;
	v4 =	vand.u32 $0xFFFFFFE0, v61  }
0x6f: {  	v3 =	vor.u32 v3, v4  }
0x70: {  	v4 =	vperm.xlane v3, v0;
	_ =	sdelay $0x1  }
0x71: {  	v4 =	vadd.s32 v1, v4;
	_ =	sdelay $0x1  }
0x72: {  	v3 =	vperm.xlane v3, v2;
	_ =	sdelay $0x1  }
0x73: {  	v3 =	vadd.s32 v1, v3  }
0x74: {  	[tilespmem:s17], [sflag:$0x1] =	stream.indirect_vreg.gather [hbm4b:s3+s2], $0x80, v4, vm0, $0xb8;
	[tilespmem:$0x10080] =	vst v63  }
0x75: {  	_ = 	snop  }
0x76: {  	[tilespmem:s18], [sflag:$0x1] =	stream.indirect_vreg.gather [hbm4b:s4+s2], $0x80, v4, vm0, $0xb8;
	[tilespmem:$0x10080] =	vst v63  }
0x77: {  	_ = 	snop  }
0x78: {  	[tilespmem:s19], [sflag:$0x1] =	stream.indirect_vreg.gather [hbm4b:s3+s2], $0x80, v3, vm0, $0xb8;
	[tilespmem:$0x10080] =	vst v63  }
0x79: {  	_ = 	snop  }
0x7a: {  	[tilespmem:s20], [sflag:$0x1] =	stream.indirect_vreg.gather [hbm4b:s4+s2], $0x80, v3, vm0, $0xb8;
	[tilespmem:$0x10080] =	vst v63  }
0x7b: {  	v3 =	vld [tilespmem:$0x60];
	_ =	sdelay $0x4  }
0x7c: {  	v62 =	vshll.u32 v3, $0x2  }
0x7d: {  	v3 =	vand.u32 $0x7, v3;
	v4 =	vand.u32 $0xFFFFFFE0, v62  }
0x7e: {  	v3 =	vor.u32 v3, v4  }
0x7f: {  	v4 =	vperm.xlane v3, v0;
	_ =	sdelay $0x1  }
0x80: {  	v4 =	vadd.s32 v1, v4;
	_ =	sdelay $0x1  }
0x81: {  	v3 =	vperm.xlane v3, v2;
	_ =	sdelay $0x1  }
0x82: {  	v3 =	vadd.s32 v1, v3  }
0x83: {  	[tilespmem:s21], [sflag:$0x1] =	stream.indirect_vreg.gather [hbm4b:s3+s2], $0x80, v4, vm0, $0xb8;
	[tilespmem:$0x10080] =	vst v63  }
0x84: {  	_ = 	snop  }
0x85: {  	[tilespmem:s22], [sflag:$0x1] =	stream.indirect_vreg.gather [hbm4b:s4+s2], $0x80, v4, vm0, $0xb8;
	[tilespmem:$0x10080] =	vst v63  }
0x86: {  	_ = 	snop  }
0x87: {  	[tilespmem:s23], [sflag:$0x1] =	stream.indirect_vreg.gather [hbm4b:s3+s2], $0x80, v3, vm0, $0xb8;
	[tilespmem:$0x10080] =	vst v63  }
0x88: {  	_ = 	snop  }
0x89: {  	[tilespmem:s24], [sflag:$0x1] =	stream.indirect_vreg.gather [hbm4b:s4+s2], $0x80, v3, vm0, $0xb8;
	[tilespmem:$0x10080] =	vst v63  }
0x8a: {  	v3 =	vld [tilespmem:$0x70];
	_ =	sdelay $0x4  }
0x8b: {  	v63 =	vshll.u32 v3, $0x2  }
0x8c: {  	v3 =	vand.u32 $0x7, v3;
	v4 =	vand.u32 $0xFFFFFFE0, v63  }
0x8d: {  	v3 =	vor.u32 v3, v4  }
0x8e: {  	v4 =	vperm.xlane v3, v0;
	_ =	sdelay $0x1  }
0x8f: {  	v4 =	vadd.s32 v1, v4;
	_ =	sdelay $0x1  }
0x90: {  	v3 =	vperm.xlane v3, v2;
	_ =	sdelay $0x1  }
0x91: {  	v3 =	vadd.s32 v1, v3  }
0x92: {  	[tilespmem:s25], [sflag:$0x1] =	stream.indirect_vreg.gather [hbm4b:s3+s2], $0x80, v4, vm0, $0xb8;
	[tilespmem:$0x10080] =	vst v63  }
0x93: {  	_ = 	snop  }
0x94: {  	[tilespmem:s26], [sflag:$0x1] =	stream.indirect_vreg.gather [hbm4b:s4+s2], $0x80, v4, vm0, $0xb8;
	[tilespmem:$0x10080] =	vst v63  }
0x95: {  	_ = 	snop  }
0x96: {  	[tilespmem:s28], [sflag:$0x1] =	stream.indirect_vreg.gather [hbm4b:s3+s2], $0x80, v3, vm0, $0xb8;
	[tilespmem:$0x10080] =	vst v63  }
0x97: {  	_ = 	snop  }
0x98: {  	[tilespmem:s29], [sflag:$0x1] =	stream.indirect_vreg.gather [hbm4b:s4+s2], $0x80, v3, vm0, $0xb8;
	[tilespmem:$0x10080] =	vst v63  }
0x99: {  	_ =	swait.ge [sflag:s30], $0x10000  }
0x9a: {  	p0 =	sne.s32 s0, $0xB0;
	[sflag:s30] =	ssyncset.done $0x0  }
.Ltmp0:
0x9b: {  	[sflag:s30] =	ssyncadd.s32 $0xFFFF0000;
	(pc) =	sbr.rel @p0 .LBB2_2-.Ltmp0, $4  }
0x9c: {  	[hbm4b:s6+s2] =	stream.linear.scatter [tilespmem:s8], [sflag:$0x2], $0x10000, $0x38;
	[tilespmem:$0x10080] =	vst v63  }
0x9d: {  	_ =	swait.ge [sflag:s7], $0x10000  }
0x9e: {  	[sflag:s7] =	ssyncset.done $0x0  }
0x9f: {  	s0 =	sadd.s32 $0x10, s0;
	s6 =	sadd.s32 $0x2000, s6;
	[sflag:s7] =	ssyncadd.s32 $0xFFFF0000  }
0xa0: {  	s31 =	sadd.s32 $0x1, s31;
	s0 =	rddreg [dreg:$0xe]  }
0xa1: {  	p0 =	sne.s32 s31, s0  }
.Ltmp1:
0xa2: {  	_ = 	snop;
	(pc) =	sbr.rel @p0 .LBB2_1-.Ltmp1, $1  }
0xa3: {  	_ =	sdelay $0x3  }
0xa4: {  	_ =	sfence.sel $0x180000  }
0xa5: {  	[bflag:$0x0] =	sbarrier.arrive $0xFFFF  }
0xa6: {  	_ =	strace $0x9000004A  }
0xa7: {  	s0 =	stileid.u32;
	[bflag:$0x2] =	sbarrier.arrive $0xFFFF  }
0xa8: {  	p0 =	sne.s32 s0, $0x0;
	s0 =	rddreg [dreg:$0x1]  }
0xa9: {  	s0 =	sadd.s32 @!p0 $0x100000, s0  }
0xaa: {  	[sflag:s0] =	ssyncadd.tile.s32 @!p0 $0x1;
	_ =	shalt  }
.Lfunc_end2:
_tile_overlayer_lowered:
.L_overlay_start_2:
0xab: {  	(tag) =	ssettag $0x2  }
0xac: {  	s0 =	rddreg [dreg:$0x0];
	s2 =	stileid.u32  }
0xad: {  	s1 =	rddreg [dreg:$0x1];
	p0 =	sne.s32 s2, $0x0  }
0xae: {  	s3 =	rddreg [dreg:$0x2];
	[bflag:$0x3] =	sbarrier.arrive $0xFFFF;
	s2 =	simm.s32 @!p0 $0x1C02  }
0xaf: {  	[timem:s3], [sflag:s2] =	dma.local @!p0 [hbm:s0], s1  }
0xb0: {  	s0 =	simm.s32 @!p0 $0x2  }
0xb1: {  	_ =	swait.ge @!p0 [sflag:s0], s1  }
0xb2: {  	s1 =	ssub.s32 @!p0 $0x0, s1;
	[sflag:s0] =	ssyncset.done @!p0 $0x0  }
0xb3: {  	[sflag:s0] =	ssyncadd.s32 @!p0 s1  }
0xb4: {  	[bflag:$0x3] =	sbarrier.arrive $0xFFFF  }
0xb5: {  	_ =	shalt  }

</sc_bundles>
